<compile_context>
chip_gen: v7x
topology: tpu7x:2x2x1
jax: 0.10.2.dev20260603
libtpu: 0.0.44.dev20260713+nightly
codegen_flags: <defaults>
</compile_context>

<pallas_src>
import functools

import jax
import jax.numpy as jnp
from jax import lax
from jax.experimental import pallas as pl
from jax.experimental.pallas import tpu as pltpu
from jax.experimental.pallas import tpu_sc as plsc

B, L, TAGS, D = 4096, 50, 20, 16
NC, NS = 2, 16
NW = NC * NS
BW = B // NW
CHUNKS = L
NR = TAGS * BW
KROWS = 10


def _sc_pooled_lookup(xf, table):
    mesh = plsc.VectorSubcoreMesh(core_axis_name="c", subcore_axis_name="s")

    @functools.partial(
        pl.kernel,
        mesh=mesh,
        out_type=jax.ShapeDtypeStruct((L, D // 8, NW, 8, BW), jnp.float32),
        scratch_types=[
            pltpu.VMEM((NR,), jnp.int32),
            pltpu.VMEM((NR,), jnp.int32),
            pltpu.VMEM((NR, D), jnp.float32),
            pltpu.VMEM((NR, D), jnp.float32),
            pltpu.VMEM((D, BW), jnp.float32),
            pltpu.VMEM((D, BW), jnp.float32),
            pltpu.VMEM((BW,), jnp.float32),
            pltpu.VMEM((BW,), jnp.float32),
            pltpu.SemaphoreType.DMA,
            pltpu.SemaphoreType.DMA,
            pltpu.SemaphoreType.DMA,
            pltpu.SemaphoreType.DMA,
            pltpu.SemaphoreType.DMA,
            pltpu.SemaphoreType.DMA,
        ],
        compiler_params=pltpu.CompilerParams(use_tc_tiling_on_sc=False,
                                             needs_layout_passes=False),
    )
    def sc_kernel(xf_hbm, table_hbm, out_hbm, idx_v0, idx_v1, rows_v0,
                  rows_v1, out_v0, out_v1, rv_v0, rv_v1, gsem0, gsem1,
                  isem0, isem1, osem0, osem1):
        idx_vs = (idx_v0, idx_v1)
        rows_vs = (rows_v0, rows_v1)
        out_vs = (out_v0, out_v1)
        rv_vs = (rv_v0, rv_v1)
        gsems = (gsem0, gsem1)
        isems = (isem0, isem1)
        osems = (osem0, osem1)
        wid = lax.axis_index("s") * NC + lax.axis_index("c")
        iota = lax.iota(jnp.int32, 16)

        def fire_idx(ci, b):
            pltpu.async_copy(xf_hbm.at[wid, pl.ds(ci * NR, NR)], idx_vs[b],
                             isems[b])

        def drain_idx(b):
            pltpu.make_async_copy(xf_hbm.at[wid, pl.ds(0, NR)], idx_vs[b],
                                  isems[b]).wait()

        def fire_gath(ci, b):
            for t in range(0, TAGS, KROWS):
                pltpu.async_copy(
                    table_hbm.at[idx_vs[b].at[pl.ds(t * BW, KROWS * BW)]],
                    rows_vs[b].at[pl.ds(t * BW, KROWS * BW)],
                    gsems[b],
                )

        def drain_gath(b):
            pltpu.make_async_copy(
                table_hbm.at[pl.ds(0, NR)], rows_vs[b], gsems[b]
            ).wait()

        def drain_out(b):
            pltpu.make_async_copy(out_hbm.at[0, 0, 0],
                                  out_vs[b].at[pl.ds(0, 8)], osems[b]).wait()
            pltpu.make_async_copy(out_hbm.at[0, 0, 0],
                                  out_vs[b].at[pl.ds(8, 8)], osems[b]).wait()

        def counts(b):
            idx_v = idx_vs[b]
            rv_v = rv_vs[b]

            def cnt_body(q, _):
                b0 = q * 16
                cnt = jnp.zeros((16,), jnp.float32)
                for t in range(TAGS):
                    vals = idx_v[pl.ds(t * BW + b0, 16)]
                    cnt = cnt + (vals > 0).astype(jnp.float32)
                rv_v[pl.ds(b0, 16)] = 1.0 / (cnt + 1e-6)
                return 0

            lax.fori_loop(0, BW // 16, cnt_body, 0)

        def accum(ci, b):
            rows = rows_vs[b]
            rv_v = rv_vs[b]
            out_v = out_vs[b]

            @pl.when(ci >= 2)
            def _():
                drain_out(b)

            def grp_body(q, _):
                b0 = q * 16
                rv = rv_v[pl.ds(b0, 16)]
                for r in range(16):
                    base = b0 + r
                    acc = rows[base]
                    for t in range(1, TAGS):
                        acc = acc + rows[t * BW + base]
                    plsc.store_scatter(
                        out_v, [iota, jnp.full((16,), base, jnp.int32)],
                        acc * rv[r])
                return 0

            lax.fori_loop(0, BW // 16, grp_body, 0)
            pltpu.async_copy(out_v.at[pl.ds(0, 8)], out_hbm.at[ci, 0, wid],
                             osems[b])
            pltpu.async_copy(out_v.at[pl.ds(8, 8)], out_hbm.at[ci, 1, wid],
                             osems[b])

        fire_idx(0, 0)
        drain_idx(0)
        fire_gath(0, 0)
        fire_idx(1, 1)

        def pair_body(p, _):
            ca = 2 * p
            cb = ca + 1
            drain_idx(1)
            drain_gath(0)
            fire_gath(cb, 1)
            counts(0)

            @pl.when(ca + 2 < CHUNKS)
            def _():
                fire_idx(ca + 2, 0)

            accum(ca, 0)
            @pl.when(ca + 2 < CHUNKS)
            def _():
                drain_idx(0)

            drain_gath(1)

            @pl.when(ca + 2 < CHUNKS)
            def _():
                fire_gath(ca + 2, 0)

            counts(1)

            @pl.when(cb + 2 < CHUNKS)
            def _():
                fire_idx(cb + 2, 1)

            accum(cb, 1)
            return 0

        lax.fori_loop(0, CHUNKS // 2, pair_body, 0)
        drain_out(0)
        drain_out(1)

    return sc_kernel(xf, table)


def kernel(x, table):
    xf = (x.reshape(NW, BW, L, TAGS)
           .transpose(0, 2, 3, 1)
           .reshape(NW, L * TAGS * BW))
    out5 = _sc_pooled_lookup(xf, table)
    return out5.transpose(2, 4, 0, 1, 3).reshape(B, L, D)

# --- scband reference (transcript-rebuilt; emitter-appended) ---
"""Pipeline reference for scband-article-embedding-59184649339452 (READ-ONLY COPY).

The authoritative reference and input builder live on the scoring server;
editing this copy changes nothing except your own understanding.
"""

import jax, jax.numpy as jnp
import numpy as np

NUM_EMBEDDINGS = 1000000
EMBEDDING_DIM = 16
PADDING_IDX = 0

def setup_inputs(seed: int = 0) -> dict:
    key = jax.random.key(seed)
    k1, k2 = jax.random.split(key)
    x = jax.random.randint(k1, (4096, 50, 20), 0, NUM_EMBEDDINGS, dtype=jnp.int64) if jax.config.jax_enable_x64 else jax.random.randint(k1, (4096, 50, 20), 0, NUM_EMBEDDINGS, dtype=jnp.int32)
    table = jax.random.normal(k2, (NUM_EMBEDDINGS, EMBEDDING_DIM), dtype=jnp.float32)
    # nn.Embedding zeros the padding_idx row at init
    table = table.at[PADDING_IDX].set(0.0)
    return {"x": x, "table": table}

def reference(x, table):
    # h = self.embedding(x)
    h = jnp.take(table, x, axis=0)  # [B, L, T, D]
    # if len(x.shape) == 3: mean-pool over tag axis, normalized by count of non-padding ids
    if x.ndim == 3:
        denom = jnp.sum((x > 0).astype(jnp.float32), axis=-1, keepdims=True) + 1e-06
        h = jnp.sum(h, axis=-2) / denom  # [B, L, D]
    return h

if __name__ == "__main__":
    import jax
    _d = setup_inputs()
    print(jax.jit(kernel)(*tuple(_d.values())))

</pallas_src>

<mosaic_0001>
#map = affine_map<(d0, d1) -> (0, 0)>
#map1 = affine_map<(d0, d1) -> (0, 0, 0, 0, 0)>
module attributes {stable_mosaic.version = 14 : i64} {
  func.func @sc_kernel(%arg0: i32, %arg1: i32, %arg2: memref<32x128000xi32, #tpu.memory_space<hbm>>, %arg3: memref<1000000x16xf32, #tpu.memory_space<hbm>>, %arg4: memref<50x2x32x8x128xf32, #tpu.memory_space<hbm>>, %arg5: memref<2560xi32, #tpu.memory_space<vmem>>, %arg6: memref<2560xi32, #tpu.memory_space<vmem>>, %arg7: memref<2560x16xf32, #tpu.memory_space<vmem>>, %arg8: memref<2560x16xf32, #tpu.memory_space<vmem>>, %arg9: memref<16x128xf32, #tpu.memory_space<vmem>>, %arg10: memref<16x128xf32, #tpu.memory_space<vmem>>, %arg11: memref<128xf32, #tpu.memory_space<vmem>>, %arg12: memref<128xf32, #tpu.memory_space<vmem>>, %arg13: memref<!tpu.dma_semaphore, #tpu.memory_space<semaphore_mem>>, %arg14: memref<!tpu.dma_semaphore, #tpu.memory_space<semaphore_mem>>, %arg15: memref<!tpu.dma_semaphore, #tpu.memory_space<semaphore_mem>>, %arg16: memref<!tpu.dma_semaphore, #tpu.memory_space<semaphore_mem>>, %arg17: memref<!tpu.dma_semaphore, #tpu.memory_space<semaphore_mem>>, %arg18: memref<!tpu.dma_semaphore, #tpu.memory_space<semaphore_mem>>) attributes {dimension_semantics = [#tpu.dimension_semantics<core_parallel>, #tpu.dimension_semantics<subcore_parallel>], iteration_bounds = array<i64: 2, 16>, scalar_prefetch = 0 : i64, scratch_operands = 14 : i64, tpu.core_type = #tpu.core_type<sc_vector_subcore>, window_params = [{transform_indices = #map}, {transform_indices = #map}, {transform_indices = #map1}]} {
    %mul3A = arith.constant 2 : i32
    %mul3A_0 = arith.muli %arg1, %mul3A : i32
    %add3A = arith.addi %mul3A_0, %arg0 : i32
    %iota3A = tpu.iota {dimensions = array<i32: 0>} : vector<16xi32>
    %dma_start3A = arith.constant 0 : i32
    %dma_start3A_1 = tpu.memref_slice %arg2[%add3A, %dma_start3A] : memref<32x128000xi32, #tpu.memory_space<hbm>> -> memref<1x2560xi32, #tpu.memory_space<hbm>>
    %dma_start3A_2 = tpu.memref_squeeze %dma_start3A_1 : memref<1x2560xi32, #tpu.memory_space<hbm>> -> memref<2560xi32, #tpu.memory_space<hbm>>
    %dma_start3A_3 = arith.constant 0 : i32
    %dma_start3A_4 = tpu.memref_slice %arg2[%add3A, %dma_start3A_3] : memref<32x128000xi32, #tpu.memory_space<hbm>> -> memref<1x2560xi32, #tpu.memory_space<hbm>>
    %dma_start3A_5 = tpu.memref_squeeze %dma_start3A_4 : memref<1x2560xi32, #tpu.memory_space<hbm>> -> memref<2560xi32, #tpu.memory_space<hbm>>
    tpu.enqueue_dma source(%dma_start3A_5 : memref<2560xi32, #tpu.memory_space<hbm>>) target(%arg5 : memref<2560xi32, #tpu.memory_space<vmem>>) target_semaphore(%arg15 : memref<!tpu.dma_semaphore, #tpu.memory_space<semaphore_mem>>)
    %dma_wait3A = arith.constant 0 : i32
    %dma_wait3A_6 = tpu.memref_slice %arg2[%add3A, %dma_wait3A] : memref<32x128000xi32, #tpu.memory_space<hbm>> -> memref<1x2560xi32, #tpu.memory_space<hbm>>
    %dma_wait3A_7 = tpu.memref_squeeze %dma_wait3A_6 : memref<1x2560xi32, #tpu.memory_space<hbm>> -> memref<2560xi32, #tpu.memory_space<hbm>>
    %dma_wait3A_8 = arith.constant 0 : i32
    %dma_wait3A_9 = tpu.memref_slice %arg2[%add3A, %dma_wait3A_8] : memref<32x128000xi32, #tpu.memory_space<hbm>> -> memref<1x2560xi32, #tpu.memory_space<hbm>>
    %dma_wait3A_10 = tpu.memref_squeeze %dma_wait3A_9 : memref<1x2560xi32, #tpu.memory_space<hbm>> -> memref<2560xi32, #tpu.memory_space<hbm>>
    tpu.wait_dma2 semaphore(%arg15 : memref<!tpu.dma_semaphore, #tpu.memory_space<semaphore_mem>>) src(%dma_wait3A_10 : memref<2560xi32, #tpu.memory_space<hbm>>) dst(%arg5 : memref<2560xi32, #tpu.memory_space<vmem>>)
    %dma_start3A_11 = arith.constant 0 : i32
    %dma_start3A_12 = arith.constant 0 : i32
    %dma_start3A_13 = tpu.memref_slice %arg7[%dma_start3A_11, %dma_start3A_12] : memref<2560x16xf32, #tpu.memory_space<vmem>> -> memref<1280x16xf32, #tpu.memory_space<vmem>>
    %dma_start3A_14 = arith.constant 0 : i32
    %dma_start3A_15 = tpu.memref_slice %arg5[%dma_start3A_14] : memref<2560xi32, #tpu.memory_space<vmem>> -> memref<1280xi32, #tpu.memory_space<vmem>>
    %dma_start3A_16 = arith.constant 0 : i32
    %dma_start3A_17 = arith.constant 0 : i32
    %dma_start3A_18 = tpu.memref_slice %arg3[%dma_start3A_16, %dma_start3A_17] : memref<1000000x16xf32, #tpu.memory_space<hbm>> -> memref<1000000x16xf32, #tpu.memory_space<hbm>>
    tpu.enqueue_indirect_dma source(%dma_start3A_18 : memref<1000000x16xf32, #tpu.memory_space<hbm>>) target(%dma_start3A_13 : memref<1280x16xf32, #tpu.memory_space<vmem>>) offsets(%dma_start3A_15 : memref<1280xi32, #tpu.memory_space<vmem>>) semaphore(%arg13 : memref<!tpu.dma_semaphore, #tpu.memory_space<semaphore_mem>>)
    %dma_start3A_19 = arith.constant 1280 : i32
    %dma_start3A_20 = arith.constant 0 : i32
    %dma_start3A_21 = tpu.memref_slice %arg7[%dma_start3A_19, %dma_start3A_20] : memref<2560x16xf32, #tpu.memory_space<vmem>> -> memref<1280x16xf32, #tpu.memory_space<vmem>>
    %dma_start3A_22 = arith.constant 1280 : i32
    %dma_start3A_23 = tpu.memref_slice %arg5[%dma_start3A_22] : memref<2560xi32, #tpu.memory_space<vmem>> -> memref<1280xi32, #tpu.memory_space<vmem>>
    %dma_start3A_24 = arith.constant 0 : i32
    %dma_start3A_25 = arith.constant 0 : i32
    %dma_start3A_26 = tpu.memref_slice %arg3[%dma_start3A_24, %dma_start3A_25] : memref<1000000x16xf32, #tpu.memory_space<hbm>> -> memref<1000000x16xf32, #tpu.memory_space<hbm>>
    tpu.enqueue_indirect_dma source(%dma_start3A_26 : memref<1000000x16xf32, #tpu.memory_space<hbm>>) target(%dma_start3A_21 : memref<1280x16xf32, #tpu.memory_space<vmem>>) offsets(%dma_start3A_23 : memref<1280xi32, #tpu.memory_space<vmem>>) semaphore(%arg13 : memref<!tpu.dma_semaphore, #tpu.memory_space<semaphore_mem>>)
    %dma_start3A_27 = arith.constant 2560 : i32
    %dma_start3A_28 = tpu.memref_slice %arg2[%add3A, %dma_start3A_27] : memref<32x128000xi32, #tpu.memory_space<hbm>> -> memref<1x2560xi32, #tpu.memory_space<hbm>>
    %dma_start3A_29 = tpu.memref_squeeze %dma_start3A_28 : memref<1x2560xi32, #tpu.memory_space<hbm>> -> memref<2560xi32, #tpu.memory_space<hbm>>
    %dma_start3A_30 = arith.constant 2560 : i32
    %dma_start3A_31 = tpu.memref_slice %arg2[%add3A, %dma_start3A_30] : memref<32x128000xi32, #tpu.memory_space<hbm>> -> memref<1x2560xi32, #tpu.memory_space<hbm>>
    %dma_start3A_32 = tpu.memref_squeeze %dma_start3A_31 : memref<1x2560xi32, #tpu.memory_space<hbm>> -> memref<2560xi32, #tpu.memory_space<hbm>>
    tpu.enqueue_dma source(%dma_start3A_32 : memref<2560xi32, #tpu.memory_space<hbm>>) target(%arg6 : memref<2560xi32, #tpu.memory_space<vmem>>) target_semaphore(%arg16 : memref<!tpu.dma_semaphore, #tpu.memory_space<semaphore_mem>>)
    %scan3A = arith.constant 0 : i32
    %scan3A_33 = arith.constant 0 : i32
    %scan3A_34 = arith.constant 25 : i32
    %scan3A_35 = arith.addi %scan3A_33, %scan3A_34 : i32
    %scan3A_36 = arith.constant 1 : i32
    %scan3A_37 = scf.for %scan3A_107 = %scan3A_33 to %scan3A_35 step %scan3A_36 iter_args(%scan3A_108 = %scan3A) -> (i32)  : i32 {
      %mul3A_109 = arith.constant 2 : i32
      %mul3A_110 = arith.muli %mul3A_109, %scan3A_107 : i32
      %add3A_111 = arith.constant 1 : i32
      %add3A_112 = arith.addi %mul3A_110, %add3A_111 : i32
      %dma_wait3A_113 = arith.constant 0 : i32
      %dma_wait3A_114 = tpu.memref_slice %arg2[%add3A, %dma_wait3A_113] : memref<32x128000xi32, #tpu.memory_space<hbm>> -> memref<1x2560xi32, #tpu.memory_space<hbm>>
      %dma_wait3A_115 = tpu.memref_squeeze %dma_wait3A_114 : memref<1x2560xi32, #tpu.memory_space<hbm>> -> memref<2560xi32, #tpu.memory_space<hbm>>
      %dma_wait3A_116 = arith.constant 0 : i32
      %dma_wait3A_117 = tpu.memref_slice %arg2[%add3A, %dma_wait3A_116] : memref<32x128000xi32, #tpu.memory_space<hbm>> -> memref<1x2560xi32, #tpu.memory_space<hbm>>
      %dma_wait3A_118 = tpu.memref_squeeze %dma_wait3A_117 : memref<1x2560xi32, #tpu.memory_space<hbm>> -> memref<2560xi32, #tpu.memory_space<hbm>>
      tpu.wait_dma2 semaphore(%arg16 : memref<!tpu.dma_semaphore, #tpu.memory_space<semaphore_mem>>) src(%dma_wait3A_118 : memref<2560xi32, #tpu.memory_space<hbm>>) dst(%arg6 : memref<2560xi32, #tpu.memory_space<vmem>>)
      %dma_wait3A_119 = arith.constant 0 : i32
      %dma_wait3A_120 = arith.constant 0 : i32
      %dma_wait3A_121 = tpu.memref_slice %arg3[%dma_wait3A_119, %dma_wait3A_120] : memref<1000000x16xf32, #tpu.memory_space<hbm>> -> memref<2560x16xf32, #tpu.memory_space<hbm>>
      %dma_wait3A_122 = arith.constant 0 : i32
      %dma_wait3A_123 = arith.constant 0 : i32
      %dma_wait3A_124 = tpu.memref_slice %arg3[%dma_wait3A_122, %dma_wait3A_123] : memref<1000000x16xf32, #tpu.memory_space<hbm>> -> memref<2560x16xf32, #tpu.memory_space<hbm>>
      tpu.wait_dma2 semaphore(%arg13 : memref<!tpu.dma_semaphore, #tpu.memory_space<semaphore_mem>>) src(%dma_wait3A_124 : memref<2560x16xf32, #tpu.memory_space<hbm>>) dst(%arg7 : memref<2560x16xf32, #tpu.memory_space<vmem>>)
      %dma_start3A_125 = arith.constant 0 : i32
      %dma_start3A_126 = arith.constant 0 : i32
      %dma_start3A_127 = tpu.memref_slice %arg8[%dma_start3A_125, %dma_start3A_126] : memref<2560x16xf32, #tpu.memory_space<vmem>> -> memref<1280x16xf32, #tpu.memory_space<vmem>>
      %dma_start3A_128 = arith.constant 0 : i32
      %dma_start3A_129 = tpu.memref_slice %arg6[%dma_start3A_128] : memref<2560xi32, #tpu.memory_space<vmem>> -> memref<1280xi32, #tpu.memory_space<vmem>>
      %dma_start3A_130 = arith.constant 0 : i32
      %dma_start3A_131 = arith.constant 0 : i32
      %dma_start3A_132 = tpu.memref_slice %arg3[%dma_start3A_130, %dma_start3A_131] : memref<1000000x16xf32, #tpu.memory_space<hbm>> -> memref<1000000x16xf32, #tpu.memory_space<hbm>>
      tpu.enqueue_indirect_dma source(%dma_start3A_132 : memref<1000000x16xf32, #tpu.memory_space<hbm>>) target(%dma_start3A_127 : memref<1280x16xf32, #tpu.memory_space<vmem>>) offsets(%dma_start3A_129 : memref<1280xi32, #tpu.memory_space<vmem>>) semaphore(%arg14 : memref<!tpu.dma_semaphore, #tpu.memory_space<semaphore_mem>>)
      %dma_start3A_133 = arith.constant 1280 : i32
      %dma_start3A_134 = arith.constant 0 : i32
      %dma_start3A_135 = tpu.memref_slice %arg8[%dma_start3A_133, %dma_start3A_134] : memref<2560x16xf32, #tpu.memory_space<vmem>> -> memref<1280x16xf32, #tpu.memory_space<vmem>>
      %dma_start3A_136 = arith.constant 1280 : i32
      %dma_start3A_137 = tpu.memref_slice %arg6[%dma_start3A_136] : memref<2560xi32, #tpu.memory_space<vmem>> -> memref<1280xi32, #tpu.memory_space<vmem>>
      %dma_start3A_138 = arith.constant 0 : i32
      %dma_start3A_139 = arith.constant 0 : i32
      %dma_start3A_140 = tpu.memref_slice %arg3[%dma_start3A_138, %dma_start3A_139] : memref<1000000x16xf32, #tpu.memory_space<hbm>> -> memref<1000000x16xf32, #tpu.memory_space<hbm>>
      tpu.enqueue_indirect_dma source(%dma_start3A_140 : memref<1000000x16xf32, #tpu.memory_space<hbm>>) target(%dma_start3A_135 : memref<1280x16xf32, #tpu.memory_space<vmem>>) offsets(%dma_start3A_137 : memref<1280xi32, #tpu.memory_space<vmem>>) semaphore(%arg14 : memref<!tpu.dma_semaphore, #tpu.memory_space<semaphore_mem>>)
      %scan3A_141 = arith.constant 0 : i32
      %scan3A_142 = arith.constant 0 : i32
      %scan3A_143 = arith.constant 8 : i32
      %scan3A_144 = arith.addi %scan3A_142, %scan3A_143 : i32
      %scan3A_145 = arith.constant 1 : i32
      %scan3A_146 = scf.for %scan3A_270 = %scan3A_142 to %scan3A_144 step %scan3A_145 iter_args(%scan3A_271 = %scan3A_141) -> (i32)  : i32 {
        %mul3A_272 = arith.constant 16 : i32
        %mul3A_273 = arith.muli %scan3A_270, %mul3A_272 : i32
        %broadcast_in_dim3A = arith.constant 0.000000e+00 : f32
        %broadcast_in_dim3A_274 = vector.broadcast %broadcast_in_dim3A : f32 to vector<16xf32>
        %add3A_275 = arith.constant 0 : i32
        %add3A_276 = arith.addi %add3A_275, %mul3A_273 : i32
        %get3A = arith.index_cast %add3A_276 : i32 to index
        %get3A_277 = tpu.vector_load %arg5[%get3A] {strides = array<i32>} : memref<2560xi32, #tpu.memory_space<vmem>>, vector<16xi32>,
        %gt3A = arith.constant 0 : i32
        %gt3A_278 = vector.broadcast %gt3A : i32 to vector<16xi32>
        %gt3A_279 = arith.cmpi sgt, %get3A_277, %gt3A_278 : vector<16xi32>
        %convert_element_type3A_280 = arith.extui %gt3A_279 : vector<16xi1> to vector<16xi32>
        %convert_element_type3A_281 = arith.sitofp %convert_element_type3A_280 : vector<16xi32> to vector<16xf32>
        %add3A_282 = arith.addf %broadcast_in_dim3A_274, %convert_element_type3A_281 : vector<16xf32>
        %add3A_283 = arith.constant 128 : i32
        %add3A_284 = arith.addi %add3A_283, %mul3A_273 : i32
        %get3A_285 = arith.index_cast %add3A_284 : i32 to index
        %get3A_286 = tpu.vector_load %arg5[%get3A_285] {strides = array<i32>} : memref<2560xi32, #tpu.memory_space<vmem>>, vector<16xi32>,
        %gt3A_287 = arith.constant 0 : i32
        %gt3A_288 = vector.broadcast %gt3A_287 : i32 to vector<16xi32>
        %gt3A_289 = arith.cmpi sgt, %get3A_286, %gt3A_288 : vector<16xi32>
        %convert_element_type3A_290 = arith.extui %gt3A_289 : vector<16xi1> to vector<16xi32>
        %convert_element_type3A_291 = arith.sitofp %convert_element_type3A_290 : vector<16xi32> to vector<16xf32>
        %add3A_292 = arith.addf %add3A_282, %convert_element_type3A_291 : vector<16xf32>
        %add3A_293 = arith.constant 256 : i32
        %add3A_294 = arith.addi %add3A_293, %mul3A_273 : i32
        %get3A_295 = arith.index_cast %add3A_294 : i32 to index
        %get3A_296 = tpu.vector_load %arg5[%get3A_295] {strides = array<i32>} : memref<2560xi32, #tpu.memory_space<vmem>>, vector<16xi32>,
        %gt3A_297 = arith.constant 0 : i32
        %gt3A_298 = vector.broadcast %gt3A_297 : i32 to vector<16xi32>
        %gt3A_299 = arith.cmpi sgt, %get3A_296, %gt3A_298 : vector<16xi32>
        %convert_element_type3A_300 = arith.extui %gt3A_299 : vector<16xi1> to vector<16xi32>
        %convert_element_type3A_301 = arith.sitofp %convert_element_type3A_300 : vector<16xi32> to vector<16xf32>
        %add3A_302 = arith.addf %add3A_292, %convert_element_type3A_301 : vector<16xf32>
        %add3A_303 = arith.constant 384 : i32
        %add3A_304 = arith.addi %add3A_303, %mul3A_273 : i32
        %get3A_305 = arith.index_cast %add3A_304 : i32 to index
        %get3A_306 = tpu.vector_load %arg5[%get3A_305] {strides = array<i32>} : memref<2560xi32, #tpu.memory_space<vmem>>, vector<16xi32>,
        %gt3A_307 = arith.constant 0 : i32
        %gt3A_308 = vector.broadcast %gt3A_307 : i32 to vector<16xi32>
        %gt3A_309 = arith.cmpi sgt, %get3A_306, %gt3A_308 : vector<16xi32>
        %convert_element_type3A_310 = arith.extui %gt3A_309 : vector<16xi1> to vector<16xi32>
        %convert_element_type3A_311 = arith.sitofp %convert_element_type3A_310 : vector<16xi32> to vector<16xf32>
        %add3A_312 = arith.addf %add3A_302, %convert_element_type3A_311 : vector<16xf32>
        %add3A_313 = arith.constant 512 : i32
        %add3A_314 = arith.addi %add3A_313, %mul3A_273 : i32
        %get3A_315 = arith.index_cast %add3A_314 : i32 to index
        %get3A_316 = tpu.vector_load %arg5[%get3A_315] {strides = array<i32>} : memref<2560xi32, #tpu.memory_space<vmem>>, vector<16xi32>,
        %gt3A_317 = arith.constant 0 : i32
        %gt3A_318 = vector.broadcast %gt3A_317 : i32 to vector<16xi32>
        %gt3A_319 = arith.cmpi sgt, %get3A_316, %gt3A_318 : vector<16xi32>
        %convert_element_type3A_320 = arith.extui %gt3A_319 : vector<16xi1> to vector<16xi32>
        %convert_element_type3A_321 = arith.sitofp %convert_element_type3A_320 : vector<16xi32> to vector<16xf32>
        %add3A_322 = arith.addf %add3A_312, %convert_element_type3A_321 : vector<16xf32>
        %add3A_323 = arith.constant 640 : i32
        %add3A_324 = arith.addi %add3A_323, %mul3A_273 : i32
        %get3A_325 = arith.index_cast %add3A_324 : i32 to index
        %get3A_326 = tpu.vector_load %arg5[%get3A_325] {strides = array<i32>} : memref<2560xi32, #tpu.memory_space<vmem>>, vector<16xi32>,
        %gt3A_327 = arith.constant 0 : i32
        %gt3A_328 = vector.broadcast %gt3A_327 : i32 to vector<16xi32>
        %gt3A_329 = arith.cmpi sgt, %get3A_326, %gt3A_328 : vector<16xi32>
        %convert_element_type3A_330 = arith.extui %gt3A_329 : vector<16xi1> to vector<16xi32>
        %convert_element_type3A_331 = arith.sitofp %convert_element_type3A_330 : vector<16xi32> to vector<16xf32>
        %add3A_332 = arith.addf %add3A_322, %convert_element_type3A_331 : vector<16xf32>
        %add3A_333 = arith.constant 768 : i32
        %add3A_334 = arith.addi %add3A_333, %mul3A_273 : i32
        %get3A_335 = arith.index_cast %add3A_334 : i32 to index
        %get3A_336 = tpu.vector_load %arg5[%get3A_335] {strides = array<i32>} : memref<2560xi32, #tpu.memory_space<vmem>>, vector<16xi32>,
        %gt3A_337 = arith.constant 0 : i32
        %gt3A_338 = vector.broadcast %gt3A_337 : i32 to vector<16xi32>
        %gt3A_339 = arith.cmpi sgt, %get3A_336, %gt3A_338 : vector<16xi32>
        %convert_element_type3A_340 = arith.extui %gt3A_339 : vector<16xi1> to vector<16xi32>
        %convert_element_type3A_341 = arith.sitofp %convert_element_type3A_340 : vector<16xi32> to vector<16xf32>
        %add3A_342 = arith.addf %add3A_332, %convert_element_type3A_341 : vector<16xf32>
        %add3A_343 = arith.constant 896 : i32
        %add3A_344 = arith.addi %add3A_343, %mul3A_273 : i32
        %get3A_345 = arith.index_cast %add3A_344 : i32 to index
        %get3A_346 = tpu.vector_load %arg5[%get3A_345] {strides = array<i32>} : memref<2560xi32, #tpu.memory_space<vmem>>, vector<16xi32>,
        %gt3A_347 = arith.constant 0 : i32
        %gt3A_348 = vector.broadcast %gt3A_347 : i32 to vector<16xi32>
        %gt3A_349 = arith.cmpi sgt, %get3A_346, %gt3A_348 : vector<16xi32>
        %convert_element_type3A_350 = arith.extui %gt3A_349 : vector<16xi1> to vector<16xi32>
        %convert_element_type3A_351 = arith.sitofp %convert_element_type3A_350 : vector<16xi32> to vector<16xf32>
        %add3A_352 = arith.addf %add3A_342, %convert_element_type3A_351 : vector<16xf32>
        %add3A_353 = arith.constant 1024 : i32
        %add3A_354 = arith.addi %add3A_353, %mul3A_273 : i32
        %get3A_355 = arith.index_cast %add3A_354 : i32 to index
        %get3A_356 = tpu.vector_load %arg5[%get3A_355] {strides = array<i32>} : memref<2560xi32, #tpu.memory_space<vmem>>, vector<16xi32>,
        %gt3A_357 = arith.constant 0 : i32
        %gt3A_358 = vector.broadcast %gt3A_357 : i32 to vector<16xi32>
        %gt3A_359 = arith.cmpi sgt, %get3A_356, %gt3A_358 : vector<16xi32>
        %convert_element_type3A_360 = arith.extui %gt3A_359 : vector<16xi1> to vector<16xi32>
        %convert_element_type3A_361 = arith.sitofp %convert_element_type3A_360 : vector<16xi32> to vector<16xf32>
        %add3A_362 = arith.addf %add3A_352, %convert_element_type3A_361 : vector<16xf32>
        %add3A_363 = arith.constant 1152 : i32
        %add3A_364 = arith.addi %add3A_363, %mul3A_273 : i32
        %get3A_365 = arith.index_cast %add3A_364 : i32 to index
        %get3A_366 = tpu.vector_load %arg5[%get3A_365] {strides = array<i32>} : memref<2560xi32, #tpu.memory_space<vmem>>, vector<16xi32>,
        %gt3A_367 = arith.constant 0 : i32
        %gt3A_368 = vector.broadcast %gt3A_367 : i32 to vector<16xi32>
        %gt3A_369 = arith.cmpi sgt, %get3A_366, %gt3A_368 : vector<16xi32>
        %convert_element_type3A_370 = arith.extui %gt3A_369 : vector<16xi1> to vector<16xi32>
        %convert_element_type3A_371 = arith.sitofp %convert_element_type3A_370 : vector<16xi32> to vector<16xf32>
        %add3A_372 = arith.addf %add3A_362, %convert_element_type3A_371 : vector<16xf32>
        %add3A_373 = arith.constant 1280 : i32
        %add3A_374 = arith.addi %add3A_373, %mul3A_273 : i32
        %get3A_375 = arith.index_cast %add3A_374 : i32 to index
        %get3A_376 = tpu.vector_load %arg5[%get3A_375] {strides = array<i32>} : memref<2560xi32, #tpu.memory_space<vmem>>, vector<16xi32>,
        %gt3A_377 = arith.constant 0 : i32
        %gt3A_378 = vector.broadcast %gt3A_377 : i32 to vector<16xi32>
        %gt3A_379 = arith.cmpi sgt, %get3A_376, %gt3A_378 : vector<16xi32>
        %convert_element_type3A_380 = arith.extui %gt3A_379 : vector<16xi1> to vector<16xi32>
        %convert_element_type3A_381 = arith.sitofp %convert_element_type3A_380 : vector<16xi32> to vector<16xf32>
        %add3A_382 = arith.addf %add3A_372, %convert_element_type3A_381 : vector<16xf32>
        %add3A_383 = arith.constant 1408 : i32
        %add3A_384 = arith.addi %add3A_383, %mul3A_273 : i32
        %get3A_385 = arith.index_cast %add3A_384 : i32 to index
        %get3A_386 = tpu.vector_load %arg5[%get3A_385] {strides = array<i32>} : memref<2560xi32, #tpu.memory_space<vmem>>, vector<16xi32>,
        %gt3A_387 = arith.constant 0 : i32
        %gt3A_388 = vector.broadcast %gt3A_387 : i32 to vector<16xi32>
        %gt3A_389 = arith.cmpi sgt, %get3A_386, %gt3A_388 : vector<16xi32>
        %convert_element_type3A_390 = arith.extui %gt3A_389 : vector<16xi1> to vector<16xi32>
        %convert_element_type3A_391 = arith.sitofp %convert_element_type3A_390 : vector<16xi32> to vector<16xf32>
        %add3A_392 = arith.addf %add3A_382, %convert_element_type3A_391 : vector<16xf32>
        %add3A_393 = arith.constant 1536 : i32
        %add3A_394 = arith.addi %add3A_393, %mul3A_273 : i32
        %get3A_395 = arith.index_cast %add3A_394 : i32 to index
        %get3A_396 = tpu.vector_load %arg5[%get3A_395] {strides = array<i32>} : memref<2560xi32, #tpu.memory_space<vmem>>, vector<16xi32>,
        %gt3A_397 = arith.constant 0 : i32
        %gt3A_398 = vector.broadcast %gt3A_397 : i32 to vector<16xi32>
        %gt3A_399 = arith.cmpi sgt, %get3A_396, %gt3A_398 : vector<16xi32>
        %convert_element_type3A_400 = arith.extui %gt3A_399 : vector<16xi1> to vector<16xi32>
        %convert_element_type3A_401 = arith.sitofp %convert_element_type3A_400 : vector<16xi32> to vector<16xf32>
        %add3A_402 = arith.addf %add3A_392, %convert_element_type3A_401 : vector<16xf32>
        %add3A_403 = arith.constant 1664 : i32
        %add3A_404 = arith.addi %add3A_403, %mul3A_273 : i32
        %get3A_405 = arith.index_cast %add3A_404 : i32 to index
        %get3A_406 = tpu.vector_load %arg5[%get3A_405] {strides = array<i32>} : memref<2560xi32, #tpu.memory_space<vmem>>, vector<16xi32>,
        %gt3A_407 = arith.constant 0 : i32
        %gt3A_408 = vector.broadcast %gt3A_407 : i32 to vector<16xi32>
        %gt3A_409 = arith.cmpi sgt, %get3A_406, %gt3A_408 : vector<16xi32>
        %convert_element_type3A_410 = arith.extui %gt3A_409 : vector<16xi1> to vector<16xi32>
        %convert_element_type3A_411 = arith.sitofp %convert_element_type3A_410 : vector<16xi32> to vector<16xf32>
        %add3A_412 = arith.addf %add3A_402, %convert_element_type3A_411 : vector<16xf32>
        %add3A_413 = arith.constant 1792 : i32
        %add3A_414 = arith.addi %add3A_413, %mul3A_273 : i32
        %get3A_415 = arith.index_cast %add3A_414 : i32 to index
        %get3A_416 = tpu.vector_load %arg5[%get3A_415] {strides = array<i32>} : memref<2560xi32, #tpu.memory_space<vmem>>, vector<16xi32>,
        %gt3A_417 = arith.constant 0 : i32
        %gt3A_418 = vector.broadcast %gt3A_417 : i32 to vector<16xi32>
        %gt3A_419 = arith.cmpi sgt, %get3A_416, %gt3A_418 : vector<16xi32>
        %convert_element_type3A_420 = arith.extui %gt3A_419 : vector<16xi1> to vector<16xi32>
        %convert_element_type3A_421 = arith.sitofp %convert_element_type3A_420 : vector<16xi32> to vector<16xf32>
        %add3A_422 = arith.addf %add3A_412, %convert_element_type3A_421 : vector<16xf32>
        %add3A_423 = arith.constant 1920 : i32
        %add3A_424 = arith.addi %add3A_423, %mul3A_273 : i32
        %get3A_425 = arith.index_cast %add3A_424 : i32 to index
        %get3A_426 = tpu.vector_load %arg5[%get3A_425] {strides = array<i32>} : memref<2560xi32, #tpu.memory_space<vmem>>, vector<16xi32>,
        %gt3A_427 = arith.constant 0 : i32
        %gt3A_428 = vector.broadcast %gt3A_427 : i32 to vector<16xi32>
        %gt3A_429 = arith.cmpi sgt, %get3A_426, %gt3A_428 : vector<16xi32>
        %convert_element_type3A_430 = arith.extui %gt3A_429 : vector<16xi1> to vector<16xi32>
        %convert_element_type3A_431 = arith.sitofp %convert_element_type3A_430 : vector<16xi32> to vector<16xf32>
        %add3A_432 = arith.addf %add3A_422, %convert_element_type3A_431 : vector<16xf32>
        %add3A_433 = arith.constant 2048 : i32
        %add3A_434 = arith.addi %add3A_433, %mul3A_273 : i32
        %get3A_435 = arith.index_cast %add3A_434 : i32 to index
        %get3A_436 = tpu.vector_load %arg5[%get3A_435] {strides = array<i32>} : memref<2560xi32, #tpu.memory_space<vmem>>, vector<16xi32>,
        %gt3A_437 = arith.constant 0 : i32
        %gt3A_438 = vector.broadcast %gt3A_437 : i32 to vector<16xi32>
        %gt3A_439 = arith.cmpi sgt, %get3A_436, %gt3A_438 : vector<16xi32>
        %convert_element_type3A_440 = arith.extui %gt3A_439 : vector<16xi1> to vector<16xi32>
        %convert_element_type3A_441 = arith.sitofp %convert_element_type3A_440 : vector<16xi32> to vector<16xf32>
        %add3A_442 = arith.addf %add3A_432, %convert_element_type3A_441 : vector<16xf32>
        %add3A_443 = arith.constant 2176 : i32
        %add3A_444 = arith.addi %add3A_443, %mul3A_273 : i32
        %get3A_445 = arith.index_cast %add3A_444 : i32 to index
        %get3A_446 = tpu.vector_load %arg5[%get3A_445] {strides = array<i32>} : memref<2560xi32, #tpu.memory_space<vmem>>, vector<16xi32>,
        %gt3A_447 = arith.constant 0 : i32
        %gt3A_448 = vector.broadcast %gt3A_447 : i32 to vector<16xi32>
        %gt3A_449 = arith.cmpi sgt, %get3A_446, %gt3A_448 : vector<16xi32>
        %convert_element_type3A_450 = arith.extui %gt3A_449 : vector<16xi1> to vector<16xi32>
        %convert_element_type3A_451 = arith.sitofp %convert_element_type3A_450 : vector<16xi32> to vector<16xf32>
        %add3A_452 = arith.addf %add3A_442, %convert_element_type3A_451 : vector<16xf32>
        %add3A_453 = arith.constant 2304 : i32
        %add3A_454 = arith.addi %add3A_453, %mul3A_273 : i32
        %get3A_455 = arith.index_cast %add3A_454 : i32 to index
        %get3A_456 = tpu.vector_load %arg5[%get3A_455] {strides = array<i32>} : memref<2560xi32, #tpu.memory_space<vmem>>, vector<16xi32>,
        %gt3A_457 = arith.constant 0 : i32
        %gt3A_458 = vector.broadcast %gt3A_457 : i32 to vector<16xi32>
        %gt3A_459 = arith.cmpi sgt, %get3A_456, %gt3A_458 : vector<16xi32>
        %convert_element_type3A_460 = arith.extui %gt3A_459 : vector<16xi1> to vector<16xi32>
        %convert_element_type3A_461 = arith.sitofp %convert_element_type3A_460 : vector<16xi32> to vector<16xf32>
        %add3A_462 = arith.addf %add3A_452, %convert_element_type3A_461 : vector<16xf32>
        %add3A_463 = arith.constant 2432 : i32
        %add3A_464 = arith.addi %add3A_463, %mul3A_273 : i32
        %get3A_465 = arith.index_cast %add3A_464 : i32 to index
        %get3A_466 = tpu.vector_load %arg5[%get3A_465] {strides = array<i32>} : memref<2560xi32, #tpu.memory_space<vmem>>, vector<16xi32>,
        %gt3A_467 = arith.constant 0 : i32
        %gt3A_468 = vector.broadcast %gt3A_467 : i32 to vector<16xi32>
        %gt3A_469 = arith.cmpi sgt, %get3A_466, %gt3A_468 : vector<16xi32>
        %convert_element_type3A_470 = arith.extui %gt3A_469 : vector<16xi1> to vector<16xi32>
        %convert_element_type3A_471 = arith.sitofp %convert_element_type3A_470 : vector<16xi32> to vector<16xf32>
        %add3A_472 = arith.addf %add3A_462, %convert_element_type3A_471 : vector<16xf32>
        %add3A_473 = arith.constant 9.99999997E-7 : f32
        %add3A_474 = vector.broadcast %add3A_473 : f32 to vector<16xf32>
        %add3A_475 = arith.addf %add3A_472, %add3A_474 : vector<16xf32>
        %div3A = arith.constant 1.000000e+00 : f32
        %div3A_476 = vector.broadcast %div3A : f32 to vector<16xf32>
        %div3A_477 = arith.divf %div3A_476, %add3A_475 : vector<16xf32>
        %swap3A = arith.index_cast %mul3A_273 : i32 to index
        %swap3A_478 = tpu.vector_load %arg11[%swap3A] {strides = array<i32>} : memref<128xf32, #tpu.memory_space<vmem>>, vector<16xf32>,
        tpu.vector_store %arg11[%swap3A], %div3A_477 {strides = array<i32>} : memref<128xf32, #tpu.memory_space<vmem>>, vector<16xf32>,
        %scan3A_479 = arith.constant 0 : i32
        scf.yield %scan3A_479 : i32
      }
      %scan3A_147 = arith.constant 8 : i32
      %add3A_148 = arith.constant 2 : i32
      %add3A_149 = arith.addi %mul3A_110, %add3A_148 : i32
      %lt3A = arith.constant 50 : i32
      %lt3A_150 = arith.cmpi slt, %add3A_149, %lt3A : i32
      %convert_element_type3A = arith.extui %lt3A_150 : i1 to i32
      %cond3A = arith.constant 0 : i32
      %cond3A_151 = arith.cmpi ne, %convert_element_type3A, %cond3A : i32
      scf.if %cond3A_151 {
        %add3A_270 = arith.constant 2 : i32
        %add3A_271 = arith.addi %mul3A_110, %add3A_270 : i32
        %mul3A_272 = arith.constant 2560 : i32
        %mul3A_273 = arith.muli %add3A_271, %mul3A_272 : i32
        %dma_start3A_274 = tpu.memref_slice %arg2[%add3A, %mul3A_273] : memref<32x128000xi32, #tpu.memory_space<hbm>> -> memref<1x2560xi32, #tpu.memory_space<hbm>>
        %dma_start3A_275 = tpu.memref_squeeze %dma_start3A_274 : memref<1x2560xi32, #tpu.memory_space<hbm>> -> memref<2560xi32, #tpu.memory_space<hbm>>
        %dma_start3A_276 = tpu.memref_slice %arg2[%add3A, %mul3A_273] : memref<32x128000xi32, #tpu.memory_space<hbm>> -> memref<1x2560xi32, #tpu.memory_space<hbm>>
        %dma_start3A_277 = tpu.memref_squeeze %dma_start3A_276 : memref<1x2560xi32, #tpu.memory_space<hbm>> -> memref<2560xi32, #tpu.memory_space<hbm>>
        tpu.enqueue_dma source(%dma_start3A_277 : memref<2560xi32, #tpu.memory_space<hbm>>) target(%arg5 : memref<2560xi32, #tpu.memory_space<vmem>>) target_semaphore(%arg15 : memref<!tpu.dma_semaphore, #tpu.memory_space<semaphore_mem>>)
      } else {
      }
      %ge3A = arith.constant 2 : i32
      %ge3A_152 = arith.cmpi sge, %mul3A_110, %ge3A : i32
      %convert_element_type3A_153 = arith.extui %ge3A_152 : i1 to i32
      %cond3A_154 = arith.constant 0 : i32
      %cond3A_155 = arith.cmpi ne, %convert_element_type3A_153, %cond3A_154 : i32
      scf.if %cond3A_155 {
        %dma_wait3A_270 = arith.constant 0 : i32
        %dma_wait3A_271 = arith.constant 0 : i32
        %dma_wait3A_272 = arith.constant 0 : i32
        %dma_wait3A_273 = arith.constant 0 : i32
        %dma_wait3A_274 = arith.constant 0 : i32
        %dma_wait3A_275 = tpu.memref_slice %arg9[%dma_wait3A_273, %dma_wait3A_274] : memref<16x128xf32, #tpu.memory_space<vmem>> -> memref<8x128xf32, #tpu.memory_space<vmem>>
        %dma_wait3A_276 = arith.constant 0 : i32
        %dma_wait3A_277 = arith.constant 0 : i32
        %dma_wait3A_278 = tpu.memref_slice %arg4[%dma_wait3A_270, %dma_wait3A_271, %dma_wait3A_272, %dma_wait3A_276, %dma_wait3A_277] : memref<50x2x32x8x128xf32, #tpu.memory_space<hbm>> -> memref<1x1x1x8x128xf32, #tpu.memory_space<hbm>>
        %dma_wait3A_279 = tpu.memref_squeeze %dma_wait3A_278 : memref<1x1x1x8x128xf32, #tpu.memory_space<hbm>> -> memref<8x128xf32, #tpu.memory_space<hbm>>
        %dma_wait3A_280 = arith.constant 0 : i32
        %dma_wait3A_281 = arith.constant 0 : i32
        %dma_wait3A_282 = tpu.memref_slice %arg9[%dma_wait3A_280, %dma_wait3A_281] : memref<16x128xf32, #tpu.memory_space<vmem>> -> memref<8x128xf32, #tpu.memory_space<vmem>>
        %dma_wait3A_283 = arith.constant 0 : i32
        %dma_wait3A_284 = arith.constant 0 : i32
        %dma_wait3A_285 = tpu.memref_slice %arg4[%dma_wait3A_270, %dma_wait3A_271, %dma_wait3A_272, %dma_wait3A_283, %dma_wait3A_284] : memref<50x2x32x8x128xf32, #tpu.memory_space<hbm>> -> memref<1x1x1x8x128xf32, #tpu.memory_space<hbm>>
        %dma_wait3A_286 = tpu.memref_squeeze %dma_wait3A_285 : memref<1x1x1x8x128xf32, #tpu.memory_space<hbm>> -> memref<8x128xf32, #tpu.memory_space<hbm>>
        tpu.wait_dma2 semaphore(%arg17 : memref<!tpu.dma_semaphore, #tpu.memory_space<semaphore_mem>>) src(%dma_wait3A_286 : memref<8x128xf32, #tpu.memory_space<hbm>>) dst(%dma_wait3A_282 : memref<8x128xf32, #tpu.memory_space<vmem>>)
        %dma_wait3A_287 = arith.constant 0 : i32
        %dma_wait3A_288 = arith.constant 0 : i32
        %dma_wait3A_289 = arith.constant 0 : i32
        %dma_wait3A_290 = arith.constant 8 : i32
        %dma_wait3A_291 = arith.constant 0 : i32
        %dma_wait3A_292 = tpu.memref_slice %arg9[%dma_wait3A_290, %dma_wait3A_291] : memref<16x128xf32, #tpu.memory_space<vmem>> -> memref<8x128xf32, #tpu.memory_space<vmem>>
        %dma_wait3A_293 = arith.constant 0 : i32
        %dma_wait3A_294 = arith.constant 0 : i32
        %dma_wait3A_295 = tpu.memref_slice %arg4[%dma_wait3A_287, %dma_wait3A_288, %dma_wait3A_289, %dma_wait3A_293, %dma_wait3A_294] : memref<50x2x32x8x128xf32, #tpu.memory_space<hbm>> -> memref<1x1x1x8x128xf32, #tpu.memory_space<hbm>>
        %dma_wait3A_296 = tpu.memref_squeeze %dma_wait3A_295 : memref<1x1x1x8x128xf32, #tpu.memory_space<hbm>> -> memref<8x128xf32, #tpu.memory_space<hbm>>
        %dma_wait3A_297 = arith.constant 8 : i32
        %dma_wait3A_298 = arith.constant 0 : i32
        %dma_wait3A_299 = tpu.memref_slice %arg9[%dma_wait3A_297, %dma_wait3A_298] : memref<16x128xf32, #tpu.memory_space<vmem>> -> memref<8x128xf32, #tpu.memory_space<vmem>>
        %dma_wait3A_300 = arith.constant 0 : i32
        %dma_wait3A_301 = arith.constant 0 : i32
        %dma_wait3A_302 = tpu.memref_slice %arg4[%dma_wait3A_287, %dma_wait3A_288, %dma_wait3A_289, %dma_wait3A_300, %dma_wait3A_301] : memref<50x2x32x8x128xf32, #tpu.memory_space<hbm>> -> memref<1x1x1x8x128xf32, #tpu.memory_space<hbm>>
        %dma_wait3A_303 = tpu.memref_squeeze %dma_wait3A_302 : memref<1x1x1x8x128xf32, #tpu.memory_space<hbm>> -> memref<8x128xf32, #tpu.memory_space<hbm>>
        tpu.wait_dma2 semaphore(%arg17 : memref<!tpu.dma_semaphore, #tpu.memory_space<semaphore_mem>>) src(%dma_wait3A_303 : memref<8x128xf32, #tpu.memory_space<hbm>>) dst(%dma_wait3A_299 : memref<8x128xf32, #tpu.memory_space<vmem>>)
      } else {
      }
      %scan3A_156 = arith.constant 0 : i32
      %scan3A_157 = arith.constant 0 : i32
      %scan3A_158 = arith.constant 8 : i32
      %scan3A_159 = arith.addi %scan3A_157, %scan3A_158 : i32
      %scan3A_160 = arith.constant 1 : i32
      %scan3A_161 = scf.for %scan3A_270 = %scan3A_157 to %scan3A_159 step %scan3A_160 iter_args(%scan3A_271 = %scan3A_156) -> (i32)  : i32 {
        %mul3A_272 = arith.constant 16 : i32
        %mul3A_273 = arith.muli %scan3A_270, %mul3A_272 : i32
        %get3A = arith.index_cast %mul3A_273 : i32 to index
        %get3A_274 = tpu.vector_load %arg11[%get3A] {strides = array<i32>} : memref<128xf32, #tpu.memory_space<vmem>>, vector<16xf32>,
        %add3A_275 = arith.constant 0 : i32
        %add3A_276 = arith.addi %mul3A_273, %add3A_275 : i32
        %get3A_277 = arith.index_cast %add3A_276 : i32 to index
        %get3A_278 = arith.constant 0 : index
        %get3A_279 = tpu.vector_load %arg7[%get3A_277, %get3A_278] {strides = array<i32>} : memref<2560x16xf32, #tpu.memory_space<vmem>>, vector<16xf32>,
        %add3A_280 = arith.constant 128 : i32
        %add3A_281 = arith.addi %add3A_280, %add3A_276 : i32
        %get3A_282 = arith.index_cast %add3A_281 : i32 to index
        %get3A_283 = arith.constant 0 : index
        %get3A_284 = tpu.vector_load %arg7[%get3A_282, %get3A_283] {strides = array<i32>} : memref<2560x16xf32, #tpu.memory_space<vmem>>, vector<16xf32>,
        %add3A_285 = arith.addf %get3A_279, %get3A_284 : vector<16xf32>
        %add3A_286 = arith.constant 256 : i32
        %add3A_287 = arith.addi %add3A_286, %add3A_276 : i32
        %get3A_288 = arith.index_cast %add3A_287 : i32 to index
        %get3A_289 = arith.constant 0 : index
        %get3A_290 = tpu.vector_load %arg7[%get3A_288, %get3A_289] {strides = array<i32>} : memref<2560x16xf32, #tpu.memory_space<vmem>>, vector<16xf32>,
        %add3A_291 = arith.addf %add3A_285, %get3A_290 : vector<16xf32>
        %add3A_292 = arith.constant 384 : i32
        %add3A_293 = arith.addi %add3A_292, %add3A_276 : i32
        %get3A_294 = arith.index_cast %add3A_293 : i32 to index
        %get3A_295 = arith.constant 0 : index
        %get3A_296 = tpu.vector_load %arg7[%get3A_294, %get3A_295] {strides = array<i32>} : memref<2560x16xf32, #tpu.memory_space<vmem>>, vector<16xf32>,
        %add3A_297 = arith.addf %add3A_291, %get3A_296 : vector<16xf32>
        %add3A_298 = arith.constant 512 : i32
        %add3A_299 = arith.addi %add3A_298, %add3A_276 : i32
        %get3A_300 = arith.index_cast %add3A_299 : i32 to index
        %get3A_301 = arith.constant 0 : index
        %get3A_302 = tpu.vector_load %arg7[%get3A_300, %get3A_301] {strides = array<i32>} : memref<2560x16xf32, #tpu.memory_space<vmem>>, vector<16xf32>,
        %add3A_303 = arith.addf %add3A_297, %get3A_302 : vector<16xf32>
        %add3A_304 = arith.constant 640 : i32
        %add3A_305 = arith.addi %add3A_304, %add3A_276 : i32
        %get3A_306 = arith.index_cast %add3A_305 : i32 to index
        %get3A_307 = arith.constant 0 : index
        %get3A_308 = tpu.vector_load %arg7[%get3A_306, %get3A_307] {strides = array<i32>} : memref<2560x16xf32, #tpu.memory_space<vmem>>, vector<16xf32>,
        %add3A_309 = arith.addf %add3A_303, %get3A_308 : vector<16xf32>
        %add3A_310 = arith.constant 768 : i32
        %add3A_311 = arith.addi %add3A_310, %add3A_276 : i32
        %get3A_312 = arith.index_cast %add3A_311 : i32 to index
        %get3A_313 = arith.constant 0 : index
        %get3A_314 = tpu.vector_load %arg7[%get3A_312, %get3A_313] {strides = array<i32>} : memref<2560x16xf32, #tpu.memory_space<vmem>>, vector<16xf32>,
        %add3A_315 = arith.addf %add3A_309, %get3A_314 : vector<16xf32>
        %add3A_316 = arith.constant 896 : i32
        %add3A_317 = arith.addi %add3A_316, %add3A_276 : i32
        %get3A_318 = arith.index_cast %add3A_317 : i32 to index
        %get3A_319 = arith.constant 0 : index
        %get3A_320 = tpu.vector_load %arg7[%get3A_318, %get3A_319] {strides = array<i32>} : memref<2560x16xf32, #tpu.memory_space<vmem>>, vector<16xf32>,
        %add3A_321 = arith.addf %add3A_315, %get3A_320 : vector<16xf32>
        %add3A_322 = arith.constant 1024 : i32
        %add3A_323 = arith.addi %add3A_322, %add3A_276 : i32
        %get3A_324 = arith.index_cast %add3A_323 : i32 to index
        %get3A_325 = arith.constant 0 : index
        %get3A_326 = tpu.vector_load %arg7[%get3A_324, %get3A_325] {strides = array<i32>} : memref<2560x16xf32, #tpu.memory_space<vmem>>, vector<16xf32>,
        %add3A_327 = arith.addf %add3A_321, %get3A_326 : vector<16xf32>
        %add3A_328 = arith.constant 1152 : i32
        %add3A_329 = arith.addi %add3A_328, %add3A_276 : i32
        %get3A_330 = arith.index_cast %add3A_329 : i32 to index
        %get3A_331 = arith.constant 0 : index
        %get3A_332 = tpu.vector_load %arg7[%get3A_330, %get3A_331] {strides = array<i32>} : memref<2560x16xf32, #tpu.memory_space<vmem>>, vector<16xf32>,
        %add3A_333 = arith.addf %add3A_327, %get3A_332 : vector<16xf32>
        %add3A_334 = arith.constant 1280 : i32
        %add3A_335 = arith.addi %add3A_334, %add3A_276 : i32
        %get3A_336 = arith.index_cast %add3A_335 : i32 to index
        %get3A_337 = arith.constant 0 : index
        %get3A_338 = tpu.vector_load %arg7[%get3A_336, %get3A_337] {strides = array<i32>} : memref<2560x16xf32, #tpu.memory_space<vmem>>, vector<16xf32>,
        %add3A_339 = arith.addf %add3A_333, %get3A_338 : vector<16xf32>
        %add3A_340 = arith.constant 1408 : i32
        %add3A_341 = arith.addi %add3A_340, %add3A_276 : i32
        %get3A_342 = arith.index_cast %add3A_341 : i32 to index
        %get3A_343 = arith.constant 0 : index
        %get3A_344 = tpu.vector_load %arg7[%get3A_342, %get3A_343] {strides = array<i32>} : memref<2560x16xf32, #tpu.memory_space<vmem>>, vector<16xf32>,
        %add3A_345 = arith.addf %add3A_339, %get3A_344 : vector<16xf32>
        %add3A_346 = arith.constant 1536 : i32
        %add3A_347 = arith.addi %add3A_346, %add3A_276 : i32
        %get3A_348 = arith.index_cast %add3A_347 : i32 to index
        %get3A_349 = arith.constant 0 : index
        %get3A_350 = tpu.vector_load %arg7[%get3A_348, %get3A_349] {strides = array<i32>} : memref<2560x16xf32, #tpu.memory_space<vmem>>, vector<16xf32>,
        %add3A_351 = arith.addf %add3A_345, %get3A_350 : vector<16xf32>
        %add3A_352 = arith.constant 1664 : i32
        %add3A_353 = arith.addi %add3A_352, %add3A_276 : i32
        %get3A_354 = arith.index_cast %add3A_353 : i32 to index
        %get3A_355 = arith.constant 0 : index
        %get3A_356 = tpu.vector_load %arg7[%get3A_354, %get3A_355] {strides = array<i32>} : memref<2560x16xf32, #tpu.memory_space<vmem>>, vector<16xf32>,
        %add3A_357 = arith.addf %add3A_351, %get3A_356 : vector<16xf32>
        %add3A_358 = arith.constant 1792 : i32
        %add3A_359 = arith.addi %add3A_358, %add3A_276 : i32
        %get3A_360 = arith.index_cast %add3A_359 : i32 to index
        %get3A_361 = arith.constant 0 : index
        %get3A_362 = tpu.vector_load %arg7[%get3A_360, %get3A_361] {strides = array<i32>} : memref<2560x16xf32, #tpu.memory_space<vmem>>, vector<16xf32>,
        %add3A_363 = arith.addf %add3A_357, %get3A_362 : vector<16xf32>
        %add3A_364 = arith.constant 1920 : i32
        %add3A_365 = arith.addi %add3A_364, %add3A_276 : i32
        %get3A_366 = arith.index_cast %add3A_365 : i32 to index
        %get3A_367 = arith.constant 0 : index
        %get3A_368 = tpu.vector_load %arg7[%get3A_366, %get3A_367] {strides = array<i32>} : memref<2560x16xf32, #tpu.memory_space<vmem>>, vector<16xf32>,
        %add3A_369 = arith.addf %add3A_363, %get3A_368 : vector<16xf32>
        %add3A_370 = arith.constant 2048 : i32
        %add3A_371 = arith.addi %add3A_370, %add3A_276 : i32
        %get3A_372 = arith.index_cast %add3A_371 : i32 to index
        %get3A_373 = arith.constant 0 : index
        %get3A_374 = tpu.vector_load %arg7[%get3A_372, %get3A_373] {strides = array<i32>} : memref<2560x16xf32, #tpu.memory_space<vmem>>, vector<16xf32>,
        %add3A_375 = arith.addf %add3A_369, %get3A_374 : vector<16xf32>
        %add3A_376 = arith.constant 2176 : i32
        %add3A_377 = arith.addi %add3A_376, %add3A_276 : i32
        %get3A_378 = arith.index_cast %add3A_377 : i32 to index
        %get3A_379 = arith.constant 0 : index
        %get3A_380 = tpu.vector_load %arg7[%get3A_378, %get3A_379] {strides = array<i32>} : memref<2560x16xf32, #tpu.memory_space<vmem>>, vector<16xf32>,
        %add3A_381 = arith.addf %add3A_375, %get3A_380 : vector<16xf32>
        %add3A_382 = arith.constant 2304 : i32
        %add3A_383 = arith.addi %add3A_382, %add3A_276 : i32
        %get3A_384 = arith.index_cast %add3A_383 : i32 to index
        %get3A_385 = arith.constant 0 : index
        %get3A_386 = tpu.vector_load %arg7[%get3A_384, %get3A_385] {strides = array<i32>} : memref<2560x16xf32, #tpu.memory_space<vmem>>, vector<16xf32>,
        %add3A_387 = arith.addf %add3A_381, %get3A_386 : vector<16xf32>
        %add3A_388 = arith.constant 2432 : i32
        %add3A_389 = arith.addi %add3A_388, %add3A_276 : i32
        %get3A_390 = arith.index_cast %add3A_389 : i32 to index
        %get3A_391 = arith.constant 0 : index
        %get3A_392 = tpu.vector_load %arg7[%get3A_390, %get3A_391] {strides = array<i32>} : memref<2560x16xf32, #tpu.memory_space<vmem>>, vector<16xf32>,
        %add3A_393 = arith.addf %add3A_387, %get3A_392 : vector<16xf32>
        %broadcast_in_dim3A = vector.broadcast %add3A_276 : i32 to vector<16xi32>
        %slice3A = vector.extract_strided_slice %get3A_274 {offsets = [0], sizes = [1], strides = [1]} : vector<16xf32> to vector<1xf32>
        %squeeze3A = vector.extract %slice3A[0] : f32 from vector<1xf32>
        %mul3A_394 = vector.broadcast %squeeze3A : f32 to vector<16xf32>
        %mul3A_395 = arith.mulf %add3A_393, %mul3A_394 : vector<16xf32>
        tpu.vector_store_idx %arg9[%iota3A, %broadcast_in_dim3A], %mul3A_395 : memref<16x128xf32, #tpu.memory_space<vmem>>[vector<16xi32>, vector<16xi32>], vector<16xf32>,
        %add3A_396 = arith.constant 1 : i32
        %add3A_397 = arith.addi %mul3A_273, %add3A_396 : i32
        %get3A_398 = arith.index_cast %add3A_397 : i32 to index
        %get3A_399 = arith.constant 0 : index
        %get3A_400 = tpu.vector_load %arg7[%get3A_398, %get3A_399] {strides = array<i32>} : memref<2560x16xf32, #tpu.memory_space<vmem>>, vector<16xf32>,
        %add3A_401 = arith.constant 128 : i32
        %add3A_402 = arith.addi %add3A_401, %add3A_397 : i32
        %get3A_403 = arith.index_cast %add3A_402 : i32 to index
        %get3A_404 = arith.constant 0 : index
        %get3A_405 = tpu.vector_load %arg7[%get3A_403, %get3A_404] {strides = array<i32>} : memref<2560x16xf32, #tpu.memory_space<vmem>>, vector<16xf32>,
        %add3A_406 = arith.addf %get3A_400, %get3A_405 : vector<16xf32>
        %add3A_407 = arith.constant 256 : i32
        %add3A_408 = arith.addi %add3A_407, %add3A_397 : i32
        %get3A_409 = arith.index_cast %add3A_408 : i32 to index
        %get3A_410 = arith.constant 0 : index
        %get3A_411 = tpu.vector_load %arg7[%get3A_409, %get3A_410] {strides = array<i32>} : memref<2560x16xf32, #tpu.memory_space<vmem>>, vector<16xf32>,
        %add3A_412 = arith.addf %add3A_406, %get3A_411 : vector<16xf32>
        %add3A_413 = arith.constant 384 : i32
        %add3A_414 = arith.addi %add3A_413, %add3A_397 : i32
        %get3A_415 = arith.index_cast %add3A_414 : i32 to index
        %get3A_416 = arith.constant 0 : index
        %get3A_417 = tpu.vector_load %arg7[%get3A_415, %get3A_416] {strides = array<i32>} : memref<2560x16xf32, #tpu.memory_space<vmem>>, vector<16xf32>,
        %add3A_418 = arith.addf %add3A_412, %get3A_417 : vector<16xf32>
        %add3A_419 = arith.constant 512 : i32
        %add3A_420 = arith.addi %add3A_419, %add3A_397 : i32
        %get3A_421 = arith.index_cast %add3A_420 : i32 to index
        %get3A_422 = arith.constant 0 : index
        %get3A_423 = tpu.vector_load %arg7[%get3A_421, %get3A_422] {strides = array<i32>} : memref<2560x16xf32, #tpu.memory_space<vmem>>, vector<16xf32>,
        %add3A_424 = arith.addf %add3A_418, %get3A_423 : vector<16xf32>
        %add3A_425 = arith.constant 640 : i32
        %add3A_426 = arith.addi %add3A_425, %add3A_397 : i32
        %get3A_427 = arith.index_cast %add3A_426 : i32 to index
        %get3A_428 = arith.constant 0 : index
        %get3A_429 = tpu.vector_load %arg7[%get3A_427, %get3A_428] {strides = array<i32>} : memref<2560x16xf32, #tpu.memory_space<vmem>>, vector<16xf32>,
        %add3A_430 = arith.addf %add3A_424, %get3A_429 : vector<16xf32>
        %add3A_431 = arith.constant 768 : i32
        %add3A_432 = arith.addi %add3A_431, %add3A_397 : i32
        %get3A_433 = arith.index_cast %add3A_432 : i32 to index
        %get3A_434 = arith.constant 0 : index
        %get3A_435 = tpu.vector_load %arg7[%get3A_433, %get3A_434] {strides = array<i32>} : memref<2560x16xf32, #tpu.memory_space<vmem>>, vector<16xf32>,
        %add3A_436 = arith.addf %add3A_430, %get3A_435 : vector<16xf32>
        %add3A_437 = arith.constant 896 : i32
        %add3A_438 = arith.addi %add3A_437, %add3A_397 : i32
        %get3A_439 = arith.index_cast %add3A_438 : i32 to index
        %get3A_440 = arith.constant 0 : index
        %get3A_441 = tpu.vector_load %arg7[%get3A_439, %get3A_440] {strides = array<i32>} : memref<2560x16xf32, #tpu.memory_space<vmem>>, vector<16xf32>,
        %add3A_442 = arith.addf %add3A_436, %get3A_441 : vector<16xf32>
        %add3A_443 = arith.constant 1024 : i32
        %add3A_444 = arith.addi %add3A_443, %add3A_397 : i32
        %get3A_445 = arith.index_cast %add3A_444 : i32 to index
        %get3A_446 = arith.constant 0 : index
        %get3A_447 = tpu.vector_load %arg7[%get3A_445, %get3A_446] {strides = array<i32>} : memref<2560x16xf32, #tpu.memory_space<vmem>>, vector<16xf32>,
        %add3A_448 = arith.addf %add3A_442, %get3A_447 : vector<16xf32>
        %add3A_449 = arith.constant 1152 : i32
        %add3A_450 = arith.addi %add3A_449, %add3A_397 : i32
        %get3A_451 = arith.index_cast %add3A_450 : i32 to index
        %get3A_452 = arith.constant 0 : index
        %get3A_453 = tpu.vector_load %arg7[%get3A_451, %get3A_452] {strides = array<i32>} : memref<2560x16xf32, #tpu.memory_space<vmem>>, vector<16xf32>,
        %add3A_454 = arith.addf %add3A_448, %get3A_453 : vector<16xf32>
        %add3A_455 = arith.constant 1280 : i32
        %add3A_456 = arith.addi %add3A_455, %add3A_397 : i32
        %get3A_457 = arith.index_cast %add3A_456 : i32 to index
        %get3A_458 = arith.constant 0 : index
        %get3A_459 = tpu.vector_load %arg7[%get3A_457, %get3A_458] {strides = array<i32>} : memref<2560x16xf32, #tpu.memory_space<vmem>>, vector<16xf32>,
        %add3A_460 = arith.addf %add3A_454, %get3A_459 : vector<16xf32>
        %add3A_461 = arith.constant 1408 : i32
        %add3A_462 = arith.addi %add3A_461, %add3A_397 : i32
        %get3A_463 = arith.index_cast %add3A_462 : i32 to index
        %get3A_464 = arith.constant 0 : index
        %get3A_465 = tpu.vector_load %arg7[%get3A_463, %get3A_464] {strides = array<i32>} : memref<2560x16xf32, #tpu.memory_space<vmem>>, vector<16xf32>,
        %add3A_466 = arith.addf %add3A_460, %get3A_465 : vector<16xf32>
        %add3A_467 = arith.constant 1536 : i32
        %add3A_468 = arith.addi %add3A_467, %add3A_397 : i32
        %get3A_469 = arith.index_cast %add3A_468 : i32 to index
        %get3A_470 = arith.constant 0 : index
        %get3A_471 = tpu.vector_load %arg7[%get3A_469, %get3A_470] {strides = array<i32>} : memref<2560x16xf32, #tpu.memory_space<vmem>>, vector<16xf32>,
        %add3A_472 = arith.addf %add3A_466, %get3A_471 : vector<16xf32>
        %add3A_473 = arith.constant 1664 : i32
        %add3A_474 = arith.addi %add3A_473, %add3A_397 : i32
        %get3A_475 = arith.index_cast %add3A_474 : i32 to index
        %get3A_476 = arith.constant 0 : index
        %get3A_477 = tpu.vector_load %arg7[%get3A_475, %get3A_476] {strides = array<i32>} : memref<2560x16xf32, #tpu.memory_space<vmem>>, vector<16xf32>,
        %add3A_478 = arith.addf %add3A_472, %get3A_477 : vector<16xf32>
        %add3A_479 = arith.constant 1792 : i32
        %add3A_480 = arith.addi %add3A_479, %add3A_397 : i32
        %get3A_481 = arith.index_cast %add3A_480 : i32 to index
        %get3A_482 = arith.constant 0 : index
        %get3A_483 = tpu.vector_load %arg7[%get3A_481, %get3A_482] {strides = array<i32>} : memref<2560x16xf32, #tpu.memory_space<vmem>>, vector<16xf32>,
        %add3A_484 = arith.addf %add3A_478, %get3A_483 : vector<16xf32>
        %add3A_485 = arith.constant 1920 : i32
        %add3A_486 = arith.addi %add3A_485, %add3A_397 : i32
        %get3A_487 = arith.index_cast %add3A_486 : i32 to index
        %get3A_488 = arith.constant 0 : index
        %get3A_489 = tpu.vector_load %arg7[%get3A_487, %get3A_488] {strides = array<i32>} : memref<2560x16xf32, #tpu.memory_space<vmem>>, vector<16xf32>,
        %add3A_490 = arith.addf %add3A_484, %get3A_489 : vector<16xf32>
        %add3A_491 = arith.constant 2048 : i32
        %add3A_492 = arith.addi %add3A_491, %add3A_397 : i32
        %get3A_493 = arith.index_cast %add3A_492 : i32 to index
        %get3A_494 = arith.constant 0 : index
        %get3A_495 = tpu.vector_load %arg7[%get3A_493, %get3A_494] {strides = array<i32>} : memref<2560x16xf32, #tpu.memory_space<vmem>>, vector<16xf32>,
        %add3A_496 = arith.addf %add3A_490, %get3A_495 : vector<16xf32>
        %add3A_497 = arith.constant 2176 : i32
        %add3A_498 = arith.addi %add3A_497, %add3A_397 : i32
        %get3A_499 = arith.index_cast %add3A_498 : i32 to index
        %get3A_500 = arith.constant 0 : index
        %get3A_501 = tpu.vector_load %arg7[%get3A_499, %get3A_500] {strides = array<i32>} : memref<2560x16xf32, #tpu.memory_space<vmem>>, vector<16xf32>,
        %add3A_502 = arith.addf %add3A_496, %get3A_501 : vector<16xf32>
        %add3A_503 = arith.constant 2304 : i32
        %add3A_504 = arith.addi %add3A_503, %add3A_397 : i32
        %get3A_505 = arith.index_cast %add3A_504 : i32 to index
        %get3A_506 = arith.constant 0 : index
        %get3A_507 = tpu.vector_load %arg7[%get3A_505, %get3A_506] {strides = array<i32>} : memref<2560x16xf32, #tpu.memory_space<vmem>>, vector<16xf32>,
        %add3A_508 = arith.addf %add3A_502, %get3A_507 : vector<16xf32>
        %add3A_509 = arith.constant 2432 : i32
        %add3A_510 = arith.addi %add3A_509, %add3A_397 : i32
        %get3A_511 = arith.index_cast %add3A_510 : i32 to index
        %get3A_512 = arith.constant 0 : index
        %get3A_513 = tpu.vector_load %arg7[%get3A_511, %get3A_512] {strides = array<i32>} : memref<2560x16xf32, #tpu.memory_space<vmem>>, vector<16xf32>,
        %add3A_514 = arith.addf %add3A_508, %get3A_513 : vector<16xf32>
        %broadcast_in_dim3A_515 = vector.broadcast %add3A_397 : i32 to vector<16xi32>
        %slice3A_516 = vector.extract_strided_slice %get3A_274 {offsets = [1], sizes = [1], strides = [1]} : vector<16xf32> to vector<1xf32>
        %squeeze3A_517 = vector.extract %slice3A_516[0] : f32 from vector<1xf32>
        %mul3A_518 = vector.broadcast %squeeze3A_517 : f32 to vector<16xf32>
        %mul3A_519 = arith.mulf %add3A_514, %mul3A_518 : vector<16xf32>
        tpu.vector_store_idx %arg9[%iota3A, %broadcast_in_dim3A_515], %mul3A_519 : memref<16x128xf32, #tpu.memory_space<vmem>>[vector<16xi32>, vector<16xi32>], vector<16xf32>,
        %add3A_520 = arith.constant 2 : i32
        %add3A_521 = arith.addi %mul3A_273, %add3A_520 : i32
        %get3A_522 = arith.index_cast %add3A_521 : i32 to index
        %get3A_523 = arith.constant 0 : index
        %get3A_524 = tpu.vector_load %arg7[%get3A_522, %get3A_523] {strides = array<i32>} : memref<2560x16xf32, #tpu.memory_space<vmem>>, vector<16xf32>,
        %add3A_525 = arith.constant 128 : i32
        %add3A_526 = arith.addi %add3A_525, %add3A_521 : i32
        %get3A_527 = arith.index_cast %add3A_526 : i32 to index
        %get3A_528 = arith.constant 0 : index
        %get3A_529 = tpu.vector_load %arg7[%get3A_527, %get3A_528] {strides = array<i32>} : memref<2560x16xf32, #tpu.memory_space<vmem>>, vector<16xf32>,
        %add3A_530 = arith.addf %get3A_524, %get3A_529 : vector<16xf32>
        %add3A_531 = arith.constant 256 : i32
        %add3A_532 = arith.addi %add3A_531, %add3A_521 : i32
        %get3A_533 = arith.index_cast %add3A_532 : i32 to index
        %get3A_534 = arith.constant 0 : index
        %get3A_535 = tpu.vector_load %arg7[%get3A_533, %get3A_534] {strides = array<i32>} : memref<2560x16xf32, #tpu.memory_space<vmem>>, vector<16xf32>,
        %add3A_536 = arith.addf %add3A_530, %get3A_535 : vector<16xf32>
        %add3A_537 = arith.constant 384 : i32
        %add3A_538 = arith.addi %add3A_537, %add3A_521 : i32
        %get3A_539 = arith.index_cast %add3A_538 : i32 to index
        %get3A_540 = arith.constant 0 : index
        %get3A_541 = tpu.vector_load %arg7[%get3A_539, %get3A_540] {strides = array<i32>} : memref<2560x16xf32, #tpu.memory_space<vmem>>, vector<16xf32>,
        %add3A_542 = arith.addf %add3A_536, %get3A_541 : vector<16xf32>
        %add3A_543 = arith.constant 512 : i32
        %add3A_544 = arith.addi %add3A_543, %add3A_521 : i32
        %get3A_545 = arith.index_cast %add3A_544 : i32 to index
        %get3A_546 = arith.constant 0 : index
        %get3A_547 = tpu.vector_load %arg7[%get3A_545, %get3A_546] {strides = array<i32>} : memref<2560x16xf32, #tpu.memory_space<vmem>>, vector<16xf32>,
        %add3A_548 = arith.addf %add3A_542, %get3A_547 : vector<16xf32>
        %add3A_549 = arith.constant 640 : i32
        %add3A_550 = arith.addi %add3A_549, %add3A_521 : i32
        %get3A_551 = arith.index_cast %add3A_550 : i32 to index
        %get3A_552 = arith.constant 0 : index
        %get3A_553 = tpu.vector_load %arg7[%get3A_551, %get3A_552] {strides = array<i32>} : memref<2560x16xf32, #tpu.memory_space<vmem>>, vector<16xf32>,
        %add3A_554 = arith.addf %add3A_548, %get3A_553 : vector<16xf32>
        %add3A_555 = arith.constant 768 : i32
        %add3A_556 = arith.addi %add3A_555, %add3A_521 : i32
        %get3A_557 = arith.index_cast %add3A_556 : i32 to index
        %get3A_558 = arith.constant 0 : index
        %get3A_559 = tpu.vector_load %arg7[%get3A_557, %get3A_558] {strides = array<i32>} : memref<2560x16xf32, #tpu.memory_space<vmem>>, vector<16xf32>,
        %add3A_560 = arith.addf %add3A_554, %get3A_559 : vector<16xf32>
        %add3A_561 = arith.constant 896 : i32
        %add3A_562 = arith.addi %add3A_561, %add3A_521 : i32
        %get3A_563 = arith.index_cast %add3A_562 : i32 to index
        %get3A_564 = arith.constant 0 : index
        %get3A_565 = tpu.vector_load %arg7[%get3A_563, %get3A_564] {strides = array<i32>} : memref<2560x16xf32, #tpu.memory_space<vmem>>, vector<16xf32>,
        %add3A_566 = arith.addf %add3A_560, %get3A_565 : vector<16xf32>
        %add3A_567 = arith.constant 1024 : i32
        %add3A_568 = arith.addi %add3A_567, %add3A_521 : i32
        %get3A_569 = arith.index_cast %add3A_568 : i32 to index
        %get3A_570 = arith.constant 0 : index
        %get3A_571 = tpu.vector_load %arg7[%get3A_569, %get3A_570] {strides = array<i32>} : memref<2560x16xf32, #tpu.memory_space<vmem>>, vector<16xf32>,
        %add3A_572 = arith.addf %add3A_566, %get3A_571 : vector<16xf32>
        %add3A_573 = arith.constant 1152 : i32
        %add3A_574 = arith.addi %add3A_573, %add3A_521 : i32
        %get3A_575 = arith.index_cast %add3A_574 : i32 to index
        %get3A_576 = arith.constant 0 : index
        %get3A_577 = tpu.vector_load %arg7[%get3A_575, %get3A_576] {strides = array<i32>} : memref<2560x16xf32, #tpu.memory_space<vmem>>, vector<16xf32>,
        %add3A_578 = arith.addf %add3A_572, %get3A_577 : vector<16xf32>
        %add3A_579 = arith.constant 1280 : i32
        %add3A_580 = arith.addi %add3A_579, %add3A_521 : i32
        %get3A_581 = arith.index_cast %add3A_580 : i32 to index
        %get3A_582 = arith.constant 0 : index
        %get3A_583 = tpu.vector_load %arg7[%get3A_581, %get3A_582] {strides = array<i32>} : memref<2560x16xf32, #tpu.memory_space<vmem>>, vector<16xf32>,
        %add3A_584 = arith.addf %add3A_578, %get3A_583 : vector<16xf32>
        %add3A_585 = arith.constant 1408 : i32
        %add3A_586 = arith.addi %add3A_585, %add3A_521 : i32
        %get3A_587 = arith.index_cast %add3A_586 : i32 to index
        %get3A_588 = arith.constant 0 : index
        %get3A_589 = tpu.vector_load %arg7[%get3A_587, %get3A_588] {strides = array<i32>} : memref<2560x16xf32, #tpu.memory_space<vmem>>, vector<16xf32>,
        %add3A_590 = arith.addf %add3A_584, %get3A_589 : vector<16xf32>
        %add3A_591 = arith.constant 1536 : i32
        %add3A_592 = arith.addi %add3A_591, %add3A_521 : i32
        %get3A_593 = arith.index_cast %add3A_592 : i32 to index
        %get3A_594 = arith.constant 0 : index
        %get3A_595 = tpu.vector_load %arg7[%get3A_593, %get3A_594] {strides = array<i32>} : memref<2560x16xf32, #tpu.memory_space<vmem>>, vector<16xf32>,
        %add3A_596 = arith.addf %add3A_590, %get3A_595 : vector<16xf32>
        %add3A_597 = arith.constant 1664 : i32
        %add3A_598 = arith.addi %add3A_597, %add3A_521 : i32
        %get3A_599 = arith.index_cast %add3A_598 : i32 to index
        %get3A_600 = arith.constant 0 : index
        %get3A_601 = tpu.vector_load %arg7[%get3A_599, %get3A_600] {strides = array<i32>} : memref<2560x16xf32, #tpu.memory_space<vmem>>, vector<16xf32>,
        %add3A_602 = arith.addf %add3A_596, %get3A_601 : vector<16xf32>
        %add3A_603 = arith.constant 1792 : i32
        %add3A_604 = arith.addi %add3A_603, %add3A_521 : i32
        %get3A_605 = arith.index_cast %add3A_604 : i32 to index
        %get3A_606 = arith.constant 0 : index
        %get3A_607 = tpu.vector_load %arg7[%get3A_605, %get3A_606] {strides = array<i32>} : memref<2560x16xf32, #tpu.memory_space<vmem>>, vector<16xf32>,
        %add3A_608 = arith.addf %add3A_602, %get3A_607 : vector<16xf32>
        %add3A_609 = arith.constant 1920 : i32
        %add3A_610 = arith.addi %add3A_609, %add3A_521 : i32
        %get3A_611 = arith.index_cast %add3A_610 : i32 to index
        %get3A_612 = arith.constant 0 : index
        %get3A_613 = tpu.vector_load %arg7[%get3A_611, %get3A_612] {strides = array<i32>} : memref<2560x16xf32, #tpu.memory_space<vmem>>, vector<16xf32>,
        %add3A_614 = arith.addf %add3A_608, %get3A_613 : vector<16xf32>
        %add3A_615 = arith.constant 2048 : i32
        %add3A_616 = arith.addi %add3A_615, %add3A_521 : i32
        %get3A_617 = arith.index_cast %add3A_616 : i32 to index
        %get3A_618 = arith.constant 0 : index
        %get3A_619 = tpu.vector_load %arg7[%get3A_617, %get3A_618] {strides = array<i32>} : memref<2560x16xf32, #tpu.memory_space<vmem>>, vector<16xf32>,
        %add3A_620 = arith.addf %add3A_614, %get3A_619 : vector<16xf32>
        %add3A_621 = arith.constant 2176 : i32
        %add3A_622 = arith.addi %add3A_621, %add3A_521 : i32
        %get3A_623 = arith.index_cast %add3A_622 : i32 to index
        %get3A_624 = arith.constant 0 : index
        %get3A_625 = tpu.vector_load %arg7[%get3A_623, %get3A_624] {strides = array<i32>} : memref<2560x16xf32, #tpu.memory_space<vmem>>, vector<16xf32>,
        %add3A_626 = arith.addf %add3A_620, %get3A_625 : vector<16xf32>
        %add3A_627 = arith.constant 2304 : i32
        %add3A_628 = arith.addi %add3A_627, %add3A_521 : i32
        %get3A_629 = arith.index_cast %add3A_628 : i32 to index
        %get3A_630 = arith.constant 0 : index
        %get3A_631 = tpu.vector_load %arg7[%get3A_629, %get3A_630] {strides = array<i32>} : memref<2560x16xf32, #tpu.memory_space<vmem>>, vector<16xf32>,
        %add3A_632 = arith.addf %add3A_626, %get3A_631 : vector<16xf32>
        %add3A_633 = arith.constant 2432 : i32
        %add3A_634 = arith.addi %add3A_633, %add3A_521 : i32
        %get3A_635 = arith.index_cast %add3A_634 : i32 to index
        %get3A_636 = arith.constant 0 : index
        %get3A_637 = tpu.vector_load %arg7[%get3A_635, %get3A_636] {strides = array<i32>} : memref<2560x16xf32, #tpu.memory_space<vmem>>, vector<16xf32>,
        %add3A_638 = arith.addf %add3A_632, %get3A_637 : vector<16xf32>
        %broadcast_in_dim3A_639 = vector.broadcast %add3A_521 : i32 to vector<16xi32>
        %slice3A_640 = vector.extract_strided_slice %get3A_274 {offsets = [2], sizes = [1], strides = [1]} : vector<16xf32> to vector<1xf32>
        %squeeze3A_641 = vector.extract %slice3A_640[0] : f32 from vector<1xf32>
        %mul3A_642 = vector.broadcast %squeeze3A_641 : f32 to vector<16xf32>
        %mul3A_643 = arith.mulf %add3A_638, %mul3A_642 : vector<16xf32>
        tpu.vector_store_idx %arg9[%iota3A, %broadcast_in_dim3A_639], %mul3A_643 : memref<16x128xf32, #tpu.memory_space<vmem>>[vector<16xi32>, vector<16xi32>], vector<16xf32>,
        %add3A_644 = arith.constant 3 : i32
        %add3A_645 = arith.addi %mul3A_273, %add3A_644 : i32
        %get3A_646 = arith.index_cast %add3A_645 : i32 to index
        %get3A_647 = arith.constant 0 : index
        %get3A_648 = tpu.vector_load %arg7[%get3A_646, %get3A_647] {strides = array<i32>} : memref<2560x16xf32, #tpu.memory_space<vmem>>, vector<16xf32>,
        %add3A_649 = arith.constant 128 : i32
        %add3A_650 = arith.addi %add3A_649, %add3A_645 : i32
        %get3A_651 = arith.index_cast %add3A_650 : i32 to index
        %get3A_652 = arith.constant 0 : index
        %get3A_653 = tpu.vector_load %arg7[%get3A_651, %get3A_652] {strides = array<i32>} : memref<2560x16xf32, #tpu.memory_space<vmem>>, vector<16xf32>,
        %add3A_654 = arith.addf %get3A_648, %get3A_653 : vector<16xf32>
        %add3A_655 = arith.constant 256 : i32
        %add3A_656 = arith.addi %add3A_655, %add3A_645 : i32
        %get3A_657 = arith.index_cast %add3A_656 : i32 to index
        %get3A_658 = arith.constant 0 : index
        %get3A_659 = tpu.vector_load %arg7[%get3A_657, %get3A_658] {strides = array<i32>} : memref<2560x16xf32, #tpu.memory_space<vmem>>, vector<16xf32>,
        %add3A_660 = arith.addf %add3A_654, %get3A_659 : vector<16xf32>
        %add3A_661 = arith.constant 384 : i32
        %add3A_662 = arith.addi %add3A_661, %add3A_645 : i32
        %get3A_663 = arith.index_cast %add3A_662 : i32 to index
        %get3A_664 = arith.constant 0 : index
        %get3A_665 = tpu.vector_load %arg7[%get3A_663, %get3A_664] {strides = array<i32>} : memref<2560x16xf32, #tpu.memory_space<vmem>>, vector<16xf32>,
        %add3A_666 = arith.addf %add3A_660, %get3A_665 : vector<16xf32>
        %add3A_667 = arith.constant 512 : i32
        %add3A_668 = arith.addi %add3A_667, %add3A_645 : i32
        %get3A_669 = arith.index_cast %add3A_668 : i32 to index
        %get3A_670 = arith.constant 0 : index
        %get3A_671 = tpu.vector_load %arg7[%get3A_669, %get3A_670] {strides = array<i32>} : memref<2560x16xf32, #tpu.memory_space<vmem>>, vector<16xf32>,
        %add3A_672 = arith.addf %add3A_666, %get3A_671 : vector<16xf32>
        %add3A_673 = arith.constant 640 : i32
        %add3A_674 = arith.addi %add3A_673, %add3A_645 : i32
        %get3A_675 = arith.index_cast %add3A_674 : i32 to index
        %get3A_676 = arith.constant 0 : index
        %get3A_677 = tpu.vector_load %arg7[%get3A_675, %get3A_676] {strides = array<i32>} : memref<2560x16xf32, #tpu.memory_space<vmem>>, vector<16xf32>,
        %add3A_678 = arith.addf %add3A_672, %get3A_677 : vector<16xf32>
        %add3A_679 = arith.constant 768 : i32
        %add3A_680 = arith.addi %add3A_679, %add3A_645 : i32
        %get3A_681 = arith.index_cast %add3A_680 : i32 to index
        %get3A_682 = arith.constant 0 : index
        %get3A_683 = tpu.vector_load %arg7[%get3A_681, %get3A_682] {strides = array<i32>} : memref<2560x16xf32, #tpu.memory_space<vmem>>, vector<16xf32>,
        %add3A_684 = arith.addf %add3A_678, %get3A_683 : vector<16xf32>
        %add3A_685 = arith.constant 896 : i32
        %add3A_686 = arith.addi %add3A_685, %add3A_645 : i32
        %get3A_687 = arith.index_cast %add3A_686 : i32 to index
        %get3A_688 = arith.constant 0 : index
        %get3A_689 = tpu.vector_load %arg7[%get3A_687, %get3A_688] {strides = array<i32>} : memref<2560x16xf32, #tpu.memory_space<vmem>>, vector<16xf32>,
        %add3A_690 = arith.addf %add3A_684, %get3A_689 : vector<16xf32>
        %add3A_691 = arith.constant 1024 : i32
        %add3A_692 = arith.addi %add3A_691, %add3A_645 : i32
        %get3A_693 = arith.index_cast %add3A_692 : i32 to index
        %get3A_694 = arith.constant 0 : index
        %get3A_695 = tpu.vector_load %arg7[%get3A_693, %get3A_694] {strides = array<i32>} : memref<2560x16xf32, #tpu.memory_space<vmem>>, vector<16xf32>,
        %add3A_696 = arith.addf %add3A_690, %get3A_695 : vector<16xf32>
        %add3A_697 = arith.constant 1152 : i32
        %add3A_698 = arith.addi %add3A_697, %add3A_645 : i32
        %get3A_699 = arith.index_cast %add3A_698 : i32 to index
        %get3A_700 = arith.constant 0 : index
        %get3A_701 = tpu.vector_load %arg7[%get3A_699, %get3A_700] {strides = array<i32>} : memref<2560x16xf32, #tpu.memory_space<vmem>>, vector<16xf32>,
        %add3A_702 = arith.addf %add3A_696, %get3A_701 : vector<16xf32>
        %add3A_703 = arith.constant 1280 : i32
        %add3A_704 = arith.addi %add3A_703, %add3A_645 : i32
        %get3A_705 = arith.index_cast %add3A_704 : i32 to index
        %get3A_706 = arith.constant 0 : index
        %get3A_707 = tpu.vector_load %arg7[%get3A_705, %get3A_706] {strides = array<i32>} : memref<2560x16xf32, #tpu.memory_space<vmem>>, vector<16xf32>,
        %add3A_708 = arith.addf %add3A_702, %get3A_707 : vector<16xf32>
        %add3A_709 = arith.constant 1408 : i32
        %add3A_710 = arith.addi %add3A_709, %add3A_645 : i32
        %get3A_711 = arith.index_cast %add3A_710 : i32 to index
        %get3A_712 = arith.constant 0 : index
        %get3A_713 = tpu.vector_load %arg7[%get3A_711, %get3A_712] {strides = array<i32>} : memref<2560x16xf32, #tpu.memory_space<vmem>>, vector<16xf32>,
        %add3A_714 = arith.addf %add3A_708, %get3A_713 : vector<16xf32>
        %add3A_715 = arith.constant 1536 : i32
        %add3A_716 = arith.addi %add3A_715, %add3A_645 : i32
        %get3A_717 = arith.index_cast %add3A_716 : i32 to index
        %get3A_718 = arith.constant 0 : index
        %get3A_719 = tpu.vector_load %arg7[%get3A_717, %get3A_718] {strides = array<i32>} : memref<2560x16xf32, #tpu.memory_space<vmem>>, vector<16xf32>,
        %add3A_720 = arith.addf %add3A_714, %get3A_719 : vector<16xf32>
        %add3A_721 = arith.constant 1664 : i32
        %add3A_722 = arith.addi %add3A_721, %add3A_645 : i32
        %get3A_723 = arith.index_cast %add3A_722 : i32 to index
        %get3A_724 = arith.constant 0 : index
        %get3A_725 = tpu.vector_load %arg7[%get3A_723, %get3A_724] {strides = array<i32>} : memref<2560x16xf32, #tpu.memory_space<vmem>>, vector<16xf32>,
        %add3A_726 = arith.addf %add3A_720, %get3A_725 : vector<16xf32>
        %add3A_727 = arith.constant 1792 : i32
        %add3A_728 = arith.addi %add3A_727, %add3A_645 : i32
        %get3A_729 = arith.index_cast %add3A_728 : i32 to index
        %get3A_730 = arith.constant 0 : index
        %get3A_731 = tpu.vector_load %arg7[%get3A_729, %get3A_730] {strides = array<i32>} : memref<2560x16xf32, #tpu.memory_space<vmem>>, vector<16xf32>,
        %add3A_732 = arith.addf %add3A_726, %get3A_731 : vector<16xf32>
        %add3A_733 = arith.constant 1920 : i32
        %add3A_734 = arith.addi %add3A_733, %add3A_645 : i32
        %get3A_735 = arith.index_cast %add3A_734 : i32 to index
        %get3A_736 = arith.constant 0 : index
        %get3A_737 = tpu.vector_load %arg7[%get3A_735, %get3A_736] {strides = array<i32>} : memref<2560x16xf32, #tpu.memory_space<vmem>>, vector<16xf32>,
        %add3A_738 = arith.addf %add3A_732, %get3A_737 : vector<16xf32>
        %add3A_739 = arith.constant 2048 : i32
        %add3A_740 = arith.addi %add3A_739, %add3A_645 : i32
        %get3A_741 = arith.index_cast %add3A_740 : i32 to index
        %get3A_742 = arith.constant 0 : index
        %get3A_743 = tpu.vector_load %arg7[%get3A_741, %get3A_742] {strides = array<i32>} : memref<2560x16xf32, #tpu.memory_space<vmem>>, vector<16xf32>,
        %add3A_744 = arith.addf %add3A_738, %get3A_743 : vector<16xf32>
        %add3A_745 = arith.constant 2176 : i32
        %add3A_746 = arith.addi %add3A_745, %add3A_645 : i32
        %get3A_747 = arith.index_cast %add3A_746 : i32 to index
        %get3A_748 = arith.constant 0 : index
        %get3A_749 = tpu.vector_load %arg7[%get3A_747, %get3A_748] {strides = array<i32>} : memref<2560x16xf32, #tpu.memory_space<vmem>>, vector<16xf32>,
        %add3A_750 = arith.addf %add3A_744, %get3A_749 : vector<16xf32>
        %add3A_751 = arith.constant 2304 : i32
        %add3A_752 = arith.addi %add3A_751, %add3A_645 : i32
        %get3A_753 = arith.index_cast %add3A_752 : i32 to index
        %get3A_754 = arith.constant 0 : index
        %get3A_755 = tpu.vector_load %arg7[%get3A_753, %get3A_754] {strides = array<i32>} : memref<2560x16xf32, #tpu.memory_space<vmem>>, vector<16xf32>,
        %add3A_756 = arith.addf %add3A_750, %get3A_755 : vector<16xf32>
        %add3A_757 = arith.constant 2432 : i32
        %add3A_758 = arith.addi %add3A_757, %add3A_645 : i32
        %get3A_759 = arith.index_cast %add3A_758 : i32 to index
        %get3A_760 = arith.constant 0 : index
        %get3A_761 = tpu.vector_load %arg7[%get3A_759, %get3A_760] {strides = array<i32>} : memref<2560x16xf32, #tpu.memory_space<vmem>>, vector<16xf32>,
        %add3A_762 = arith.addf %add3A_756, %get3A_761 : vector<16xf32>
        %broadcast_in_dim3A_763 = vector.broadcast %add3A_645 : i32 to vector<16xi32>
        %slice3A_764 = vector.extract_strided_slice %get3A_274 {offsets = [3], sizes = [1], strides = [1]} : vector<16xf32> to vector<1xf32>
        %squeeze3A_765 = vector.extract %slice3A_764[0] : f32 from vector<1xf32>
        %mul3A_766 = vector.broadcast %squeeze3A_765 : f32 to vector<16xf32>
        %mul3A_767 = arith.mulf %add3A_762, %mul3A_766 : vector<16xf32>
        tpu.vector_store_idx %arg9[%iota3A, %broadcast_in_dim3A_763], %mul3A_767 : memref<16x128xf32, #tpu.memory_space<vmem>>[vector<16xi32>, vector<16xi32>], vector<16xf32>,
        %add3A_768 = arith.constant 4 : i32
        %add3A_769 = arith.addi %mul3A_273, %add3A_768 : i32
        %get3A_770 = arith.index_cast %add3A_769 : i32 to index
        %get3A_771 = arith.constant 0 : index
        %get3A_772 = tpu.vector_load %arg7[%get3A_770, %get3A_771] {strides = array<i32>} : memref<2560x16xf32, #tpu.memory_space<vmem>>, vector<16xf32>,
        %add3A_773 = arith.constant 128 : i32
        %add3A_774 = arith.addi %add3A_773, %add3A_769 : i32
        %get3A_775 = arith.index_cast %add3A_774 : i32 to index
        %get3A_776 = arith.constant 0 : index
        %get3A_777 = tpu.vector_load %arg7[%get3A_775, %get3A_776] {strides = array<i32>} : memref<2560x16xf32, #tpu.memory_space<vmem>>, vector<16xf32>,
        %add3A_778 = arith.addf %get3A_772, %get3A_777 : vector<16xf32>
        %add3A_779 = arith.constant 256 : i32
        %add3A_780 = arith.addi %add3A_779, %add3A_769 : i32
        %get3A_781 = arith.index_cast %add3A_780 : i32 to index
        %get3A_782 = arith.constant 0 : index
        %get3A_783 = tpu.vector_load %arg7[%get3A_781, %get3A_782] {strides = array<i32>} : memref<2560x16xf32, #tpu.memory_space<vmem>>, vector<16xf32>,
        %add3A_784 = arith.addf %add3A_778, %get3A_783 : vector<16xf32>
        %add3A_785 = arith.constant 384 : i32
        %add3A_786 = arith.addi %add3A_785, %add3A_769 : i32
        %get3A_787 = arith.index_cast %add3A_786 : i32 to index
        %get3A_788 = arith.constant 0 : index
        %get3A_789 = tpu.vector_load %arg7[%get3A_787, %get3A_788] {strides = array<i32>} : memref<2560x16xf32, #tpu.memory_space<vmem>>, vector<16xf32>,
        %add3A_790 = arith.addf %add3A_784, %get3A_789 : vector<16xf32>
        %add3A_791 = arith.constant 512 : i32
        %add3A_792 = arith.addi %add3A_791, %add3A_769 : i32
        %get3A_793 = arith.index_cast %add3A_792 : i32 to index
        %get3A_794 = arith.constant 0 : index
        %get3A_795 = tpu.vector_load %arg7[%get3A_793, %get3A_794] {strides = array<i32>} : memref<2560x16xf32, #tpu.memory_space<vmem>>, vector<16xf32>,
        %add3A_796 = arith.addf %add3A_790, %get3A_795 : vector<16xf32>
        %add3A_797 = arith.constant 640 : i32
        %add3A_798 = arith.addi %add3A_797, %add3A_769 : i32
        %get3A_799 = arith.index_cast %add3A_798 : i32 to index
        %get3A_800 = arith.constant 0 : index
        %get3A_801 = tpu.vector_load %arg7[%get3A_799, %get3A_800] {strides = array<i32>} : memref<2560x16xf32, #tpu.memory_space<vmem>>, vector<16xf32>,
        %add3A_802 = arith.addf %add3A_796, %get3A_801 : vector<16xf32>
        %add3A_803 = arith.constant 768 : i32
        %add3A_804 = arith.addi %add3A_803, %add3A_769 : i32
        %get3A_805 = arith.index_cast %add3A_804 : i32 to index
        %get3A_806 = arith.constant 0 : index
        %get3A_807 = tpu.vector_load %arg7[%get3A_805, %get3A_806] {strides = array<i32>} : memref<2560x16xf32, #tpu.memory_space<vmem>>, vector<16xf32>,
        %add3A_808 = arith.addf %add3A_802, %get3A_807 : vector<16xf32>
        %add3A_809 = arith.constant 896 : i32
        %add3A_810 = arith.addi %add3A_809, %add3A_769 : i32
        %get3A_811 = arith.index_cast %add3A_810 : i32 to index
        %get3A_812 = arith.constant 0 : index
        %get3A_813 = tpu.vector_load %arg7[%get3A_811, %get3A_812] {strides = array<i32>} : memref<2560x16xf32, #tpu.memory_space<vmem>>, vector<16xf32>,
        %add3A_814 = arith.addf %add3A_808, %get3A_813 : vector<16xf32>
        %add3A_815 = arith.constant 1024 : i32
        %add3A_816 = arith.addi %add3A_815, %add3A_769 : i32
        %get3A_817 = arith.index_cast %add3A_816 : i32 to index
        %get3A_818 = arith.constant 0 : index
        %get3A_819 = tpu.vector_load %arg7[%get3A_817, %get3A_818] {strides = array<i32>} : memref<2560x16xf32, #tpu.memory_space<vmem>>, vector<16xf32>,
        %add3A_820 = arith.addf %add3A_814, %get3A_819 : vector<16xf32>
        %add3A_821 = arith.constant 1152 : i32
        %add3A_822 = arith.addi %add3A_821, %add3A_769 : i32
        %get3A_823 = arith.index_cast %add3A_822 : i32 to index
        %get3A_824 = arith.constant 0 : index
        %get3A_825 = tpu.vector_load %arg7[%get3A_823, %get3A_824] {strides = array<i32>} : memref<2560x16xf32, #tpu.memory_space<vmem>>, vector<16xf32>,
        %add3A_826 = arith.addf %add3A_820, %get3A_825 : vector<16xf32>
        %add3A_827 = arith.constant 1280 : i32
        %add3A_828 = arith.addi %add3A_827, %add3A_769 : i32
        %get3A_829 = arith.index_cast %add3A_828 : i32 to index
        %get3A_830 = arith.constant 0 : index
        %get3A_831 = tpu.vector_load %arg7[%get3A_829, %get3A_830] {strides = array<i32>} : memref<2560x16xf32, #tpu.memory_space<vmem>>, vector<16xf32>,
        %add3A_832 = arith.addf %add3A_826, %get3A_831 : vector<16xf32>
        %add3A_833 = arith.constant 1408 : i32
        %add3A_834 = arith.addi %add3A_833, %add3A_769 : i32
        %get3A_835 = arith.index_cast %add3A_834 : i32 to index
        %get3A_836 = arith.constant 0 : index
        %get3A_837 = tpu.vector_load %arg7[%get3A_835, %get3A_836] {strides = array<i32>} : memref<2560x16xf32, #tpu.memory_space<vmem>>, vector<16xf32>,
        %add3A_838 = arith.addf %add3A_832, %get3A_837 : vector<16xf32>
        %add3A_839 = arith.constant 1536 : i32
        %add3A_840 = arith.addi %add3A_839, %add3A_769 : i32
        %get3A_841 = arith.index_cast %add3A_840 : i32 to index
        %get3A_842 = arith.constant 0 : index
        %get3A_843 = tpu.vector_load %arg7[%get3A_841, %get3A_842] {strides = array<i32>} : memref<2560x16xf32, #tpu.memory_space<vmem>>, vector<16xf32>,
        %add3A_844 = arith.addf %add3A_838, %get3A_843 : vector<16xf32>
        %add3A_845 = arith.constant 1664 : i32
        %add3A_846 = arith.addi %add3A_845, %add3A_769 : i32
        %get3A_847 = arith.index_cast %add3A_846 : i32 to index
        %get3A_848 = arith.constant 0 : index
        %get3A_849 = tpu.vector_load %arg7[%get3A_847, %get3A_848] {strides = array<i32>} : memref<2560x16xf32, #tpu.memory_space<vmem>>, vector<16xf32>,
        %add3A_850 = arith.addf %add3A_844, %get3A_849 : vector<16xf32>
        %add3A_851 = arith.constant 1792 : i32
        %add3A_852 = arith.addi %add3A_851, %add3A_769 : i32
        %get3A_853 = arith.index_cast %add3A_852 : i32 to index
        %get3A_854 = arith.constant 0 : index
        %get3A_855 = tpu.vector_load %arg7[%get3A_853, %get3A_854] {strides = array<i32>} : memref<2560x16xf32, #tpu.memory_space<vmem>>, vector<16xf32>,
        %add3A_856 = arith.addf %add3A_850, %get3A_855 : vector<16xf32>
        %add3A_857 = arith.constant 1920 : i32
        %add3A_858 = arith.addi %add3A_857, %add3A_769 : i32
        %get3A_859 = arith.index_cast %add3A_858 : i32 to index
        %get3A_860 = arith.constant 0 : index
        %get3A_861 = tpu.vector_load %arg7[%get3A_859, %get3A_860] {strides = array<i32>} : memref<2560x16xf32, #tpu.memory_space<vmem>>, vector<16xf32>,
        %add3A_862 = arith.addf %add3A_856, %get3A_861 : vector<16xf32>
        %add3A_863 = arith.constant 2048 : i32
        %add3A_864 = arith.addi %add3A_863, %add3A_769 : i32
        %get3A_865 = arith.index_cast %add3A_864 : i32 to index
        %get3A_866 = arith.constant 0 : index
        %get3A_867 = tpu.vector_load %arg7[%get3A_865, %get3A_866] {strides = array<i32>} : memref<2560x16xf32, #tpu.memory_space<vmem>>, vector<16xf32>,
        %add3A_868 = arith.addf %add3A_862, %get3A_867 : vector<16xf32>
        %add3A_869 = arith.constant 2176 : i32
        %add3A_870 = arith.addi %add3A_869, %add3A_769 : i32
        %get3A_871 = arith.index_cast %add3A_870 : i32 to index
        %get3A_872 = arith.constant 0 : index
        %get3A_873 = tpu.vector_load %arg7[%get3A_871, %get3A_872] {strides = array<i32>} : memref<2560x16xf32, #tpu.memory_space<vmem>>, vector<16xf32>,
        %add3A_874 = arith.addf %add3A_868, %get3A_873 : vector<16xf32>
        %add3A_875 = arith.constant 2304 : i32
        %add3A_876 = arith.addi %add3A_875, %add3A_769 : i32
        %get3A_877 = arith.index_cast %add3A_876 : i32 to index
        %get3A_878 = arith.constant 0 : index
        %get3A_879 = tpu.vector_load %arg7[%get3A_877, %get3A_878] {strides = array<i32>} : memref<2560x16xf32, #tpu.memory_space<vmem>>, vector<16xf32>,
        %add3A_880 = arith.addf %add3A_874, %get3A_879 : vector<16xf32>
        %add3A_881 = arith.constant 2432 : i32
        %add3A_882 = arith.addi %add3A_881, %add3A_769 : i32
        %get3A_883 = arith.index_cast %add3A_882 : i32 to index
        %get3A_884 = arith.constant 0 : index
        %get3A_885 = tpu.vector_load %arg7[%get3A_883, %get3A_884] {strides = array<i32>} : memref<2560x16xf32, #tpu.memory_space<vmem>>, vector<16xf32>,
        %add3A_886 = arith.addf %add3A_880, %get3A_885 : vector<16xf32>
        %broadcast_in_dim3A_887 = vector.broadcast %add3A_769 : i32 to vector<16xi32>
        %slice3A_888 = vector.extract_strided_slice %get3A_274 {offsets = [4], sizes = [1], strides = [1]} : vector<16xf32> to vector<1xf32>
        %squeeze3A_889 = vector.extract %slice3A_888[0] : f32 from vector<1xf32>
        %mul3A_890 = vector.broadcast %squeeze3A_889 : f32 to vector<16xf32>
        %mul3A_891 = arith.mulf %add3A_886, %mul3A_890 : vector<16xf32>
        tpu.vector_store_idx %arg9[%iota3A, %broadcast_in_dim3A_887], %mul3A_891 : memref<16x128xf32, #tpu.memory_space<vmem>>[vector<16xi32>, vector<16xi32>], vector<16xf32>,
        %add3A_892 = arith.constant 5 : i32
        %add3A_893 = arith.addi %mul3A_273, %add3A_892 : i32
        %get3A_894 = arith.index_cast %add3A_893 : i32 to index
        %get3A_895 = arith.constant 0 : index
        %get3A_896 = tpu.vector_load %arg7[%get3A_894, %get3A_895] {strides = array<i32>} : memref<2560x16xf32, #tpu.memory_space<vmem>>, vector<16xf32>,
        %add3A_897 = arith.constant 128 : i32
        %add3A_898 = arith.addi %add3A_897, %add3A_893 : i32
        %get3A_899 = arith.index_cast %add3A_898 : i32 to index
        %get3A_900 = arith.constant 0 : index
        %get3A_901 = tpu.vector_load %arg7[%get3A_899, %get3A_900] {strides = array<i32>} : memref<2560x16xf32, #tpu.memory_space<vmem>>, vector<16xf32>,
        %add3A_902 = arith.addf %get3A_896, %get3A_901 : vector<16xf32>
        %add3A_903 = arith.constant 256 : i32
        %add3A_904 = arith.addi %add3A_903, %add3A_893 : i32
        %get3A_905 = arith.index_cast %add3A_904 : i32 to index
        %get3A_906 = arith.constant 0 : index
        %get3A_907 = tpu.vector_load %arg7[%get3A_905, %get3A_906] {strides = array<i32>} : memref<2560x16xf32, #tpu.memory_space<vmem>>, vector<16xf32>,
        %add3A_908 = arith.addf %add3A_902, %get3A_907 : vector<16xf32>
        %add3A_909 = arith.constant 384 : i32
        %add3A_910 = arith.addi %add3A_909, %add3A_893 : i32
        %get3A_911 = arith.index_cast %add3A_910 : i32 to index
        %get3A_912 = arith.constant 0 : index
        %get3A_913 = tpu.vector_load %arg7[%get3A_911, %get3A_912] {strides = array<i32>} : memref<2560x16xf32, #tpu.memory_space<vmem>>, vector<16xf32>,
        %add3A_914 = arith.addf %add3A_908, %get3A_913 : vector<16xf32>
        %add3A_915 = arith.constant 512 : i32
        %add3A_916 = arith.addi %add3A_915, %add3A_893 : i32
        %get3A_917 = arith.index_cast %add3A_916 : i32 to index
        %get3A_918 = arith.constant 0 : index
        %get3A_919 = tpu.vector_load %arg7[%get3A_917, %get3A_918] {strides = array<i32>} : memref<2560x16xf32, #tpu.memory_space<vmem>>, vector<16xf32>,
        %add3A_920 = arith.addf %add3A_914, %get3A_919 : vector<16xf32>
        %add3A_921 = arith.constant 640 : i32
        %add3A_922 = arith.addi %add3A_921, %add3A_893 : i32
        %get3A_923 = arith.index_cast %add3A_922 : i32 to index
        %get3A_924 = arith.constant 0 : index
        %get3A_925 = tpu.vector_load %arg7[%get3A_923, %get3A_924] {strides = array<i32>} : memref<2560x16xf32, #tpu.memory_space<vmem>>, vector<16xf32>,
        %add3A_926 = arith.addf %add3A_920, %get3A_925 : vector<16xf32>
        %add3A_927 = arith.constant 768 : i32
        %add3A_928 = arith.addi %add3A_927, %add3A_893 : i32
        %get3A_929 = arith.index_cast %add3A_928 : i32 to index
        %get3A_930 = arith.constant 0 : index
        %get3A_931 = tpu.vector_load %arg7[%get3A_929, %get3A_930] {strides = array<i32>} : memref<2560x16xf32, #tpu.memory_space<vmem>>, vector<16xf32>,
        %add3A_932 = arith.addf %add3A_926, %get3A_931 : vector<16xf32>
        %add3A_933 = arith.constant 896 : i32
        %add3A_934 = arith.addi %add3A_933, %add3A_893 : i32
        %get3A_935 = arith.index_cast %add3A_934 : i32 to index
        %get3A_936 = arith.constant 0 : index
        %get3A_937 = tpu.vector_load %arg7[%get3A_935, %get3A_936] {strides = array<i32>} : memref<2560x16xf32, #tpu.memory_space<vmem>>, vector<16xf32>,
        %add3A_938 = arith.addf %add3A_932, %get3A_937 : vector<16xf32>
        %add3A_939 = arith.constant 1024 : i32
        %add3A_940 = arith.addi %add3A_939, %add3A_893 : i32
        %get3A_941 = arith.index_cast %add3A_940 : i32 to index
        %get3A_942 = arith.constant 0 : index
        %get3A_943 = tpu.vector_load %arg7[%get3A_941, %get3A_942] {strides = array<i32>} : memref<2560x16xf32, #tpu.memory_space<vmem>>, vector<16xf32>,
        %add3A_944 = arith.addf %add3A_938, %get3A_943 : vector<16xf32>
        %add3A_945 = arith.constant 1152 : i32
        %add3A_946 = arith.addi %add3A_945, %add3A_893 : i32
        %get3A_947 = arith.index_cast %add3A_946 : i32 to index
        %get3A_948 = arith.constant 0 : index
        %get3A_949 = tpu.vector_load %arg7[%get3A_947, %get3A_948] {strides = array<i32>} : memref<2560x16xf32, #tpu.memory_space<vmem>>, vector<16xf32>,
        %add3A_950 = arith.addf %add3A_944, %get3A_949 : vector<16xf32>
        %add3A_951 = arith.constant 1280 : i32
        %add3A_952 = arith.addi %add3A_951, %add3A_893 : i32
        %get3A_953 = arith.index_cast %add3A_952 : i32 to index
        %get3A_954 = arith.constant 0 : index
        %get3A_955 = tpu.vector_load %arg7[%get3A_953, %get3A_954] {strides = array<i32>} : memref<2560x16xf32, #tpu.memory_space<vmem>>, vector<16xf32>,
        %add3A_956 = arith.addf %add3A_950, %get3A_955 : vector<16xf32>
        %add3A_957 = arith.constant 1408 : i32
        %add3A_958 = arith.addi %add3A_957, %add3A_893 : i32
        %get3A_959 = arith.index_cast %add3A_958 : i32 to index
        %get3A_960 = arith.constant 0 : index
        %get3A_961 = tpu.vector_load %arg7[%get3A_959, %get3A_960] {strides = array<i32>} : memref<2560x16xf32, #tpu.memory_space<vmem>>, vector<16xf32>,
        %add3A_962 = arith.addf %add3A_956, %get3A_961 : vector<16xf32>
        %add3A_963 = arith.constant 1536 : i32
        %add3A_964 = arith.addi %add3A_963, %add3A_893 : i32
        %get3A_965 = arith.index_cast %add3A_964 : i32 to index
        %get3A_966 = arith.constant 0 : index
        %get3A_967 = tpu.vector_load %arg7[%get3A_965, %get3A_966] {strides = array<i32>} : memref<2560x16xf32, #tpu.memory_space<vmem>>, vector<16xf32>,
        %add3A_968 = arith.addf %add3A_962, %get3A_967 : vector<16xf32>
        %add3A_969 = arith.constant 1664 : i32
        %add3A_970 = arith.addi %add3A_969, %add3A_893 : i32
        %get3A_971 = arith.index_cast %add3A_970 : i32 to index
        %get3A_972 = arith.constant 0 : index
        %get3A_973 = tpu.vector_load %arg7[%get3A_971, %get3A_972] {strides = array<i32>} : memref<2560x16xf32, #tpu.memory_space<vmem>>, vector<16xf32>,
        %add3A_974 = arith.addf %add3A_968, %get3A_973 : vector<16xf32>
        %add3A_975 = arith.constant 1792 : i32
        %add3A_976 = arith.addi %add3A_975, %add3A_893 : i32
        %get3A_977 = arith.index_cast %add3A_976 : i32 to index
        %get3A_978 = arith.constant 0 : index
        %get3A_979 = tpu.vector_load %arg7[%get3A_977, %get3A_978] {strides = array<i32>} : memref<2560x16xf32, #tpu.memory_space<vmem>>, vector<16xf32>,
        %add3A_980 = arith.addf %add3A_974, %get3A_979 : vector<16xf32>
        %add3A_981 = arith.constant 1920 : i32
        %add3A_982 = arith.addi %add3A_981, %add3A_893 : i32
        %get3A_983 = arith.index_cast %add3A_982 : i32 to index
        %get3A_984 = arith.constant 0 : index
        %get3A_985 = tpu.vector_load %arg7[%get3A_983, %get3A_984] {strides = array<i32>} : memref<2560x16xf32, #tpu.memory_space<vmem>>, vector<16xf32>,
        %add3A_986 = arith.addf %add3A_980, %get3A_985 : vector<16xf32>
        %add3A_987 = arith.constant 2048 : i32
        %add3A_988 = arith.addi %add3A_987, %add3A_893 : i32
        %get3A_989 = arith.index_cast %add3A_988 : i32 to index
        %get3A_990 = arith.constant 0 : index
        %get3A_991 = tpu.vector_load %arg7[%get3A_989, %get3A_990] {strides = array<i32>} : memref<2560x16xf32, #tpu.memory_space<vmem>>, vector<16xf32>,
        %add3A_992 = arith.addf %add3A_986, %get3A_991 : vector<16xf32>
        %add3A_993 = arith.constant 2176 : i32
        %add3A_994 = arith.addi %add3A_993, %add3A_893 : i32
        %get3A_995 = arith.index_cast %add3A_994 : i32 to index
        %get3A_996 = arith.constant 0 : index
        %get3A_997 = tpu.vector_load %arg7[%get3A_995, %get3A_996] {strides = array<i32>} : memref<2560x16xf32, #tpu.memory_space<vmem>>, vector<16xf32>,
        %add3A_998 = arith.addf %add3A_992, %get3A_997 : vector<16xf32>
        %add3A_999 = arith.constant 2304 : i32
        %add3A_1000 = arith.addi %add3A_999, %add3A_893 : i32
        %get3A_1001 = arith.index_cast %add3A_1000 : i32 to index
        %get3A_1002 = arith.constant 0 : index
        %get3A_1003 = tpu.vector_load %arg7[%get3A_1001, %get3A_1002] {strides = array<i32>} : memref<2560x16xf32, #tpu.memory_space<vmem>>, vector<16xf32>,
        %add3A_1004 = arith.addf %add3A_998, %get3A_1003 : vector<16xf32>
        %add3A_1005 = arith.constant 2432 : i32
        %add3A_1006 = arith.addi %add3A_1005, %add3A_893 : i32
        %get3A_1007 = arith.index_cast %add3A_1006 : i32 to index
        %get3A_1008 = arith.constant 0 : index
        %get3A_1009 = tpu.vector_load %arg7[%get3A_1007, %get3A_1008] {strides = array<i32>} : memref<2560x16xf32, #tpu.memory_space<vmem>>, vector<16xf32>,
        %add3A_1010 = arith.addf %add3A_1004, %get3A_1009 : vector<16xf32>
        %broadcast_in_dim3A_1011 = vector.broadcast %add3A_893 : i32 to vector<16xi32>
        %slice3A_1012 = vector.extract_strided_slice %get3A_274 {offsets = [5], sizes = [1], strides = [1]} : vector<16xf32> to vector<1xf32>
        %squeeze3A_1013 = vector.extract %slice3A_1012[0] : f32 from vector<1xf32>
        %mul3A_1014 = vector.broadcast %squeeze3A_1013 : f32 to vector<16xf32>
        %mul3A_1015 = arith.mulf %add3A_1010, %mul3A_1014 : vector<16xf32>
        tpu.vector_store_idx %arg9[%iota3A, %broadcast_in_dim3A_1011], %mul3A_1015 : memref<16x128xf32, #tpu.memory_space<vmem>>[vector<16xi32>, vector<16xi32>], vector<16xf32>,
        %add3A_1016 = arith.constant 6 : i32
        %add3A_1017 = arith.addi %mul3A_273, %add3A_1016 : i32
        %get3A_1018 = arith.index_cast %add3A_1017 : i32 to index
        %get3A_1019 = arith.constant 0 : index
        %get3A_1020 = tpu.vector_load %arg7[%get3A_1018, %get3A_1019] {strides = array<i32>} : memref<2560x16xf32, #tpu.memory_space<vmem>>, vector<16xf32>,
        %add3A_1021 = arith.constant 128 : i32
        %add3A_1022 = arith.addi %add3A_1021, %add3A_1017 : i32
        %get3A_1023 = arith.index_cast %add3A_1022 : i32 to index
        %get3A_1024 = arith.constant 0 : index
        %get3A_1025 = tpu.vector_load %arg7[%get3A_1023, %get3A_1024] {strides = array<i32>} : memref<2560x16xf32, #tpu.memory_space<vmem>>, vector<16xf32>,
        %add3A_1026 = arith.addf %get3A_1020, %get3A_1025 : vector<16xf32>
        %add3A_1027 = arith.constant 256 : i32
        %add3A_1028 = arith.addi %add3A_1027, %add3A_1017 : i32
        %get3A_1029 = arith.index_cast %add3A_1028 : i32 to index
        %get3A_1030 = arith.constant 0 : index
        %get3A_1031 = tpu.vector_load %arg7[%get3A_1029, %get3A_1030] {strides = array<i32>} : memref<2560x16xf32, #tpu.memory_space<vmem>>, vector<16xf32>,
        %add3A_1032 = arith.addf %add3A_1026, %get3A_1031 : vector<16xf32>
        %add3A_1033 = arith.constant 384 : i32
        %add3A_1034 = arith.addi %add3A_1033, %add3A_1017 : i32
        %get3A_1035 = arith.index_cast %add3A_1034 : i32 to index
        %get3A_1036 = arith.constant 0 : index
        %get3A_1037 = tpu.vector_load %arg7[%get3A_1035, %get3A_1036] {strides = array<i32>} : memref<2560x16xf32, #tpu.memory_space<vmem>>, vector<16xf32>,
        %add3A_1038 = arith.addf %add3A_1032, %get3A_1037 : vector<16xf32>
        %add3A_1039 = arith.constant 512 : i32
        %add3A_1040 = arith.addi %add3A_1039, %add3A_1017 : i32
        %get3A_1041 = arith.index_cast %add3A_1040 : i32 to index
        %get3A_1042 = arith.constant 0 : index
        %get3A_1043 = tpu.vector_load %arg7[%get3A_1041, %get3A_1042] {strides = array<i32>} : memref<2560x16xf32, #tpu.memory_space<vmem>>, vector<16xf32>,
        %add3A_1044 = arith.addf %add3A_1038, %get3A_1043 : vector<16xf32>
        %add3A_1045 = arith.constant 640 : i32
        %add3A_1046 = arith.addi %add3A_1045, %add3A_1017 : i32
        %get3A_1047 = arith.index_cast %add3A_1046 : i32 to index
        %get3A_1048 = arith.constant 0 : index
        %get3A_1049 = tpu.vector_load %arg7[%get3A_1047, %get3A_1048] {strides = array<i32>} : memref<2560x16xf32, #tpu.memory_space<vmem>>, vector<16xf32>,
        %add3A_1050 = arith.addf %add3A_1044, %get3A_1049 : vector<16xf32>
        %add3A_1051 = arith.constant 768 : i32
        %add3A_1052 = arith.addi %add3A_1051, %add3A_1017 : i32
        %get3A_1053 = arith.index_cast %add3A_1052 : i32 to index
        %get3A_1054 = arith.constant 0 : index
        %get3A_1055 = tpu.vector_load %arg7[%get3A_1053, %get3A_1054] {strides = array<i32>} : memref<2560x16xf32, #tpu.memory_space<vmem>>, vector<16xf32>,
        %add3A_1056 = arith.addf %add3A_1050, %get3A_1055 : vector<16xf32>
        %add3A_1057 = arith.constant 896 : i32
        %add3A_1058 = arith.addi %add3A_1057, %add3A_1017 : i32
        %get3A_1059 = arith.index_cast %add3A_1058 : i32 to index
        %get3A_1060 = arith.constant 0 : index
        %get3A_1061 = tpu.vector_load %arg7[%get3A_1059, %get3A_1060] {strides = array<i32>} : memref<2560x16xf32, #tpu.memory_space<vmem>>, vector<16xf32>,
        %add3A_1062 = arith.addf %add3A_1056, %get3A_1061 : vector<16xf32>
        %add3A_1063 = arith.constant 1024 : i32
        %add3A_1064 = arith.addi %add3A_1063, %add3A_1017 : i32
        %get3A_1065 = arith.index_cast %add3A_1064 : i32 to index
        %get3A_1066 = arith.constant 0 : index
        %get3A_1067 = tpu.vector_load %arg7[%get3A_1065, %get3A_1066] {strides = array<i32>} : memref<2560x16xf32, #tpu.memory_space<vmem>>, vector<16xf32>,
        %add3A_1068 = arith.addf %add3A_1062, %get3A_1067 : vector<16xf32>
        %add3A_1069 = arith.constant 1152 : i32
        %add3A_1070 = arith.addi %add3A_1069, %add3A_1017 : i32
        %get3A_1071 = arith.index_cast %add3A_1070 : i32 to index
        %get3A_1072 = arith.constant 0 : index
        %get3A_1073 = tpu.vector_load %arg7[%get3A_1071, %get3A_1072] {strides = array<i32>} : memref<2560x16xf32, #tpu.memory_space<vmem>>, vector<16xf32>,
        %add3A_1074 = arith.addf %add3A_1068, %get3A_1073 : vector<16xf32>
        %add3A_1075 = arith.constant 1280 : i32
        %add3A_1076 = arith.addi %add3A_1075, %add3A_1017 : i32
        %get3A_1077 = arith.index_cast %add3A_1076 : i32 to index
        %get3A_1078 = arith.constant 0 : index
        %get3A_1079 = tpu.vector_load %arg7[%get3A_1077, %get3A_1078] {strides = array<i32>} : memref<2560x16xf32, #tpu.memory_space<vmem>>, vector<16xf32>,
        %add3A_1080 = arith.addf %add3A_1074, %get3A_1079 : vector<16xf32>
        %add3A_1081 = arith.constant 1408 : i32
        %add3A_1082 = arith.addi %add3A_1081, %add3A_1017 : i32
        %get3A_1083 = arith.index_cast %add3A_1082 : i32 to index
        %get3A_1084 = arith.constant 0 : index
        %get3A_1085 = tpu.vector_load %arg7[%get3A_1083, %get3A_1084] {strides = array<i32>} : memref<2560x16xf32, #tpu.memory_space<vmem>>, vector<16xf32>,
        %add3A_1086 = arith.addf %add3A_1080, %get3A_1085 : vector<16xf32>
        %add3A_1087 = arith.constant 1536 : i32
        %add3A_1088 = arith.addi %add3A_1087, %add3A_1017 : i32
        %get3A_1089 = arith.index_cast %add3A_1088 : i32 to index
        %get3A_1090 = arith.constant 0 : index
        %get3A_1091 = tpu.vector_load %arg7[%get3A_1089, %get3A_1090] {strides = array<i32>} : memref<2560x16xf32, #tpu.memory_space<vmem>>, vector<16xf32>,
        %add3A_1092 = arith.addf %add3A_1086, %get3A_1091 : vector<16xf32>
        %add3A_1093 = arith.constant 1664 : i32
        %add3A_1094 = arith.addi %add3A_1093, %add3A_1017 : i32
        %get3A_1095 = arith.index_cast %add3A_1094 : i32 to index
        %get3A_1096 = arith.constant 0 : index
        %get3A_1097 = tpu.vector_load %arg7[%get3A_1095, %get3A_1096] {strides = array<i32>} : memref<2560x16xf32, #tpu.memory_space<vmem>>, vector<16xf32>,
        %add3A_1098 = arith.addf %add3A_1092, %get3A_1097 : vector<16xf32>
        %add3A_1099 = arith.constant 1792 : i32
        %add3A_1100 = arith.addi %add3A_1099, %add3A_1017 : i32
        %get3A_1101 = arith.index_cast %add3A_1100 : i32 to index
        %get3A_1102 = arith.constant 0 : index
        %get3A_1103 = tpu.vector_load %arg7[%get3A_1101, %get3A_1102] {strides = array<i32>} : memref<2560x16xf32, #tpu.memory_space<vmem>>, vector<16xf32>,
        %add3A_1104 = arith.addf %add3A_1098, %get3A_1103 : vector<16xf32>
        %add3A_1105 = arith.constant 1920 : i32
        %add3A_1106 = arith.addi %add3A_1105, %add3A_1017 : i32
        %get3A_1107 = arith.index_cast %add3A_1106 : i32 to index
        %get3A_1108 = arith.constant 0 : index
        %get3A_1109 = tpu.vector_load %arg7[%get3A_1107, %get3A_1108] {strides = array<i32>} : memref<2560x16xf32, #tpu.memory_space<vmem>>, vector<16xf32>,
        %add3A_1110 = arith.addf %add3A_1104, %get3A_1109 : vector<16xf32>
        %add3A_1111 = arith.constant 2048 : i32
        %add3A_1112 = arith.addi %add3A_1111, %add3A_1017 : i32
        %get3A_1113 = arith.index_cast %add3A_1112 : i32 to index
        %get3A_1114 = arith.constant 0 : index
        %get3A_1115 = tpu.vector_load %arg7[%get3A_1113, %get3A_1114] {strides = array<i32>} : memref<2560x16xf32, #tpu.memory_space<vmem>>, vector<16xf32>,
        %add3A_1116 = arith.addf %add3A_1110, %get3A_1115 : vector<16xf32>
        %add3A_1117 = arith.constant 2176 : i32
        %add3A_1118 = arith.addi %add3A_1117, %add3A_1017 : i32
        %get3A_1119 = arith.index_cast %add3A_1118 : i32 to index
        %get3A_1120 = arith.constant 0 : index
        %get3A_1121 = tpu.vector_load %arg7[%get3A_1119, %get3A_1120] {strides = array<i32>} : memref<2560x16xf32, #tpu.memory_space<vmem>>, vector<16xf32>,
        %add3A_1122 = arith.addf %add3A_1116, %get3A_1121 : vector<16xf32>
        %add3A_1123 = arith.constant 2304 : i32
        %add3A_1124 = arith.addi %add3A_1123, %add3A_1017 : i32
        %get3A_1125 = arith.index_cast %add3A_1124 : i32 to index
        %get3A_1126 = arith.constant 0 : index
        %get3A_1127 = tpu.vector_load %arg7[%get3A_1125, %get3A_1126] {strides = array<i32>} : memref<2560x16xf32, #tpu.memory_space<vmem>>, vector<16xf32>,
        %add3A_1128 = arith.addf %add3A_1122, %get3A_1127 : vector<16xf32>
        %add3A_1129 = arith.constant 2432 : i32
        %add3A_1130 = arith.addi %add3A_1129, %add3A_1017 : i32
        %get3A_1131 = arith.index_cast %add3A_1130 : i32 to index
        %get3A_1132 = arith.constant 0 : index
        %get3A_1133 = tpu.vector_load %arg7[%get3A_1131, %get3A_1132] {strides = array<i32>} : memref<2560x16xf32, #tpu.memory_space<vmem>>, vector<16xf32>,
        %add3A_1134 = arith.addf %add3A_1128, %get3A_1133 : vector<16xf32>
        %broadcast_in_dim3A_1135 = vector.broadcast %add3A_1017 : i32 to vector<16xi32>
        %slice3A_1136 = vector.extract_strided_slice %get3A_274 {offsets = [6], sizes = [1], strides = [1]} : vector<16xf32> to vector<1xf32>
        %squeeze3A_1137 = vector.extract %slice3A_1136[0] : f32 from vector<1xf32>
        %mul3A_1138 = vector.broadcast %squeeze3A_1137 : f32 to vector<16xf32>
        %mul3A_1139 = arith.mulf %add3A_1134, %mul3A_1138 : vector<16xf32>
        tpu.vector_store_idx %arg9[%iota3A, %broadcast_in_dim3A_1135], %mul3A_1139 : memref<16x128xf32, #tpu.memory_space<vmem>>[vector<16xi32>, vector<16xi32>], vector<16xf32>,
        %add3A_1140 = arith.constant 7 : i32
        %add3A_1141 = arith.addi %mul3A_273, %add3A_1140 : i32
        %get3A_1142 = arith.index_cast %add3A_1141 : i32 to index
        %get3A_1143 = arith.constant 0 : index
        %get3A_1144 = tpu.vector_load %arg7[%get3A_1142, %get3A_1143] {strides = array<i32>} : memref<2560x16xf32, #tpu.memory_space<vmem>>, vector<16xf32>,
        %add3A_1145 = arith.constant 128 : i32
        %add3A_1146 = arith.addi %add3A_1145, %add3A_1141 : i32
        %get3A_1147 = arith.index_cast %add3A_1146 : i32 to index
        %get3A_1148 = arith.constant 0 : index
        %get3A_1149 = tpu.vector_load %arg7[%get3A_1147, %get3A_1148] {strides = array<i32>} : memref<2560x16xf32, #tpu.memory_space<vmem>>, vector<16xf32>,
        %add3A_1150 = arith.addf %get3A_1144, %get3A_1149 : vector<16xf32>
        %add3A_1151 = arith.constant 256 : i32
        %add3A_1152 = arith.addi %add3A_1151, %add3A_1141 : i32
        %get3A_1153 = arith.index_cast %add3A_1152 : i32 to index
        %get3A_1154 = arith.constant 0 : index
        %get3A_1155 = tpu.vector_load %arg7[%get3A_1153, %get3A_1154] {strides = array<i32>} : memref<2560x16xf32, #tpu.memory_space<vmem>>, vector<16xf32>,
        %add3A_1156 = arith.addf %add3A_1150, %get3A_1155 : vector<16xf32>
        %add3A_1157 = arith.constant 384 : i32
        %add3A_1158 = arith.addi %add3A_1157, %add3A_1141 : i32
        %get3A_1159 = arith.index_cast %add3A_1158 : i32 to index
        %get3A_1160 = arith.constant 0 : index
        %get3A_1161 = tpu.vector_load %arg7[%get3A_1159, %get3A_1160] {strides = array<i32>} : memref<2560x16xf32, #tpu.memory_space<vmem>>, vector<16xf32>,
        %add3A_1162 = arith.addf %add3A_1156, %get3A_1161 : vector<16xf32>
        %add3A_1163 = arith.constant 512 : i32
        %add3A_1164 = arith.addi %add3A_1163, %add3A_1141 : i32
        %get3A_1165 = arith.index_cast %add3A_1164 : i32 to index
        %get3A_1166 = arith.constant 0 : index
        %get3A_1167 = tpu.vector_load %arg7[%get3A_1165, %get3A_1166] {strides = array<i32>} : memref<2560x16xf32, #tpu.memory_space<vmem>>, vector<16xf32>,
        %add3A_1168 = arith.addf %add3A_1162, %get3A_1167 : vector<16xf32>
        %add3A_1169 = arith.constant 640 : i32
        %add3A_1170 = arith.addi %add3A_1169, %add3A_1141 : i32
        %get3A_1171 = arith.index_cast %add3A_1170 : i32 to index
        %get3A_1172 = arith.constant 0 : index
        %get3A_1173 = tpu.vector_load %arg7[%get3A_1171, %get3A_1172] {strides = array<i32>} : memref<2560x16xf32, #tpu.memory_space<vmem>>, vector<16xf32>,
        %add3A_1174 = arith.addf %add3A_1168, %get3A_1173 : vector<16xf32>
        %add3A_1175 = arith.constant 768 : i32
        %add3A_1176 = arith.addi %add3A_1175, %add3A_1141 : i32
        %get3A_1177 = arith.index_cast %add3A_1176 : i32 to index
        %get3A_1178 = arith.constant 0 : index
        %get3A_1179 = tpu.vector_load %arg7[%get3A_1177, %get3A_1178] {strides = array<i32>} : memref<2560x16xf32, #tpu.memory_space<vmem>>, vector<16xf32>,
        %add3A_1180 = arith.addf %add3A_1174, %get3A_1179 : vector<16xf32>
        %add3A_1181 = arith.constant 896 : i32
        %add3A_1182 = arith.addi %add3A_1181, %add3A_1141 : i32
        %get3A_1183 = arith.index_cast %add3A_1182 : i32 to index
        %get3A_1184 = arith.constant 0 : index
        %get3A_1185 = tpu.vector_load %arg7[%get3A_1183, %get3A_1184] {strides = array<i32>} : memref<2560x16xf32, #tpu.memory_space<vmem>>, vector<16xf32>,
        %add3A_1186 = arith.addf %add3A_1180, %get3A_1185 : vector<16xf32>
        %add3A_1187 = arith.constant 1024 : i32
        %add3A_1188 = arith.addi %add3A_1187, %add3A_1141 : i32
        %get3A_1189 = arith.index_cast %add3A_1188 : i32 to index
        %get3A_1190 = arith.constant 0 : index
        %get3A_1191 = tpu.vector_load %arg7[%get3A_1189, %get3A_1190] {strides = array<i32>} : memref<2560x16xf32, #tpu.memory_space<vmem>>, vector<16xf32>,
        %add3A_1192 = arith.addf %add3A_1186, %get3A_1191 : vector<16xf32>
        %add3A_1193 = arith.constant 1152 : i32
        %add3A_1194 = arith.addi %add3A_1193, %add3A_1141 : i32
        %get3A_1195 = arith.index_cast %add3A_1194 : i32 to index
        %get3A_1196 = arith.constant 0 : index
        %get3A_1197 = tpu.vector_load %arg7[%get3A_1195, %get3A_1196] {strides = array<i32>} : memref<2560x16xf32, #tpu.memory_space<vmem>>, vector<16xf32>,
        %add3A_1198 = arith.addf %add3A_1192, %get3A_1197 : vector<16xf32>
        %add3A_1199 = arith.constant 1280 : i32
        %add3A_1200 = arith.addi %add3A_1199, %add3A_1141 : i32
        %get3A_1201 = arith.index_cast %add3A_1200 : i32 to index
        %get3A_1202 = arith.constant 0 : index
        %get3A_1203 = tpu.vector_load %arg7[%get3A_1201, %get3A_1202] {strides = array<i32>} : memref<2560x16xf32, #tpu.memory_space<vmem>>, vector<16xf32>,
        %add3A_1204 = arith.addf %add3A_1198, %get3A_1203 : vector<16xf32>
        %add3A_1205 = arith.constant 1408 : i32
        %add3A_1206 = arith.addi %add3A_1205, %add3A_1141 : i32
        %get3A_1207 = arith.index_cast %add3A_1206 : i32 to index
        %get3A_1208 = arith.constant 0 : index
        %get3A_1209 = tpu.vector_load %arg7[%get3A_1207, %get3A_1208] {strides = array<i32>} : memref<2560x16xf32, #tpu.memory_space<vmem>>, vector<16xf32>,
        %add3A_1210 = arith.addf %add3A_1204, %get3A_1209 : vector<16xf32>
        %add3A_1211 = arith.constant 1536 : i32
        %add3A_1212 = arith.addi %add3A_1211, %add3A_1141 : i32
        %get3A_1213 = arith.index_cast %add3A_1212 : i32 to index
        %get3A_1214 = arith.constant 0 : index
        %get3A_1215 = tpu.vector_load %arg7[%get3A_1213, %get3A_1214] {strides = array<i32>} : memref<2560x16xf32, #tpu.memory_space<vmem>>, vector<16xf32>,
        %add3A_1216 = arith.addf %add3A_1210, %get3A_1215 : vector<16xf32>
        %add3A_1217 = arith.constant 1664 : i32
        %add3A_1218 = arith.addi %add3A_1217, %add3A_1141 : i32
        %get3A_1219 = arith.index_cast %add3A_1218 : i32 to index
        %get3A_1220 = arith.constant 0 : index
        %get3A_1221 = tpu.vector_load %arg7[%get3A_1219, %get3A_1220] {strides = array<i32>} : memref<2560x16xf32, #tpu.memory_space<vmem>>, vector<16xf32>,
        %add3A_1222 = arith.addf %add3A_1216, %get3A_1221 : vector<16xf32>
        %add3A_1223 = arith.constant 1792 : i32
        %add3A_1224 = arith.addi %add3A_1223, %add3A_1141 : i32
        %get3A_1225 = arith.index_cast %add3A_1224 : i32 to index
        %get3A_1226 = arith.constant 0 : index
        %get3A_1227 = tpu.vector_load %arg7[%get3A_1225, %get3A_1226] {strides = array<i32>} : memref<2560x16xf32, #tpu.memory_space<vmem>>, vector<16xf32>,
        %add3A_1228 = arith.addf %add3A_1222, %get3A_1227 : vector<16xf32>
        %add3A_1229 = arith.constant 1920 : i32
        %add3A_1230 = arith.addi %add3A_1229, %add3A_1141 : i32
        %get3A_1231 = arith.index_cast %add3A_1230 : i32 to index
        %get3A_1232 = arith.constant 0 : index
        %get3A_1233 = tpu.vector_load %arg7[%get3A_1231, %get3A_1232] {strides = array<i32>} : memref<2560x16xf32, #tpu.memory_space<vmem>>, vector<16xf32>,
        %add3A_1234 = arith.addf %add3A_1228, %get3A_1233 : vector<16xf32>
        %add3A_1235 = arith.constant 2048 : i32
        %add3A_1236 = arith.addi %add3A_1235, %add3A_1141 : i32
        %get3A_1237 = arith.index_cast %add3A_1236 : i32 to index
        %get3A_1238 = arith.constant 0 : index
        %get3A_1239 = tpu.vector_load %arg7[%get3A_1237, %get3A_1238] {strides = array<i32>} : memref<2560x16xf32, #tpu.memory_space<vmem>>, vector<16xf32>,
        %add3A_1240 = arith.addf %add3A_1234, %get3A_1239 : vector<16xf32>
        %add3A_1241 = arith.constant 2176 : i32
        %add3A_1242 = arith.addi %add3A_1241, %add3A_1141 : i32
        %get3A_1243 = arith.index_cast %add3A_1242 : i32 to index
        %get3A_1244 = arith.constant 0 : index
        %get3A_1245 = tpu.vector_load %arg7[%get3A_1243, %get3A_1244] {strides = array<i32>} : memref<2560x16xf32, #tpu.memory_space<vmem>>, vector<16xf32>,
        %add3A_1246 = arith.addf %add3A_1240, %get3A_1245 : vector<16xf32>
        %add3A_1247 = arith.constant 2304 : i32
        %add3A_1248 = arith.addi %add3A_1247, %add3A_1141 : i32
        %get3A_1249 = arith.index_cast %add3A_1248 : i32 to index
        %get3A_1250 = arith.constant 0 : index
        %get3A_1251 = tpu.vector_load %arg7[%get3A_1249, %get3A_1250] {strides = array<i32>} : memref<2560x16xf32, #tpu.memory_space<vmem>>, vector<16xf32>,
        %add3A_1252 = arith.addf %add3A_1246, %get3A_1251 : vector<16xf32>
        %add3A_1253 = arith.constant 2432 : i32
        %add3A_1254 = arith.addi %add3A_1253, %add3A_1141 : i32
        %get3A_1255 = arith.index_cast %add3A_1254 : i32 to index
        %get3A_1256 = arith.constant 0 : index
        %get3A_1257 = tpu.vector_load %arg7[%get3A_1255, %get3A_1256] {strides = array<i32>} : memref<2560x16xf32, #tpu.memory_space<vmem>>, vector<16xf32>,
        %add3A_1258 = arith.addf %add3A_1252, %get3A_1257 : vector<16xf32>
        %broadcast_in_dim3A_1259 = vector.broadcast %add3A_1141 : i32 to vector<16xi32>
        %slice3A_1260 = vector.extract_strided_slice %get3A_274 {offsets = [7], sizes = [1], strides = [1]} : vector<16xf32> to vector<1xf32>
        %squeeze3A_1261 = vector.extract %slice3A_1260[0] : f32 from vector<1xf32>
        %mul3A_1262 = vector.broadcast %squeeze3A_1261 : f32 to vector<16xf32>
        %mul3A_1263 = arith.mulf %add3A_1258, %mul3A_1262 : vector<16xf32>
        tpu.vector_store_idx %arg9[%iota3A, %broadcast_in_dim3A_1259], %mul3A_1263 : memref<16x128xf32, #tpu.memory_space<vmem>>[vector<16xi32>, vector<16xi32>], vector<16xf32>,
        %add3A_1264 = arith.constant 8 : i32
        %add3A_1265 = arith.addi %mul3A_273, %add3A_1264 : i32
        %get3A_1266 = arith.index_cast %add3A_1265 : i32 to index
        %get3A_1267 = arith.constant 0 : index
        %get3A_1268 = tpu.vector_load %arg7[%get3A_1266, %get3A_1267] {strides = array<i32>} : memref<2560x16xf32, #tpu.memory_space<vmem>>, vector<16xf32>,
        %add3A_1269 = arith.constant 128 : i32
        %add3A_1270 = arith.addi %add3A_1269, %add3A_1265 : i32
        %get3A_1271 = arith.index_cast %add3A_1270 : i32 to index
        %get3A_1272 = arith.constant 0 : index
        %get3A_1273 = tpu.vector_load %arg7[%get3A_1271, %get3A_1272] {strides = array<i32>} : memref<2560x16xf32, #tpu.memory_space<vmem>>, vector<16xf32>,
        %add3A_1274 = arith.addf %get3A_1268, %get3A_1273 : vector<16xf32>
        %add3A_1275 = arith.constant 256 : i32
        %add3A_1276 = arith.addi %add3A_1275, %add3A_1265 : i32
        %get3A_1277 = arith.index_cast %add3A_1276 : i32 to index
        %get3A_1278 = arith.constant 0 : index
        %get3A_1279 = tpu.vector_load %arg7[%get3A_1277, %get3A_1278] {strides = array<i32>} : memref<2560x16xf32, #tpu.memory_space<vmem>>, vector<16xf32>,
        %add3A_1280 = arith.addf %add3A_1274, %get3A_1279 : vector<16xf32>
        %add3A_1281 = arith.constant 384 : i32
        %add3A_1282 = arith.addi %add3A_1281, %add3A_1265 : i32
        %get3A_1283 = arith.index_cast %add3A_1282 : i32 to index
        %get3A_1284 = arith.constant 0 : index
        %get3A_1285 = tpu.vector_load %arg7[%get3A_1283, %get3A_1284] {strides = array<i32>} : memref<2560x16xf32, #tpu.memory_space<vmem>>, vector<16xf32>,
        %add3A_1286 = arith.addf %add3A_1280, %get3A_1285 : vector<16xf32>
        %add3A_1287 = arith.constant 512 : i32
        %add3A_1288 = arith.addi %add3A_1287, %add3A_1265 : i32
        %get3A_1289 = arith.index_cast %add3A_1288 : i32 to index
        %get3A_1290 = arith.constant 0 : index
        %get3A_1291 = tpu.vector_load %arg7[%get3A_1289, %get3A_1290] {strides = array<i32>} : memref<2560x16xf32, #tpu.memory_space<vmem>>, vector<16xf32>,
        %add3A_1292 = arith.addf %add3A_1286, %get3A_1291 : vector<16xf32>
        %add3A_1293 = arith.constant 640 : i32
        %add3A_1294 = arith.addi %add3A_1293, %add3A_1265 : i32
        %get3A_1295 = arith.index_cast %add3A_1294 : i32 to index
        %get3A_1296 = arith.constant 0 : index
        %get3A_1297 = tpu.vector_load %arg7[%get3A_1295, %get3A_1296] {strides = array<i32>} : memref<2560x16xf32, #tpu.memory_space<vmem>>, vector<16xf32>,
        %add3A_1298 = arith.addf %add3A_1292, %get3A_1297 : vector<16xf32>
        %add3A_1299 = arith.constant 768 : i32
        %add3A_1300 = arith.addi %add3A_1299, %add3A_1265 : i32
        %get3A_1301 = arith.index_cast %add3A_1300 : i32 to index
        %get3A_1302 = arith.constant 0 : index
        %get3A_1303 = tpu.vector_load %arg7[%get3A_1301, %get3A_1302] {strides = array<i32>} : memref<2560x16xf32, #tpu.memory_space<vmem>>, vector<16xf32>,
        %add3A_1304 = arith.addf %add3A_1298, %get3A_1303 : vector<16xf32>
        %add3A_1305 = arith.constant 896 : i32
        %add3A_1306 = arith.addi %add3A_1305, %add3A_1265 : i32
        %get3A_1307 = arith.index_cast %add3A_1306 : i32 to index
        %get3A_1308 = arith.constant 0 : index
        %get3A_1309 = tpu.vector_load %arg7[%get3A_1307, %get3A_1308] {strides = array<i32>} : memref<2560x16xf32, #tpu.memory_space<vmem>>, vector<16xf32>,
        %add3A_1310 = arith.addf %add3A_1304, %get3A_1309 : vector<16xf32>
        %add3A_1311 = arith.constant 1024 : i32
        %add3A_1312 = arith.addi %add3A_1311, %add3A_1265 : i32
        %get3A_1313 = arith.index_cast %add3A_1312 : i32 to index
        %get3A_1314 = arith.constant 0 : index
        %get3A_1315 = tpu.vector_load %arg7[%get3A_1313, %get3A_1314] {strides = array<i32>} : memref<2560x16xf32, #tpu.memory_space<vmem>>, vector<16xf32>,
        %add3A_1316 = arith.addf %add3A_1310, %get3A_1315 : vector<16xf32>
        %add3A_1317 = arith.constant 1152 : i32
        %add3A_1318 = arith.addi %add3A_1317, %add3A_1265 : i32
        %get3A_1319 = arith.index_cast %add3A_1318 : i32 to index
        %get3A_1320 = arith.constant 0 : index
        %get3A_1321 = tpu.vector_load %arg7[%get3A_1319, %get3A_1320] {strides = array<i32>} : memref<2560x16xf32, #tpu.memory_space<vmem>>, vector<16xf32>,
        %add3A_1322 = arith.addf %add3A_1316, %get3A_1321 : vector<16xf32>
        %add3A_1323 = arith.constant 1280 : i32
        %add3A_1324 = arith.addi %add3A_1323, %add3A_1265 : i32
        %get3A_1325 = arith.index_cast %add3A_1324 : i32 to index
        %get3A_1326 = arith.constant 0 : index
        %get3A_1327 = tpu.vector_load %arg7[%get3A_1325, %get3A_1326] {strides = array<i32>} : memref<2560x16xf32, #tpu.memory_space<vmem>>, vector<16xf32>,
        %add3A_1328 = arith.addf %add3A_1322, %get3A_1327 : vector<16xf32>
        %add3A_1329 = arith.constant 1408 : i32
        %add3A_1330 = arith.addi %add3A_1329, %add3A_1265 : i32
        %get3A_1331 = arith.index_cast %add3A_1330 : i32 to index
        %get3A_1332 = arith.constant 0 : index
        %get3A_1333 = tpu.vector_load %arg7[%get3A_1331, %get3A_1332] {strides = array<i32>} : memref<2560x16xf32, #tpu.memory_space<vmem>>, vector<16xf32>,
        %add3A_1334 = arith.addf %add3A_1328, %get3A_1333 : vector<16xf32>
        %add3A_1335 = arith.constant 1536 : i32
        %add3A_1336 = arith.addi %add3A_1335, %add3A_1265 : i32
        %get3A_1337 = arith.index_cast %add3A_1336 : i32 to index
        %get3A_1338 = arith.constant 0 : index
        %get3A_1339 = tpu.vector_load %arg7[%get3A_1337, %get3A_1338] {strides = array<i32>} : memref<2560x16xf32, #tpu.memory_space<vmem>>, vector<16xf32>,
        %add3A_1340 = arith.addf %add3A_1334, %get3A_1339 : vector<16xf32>
        %add3A_1341 = arith.constant 1664 : i32
        %add3A_1342 = arith.addi %add3A_1341, %add3A_1265 : i32
        %get3A_1343 = arith.index_cast %add3A_1342 : i32 to index
        %get3A_1344 = arith.constant 0 : index
        %get3A_1345 = tpu.vector_load %arg7[%get3A_1343, %get3A_1344] {strides = array<i32>} : memref<2560x16xf32, #tpu.memory_space<vmem>>, vector<16xf32>,
        %add3A_1346 = arith.addf %add3A_1340, %get3A_1345 : vector<16xf32>
        %add3A_1347 = arith.constant 1792 : i32
        %add3A_1348 = arith.addi %add3A_1347, %add3A_1265 : i32
        %get3A_1349 = arith.index_cast %add3A_1348 : i32 to index
        %get3A_1350 = arith.constant 0 : index
        %get3A_1351 = tpu.vector_load %arg7[%get3A_1349, %get3A_1350] {strides = array<i32>} : memref<2560x16xf32, #tpu.memory_space<vmem>>, vector<16xf32>,
        %add3A_1352 = arith.addf %add3A_1346, %get3A_1351 : vector<16xf32>
        %add3A_1353 = arith.constant 1920 : i32
        %add3A_1354 = arith.addi %add3A_1353, %add3A_1265 : i32
        %get3A_1355 = arith.index_cast %add3A_1354 : i32 to index
        %get3A_1356 = arith.constant 0 : index
        %get3A_1357 = tpu.vector_load %arg7[%get3A_1355, %get3A_1356] {strides = array<i32>} : memref<2560x16xf32, #tpu.memory_space<vmem>>, vector<16xf32>,
        %add3A_1358 = arith.addf %add3A_1352, %get3A_1357 : vector<16xf32>
        %add3A_1359 = arith.constant 2048 : i32
        %add3A_1360 = arith.addi %add3A_1359, %add3A_1265 : i32
        %get3A_1361 = arith.index_cast %add3A_1360 : i32 to index
        %get3A_1362 = arith.constant 0 : index
        %get3A_1363 = tpu.vector_load %arg7[%get3A_1361, %get3A_1362] {strides = array<i32>} : memref<2560x16xf32, #tpu.memory_space<vmem>>, vector<16xf32>,
        %add3A_1364 = arith.addf %add3A_1358, %get3A_1363 : vector<16xf32>
        %add3A_1365 = arith.constant 2176 : i32
        %add3A_1366 = arith.addi %add3A_1365, %add3A_1265 : i32
        %get3A_1367 = arith.index_cast %add3A_1366 : i32 to index
        %get3A_1368 = arith.constant 0 : index
        %get3A_1369 = tpu.vector_load %arg7[%get3A_1367, %get3A_1368] {strides = array<i32>} : memref<2560x16xf32, #tpu.memory_space<vmem>>, vector<16xf32>,
        %add3A_1370 = arith.addf %add3A_1364, %get3A_1369 : vector<16xf32>
        %add3A_1371 = arith.constant 2304 : i32
        %add3A_1372 = arith.addi %add3A_1371, %add3A_1265 : i32
        %get3A_1373 = arith.index_cast %add3A_1372 : i32 to index
        %get3A_1374 = arith.constant 0 : index
        %get3A_1375 = tpu.vector_load %arg7[%get3A_1373, %get3A_1374] {strides = array<i32>} : memref<2560x16xf32, #tpu.memory_space<vmem>>, vector<16xf32>,
        %add3A_1376 = arith.addf %add3A_1370, %get3A_1375 : vector<16xf32>
        %add3A_1377 = arith.constant 2432 : i32
        %add3A_1378 = arith.addi %add3A_1377, %add3A_1265 : i32
        %get3A_1379 = arith.index_cast %add3A_1378 : i32 to index
        %get3A_1380 = arith.constant 0 : index
        %get3A_1381 = tpu.vector_load %arg7[%get3A_1379, %get3A_1380] {strides = array<i32>} : memref<2560x16xf32, #tpu.memory_space<vmem>>, vector<16xf32>,
        %add3A_1382 = arith.addf %add3A_1376, %get3A_1381 : vector<16xf32>
        %broadcast_in_dim3A_1383 = vector.broadcast %add3A_1265 : i32 to vector<16xi32>
        %slice3A_1384 = vector.extract_strided_slice %get3A_274 {offsets = [8], sizes = [1], strides = [1]} : vector<16xf32> to vector<1xf32>
        %squeeze3A_1385 = vector.extract %slice3A_1384[0] : f32 from vector<1xf32>
        %mul3A_1386 = vector.broadcast %squeeze3A_1385 : f32 to vector<16xf32>
        %mul3A_1387 = arith.mulf %add3A_1382, %mul3A_1386 : vector<16xf32>
        tpu.vector_store_idx %arg9[%iota3A, %broadcast_in_dim3A_1383], %mul3A_1387 : memref<16x128xf32, #tpu.memory_space<vmem>>[vector<16xi32>, vector<16xi32>], vector<16xf32>,
        %add3A_1388 = arith.constant 9 : i32
        %add3A_1389 = arith.addi %mul3A_273, %add3A_1388 : i32
        %get3A_1390 = arith.index_cast %add3A_1389 : i32 to index
        %get3A_1391 = arith.constant 0 : index
        %get3A_1392 = tpu.vector_load %arg7[%get3A_1390, %get3A_1391] {strides = array<i32>} : memref<2560x16xf32, #tpu.memory_space<vmem>>, vector<16xf32>,
        %add3A_1393 = arith.constant 128 : i32
        %add3A_1394 = arith.addi %add3A_1393, %add3A_1389 : i32
        %get3A_1395 = arith.index_cast %add3A_1394 : i32 to index
        %get3A_1396 = arith.constant 0 : index
        %get3A_1397 = tpu.vector_load %arg7[%get3A_1395, %get3A_1396] {strides = array<i32>} : memref<2560x16xf32, #tpu.memory_space<vmem>>, vector<16xf32>,
        %add3A_1398 = arith.addf %get3A_1392, %get3A_1397 : vector<16xf32>
        %add3A_1399 = arith.constant 256 : i32
        %add3A_1400 = arith.addi %add3A_1399, %add3A_1389 : i32
        %get3A_1401 = arith.index_cast %add3A_1400 : i32 to index
        %get3A_1402 = arith.constant 0 : index
        %get3A_1403 = tpu.vector_load %arg7[%get3A_1401, %get3A_1402] {strides = array<i32>} : memref<2560x16xf32, #tpu.memory_space<vmem>>, vector<16xf32>,
        %add3A_1404 = arith.addf %add3A_1398, %get3A_1403 : vector<16xf32>
        %add3A_1405 = arith.constant 384 : i32
        %add3A_1406 = arith.addi %add3A_1405, %add3A_1389 : i32
        %get3A_1407 = arith.index_cast %add3A_1406 : i32 to index
        %get3A_1408 = arith.constant 0 : index
        %get3A_1409 = tpu.vector_load %arg7[%get3A_1407, %get3A_1408] {strides = array<i32>} : memref<2560x16xf32, #tpu.memory_space<vmem>>, vector<16xf32>,
        %add3A_1410 = arith.addf %add3A_1404, %get3A_1409 : vector<16xf32>
        %add3A_1411 = arith.constant 512 : i32
        %add3A_1412 = arith.addi %add3A_1411, %add3A_1389 : i32
        %get3A_1413 = arith.index_cast %add3A_1412 : i32 to index
        %get3A_1414 = arith.constant 0 : index
        %get3A_1415 = tpu.vector_load %arg7[%get3A_1413, %get3A_1414] {strides = array<i32>} : memref<2560x16xf32, #tpu.memory_space<vmem>>, vector<16xf32>,
        %add3A_1416 = arith.addf %add3A_1410, %get3A_1415 : vector<16xf32>
        %add3A_1417 = arith.constant 640 : i32
        %add3A_1418 = arith.addi %add3A_1417, %add3A_1389 : i32
        %get3A_1419 = arith.index_cast %add3A_1418 : i32 to index
        %get3A_1420 = arith.constant 0 : index
        %get3A_1421 = tpu.vector_load %arg7[%get3A_1419, %get3A_1420] {strides = array<i32>} : memref<2560x16xf32, #tpu.memory_space<vmem>>, vector<16xf32>,
        %add3A_1422 = arith.addf %add3A_1416, %get3A_1421 : vector<16xf32>
        %add3A_1423 = arith.constant 768 : i32
        %add3A_1424 = arith.addi %add3A_1423, %add3A_1389 : i32
        %get3A_1425 = arith.index_cast %add3A_1424 : i32 to index
        %get3A_1426 = arith.constant 0 : index
        %get3A_1427 = tpu.vector_load %arg7[%get3A_1425, %get3A_1426] {strides = array<i32>} : memref<2560x16xf32, #tpu.memory_space<vmem>>, vector<16xf32>,
        %add3A_1428 = arith.addf %add3A_1422, %get3A_1427 : vector<16xf32>
        %add3A_1429 = arith.constant 896 : i32
        %add3A_1430 = arith.addi %add3A_1429, %add3A_1389 : i32
        %get3A_1431 = arith.index_cast %add3A_1430 : i32 to index
        %get3A_1432 = arith.constant 0 : index
        %get3A_1433 = tpu.vector_load %arg7[%get3A_1431, %get3A_1432] {strides = array<i32>} : memref<2560x16xf32, #tpu.memory_space<vmem>>, vector<16xf32>,
        %add3A_1434 = arith.addf %add3A_1428, %get3A_1433 : vector<16xf32>
        %add3A_1435 = arith.constant 1024 : i32
        %add3A_1436 = arith.addi %add3A_1435, %add3A_1389 : i32
        %get3A_1437 = arith.index_cast %add3A_1436 : i32 to index
        %get3A_1438 = arith.constant 0 : index
        %get3A_1439 = tpu.vector_load %arg7[%get3A_1437, %get3A_1438] {strides = array<i32>} : memref<2560x16xf32, #tpu.memory_space<vmem>>, vector<16xf32>,
        %add3A_1440 = arith.addf %add3A_1434, %get3A_1439 : vector<16xf32>
        %add3A_1441 = arith.constant 1152 : i32
        %add3A_1442 = arith.addi %add3A_1441, %add3A_1389 : i32
        %get3A_1443 = arith.index_cast %add3A_1442 : i32 to index
        %get3A_1444 = arith.constant 0 : index
        %get3A_1445 = tpu.vector_load %arg7[%get3A_1443, %get3A_1444] {strides = array<i32>} : memref<2560x16xf32, #tpu.memory_space<vmem>>, vector<16xf32>,
        %add3A_1446 = arith.addf %add3A_1440, %get3A_1445 : vector<16xf32>
        %add3A_1447 = arith.constant 1280 : i32
        %add3A_1448 = arith.addi %add3A_1447, %add3A_1389 : i32
        %get3A_1449 = arith.index_cast %add3A_1448 : i32 to index
        %get3A_1450 = arith.constant 0 : index
        %get3A_1451 = tpu.vector_load %arg7[%get3A_1449, %get3A_1450] {strides = array<i32>} : memref<2560x16xf32, #tpu.memory_space<vmem>>, vector<16xf32>,
        %add3A_1452 = arith.addf %add3A_1446, %get3A_1451 : vector<16xf32>
        %add3A_1453 = arith.constant 1408 : i32
        %add3A_1454 = arith.addi %add3A_1453, %add3A_1389 : i32
        %get3A_1455 = arith.index_cast %add3A_1454 : i32 to index
        %get3A_1456 = arith.constant 0 : index
        %get3A_1457 = tpu.vector_load %arg7[%get3A_1455, %get3A_1456] {strides = array<i32>} : memref<2560x16xf32, #tpu.memory_space<vmem>>, vector<16xf32>,
        %add3A_1458 = arith.addf %add3A_1452, %get3A_1457 : vector<16xf32>
        %add3A_1459 = arith.constant 1536 : i32
        %add3A_1460 = arith.addi %add3A_1459, %add3A_1389 : i32
        %get3A_1461 = arith.index_cast %add3A_1460 : i32 to index
        %get3A_1462 = arith.constant 0 : index
        %get3A_1463 = tpu.vector_load %arg7[%get3A_1461, %get3A_1462] {strides = array<i32>} : memref<2560x16xf32, #tpu.memory_space<vmem>>, vector<16xf32>,
        %add3A_1464 = arith.addf %add3A_1458, %get3A_1463 : vector<16xf32>
        %add3A_1465 = arith.constant 1664 : i32
        %add3A_1466 = arith.addi %add3A_1465, %add3A_1389 : i32
        %get3A_1467 = arith.index_cast %add3A_1466 : i32 to index
        %get3A_1468 = arith.constant 0 : index
        %get3A_1469 = tpu.vector_load %arg7[%get3A_1467, %get3A_1468] {strides = array<i32>} : memref<2560x16xf32, #tpu.memory_space<vmem>>, vector<16xf32>,
        %add3A_1470 = arith.addf %add3A_1464, %get3A_1469 : vector<16xf32>
        %add3A_1471 = arith.constant 1792 : i32
        %add3A_1472 = arith.addi %add3A_1471, %add3A_1389 : i32
        %get3A_1473 = arith.index_cast %add3A_1472 : i32 to index
        %get3A_1474 = arith.constant 0 : index
        %get3A_1475 = tpu.vector_load %arg7[%get3A_1473, %get3A_1474] {strides = array<i32>} : memref<2560x16xf32, #tpu.memory_space<vmem>>, vector<16xf32>,
        %add3A_1476 = arith.addf %add3A_1470, %get3A_1475 : vector<16xf32>
        %add3A_1477 = arith.constant 1920 : i32
        %add3A_1478 = arith.addi %add3A_1477, %add3A_1389 : i32
        %get3A_1479 = arith.index_cast %add3A_1478 : i32 to index
        %get3A_1480 = arith.constant 0 : index
        %get3A_1481 = tpu.vector_load %arg7[%get3A_1479, %get3A_1480] {strides = array<i32>} : memref<2560x16xf32, #tpu.memory_space<vmem>>, vector<16xf32>,
        %add3A_1482 = arith.addf %add3A_1476, %get3A_1481 : vector<16xf32>
        %add3A_1483 = arith.constant 2048 : i32
        %add3A_1484 = arith.addi %add3A_1483, %add3A_1389 : i32
        %get3A_1485 = arith.index_cast %add3A_1484 : i32 to index
        %get3A_1486 = arith.constant 0 : index
        %get3A_1487 = tpu.vector_load %arg7[%get3A_1485, %get3A_1486] {strides = array<i32>} : memref<2560x16xf32, #tpu.memory_space<vmem>>, vector<16xf32>,
        %add3A_1488 = arith.addf %add3A_1482, %get3A_1487 : vector<16xf32>
        %add3A_1489 = arith.constant 2176 : i32
        %add3A_1490 = arith.addi %add3A_1489, %add3A_1389 : i32
        %get3A_1491 = arith.index_cast %add3A_1490 : i32 to index
        %get3A_1492 = arith.constant 0 : index
        %get3A_1493 = tpu.vector_load %arg7[%get3A_1491, %get3A_1492] {strides = array<i32>} : memref<2560x16xf32, #tpu.memory_space<vmem>>, vector<16xf32>,
        %add3A_1494 = arith.addf %add3A_1488, %get3A_1493 : vector<16xf32>
        %add3A_1495 = arith.constant 2304 : i32
        %add3A_1496 = arith.addi %add3A_1495, %add3A_1389 : i32
        %get3A_1497 = arith.index_cast %add3A_1496 : i32 to index
        %get3A_1498 = arith.constant 0 : index
        %get3A_1499 = tpu.vector_load %arg7[%get3A_1497, %get3A_1498] {strides = array<i32>} : memref<2560x16xf32, #tpu.memory_space<vmem>>, vector<16xf32>,
        %add3A_1500 = arith.addf %add3A_1494, %get3A_1499 : vector<16xf32>
        %add3A_1501 = arith.constant 2432 : i32
        %add3A_1502 = arith.addi %add3A_1501, %add3A_1389 : i32
        %get3A_1503 = arith.index_cast %add3A_1502 : i32 to index
        %get3A_1504 = arith.constant 0 : index
        %get3A_1505 = tpu.vector_load %arg7[%get3A_1503, %get3A_1504] {strides = array<i32>} : memref<2560x16xf32, #tpu.memory_space<vmem>>, vector<16xf32>,
        %add3A_1506 = arith.addf %add3A_1500, %get3A_1505 : vector<16xf32>
        %broadcast_in_dim3A_1507 = vector.broadcast %add3A_1389 : i32 to vector<16xi32>
        %slice3A_1508 = vector.extract_strided_slice %get3A_274 {offsets = [9], sizes = [1], strides = [1]} : vector<16xf32> to vector<1xf32>
        %squeeze3A_1509 = vector.extract %slice3A_1508[0] : f32 from vector<1xf32>
        %mul3A_1510 = vector.broadcast %squeeze3A_1509 : f32 to vector<16xf32>
        %mul3A_1511 = arith.mulf %add3A_1506, %mul3A_1510 : vector<16xf32>
        tpu.vector_store_idx %arg9[%iota3A, %broadcast_in_dim3A_1507], %mul3A_1511 : memref<16x128xf32, #tpu.memory_space<vmem>>[vector<16xi32>, vector<16xi32>], vector<16xf32>,
        %add3A_1512 = arith.constant 10 : i32
        %add3A_1513 = arith.addi %mul3A_273, %add3A_1512 : i32
        %get3A_1514 = arith.index_cast %add3A_1513 : i32 to index
        %get3A_1515 = arith.constant 0 : index
        %get3A_1516 = tpu.vector_load %arg7[%get3A_1514, %get3A_1515] {strides = array<i32>} : memref<2560x16xf32, #tpu.memory_space<vmem>>, vector<16xf32>,
        %add3A_1517 = arith.constant 128 : i32
        %add3A_1518 = arith.addi %add3A_1517, %add3A_1513 : i32
        %get3A_1519 = arith.index_cast %add3A_1518 : i32 to index
        %get3A_1520 = arith.constant 0 : index
        %get3A_1521 = tpu.vector_load %arg7[%get3A_1519, %get3A_1520] {strides = array<i32>} : memref<2560x16xf32, #tpu.memory_space<vmem>>, vector<16xf32>,
        %add3A_1522 = arith.addf %get3A_1516, %get3A_1521 : vector<16xf32>
        %add3A_1523 = arith.constant 256 : i32
        %add3A_1524 = arith.addi %add3A_1523, %add3A_1513 : i32
        %get3A_1525 = arith.index_cast %add3A_1524 : i32 to index
        %get3A_1526 = arith.constant 0 : index
        %get3A_1527 = tpu.vector_load %arg7[%get3A_1525, %get3A_1526] {strides = array<i32>} : memref<2560x16xf32, #tpu.memory_space<vmem>>, vector<16xf32>,
        %add3A_1528 = arith.addf %add3A_1522, %get3A_1527 : vector<16xf32>
        %add3A_1529 = arith.constant 384 : i32
        %add3A_1530 = arith.addi %add3A_1529, %add3A_1513 : i32
        %get3A_1531 = arith.index_cast %add3A_1530 : i32 to index
        %get3A_1532 = arith.constant 0 : index
        %get3A_1533 = tpu.vector_load %arg7[%get3A_1531, %get3A_1532] {strides = array<i32>} : memref<2560x16xf32, #tpu.memory_space<vmem>>, vector<16xf32>,
        %add3A_1534 = arith.addf %add3A_1528, %get3A_1533 : vector<16xf32>
        %add3A_1535 = arith.constant 512 : i32
        %add3A_1536 = arith.addi %add3A_1535, %add3A_1513 : i32
        %get3A_1537 = arith.index_cast %add3A_1536 : i32 to index
        %get3A_1538 = arith.constant 0 : index
        %get3A_1539 = tpu.vector_load %arg7[%get3A_1537, %get3A_1538] {strides = array<i32>} : memref<2560x16xf32, #tpu.memory_space<vmem>>, vector<16xf32>,
        %add3A_1540 = arith.addf %add3A_1534, %get3A_1539 : vector<16xf32>
        %add3A_1541 = arith.constant 640 : i32
        %add3A_1542 = arith.addi %add3A_1541, %add3A_1513 : i32
        %get3A_1543 = arith.index_cast %add3A_1542 : i32 to index
        %get3A_1544 = arith.constant 0 : index
        %get3A_1545 = tpu.vector_load %arg7[%get3A_1543, %get3A_1544] {strides = array<i32>} : memref<2560x16xf32, #tpu.memory_space<vmem>>, vector<16xf32>,
        %add3A_1546 = arith.addf %add3A_1540, %get3A_1545 : vector<16xf32>
        %add3A_1547 = arith.constant 768 : i32
        %add3A_1548 = arith.addi %add3A_1547, %add3A_1513 : i32
        %get3A_1549 = arith.index_cast %add3A_1548 : i32 to index
        %get3A_1550 = arith.constant 0 : index
        %get3A_1551 = tpu.vector_load %arg7[%get3A_1549, %get3A_1550] {strides = array<i32>} : memref<2560x16xf32, #tpu.memory_space<vmem>>, vector<16xf32>,
        %add3A_1552 = arith.addf %add3A_1546, %get3A_1551 : vector<16xf32>
        %add3A_1553 = arith.constant 896 : i32
        %add3A_1554 = arith.addi %add3A_1553, %add3A_1513 : i32
        %get3A_1555 = arith.index_cast %add3A_1554 : i32 to index
        %get3A_1556 = arith.constant 0 : index
        %get3A_1557 = tpu.vector_load %arg7[%get3A_1555, %get3A_1556] {strides = array<i32>} : memref<2560x16xf32, #tpu.memory_space<vmem>>, vector<16xf32>,
        %add3A_1558 = arith.addf %add3A_1552, %get3A_1557 : vector<16xf32>
        %add3A_1559 = arith.constant 1024 : i32
        %add3A_1560 = arith.addi %add3A_1559, %add3A_1513 : i32
        %get3A_1561 = arith.index_cast %add3A_1560 : i32 to index
        %get3A_1562 = arith.constant 0 : index
        %get3A_1563 = tpu.vector_load %arg7[%get3A_1561, %get3A_1562] {strides = array<i32>} : memref<2560x16xf32, #tpu.memory_space<vmem>>, vector<16xf32>,
        %add3A_1564 = arith.addf %add3A_1558, %get3A_1563 : vector<16xf32>
        %add3A_1565 = arith.constant 1152 : i32
        %add3A_1566 = arith.addi %add3A_1565, %add3A_1513 : i32
        %get3A_1567 = arith.index_cast %add3A_1566 : i32 to index
        %get3A_1568 = arith.constant 0 : index
        %get3A_1569 = tpu.vector_load %arg7[%get3A_1567, %get3A_1568] {strides = array<i32>} : memref<2560x16xf32, #tpu.memory_space<vmem>>, vector<16xf32>,
        %add3A_1570 = arith.addf %add3A_1564, %get3A_1569 : vector<16xf32>
        %add3A_1571 = arith.constant 1280 : i32
        %add3A_1572 = arith.addi %add3A_1571, %add3A_1513 : i32
        %get3A_1573 = arith.index_cast %add3A_1572 : i32 to index
        %get3A_1574 = arith.constant 0 : index
        %get3A_1575 = tpu.vector_load %arg7[%get3A_1573, %get3A_1574] {strides = array<i32>} : memref<2560x16xf32, #tpu.memory_space<vmem>>, vector<16xf32>,
        %add3A_1576 = arith.addf %add3A_1570, %get3A_1575 : vector<16xf32>
        %add3A_1577 = arith.constant 1408 : i32
        %add3A_1578 = arith.addi %add3A_1577, %add3A_1513 : i32
        %get3A_1579 = arith.index_cast %add3A_1578 : i32 to index
        %get3A_1580 = arith.constant 0 : index
        %get3A_1581 = tpu.vector_load %arg7[%get3A_1579, %get3A_1580] {strides = array<i32>} : memref<2560x16xf32, #tpu.memory_space<vmem>>, vector<16xf32>,
        %add3A_1582 = arith.addf %add3A_1576, %get3A_1581 : vector<16xf32>
        %add3A_1583 = arith.constant 1536 : i32
        %add3A_1584 = arith.addi %add3A_1583, %add3A_1513 : i32
        %get3A_1585 = arith.index_cast %add3A_1584 : i32 to index
        %get3A_1586 = arith.constant 0 : index
        %get3A_1587 = tpu.vector_load %arg7[%get3A_1585, %get3A_1586] {strides = array<i32>} : memref<2560x16xf32, #tpu.memory_space<vmem>>, vector<16xf32>,
        %add3A_1588 = arith.addf %add3A_1582, %get3A_1587 : vector<16xf32>
        %add3A_1589 = arith.constant 1664 : i32
        %add3A_1590 = arith.addi %add3A_1589, %add3A_1513 : i32
        %get3A_1591 = arith.index_cast %add3A_1590 : i32 to index
        %get3A_1592 = arith.constant 0 : index
        %get3A_1593 = tpu.vector_load %arg7[%get3A_1591, %get3A_1592] {strides = array<i32>} : memref<2560x16xf32, #tpu.memory_space<vmem>>, vector<16xf32>,
        %add3A_1594 = arith.addf %add3A_1588, %get3A_1593 : vector<16xf32>
        %add3A_1595 = arith.constant 1792 : i32
        %add3A_1596 = arith.addi %add3A_1595, %add3A_1513 : i32
        %get3A_1597 = arith.index_cast %add3A_1596 : i32 to index
        %get3A_1598 = arith.constant 0 : index
        %get3A_1599 = tpu.vector_load %arg7[%get3A_1597, %get3A_1598] {strides = array<i32>} : memref<2560x16xf32, #tpu.memory_space<vmem>>, vector<16xf32>,
        %add3A_1600 = arith.addf %add3A_1594, %get3A_1599 : vector<16xf32>
        %add3A_1601 = arith.constant 1920 : i32
        %add3A_1602 = arith.addi %add3A_1601, %add3A_1513 : i32
        %get3A_1603 = arith.index_cast %add3A_1602 : i32 to index
        %get3A_1604 = arith.constant 0 : index
        %get3A_1605 = tpu.vector_load %arg7[%get3A_1603, %get3A_1604] {strides = array<i32>} : memref<2560x16xf32, #tpu.memory_space<vmem>>, vector<16xf32>,
        %add3A_1606 = arith.addf %add3A_1600, %get3A_1605 : vector<16xf32>
        %add3A_1607 = arith.constant 2048 : i32
        %add3A_1608 = arith.addi %add3A_1607, %add3A_1513 : i32
        %get3A_1609 = arith.index_cast %add3A_1608 : i32 to index
        %get3A_1610 = arith.constant 0 : index
        %get3A_1611 = tpu.vector_load %arg7[%get3A_1609, %get3A_1610] {strides = array<i32>} : memref<2560x16xf32, #tpu.memory_space<vmem>>, vector<16xf32>,
        %add3A_1612 = arith.addf %add3A_1606, %get3A_1611 : vector<16xf32>
        %add3A_1613 = arith.constant 2176 : i32
        %add3A_1614 = arith.addi %add3A_1613, %add3A_1513 : i32
        %get3A_1615 = arith.index_cast %add3A_1614 : i32 to index
        %get3A_1616 = arith.constant 0 : index
        %get3A_1617 = tpu.vector_load %arg7[%get3A_1615, %get3A_1616] {strides = array<i32>} : memref<2560x16xf32, #tpu.memory_space<vmem>>, vector<16xf32>,
        %add3A_1618 = arith.addf %add3A_1612, %get3A_1617 : vector<16xf32>
        %add3A_1619 = arith.constant 2304 : i32
        %add3A_1620 = arith.addi %add3A_1619, %add3A_1513 : i32
        %get3A_1621 = arith.index_cast %add3A_1620 : i32 to index
        %get3A_1622 = arith.constant 0 : index
        %get3A_1623 = tpu.vector_load %arg7[%get3A_1621, %get3A_1622] {strides = array<i32>} : memref<2560x16xf32, #tpu.memory_space<vmem>>, vector<16xf32>,
        %add3A_1624 = arith.addf %add3A_1618, %get3A_1623 : vector<16xf32>
        %add3A_1625 = arith.constant 2432 : i32
        %add3A_1626 = arith.addi %add3A_1625, %add3A_1513 : i32
        %get3A_1627 = arith.index_cast %add3A_1626 : i32 to index
        %get3A_1628 = arith.constant 0 : index
        %get3A_1629 = tpu.vector_load %arg7[%get3A_1627, %get3A_1628] {strides = array<i32>} : memref<2560x16xf32, #tpu.memory_space<vmem>>, vector<16xf32>,
        %add3A_1630 = arith.addf %add3A_1624, %get3A_1629 : vector<16xf32>
        %broadcast_in_dim3A_1631 = vector.broadcast %add3A_1513 : i32 to vector<16xi32>
        %slice3A_1632 = vector.extract_strided_slice %get3A_274 {offsets = [10], sizes = [1], strides = [1]} : vector<16xf32> to vector<1xf32>
        %squeeze3A_1633 = vector.extract %slice3A_1632[0] : f32 from vector<1xf32>
        %mul3A_1634 = vector.broadcast %squeeze3A_1633 : f32 to vector<16xf32>
        %mul3A_1635 = arith.mulf %add3A_1630, %mul3A_1634 : vector<16xf32>
        tpu.vector_store_idx %arg9[%iota3A, %broadcast_in_dim3A_1631], %mul3A_1635 : memref<16x128xf32, #tpu.memory_space<vmem>>[vector<16xi32>, vector<16xi32>], vector<16xf32>,
        %add3A_1636 = arith.constant 11 : i32
        %add3A_1637 = arith.addi %mul3A_273, %add3A_1636 : i32
        %get3A_1638 = arith.index_cast %add3A_1637 : i32 to index
        %get3A_1639 = arith.constant 0 : index
        %get3A_1640 = tpu.vector_load %arg7[%get3A_1638, %get3A_1639] {strides = array<i32>} : memref<2560x16xf32, #tpu.memory_space<vmem>>, vector<16xf32>,
        %add3A_1641 = arith.constant 128 : i32
        %add3A_1642 = arith.addi %add3A_1641, %add3A_1637 : i32
        %get3A_1643 = arith.index_cast %add3A_1642 : i32 to index
        %get3A_1644 = arith.constant 0 : index
        %get3A_1645 = tpu.vector_load %arg7[%get3A_1643, %get3A_1644] {strides = array<i32>} : memref<2560x16xf32, #tpu.memory_space<vmem>>, vector<16xf32>,
        %add3A_1646 = arith.addf %get3A_1640, %get3A_1645 : vector<16xf32>
        %add3A_1647 = arith.constant 256 : i32
        %add3A_1648 = arith.addi %add3A_1647, %add3A_1637 : i32
        %get3A_1649 = arith.index_cast %add3A_1648 : i32 to index
        %get3A_1650 = arith.constant 0 : index
        %get3A_1651 = tpu.vector_load %arg7[%get3A_1649, %get3A_1650] {strides = array<i32>} : memref<2560x16xf32, #tpu.memory_space<vmem>>, vector<16xf32>,
        %add3A_1652 = arith.addf %add3A_1646, %get3A_1651 : vector<16xf32>
        %add3A_1653 = arith.constant 384 : i32
        %add3A_1654 = arith.addi %add3A_1653, %add3A_1637 : i32
        %get3A_1655 = arith.index_cast %add3A_1654 : i32 to index
        %get3A_1656 = arith.constant 0 : index
        %get3A_1657 = tpu.vector_load %arg7[%get3A_1655, %get3A_1656] {strides = array<i32>} : memref<2560x16xf32, #tpu.memory_space<vmem>>, vector<16xf32>,
        %add3A_1658 = arith.addf %add3A_1652, %get3A_1657 : vector<16xf32>
        %add3A_1659 = arith.constant 512 : i32
        %add3A_1660 = arith.addi %add3A_1659, %add3A_1637 : i32
        %get3A_1661 = arith.index_cast %add3A_1660 : i32 to index
        %get3A_1662 = arith.constant 0 : index
        %get3A_1663 = tpu.vector_load %arg7[%get3A_1661, %get3A_1662] {strides = array<i32>} : memref<2560x16xf32, #tpu.memory_space<vmem>>, vector<16xf32>,
        %add3A_1664 = arith.addf %add3A_1658, %get3A_1663 : vector<16xf32>
        %add3A_1665 = arith.constant 640 : i32
        %add3A_1666 = arith.addi %add3A_1665, %add3A_1637 : i32
        %get3A_1667 = arith.index_cast %add3A_1666 : i32 to index
        %get3A_1668 = arith.constant 0 : index
        %get3A_1669 = tpu.vector_load %arg7[%get3A_1667, %get3A_1668] {strides = array<i32>} : memref<2560x16xf32, #tpu.memory_space<vmem>>, vector<16xf32>,
        %add3A_1670 = arith.addf %add3A_1664, %get3A_1669 : vector<16xf32>
        %add3A_1671 = arith.constant 768 : i32
        %add3A_1672 = arith.addi %add3A_1671, %add3A_1637 : i32
        %get3A_1673 = arith.index_cast %add3A_1672 : i32 to index
        %get3A_1674 = arith.constant 0 : index
        %get3A_1675 = tpu.vector_load %arg7[%get3A_1673, %get3A_1674] {strides = array<i32>} : memref<2560x16xf32, #tpu.memory_space<vmem>>, vector<16xf32>,
        %add3A_1676 = arith.addf %add3A_1670, %get3A_1675 : vector<16xf32>
        %add3A_1677 = arith.constant 896 : i32
        %add3A_1678 = arith.addi %add3A_1677, %add3A_1637 : i32
        %get3A_1679 = arith.index_cast %add3A_1678 : i32 to index
        %get3A_1680 = arith.constant 0 : index
        %get3A_1681 = tpu.vector_load %arg7[%get3A_1679, %get3A_1680] {strides = array<i32>} : memref<2560x16xf32, #tpu.memory_space<vmem>>, vector<16xf32>,
        %add3A_1682 = arith.addf %add3A_1676, %get3A_1681 : vector<16xf32>
        %add3A_1683 = arith.constant 1024 : i32
        %add3A_1684 = arith.addi %add3A_1683, %add3A_1637 : i32
        %get3A_1685 = arith.index_cast %add3A_1684 : i32 to index
        %get3A_1686 = arith.constant 0 : index
        %get3A_1687 = tpu.vector_load %arg7[%get3A_1685, %get3A_1686] {strides = array<i32>} : memref<2560x16xf32, #tpu.memory_space<vmem>>, vector<16xf32>,
        %add3A_1688 = arith.addf %add3A_1682, %get3A_1687 : vector<16xf32>
        %add3A_1689 = arith.constant 1152 : i32
        %add3A_1690 = arith.addi %add3A_1689, %add3A_1637 : i32
        %get3A_1691 = arith.index_cast %add3A_1690 : i32 to index
        %get3A_1692 = arith.constant 0 : index
        %get3A_1693 = tpu.vector_load %arg7[%get3A_1691, %get3A_1692] {strides = array<i32>} : memref<2560x16xf32, #tpu.memory_space<vmem>>, vector<16xf32>,
        %add3A_1694 = arith.addf %add3A_1688, %get3A_1693 : vector<16xf32>
        %add3A_1695 = arith.constant 1280 : i32
        %add3A_1696 = arith.addi %add3A_1695, %add3A_1637 : i32
        %get3A_1697 = arith.index_cast %add3A_1696 : i32 to index
        %get3A_1698 = arith.constant 0 : index
        %get3A_1699 = tpu.vector_load %arg7[%get3A_1697, %get3A_1698] {strides = array<i32>} : memref<2560x16xf32, #tpu.memory_space<vmem>>, vector<16xf32>,
        %add3A_1700 = arith.addf %add3A_1694, %get3A_1699 : vector<16xf32>
        %add3A_1701 = arith.constant 1408 : i32
        %add3A_1702 = arith.addi %add3A_1701, %add3A_1637 : i32
        %get3A_1703 = arith.index_cast %add3A_1702 : i32 to index
        %get3A_1704 = arith.constant 0 : index
        %get3A_1705 = tpu.vector_load %arg7[%get3A_1703, %get3A_1704] {strides = array<i32>} : memref<2560x16xf32, #tpu.memory_space<vmem>>, vector<16xf32>,
        %add3A_1706 = arith.addf %add3A_1700, %get3A_1705 : vector<16xf32>
        %add3A_1707 = arith.constant 1536 : i32
        %add3A_1708 = arith.addi %add3A_1707, %add3A_1637 : i32
        %get3A_1709 = arith.index_cast %add3A_1708 : i32 to index
        %get3A_1710 = arith.constant 0 : index
        %get3A_1711 = tpu.vector_load %arg7[%get3A_1709, %get3A_1710] {strides = array<i32>} : memref<2560x16xf32, #tpu.memory_space<vmem>>, vector<16xf32>,
        %add3A_1712 = arith.addf %add3A_1706, %get3A_1711 : vector<16xf32>
        %add3A_1713 = arith.constant 1664 : i32
        %add3A_1714 = arith.addi %add3A_1713, %add3A_1637 : i32
        %get3A_1715 = arith.index_cast %add3A_1714 : i32 to index
        %get3A_1716 = arith.constant 0 : index
        %get3A_1717 = tpu.vector_load %arg7[%get3A_1715, %get3A_1716] {strides = array<i32>} : memref<2560x16xf32, #tpu.memory_space<vmem>>, vector<16xf32>,
        %add3A_1718 = arith.addf %add3A_1712, %get3A_1717 : vector<16xf32>
        %add3A_1719 = arith.constant 1792 : i32
        %add3A_1720 = arith.addi %add3A_1719, %add3A_1637 : i32
        %get3A_1721 = arith.index_cast %add3A_1720 : i32 to index
        %get3A_1722 = arith.constant 0 : index
        %get3A_1723 = tpu.vector_load %arg7[%get3A_1721, %get3A_1722] {strides = array<i32>} : memref<2560x16xf32, #tpu.memory_space<vmem>>, vector<16xf32>,
        %add3A_1724 = arith.addf %add3A_1718, %get3A_1723 : vector<16xf32>
        %add3A_1725 = arith.constant 1920 : i32
        %add3A_1726 = arith.addi %add3A_1725, %add3A_1637 : i32
        %get3A_1727 = arith.index_cast %add3A_1726 : i32 to index
        %get3A_1728 = arith.constant 0 : index
        %get3A_1729 = tpu.vector_load %arg7[%get3A_1727, %get3A_1728] {strides = array<i32>} : memref<2560x16xf32, #tpu.memory_space<vmem>>, vector<16xf32>,
        %add3A_1730 = arith.addf %add3A_1724, %get3A_1729 : vector<16xf32>
        %add3A_1731 = arith.constant 2048 : i32
        %add3A_1732 = arith.addi %add3A_1731, %add3A_1637 : i32
        %get3A_1733 = arith.index_cast %add3A_1732 : i32 to index
        %get3A_1734 = arith.constant 0 : index
        %get3A_1735 = tpu.vector_load %arg7[%get3A_1733, %get3A_1734] {strides = array<i32>} : memref<2560x16xf32, #tpu.memory_space<vmem>>, vector<16xf32>,
        %add3A_1736 = arith.addf %add3A_1730, %get3A_1735 : vector<16xf32>
        %add3A_1737 = arith.constant 2176 : i32
        %add3A_1738 = arith.addi %add3A_1737, %add3A_1637 : i32
        %get3A_1739 = arith.index_cast %add3A_1738 : i32 to index
        %get3A_1740 = arith.constant 0 : index
        %get3A_1741 = tpu.vector_load %arg7[%get3A_1739, %get3A_1740] {strides = array<i32>} : memref<2560x16xf32, #tpu.memory_space<vmem>>, vector<16xf32>,
        %add3A_1742 = arith.addf %add3A_1736, %get3A_1741 : vector<16xf32>
        %add3A_1743 = arith.constant 2304 : i32
        %add3A_1744 = arith.addi %add3A_1743, %add3A_1637 : i32
        %get3A_1745 = arith.index_cast %add3A_1744 : i32 to index
        %get3A_1746 = arith.constant 0 : index
        %get3A_1747 = tpu.vector_load %arg7[%get3A_1745, %get3A_1746] {strides = array<i32>} : memref<2560x16xf32, #tpu.memory_space<vmem>>, vector<16xf32>,
        %add3A_1748 = arith.addf %add3A_1742, %get3A_1747 : vector<16xf32>
        %add3A_1749 = arith.constant 2432 : i32
        %add3A_1750 = arith.addi %add3A_1749, %add3A_1637 : i32
        %get3A_1751 = arith.index_cast %add3A_1750 : i32 to index
        %get3A_1752 = arith.constant 0 : index
        %get3A_1753 = tpu.vector_load %arg7[%get3A_1751, %get3A_1752] {strides = array<i32>} : memref<2560x16xf32, #tpu.memory_space<vmem>>, vector<16xf32>,
        %add3A_1754 = arith.addf %add3A_1748, %get3A_1753 : vector<16xf32>
        %broadcast_in_dim3A_1755 = vector.broadcast %add3A_1637 : i32 to vector<16xi32>
        %slice3A_1756 = vector.extract_strided_slice %get3A_274 {offsets = [11], sizes = [1], strides = [1]} : vector<16xf32> to vector<1xf32>
        %squeeze3A_1757 = vector.extract %slice3A_1756[0] : f32 from vector<1xf32>
        %mul3A_1758 = vector.broadcast %squeeze3A_1757 : f32 to vector<16xf32>
        %mul3A_1759 = arith.mulf %add3A_1754, %mul3A_1758 : vector<16xf32>
        tpu.vector_store_idx %arg9[%iota3A, %broadcast_in_dim3A_1755], %mul3A_1759 : memref<16x128xf32, #tpu.memory_space<vmem>>[vector<16xi32>, vector<16xi32>], vector<16xf32>,
        %add3A_1760 = arith.constant 12 : i32
        %add3A_1761 = arith.addi %mul3A_273, %add3A_1760 : i32
        %get3A_1762 = arith.index_cast %add3A_1761 : i32 to index
        %get3A_1763 = arith.constant 0 : index
        %get3A_1764 = tpu.vector_load %arg7[%get3A_1762, %get3A_1763] {strides = array<i32>} : memref<2560x16xf32, #tpu.memory_space<vmem>>, vector<16xf32>,
        %add3A_1765 = arith.constant 128 : i32
        %add3A_1766 = arith.addi %add3A_1765, %add3A_1761 : i32
        %get3A_1767 = arith.index_cast %add3A_1766 : i32 to index
        %get3A_1768 = arith.constant 0 : index
        %get3A_1769 = tpu.vector_load %arg7[%get3A_1767, %get3A_1768] {strides = array<i32>} : memref<2560x16xf32, #tpu.memory_space<vmem>>, vector<16xf32>,
        %add3A_1770 = arith.addf %get3A_1764, %get3A_1769 : vector<16xf32>
        %add3A_1771 = arith.constant 256 : i32
        %add3A_1772 = arith.addi %add3A_1771, %add3A_1761 : i32
        %get3A_1773 = arith.index_cast %add3A_1772 : i32 to index
        %get3A_1774 = arith.constant 0 : index
        %get3A_1775 = tpu.vector_load %arg7[%get3A_1773, %get3A_1774] {strides = array<i32>} : memref<2560x16xf32, #tpu.memory_space<vmem>>, vector<16xf32>,
        %add3A_1776 = arith.addf %add3A_1770, %get3A_1775 : vector<16xf32>
        %add3A_1777 = arith.constant 384 : i32
        %add3A_1778 = arith.addi %add3A_1777, %add3A_1761 : i32
        %get3A_1779 = arith.index_cast %add3A_1778 : i32 to index
        %get3A_1780 = arith.constant 0 : index
        %get3A_1781 = tpu.vector_load %arg7[%get3A_1779, %get3A_1780] {strides = array<i32>} : memref<2560x16xf32, #tpu.memory_space<vmem>>, vector<16xf32>,
        %add3A_1782 = arith.addf %add3A_1776, %get3A_1781 : vector<16xf32>
        %add3A_1783 = arith.constant 512 : i32
        %add3A_1784 = arith.addi %add3A_1783, %add3A_1761 : i32
        %get3A_1785 = arith.index_cast %add3A_1784 : i32 to index
        %get3A_1786 = arith.constant 0 : index
        %get3A_1787 = tpu.vector_load %arg7[%get3A_1785, %get3A_1786] {strides = array<i32>} : memref<2560x16xf32, #tpu.memory_space<vmem>>, vector<16xf32>,
        %add3A_1788 = arith.addf %add3A_1782, %get3A_1787 : vector<16xf32>
        %add3A_1789 = arith.constant 640 : i32
        %add3A_1790 = arith.addi %add3A_1789, %add3A_1761 : i32
        %get3A_1791 = arith.index_cast %add3A_1790 : i32 to index
        %get3A_1792 = arith.constant 0 : index
        %get3A_1793 = tpu.vector_load %arg7[%get3A_1791, %get3A_1792] {strides = array<i32>} : memref<2560x16xf32, #tpu.memory_space<vmem>>, vector<16xf32>,
        %add3A_1794 = arith.addf %add3A_1788, %get3A_1793 : vector<16xf32>
        %add3A_1795 = arith.constant 768 : i32
        %add3A_1796 = arith.addi %add3A_1795, %add3A_1761 : i32
        %get3A_1797 = arith.index_cast %add3A_1796 : i32 to index
        %get3A_1798 = arith.constant 0 : index
        %get3A_1799 = tpu.vector_load %arg7[%get3A_1797, %get3A_1798] {strides = array<i32>} : memref<2560x16xf32, #tpu.memory_space<vmem>>, vector<16xf32>,
        %add3A_1800 = arith.addf %add3A_1794, %get3A_1799 : vector<16xf32>
        %add3A_1801 = arith.constant 896 : i32
        %add3A_1802 = arith.addi %add3A_1801, %add3A_1761 : i32
        %get3A_1803 = arith.index_cast %add3A_1802 : i32 to index
        %get3A_1804 = arith.constant 0 : index
        %get3A_1805 = tpu.vector_load %arg7[%get3A_1803, %get3A_1804] {strides = array<i32>} : memref<2560x16xf32, #tpu.memory_space<vmem>>, vector<16xf32>,
        %add3A_1806 = arith.addf %add3A_1800, %get3A_1805 : vector<16xf32>
        %add3A_1807 = arith.constant 1024 : i32
        %add3A_1808 = arith.addi %add3A_1807, %add3A_1761 : i32
        %get3A_1809 = arith.index_cast %add3A_1808 : i32 to index
        %get3A_1810 = arith.constant 0 : index
        %get3A_1811 = tpu.vector_load %arg7[%get3A_1809, %get3A_1810] {strides = array<i32>} : memref<2560x16xf32, #tpu.memory_space<vmem>>, vector<16xf32>,
        %add3A_1812 = arith.addf %add3A_1806, %get3A_1811 : vector<16xf32>
        %add3A_1813 = arith.constant 1152 : i32
        %add3A_1814 = arith.addi %add3A_1813, %add3A_1761 : i32
        %get3A_1815 = arith.index_cast %add3A_1814 : i32 to index
        %get3A_1816 = arith.constant 0 : index
        %get3A_1817 = tpu.vector_load %arg7[%get3A_1815, %get3A_1816] {strides = array<i32>} : memref<2560x16xf32, #tpu.memory_space<vmem>>, vector<16xf32>,
        %add3A_1818 = arith.addf %add3A_1812, %get3A_1817 : vector<16xf32>
        %add3A_1819 = arith.constant 1280 : i32
        %add3A_1820 = arith.addi %add3A_1819, %add3A_1761 : i32
        %get3A_1821 = arith.index_cast %add3A_1820 : i32 to index
        %get3A_1822 = arith.constant 0 : index
        %get3A_1823 = tpu.vector_load %arg7[%get3A_1821, %get3A_1822] {strides = array<i32>} : memref<2560x16xf32, #tpu.memory_space<vmem>>, vector<16xf32>,
        %add3A_1824 = arith.addf %add3A_1818, %get3A_1823 : vector<16xf32>
        %add3A_1825 = arith.constant 1408 : i32
        %add3A_1826 = arith.addi %add3A_1825, %add3A_1761 : i32
        %get3A_1827 = arith.index_cast %add3A_1826 : i32 to index
        %get3A_1828 = arith.constant 0 : index
        %get3A_1829 = tpu.vector_load %arg7[%get3A_1827, %get3A_1828] {strides = array<i32>} : memref<2560x16xf32, #tpu.memory_space<vmem>>, vector<16xf32>,
        %add3A_1830 = arith.addf %add3A_1824, %get3A_1829 : vector<16xf32>
        %add3A_1831 = arith.constant 1536 : i32
        %add3A_1832 = arith.addi %add3A_1831, %add3A_1761 : i32
        %get3A_1833 = arith.index_cast %add3A_1832 : i32 to index
        %get3A_1834 = arith.constant 0 : index
        %get3A_1835 = tpu.vector_load %arg7[%get3A_1833, %get3A_1834] {strides = array<i32>} : memref<2560x16xf32, #tpu.memory_space<vmem>>, vector<16xf32>,
        %add3A_1836 = arith.addf %add3A_1830, %get3A_1835 : vector<16xf32>
        %add3A_1837 = arith.constant 1664 : i32
        %add3A_1838 = arith.addi %add3A_1837, %add3A_1761 : i32
        %get3A_1839 = arith.index_cast %add3A_1838 : i32 to index
        %get3A_1840 = arith.constant 0 : index
        %get3A_1841 = tpu.vector_load %arg7[%get3A_1839, %get3A_1840] {strides = array<i32>} : memref<2560x16xf32, #tpu.memory_space<vmem>>, vector<16xf32>,
        %add3A_1842 = arith.addf %add3A_1836, %get3A_1841 : vector<16xf32>
        %add3A_1843 = arith.constant 1792 : i32
        %add3A_1844 = arith.addi %add3A_1843, %add3A_1761 : i32
        %get3A_1845 = arith.index_cast %add3A_1844 : i32 to index
        %get3A_1846 = arith.constant 0 : index
        %get3A_1847 = tpu.vector_load %arg7[%get3A_1845, %get3A_1846] {strides = array<i32>} : memref<2560x16xf32, #tpu.memory_space<vmem>>, vector<16xf32>,
        %add3A_1848 = arith.addf %add3A_1842, %get3A_1847 : vector<16xf32>
        %add3A_1849 = arith.constant 1920 : i32
        %add3A_1850 = arith.addi %add3A_1849, %add3A_1761 : i32
        %get3A_1851 = arith.index_cast %add3A_1850 : i32 to index
        %get3A_1852 = arith.constant 0 : index
        %get3A_1853 = tpu.vector_load %arg7[%get3A_1851, %get3A_1852] {strides = array<i32>} : memref<2560x16xf32, #tpu.memory_space<vmem>>, vector<16xf32>,
        %add3A_1854 = arith.addf %add3A_1848, %get3A_1853 : vector<16xf32>
        %add3A_1855 = arith.constant 2048 : i32
        %add3A_1856 = arith.addi %add3A_1855, %add3A_1761 : i32
        %get3A_1857 = arith.index_cast %add3A_1856 : i32 to index
        %get3A_1858 = arith.constant 0 : index
        %get3A_1859 = tpu.vector_load %arg7[%get3A_1857, %get3A_1858] {strides = array<i32>} : memref<2560x16xf32, #tpu.memory_space<vmem>>, vector<16xf32>,
        %add3A_1860 = arith.addf %add3A_1854, %get3A_1859 : vector<16xf32>
        %add3A_1861 = arith.constant 2176 : i32
        %add3A_1862 = arith.addi %add3A_1861, %add3A_1761 : i32
        %get3A_1863 = arith.index_cast %add3A_1862 : i32 to index
        %get3A_1864 = arith.constant 0 : index
        %get3A_1865 = tpu.vector_load %arg7[%get3A_1863, %get3A_1864] {strides = array<i32>} : memref<2560x16xf32, #tpu.memory_space<vmem>>, vector<16xf32>,
        %add3A_1866 = arith.addf %add3A_1860, %get3A_1865 : vector<16xf32>
        %add3A_1867 = arith.constant 2304 : i32
        %add3A_1868 = arith.addi %add3A_1867, %add3A_1761 : i32
        %get3A_1869 = arith.index_cast %add3A_1868 : i32 to index
        %get3A_1870 = arith.constant 0 : index
        %get3A_1871 = tpu.vector_load %arg7[%get3A_1869, %get3A_1870] {strides = array<i32>} : memref<2560x16xf32, #tpu.memory_space<vmem>>, vector<16xf32>,
        %add3A_1872 = arith.addf %add3A_1866, %get3A_1871 : vector<16xf32>
        %add3A_1873 = arith.constant 2432 : i32
        %add3A_1874 = arith.addi %add3A_1873, %add3A_1761 : i32
        %get3A_1875 = arith.index_cast %add3A_1874 : i32 to index
        %get3A_1876 = arith.constant 0 : index
        %get3A_1877 = tpu.vector_load %arg7[%get3A_1875, %get3A_1876] {strides = array<i32>} : memref<2560x16xf32, #tpu.memory_space<vmem>>, vector<16xf32>,
        %add3A_1878 = arith.addf %add3A_1872, %get3A_1877 : vector<16xf32>
        %broadcast_in_dim3A_1879 = vector.broadcast %add3A_1761 : i32 to vector<16xi32>
        %slice3A_1880 = vector.extract_strided_slice %get3A_274 {offsets = [12], sizes = [1], strides = [1]} : vector<16xf32> to vector<1xf32>
        %squeeze3A_1881 = vector.extract %slice3A_1880[0] : f32 from vector<1xf32>
        %mul3A_1882 = vector.broadcast %squeeze3A_1881 : f32 to vector<16xf32>
        %mul3A_1883 = arith.mulf %add3A_1878, %mul3A_1882 : vector<16xf32>
        tpu.vector_store_idx %arg9[%iota3A, %broadcast_in_dim3A_1879], %mul3A_1883 : memref<16x128xf32, #tpu.memory_space<vmem>>[vector<16xi32>, vector<16xi32>], vector<16xf32>,
        %add3A_1884 = arith.constant 13 : i32
        %add3A_1885 = arith.addi %mul3A_273, %add3A_1884 : i32
        %get3A_1886 = arith.index_cast %add3A_1885 : i32 to index
        %get3A_1887 = arith.constant 0 : index
        %get3A_1888 = tpu.vector_load %arg7[%get3A_1886, %get3A_1887] {strides = array<i32>} : memref<2560x16xf32, #tpu.memory_space<vmem>>, vector<16xf32>,
        %add3A_1889 = arith.constant 128 : i32
        %add3A_1890 = arith.addi %add3A_1889, %add3A_1885 : i32
        %get3A_1891 = arith.index_cast %add3A_1890 : i32 to index
        %get3A_1892 = arith.constant 0 : index
        %get3A_1893 = tpu.vector_load %arg7[%get3A_1891, %get3A_1892] {strides = array<i32>} : memref<2560x16xf32, #tpu.memory_space<vmem>>, vector<16xf32>,
        %add3A_1894 = arith.addf %get3A_1888, %get3A_1893 : vector<16xf32>
        %add3A_1895 = arith.constant 256 : i32
        %add3A_1896 = arith.addi %add3A_1895, %add3A_1885 : i32
        %get3A_1897 = arith.index_cast %add3A_1896 : i32 to index
        %get3A_1898 = arith.constant 0 : index
        %get3A_1899 = tpu.vector_load %arg7[%get3A_1897, %get3A_1898] {strides = array<i32>} : memref<2560x16xf32, #tpu.memory_space<vmem>>, vector<16xf32>,
        %add3A_1900 = arith.addf %add3A_1894, %get3A_1899 : vector<16xf32>
        %add3A_1901 = arith.constant 384 : i32
        %add3A_1902 = arith.addi %add3A_1901, %add3A_1885 : i32
        %get3A_1903 = arith.index_cast %add3A_1902 : i32 to index
        %get3A_1904 = arith.constant 0 : index
        %get3A_1905 = tpu.vector_load %arg7[%get3A_1903, %get3A_1904] {strides = array<i32>} : memref<2560x16xf32, #tpu.memory_space<vmem>>, vector<16xf32>,
        %add3A_1906 = arith.addf %add3A_1900, %get3A_1905 : vector<16xf32>
        %add3A_1907 = arith.constant 512 : i32
        %add3A_1908 = arith.addi %add3A_1907, %add3A_1885 : i32
        %get3A_1909 = arith.index_cast %add3A_1908 : i32 to index
        %get3A_1910 = arith.constant 0 : index
        %get3A_1911 = tpu.vector_load %arg7[%get3A_1909, %get3A_1910] {strides = array<i32>} : memref<2560x16xf32, #tpu.memory_space<vmem>>, vector<16xf32>,
        %add3A_1912 = arith.addf %add3A_1906, %get3A_1911 : vector<16xf32>
        %add3A_1913 = arith.constant 640 : i32
        %add3A_1914 = arith.addi %add3A_1913, %add3A_1885 : i32
        %get3A_1915 = arith.index_cast %add3A_1914 : i32 to index
        %get3A_1916 = arith.constant 0 : index
        %get3A_1917 = tpu.vector_load %arg7[%get3A_1915, %get3A_1916] {strides = array<i32>} : memref<2560x16xf32, #tpu.memory_space<vmem>>, vector<16xf32>,
        %add3A_1918 = arith.addf %add3A_1912, %get3A_1917 : vector<16xf32>
        %add3A_1919 = arith.constant 768 : i32
        %add3A_1920 = arith.addi %add3A_1919, %add3A_1885 : i32
        %get3A_1921 = arith.index_cast %add3A_1920 : i32 to index
        %get3A_1922 = arith.constant 0 : index
        %get3A_1923 = tpu.vector_load %arg7[%get3A_1921, %get3A_1922] {strides = array<i32>} : memref<2560x16xf32, #tpu.memory_space<vmem>>, vector<16xf32>,
        %add3A_1924 = arith.addf %add3A_1918, %get3A_1923 : vector<16xf32>
        %add3A_1925 = arith.constant 896 : i32
        %add3A_1926 = arith.addi %add3A_1925, %add3A_1885 : i32
        %get3A_1927 = arith.index_cast %add3A_1926 : i32 to index
        %get3A_1928 = arith.constant 0 : index
        %get3A_1929 = tpu.vector_load %arg7[%get3A_1927, %get3A_1928] {strides = array<i32>} : memref<2560x16xf32, #tpu.memory_space<vmem>>, vector<16xf32>,
        %add3A_1930 = arith.addf %add3A_1924, %get3A_1929 : vector<16xf32>
        %add3A_1931 = arith.constant 1024 : i32
        %add3A_1932 = arith.addi %add3A_1931, %add3A_1885 : i32
        %get3A_1933 = arith.index_cast %add3A_1932 : i32 to index
        %get3A_1934 = arith.constant 0 : index
        %get3A_1935 = tpu.vector_load %arg7[%get3A_1933, %get3A_1934] {strides = array<i32>} : memref<2560x16xf32, #tpu.memory_space<vmem>>, vector<16xf32>,
        %add3A_1936 = arith.addf %add3A_1930, %get3A_1935 : vector<16xf32>
        %add3A_1937 = arith.constant 1152 : i32
        %add3A_1938 = arith.addi %add3A_1937, %add3A_1885 : i32
        %get3A_1939 = arith.index_cast %add3A_1938 : i32 to index
        %get3A_1940 = arith.constant 0 : index
        %get3A_1941 = tpu.vector_load %arg7[%get3A_1939, %get3A_1940] {strides = array<i32>} : memref<2560x16xf32, #tpu.memory_space<vmem>>, vector<16xf32>,
        %add3A_1942 = arith.addf %add3A_1936, %get3A_1941 : vector<16xf32>
        %add3A_1943 = arith.constant 1280 : i32
        %add3A_1944 = arith.addi %add3A_1943, %add3A_1885 : i32
        %get3A_1945 = arith.index_cast %add3A_1944 : i32 to index
        %get3A_1946 = arith.constant 0 : index
        %get3A_1947 = tpu.vector_load %arg7[%get3A_1945, %get3A_1946] {strides = array<i32>} : memref<2560x16xf32, #tpu.memory_space<vmem>>, vector<16xf32>,
        %add3A_1948 = arith.addf %add3A_1942, %get3A_1947 : vector<16xf32>
        %add3A_1949 = arith.constant 1408 : i32
        %add3A_1950 = arith.addi %add3A_1949, %add3A_1885 : i32
        %get3A_1951 = arith.index_cast %add3A_1950 : i32 to index
        %get3A_1952 = arith.constant 0 : index
        %get3A_1953 = tpu.vector_load %arg7[%get3A_1951, %get3A_1952] {strides = array<i32>} : memref<2560x16xf32, #tpu.memory_space<vmem>>, vector<16xf32>,
        %add3A_1954 = arith.addf %add3A_1948, %get3A_1953 : vector<16xf32>
        %add3A_1955 = arith.constant 1536 : i32
        %add3A_1956 = arith.addi %add3A_1955, %add3A_1885 : i32
        %get3A_1957 = arith.index_cast %add3A_1956 : i32 to index
        %get3A_1958 = arith.constant 0 : index
        %get3A_1959 = tpu.vector_load %arg7[%get3A_1957, %get3A_1958] {strides = array<i32>} : memref<2560x16xf32, #tpu.memory_space<vmem>>, vector<16xf32>,
        %add3A_1960 = arith.addf %add3A_1954, %get3A_1959 : vector<16xf32>
        %add3A_1961 = arith.constant 1664 : i32
        %add3A_1962 = arith.addi %add3A_1961, %add3A_1885 : i32
        %get3A_1963 = arith.index_cast %add3A_1962 : i32 to index
        %get3A_1964 = arith.constant 0 : index
        %get3A_1965 = tpu.vector_load %arg7[%get3A_1963, %get3A_1964] {strides = array<i32>} : memref<2560x16xf32, #tpu.memory_space<vmem>>, vector<16xf32>,
        %add3A_1966 = arith.addf %add3A_1960, %get3A_1965 : vector<16xf32>
        %add3A_1967 = arith.constant 1792 : i32
        %add3A_1968 = arith.addi %add3A_1967, %add3A_1885 : i32
        %get3A_1969 = arith.index_cast %add3A_1968 : i32 to index
        %get3A_1970 = arith.constant 0 : index
        %get3A_1971 = tpu.vector_load %arg7[%get3A_1969, %get3A_1970] {strides = array<i32>} : memref<2560x16xf32, #tpu.memory_space<vmem>>, vector<16xf32>,
        %add3A_1972 = arith.addf %add3A_1966, %get3A_1971 : vector<16xf32>
        %add3A_1973 = arith.constant 1920 : i32
        %add3A_1974 = arith.addi %add3A_1973, %add3A_1885 : i32
        %get3A_1975 = arith.index_cast %add3A_1974 : i32 to index
        %get3A_1976 = arith.constant 0 : index
        %get3A_1977 = tpu.vector_load %arg7[%get3A_1975, %get3A_1976] {strides = array<i32>} : memref<2560x16xf32, #tpu.memory_space<vmem>>, vector<16xf32>,
        %add3A_1978 = arith.addf %add3A_1972, %get3A_1977 : vector<16xf32>
        %add3A_1979 = arith.constant 2048 : i32
        %add3A_1980 = arith.addi %add3A_1979, %add3A_1885 : i32
        %get3A_1981 = arith.index_cast %add3A_1980 : i32 to index
        %get3A_1982 = arith.constant 0 : index
        %get3A_1983 = tpu.vector_load %arg7[%get3A_1981, %get3A_1982] {strides = array<i32>} : memref<2560x16xf32, #tpu.memory_space<vmem>>, vector<16xf32>,
        %add3A_1984 = arith.addf %add3A_1978, %get3A_1983 : vector<16xf32>
        %add3A_1985 = arith.constant 2176 : i32
        %add3A_1986 = arith.addi %add3A_1985, %add3A_1885 : i32
        %get3A_1987 = arith.index_cast %add3A_1986 : i32 to index
        %get3A_1988 = arith.constant 0 : index
        %get3A_1989 = tpu.vector_load %arg7[%get3A_1987, %get3A_1988] {strides = array<i32>} : memref<2560x16xf32, #tpu.memory_space<vmem>>, vector<16xf32>,
        %add3A_1990 = arith.addf %add3A_1984, %get3A_1989 : vector<16xf32>
        %add3A_1991 = arith.constant 2304 : i32
        %add3A_1992 = arith.addi %add3A_1991, %add3A_1885 : i32
        %get3A_1993 = arith.index_cast %add3A_1992 : i32 to index
        %get3A_1994 = arith.constant 0 : index
        %get3A_1995 = tpu.vector_load %arg7[%get3A_1993, %get3A_1994] {strides = array<i32>} : memref<2560x16xf32, #tpu.memory_space<vmem>>, vector<16xf32>,
        %add3A_1996 = arith.addf %add3A_1990, %get3A_1995 : vector<16xf32>
        %add3A_1997 = arith.constant 2432 : i32
        %add3A_1998 = arith.addi %add3A_1997, %add3A_1885 : i32
        %get3A_1999 = arith.index_cast %add3A_1998 : i32 to index
        %get3A_2000 = arith.constant 0 : index
        %get3A_2001 = tpu.vector_load %arg7[%get3A_1999, %get3A_2000] {strides = array<i32>} : memref<2560x16xf32, #tpu.memory_space<vmem>>, vector<16xf32>,
        %add3A_2002 = arith.addf %add3A_1996, %get3A_2001 : vector<16xf32>
        %broadcast_in_dim3A_2003 = vector.broadcast %add3A_1885 : i32 to vector<16xi32>
        %slice3A_2004 = vector.extract_strided_slice %get3A_274 {offsets = [13], sizes = [1], strides = [1]} : vector<16xf32> to vector<1xf32>
        %squeeze3A_2005 = vector.extract %slice3A_2004[0] : f32 from vector<1xf32>
        %mul3A_2006 = vector.broadcast %squeeze3A_2005 : f32 to vector<16xf32>
        %mul3A_2007 = arith.mulf %add3A_2002, %mul3A_2006 : vector<16xf32>
        tpu.vector_store_idx %arg9[%iota3A, %broadcast_in_dim3A_2003], %mul3A_2007 : memref<16x128xf32, #tpu.memory_space<vmem>>[vector<16xi32>, vector<16xi32>], vector<16xf32>,
        %add3A_2008 = arith.constant 14 : i32
        %add3A_2009 = arith.addi %mul3A_273, %add3A_2008 : i32
        %get3A_2010 = arith.index_cast %add3A_2009 : i32 to index
        %get3A_2011 = arith.constant 0 : index
        %get3A_2012 = tpu.vector_load %arg7[%get3A_2010, %get3A_2011] {strides = array<i32>} : memref<2560x16xf32, #tpu.memory_space<vmem>>, vector<16xf32>,
        %add3A_2013 = arith.constant 128 : i32
        %add3A_2014 = arith.addi %add3A_2013, %add3A_2009 : i32
        %get3A_2015 = arith.index_cast %add3A_2014 : i32 to index
        %get3A_2016 = arith.constant 0 : index
        %get3A_2017 = tpu.vector_load %arg7[%get3A_2015, %get3A_2016] {strides = array<i32>} : memref<2560x16xf32, #tpu.memory_space<vmem>>, vector<16xf32>,
        %add3A_2018 = arith.addf %get3A_2012, %get3A_2017 : vector<16xf32>
        %add3A_2019 = arith.constant 256 : i32
        %add3A_2020 = arith.addi %add3A_2019, %add3A_2009 : i32
        %get3A_2021 = arith.index_cast %add3A_2020 : i32 to index
        %get3A_2022 = arith.constant 0 : index
        %get3A_2023 = tpu.vector_load %arg7[%get3A_2021, %get3A_2022] {strides = array<i32>} : memref<2560x16xf32, #tpu.memory_space<vmem>>, vector<16xf32>,
        %add3A_2024 = arith.addf %add3A_2018, %get3A_2023 : vector<16xf32>
        %add3A_2025 = arith.constant 384 : i32
        %add3A_2026 = arith.addi %add3A_2025, %add3A_2009 : i32
        %get3A_2027 = arith.index_cast %add3A_2026 : i32 to index
        %get3A_2028 = arith.constant 0 : index
        %get3A_2029 = tpu.vector_load %arg7[%get3A_2027, %get3A_2028] {strides = array<i32>} : memref<2560x16xf32, #tpu.memory_space<vmem>>, vector<16xf32>,
        %add3A_2030 = arith.addf %add3A_2024, %get3A_2029 : vector<16xf32>
        %add3A_2031 = arith.constant 512 : i32
        %add3A_2032 = arith.addi %add3A_2031, %add3A_2009 : i32
        %get3A_2033 = arith.index_cast %add3A_2032 : i32 to index
        %get3A_2034 = arith.constant 0 : index
        %get3A_2035 = tpu.vector_load %arg7[%get3A_2033, %get3A_2034] {strides = array<i32>} : memref<2560x16xf32, #tpu.memory_space<vmem>>, vector<16xf32>,
        %add3A_2036 = arith.addf %add3A_2030, %get3A_2035 : vector<16xf32>
        %add3A_2037 = arith.constant 640 : i32
        %add3A_2038 = arith.addi %add3A_2037, %add3A_2009 : i32
        %get3A_2039 = arith.index_cast %add3A_2038 : i32 to index
        %get3A_2040 = arith.constant 0 : index
        %get3A_2041 = tpu.vector_load %arg7[%get3A_2039, %get3A_2040] {strides = array<i32>} : memref<2560x16xf32, #tpu.memory_space<vmem>>, vector<16xf32>,
        %add3A_2042 = arith.addf %add3A_2036, %get3A_2041 : vector<16xf32>
        %add3A_2043 = arith.constant 768 : i32
        %add3A_2044 = arith.addi %add3A_2043, %add3A_2009 : i32
        %get3A_2045 = arith.index_cast %add3A_2044 : i32 to index
        %get3A_2046 = arith.constant 0 : index
        %get3A_2047 = tpu.vector_load %arg7[%get3A_2045, %get3A_2046] {strides = array<i32>} : memref<2560x16xf32, #tpu.memory_space<vmem>>, vector<16xf32>,
        %add3A_2048 = arith.addf %add3A_2042, %get3A_2047 : vector<16xf32>
        %add3A_2049 = arith.constant 896 : i32
        %add3A_2050 = arith.addi %add3A_2049, %add3A_2009 : i32
        %get3A_2051 = arith.index_cast %add3A_2050 : i32 to index
        %get3A_2052 = arith.constant 0 : index
        %get3A_2053 = tpu.vector_load %arg7[%get3A_2051, %get3A_2052] {strides = array<i32>} : memref<2560x16xf32, #tpu.memory_space<vmem>>, vector<16xf32>,
        %add3A_2054 = arith.addf %add3A_2048, %get3A_2053 : vector<16xf32>
        %add3A_2055 = arith.constant 1024 : i32
        %add3A_2056 = arith.addi %add3A_2055, %add3A_2009 : i32
        %get3A_2057 = arith.index_cast %add3A_2056 : i32 to index
        %get3A_2058 = arith.constant 0 : index
        %get3A_2059 = tpu.vector_load %arg7[%get3A_2057, %get3A_2058] {strides = array<i32>} : memref<2560x16xf32, #tpu.memory_space<vmem>>, vector<16xf32>,
        %add3A_2060 = arith.addf %add3A_2054, %get3A_2059 : vector<16xf32>
        %add3A_2061 = arith.constant 1152 : i32
        %add3A_2062 = arith.addi %add3A_2061, %add3A_2009 : i32
        %get3A_2063 = arith.index_cast %add3A_2062 : i32 to index
        %get3A_2064 = arith.constant 0 : index
        %get3A_2065 = tpu.vector_load %arg7[%get3A_2063, %get3A_2064] {strides = array<i32>} : memref<2560x16xf32, #tpu.memory_space<vmem>>, vector<16xf32>,
        %add3A_2066 = arith.addf %add3A_2060, %get3A_2065 : vector<16xf32>
        %add3A_2067 = arith.constant 1280 : i32
        %add3A_2068 = arith.addi %add3A_2067, %add3A_2009 : i32
        %get3A_2069 = arith.index_cast %add3A_2068 : i32 to index
        %get3A_2070 = arith.constant 0 : index
        %get3A_2071 = tpu.vector_load %arg7[%get3A_2069, %get3A_2070] {strides = array<i32>} : memref<2560x16xf32, #tpu.memory_space<vmem>>, vector<16xf32>,
        %add3A_2072 = arith.addf %add3A_2066, %get3A_2071 : vector<16xf32>
        %add3A_2073 = arith.constant 1408 : i32
        %add3A_2074 = arith.addi %add3A_2073, %add3A_2009 : i32
        %get3A_2075 = arith.index_cast %add3A_2074 : i32 to index
        %get3A_2076 = arith.constant 0 : index
        %get3A_2077 = tpu.vector_load %arg7[%get3A_2075, %get3A_2076] {strides = array<i32>} : memref<2560x16xf32, #tpu.memory_space<vmem>>, vector<16xf32>,
        %add3A_2078 = arith.addf %add3A_2072, %get3A_2077 : vector<16xf32>
        %add3A_2079 = arith.constant 1536 : i32
        %add3A_2080 = arith.addi %add3A_2079, %add3A_2009 : i32
        %get3A_2081 = arith.index_cast %add3A_2080 : i32 to index
        %get3A_2082 = arith.constant 0 : index
        %get3A_2083 = tpu.vector_load %arg7[%get3A_2081, %get3A_2082] {strides = array<i32>} : memref<2560x16xf32, #tpu.memory_space<vmem>>, vector<16xf32>,
        %add3A_2084 = arith.addf %add3A_2078, %get3A_2083 : vector<16xf32>
        %add3A_2085 = arith.constant 1664 : i32
        %add3A_2086 = arith.addi %add3A_2085, %add3A_2009 : i32
        %get3A_2087 = arith.index_cast %add3A_2086 : i32 to index
        %get3A_2088 = arith.constant 0 : index
        %get3A_2089 = tpu.vector_load %arg7[%get3A_2087, %get3A_2088] {strides = array<i32>} : memref<2560x16xf32, #tpu.memory_space<vmem>>, vector<16xf32>,
        %add3A_2090 = arith.addf %add3A_2084, %get3A_2089 : vector<16xf32>
        %add3A_2091 = arith.constant 1792 : i32
        %add3A_2092 = arith.addi %add3A_2091, %add3A_2009 : i32
        %get3A_2093 = arith.index_cast %add3A_2092 : i32 to index
        %get3A_2094 = arith.constant 0 : index
        %get3A_2095 = tpu.vector_load %arg7[%get3A_2093, %get3A_2094] {strides = array<i32>} : memref<2560x16xf32, #tpu.memory_space<vmem>>, vector<16xf32>,
        %add3A_2096 = arith.addf %add3A_2090, %get3A_2095 : vector<16xf32>
        %add3A_2097 = arith.constant 1920 : i32
        %add3A_2098 = arith.addi %add3A_2097, %add3A_2009 : i32
        %get3A_2099 = arith.index_cast %add3A_2098 : i32 to index
        %get3A_2100 = arith.constant 0 : index
        %get3A_2101 = tpu.vector_load %arg7[%get3A_2099, %get3A_2100] {strides = array<i32>} : memref<2560x16xf32, #tpu.memory_space<vmem>>, vector<16xf32>,
        %add3A_2102 = arith.addf %add3A_2096, %get3A_2101 : vector<16xf32>
        %add3A_2103 = arith.constant 2048 : i32
        %add3A_2104 = arith.addi %add3A_2103, %add3A_2009 : i32
        %get3A_2105 = arith.index_cast %add3A_2104 : i32 to index
        %get3A_2106 = arith.constant 0 : index
        %get3A_2107 = tpu.vector_load %arg7[%get3A_2105, %get3A_2106] {strides = array<i32>} : memref<2560x16xf32, #tpu.memory_space<vmem>>, vector<16xf32>,
        %add3A_2108 = arith.addf %add3A_2102, %get3A_2107 : vector<16xf32>
        %add3A_2109 = arith.constant 2176 : i32
        %add3A_2110 = arith.addi %add3A_2109, %add3A_2009 : i32
        %get3A_2111 = arith.index_cast %add3A_2110 : i32 to index
        %get3A_2112 = arith.constant 0 : index
        %get3A_2113 = tpu.vector_load %arg7[%get3A_2111, %get3A_2112] {strides = array<i32>} : memref<2560x16xf32, #tpu.memory_space<vmem>>, vector<16xf32>,
        %add3A_2114 = arith.addf %add3A_2108, %get3A_2113 : vector<16xf32>
        %add3A_2115 = arith.constant 2304 : i32
        %add3A_2116 = arith.addi %add3A_2115, %add3A_2009 : i32
        %get3A_2117 = arith.index_cast %add3A_2116 : i32 to index
        %get3A_2118 = arith.constant 0 : index
        %get3A_2119 = tpu.vector_load %arg7[%get3A_2117, %get3A_2118] {strides = array<i32>} : memref<2560x16xf32, #tpu.memory_space<vmem>>, vector<16xf32>,
        %add3A_2120 = arith.addf %add3A_2114, %get3A_2119 : vector<16xf32>
        %add3A_2121 = arith.constant 2432 : i32
        %add3A_2122 = arith.addi %add3A_2121, %add3A_2009 : i32
        %get3A_2123 = arith.index_cast %add3A_2122 : i32 to index
        %get3A_2124 = arith.constant 0 : index
        %get3A_2125 = tpu.vector_load %arg7[%get3A_2123, %get3A_2124] {strides = array<i32>} : memref<2560x16xf32, #tpu.memory_space<vmem>>, vector<16xf32>,
        %add3A_2126 = arith.addf %add3A_2120, %get3A_2125 : vector<16xf32>
        %broadcast_in_dim3A_2127 = vector.broadcast %add3A_2009 : i32 to vector<16xi32>
        %slice3A_2128 = vector.extract_strided_slice %get3A_274 {offsets = [14], sizes = [1], strides = [1]} : vector<16xf32> to vector<1xf32>
        %squeeze3A_2129 = vector.extract %slice3A_2128[0] : f32 from vector<1xf32>
        %mul3A_2130 = vector.broadcast %squeeze3A_2129 : f32 to vector<16xf32>
        %mul3A_2131 = arith.mulf %add3A_2126, %mul3A_2130 : vector<16xf32>
        tpu.vector_store_idx %arg9[%iota3A, %broadcast_in_dim3A_2127], %mul3A_2131 : memref<16x128xf32, #tpu.memory_space<vmem>>[vector<16xi32>, vector<16xi32>], vector<16xf32>,
        %add3A_2132 = arith.constant 15 : i32
        %add3A_2133 = arith.addi %mul3A_273, %add3A_2132 : i32
        %get3A_2134 = arith.index_cast %add3A_2133 : i32 to index
        %get3A_2135 = arith.constant 0 : index
        %get3A_2136 = tpu.vector_load %arg7[%get3A_2134, %get3A_2135] {strides = array<i32>} : memref<2560x16xf32, #tpu.memory_space<vmem>>, vector<16xf32>,
        %add3A_2137 = arith.constant 128 : i32
        %add3A_2138 = arith.addi %add3A_2137, %add3A_2133 : i32
        %get3A_2139 = arith.index_cast %add3A_2138 : i32 to index
        %get3A_2140 = arith.constant 0 : index
        %get3A_2141 = tpu.vector_load %arg7[%get3A_2139, %get3A_2140] {strides = array<i32>} : memref<2560x16xf32, #tpu.memory_space<vmem>>, vector<16xf32>,
        %add3A_2142 = arith.addf %get3A_2136, %get3A_2141 : vector<16xf32>
        %add3A_2143 = arith.constant 256 : i32
        %add3A_2144 = arith.addi %add3A_2143, %add3A_2133 : i32
        %get3A_2145 = arith.index_cast %add3A_2144 : i32 to index
        %get3A_2146 = arith.constant 0 : index
        %get3A_2147 = tpu.vector_load %arg7[%get3A_2145, %get3A_2146] {strides = array<i32>} : memref<2560x16xf32, #tpu.memory_space<vmem>>, vector<16xf32>,
        %add3A_2148 = arith.addf %add3A_2142, %get3A_2147 : vector<16xf32>
        %add3A_2149 = arith.constant 384 : i32
        %add3A_2150 = arith.addi %add3A_2149, %add3A_2133 : i32
        %get3A_2151 = arith.index_cast %add3A_2150 : i32 to index
        %get3A_2152 = arith.constant 0 : index
        %get3A_2153 = tpu.vector_load %arg7[%get3A_2151, %get3A_2152] {strides = array<i32>} : memref<2560x16xf32, #tpu.memory_space<vmem>>, vector<16xf32>,
        %add3A_2154 = arith.addf %add3A_2148, %get3A_2153 : vector<16xf32>
        %add3A_2155 = arith.constant 512 : i32
        %add3A_2156 = arith.addi %add3A_2155, %add3A_2133 : i32
        %get3A_2157 = arith.index_cast %add3A_2156 : i32 to index
        %get3A_2158 = arith.constant 0 : index
        %get3A_2159 = tpu.vector_load %arg7[%get3A_2157, %get3A_2158] {strides = array<i32>} : memref<2560x16xf32, #tpu.memory_space<vmem>>, vector<16xf32>,
        %add3A_2160 = arith.addf %add3A_2154, %get3A_2159 : vector<16xf32>
        %add3A_2161 = arith.constant 640 : i32
        %add3A_2162 = arith.addi %add3A_2161, %add3A_2133 : i32
        %get3A_2163 = arith.index_cast %add3A_2162 : i32 to index
        %get3A_2164 = arith.constant 0 : index
        %get3A_2165 = tpu.vector_load %arg7[%get3A_2163, %get3A_2164] {strides = array<i32>} : memref<2560x16xf32, #tpu.memory_space<vmem>>, vector<16xf32>,
        %add3A_2166 = arith.addf %add3A_2160, %get3A_2165 : vector<16xf32>
        %add3A_2167 = arith.constant 768 : i32
        %add3A_2168 = arith.addi %add3A_2167, %add3A_2133 : i32
        %get3A_2169 = arith.index_cast %add3A_2168 : i32 to index
        %get3A_2170 = arith.constant 0 : index
        %get3A_2171 = tpu.vector_load %arg7[%get3A_2169, %get3A_2170] {strides = array<i32>} : memref<2560x16xf32, #tpu.memory_space<vmem>>, vector<16xf32>,
        %add3A_2172 = arith.addf %add3A_2166, %get3A_2171 : vector<16xf32>
        %add3A_2173 = arith.constant 896 : i32
        %add3A_2174 = arith.addi %add3A_2173, %add3A_2133 : i32
        %get3A_2175 = arith.index_cast %add3A_2174 : i32 to index
        %get3A_2176 = arith.constant 0 : index
        %get3A_2177 = tpu.vector_load %arg7[%get3A_2175, %get3A_2176] {strides = array<i32>} : memref<2560x16xf32, #tpu.memory_space<vmem>>, vector<16xf32>,
        %add3A_2178 = arith.addf %add3A_2172, %get3A_2177 : vector<16xf32>
        %add3A_2179 = arith.constant 1024 : i32
        %add3A_2180 = arith.addi %add3A_2179, %add3A_2133 : i32
        %get3A_2181 = arith.index_cast %add3A_2180 : i32 to index
        %get3A_2182 = arith.constant 0 : index
        %get3A_2183 = tpu.vector_load %arg7[%get3A_2181, %get3A_2182] {strides = array<i32>} : memref<2560x16xf32, #tpu.memory_space<vmem>>, vector<16xf32>,
        %add3A_2184 = arith.addf %add3A_2178, %get3A_2183 : vector<16xf32>
        %add3A_2185 = arith.constant 1152 : i32
        %add3A_2186 = arith.addi %add3A_2185, %add3A_2133 : i32
        %get3A_2187 = arith.index_cast %add3A_2186 : i32 to index
        %get3A_2188 = arith.constant 0 : index
        %get3A_2189 = tpu.vector_load %arg7[%get3A_2187, %get3A_2188] {strides = array<i32>} : memref<2560x16xf32, #tpu.memory_space<vmem>>, vector<16xf32>,
        %add3A_2190 = arith.addf %add3A_2184, %get3A_2189 : vector<16xf32>
        %add3A_2191 = arith.constant 1280 : i32
        %add3A_2192 = arith.addi %add3A_2191, %add3A_2133 : i32
        %get3A_2193 = arith.index_cast %add3A_2192 : i32 to index
        %get3A_2194 = arith.constant 0 : index
        %get3A_2195 = tpu.vector_load %arg7[%get3A_2193, %get3A_2194] {strides = array<i32>} : memref<2560x16xf32, #tpu.memory_space<vmem>>, vector<16xf32>,
        %add3A_2196 = arith.addf %add3A_2190, %get3A_2195 : vector<16xf32>
        %add3A_2197 = arith.constant 1408 : i32
        %add3A_2198 = arith.addi %add3A_2197, %add3A_2133 : i32
        %get3A_2199 = arith.index_cast %add3A_2198 : i32 to index
        %get3A_2200 = arith.constant 0 : index
        %get3A_2201 = tpu.vector_load %arg7[%get3A_2199, %get3A_2200] {strides = array<i32>} : memref<2560x16xf32, #tpu.memory_space<vmem>>, vector<16xf32>,
        %add3A_2202 = arith.addf %add3A_2196, %get3A_2201 : vector<16xf32>
        %add3A_2203 = arith.constant 1536 : i32
        %add3A_2204 = arith.addi %add3A_2203, %add3A_2133 : i32
        %get3A_2205 = arith.index_cast %add3A_2204 : i32 to index
        %get3A_2206 = arith.constant 0 : index
        %get3A_2207 = tpu.vector_load %arg7[%get3A_2205, %get3A_2206] {strides = array<i32>} : memref<2560x16xf32, #tpu.memory_space<vmem>>, vector<16xf32>,
        %add3A_2208 = arith.addf %add3A_2202, %get3A_2207 : vector<16xf32>
        %add3A_2209 = arith.constant 1664 : i32
        %add3A_2210 = arith.addi %add3A_2209, %add3A_2133 : i32
        %get3A_2211 = arith.index_cast %add3A_2210 : i32 to index
        %get3A_2212 = arith.constant 0 : index
        %get3A_2213 = tpu.vector_load %arg7[%get3A_2211, %get3A_2212] {strides = array<i32>} : memref<2560x16xf32, #tpu.memory_space<vmem>>, vector<16xf32>,
        %add3A_2214 = arith.addf %add3A_2208, %get3A_2213 : vector<16xf32>
        %add3A_2215 = arith.constant 1792 : i32
        %add3A_2216 = arith.addi %add3A_2215, %add3A_2133 : i32
        %get3A_2217 = arith.index_cast %add3A_2216 : i32 to index
        %get3A_2218 = arith.constant 0 : index
        %get3A_2219 = tpu.vector_load %arg7[%get3A_2217, %get3A_2218] {strides = array<i32>} : memref<2560x16xf32, #tpu.memory_space<vmem>>, vector<16xf32>,
        %add3A_2220 = arith.addf %add3A_2214, %get3A_2219 : vector<16xf32>
        %add3A_2221 = arith.constant 1920 : i32
        %add3A_2222 = arith.addi %add3A_2221, %add3A_2133 : i32
        %get3A_2223 = arith.index_cast %add3A_2222 : i32 to index
        %get3A_2224 = arith.constant 0 : index
        %get3A_2225 = tpu.vector_load %arg7[%get3A_2223, %get3A_2224] {strides = array<i32>} : memref<2560x16xf32, #tpu.memory_space<vmem>>, vector<16xf32>,
        %add3A_2226 = arith.addf %add3A_2220, %get3A_2225 : vector<16xf32>
        %add3A_2227 = arith.constant 2048 : i32
        %add3A_2228 = arith.addi %add3A_2227, %add3A_2133 : i32
        %get3A_2229 = arith.index_cast %add3A_2228 : i32 to index
        %get3A_2230 = arith.constant 0 : index
        %get3A_2231 = tpu.vector_load %arg7[%get3A_2229, %get3A_2230] {strides = array<i32>} : memref<2560x16xf32, #tpu.memory_space<vmem>>, vector<16xf32>,
        %add3A_2232 = arith.addf %add3A_2226, %get3A_2231 : vector<16xf32>
        %add3A_2233 = arith.constant 2176 : i32
        %add3A_2234 = arith.addi %add3A_2233, %add3A_2133 : i32
        %get3A_2235 = arith.index_cast %add3A_2234 : i32 to index
        %get3A_2236 = arith.constant 0 : index
        %get3A_2237 = tpu.vector_load %arg7[%get3A_2235, %get3A_2236] {strides = array<i32>} : memref<2560x16xf32, #tpu.memory_space<vmem>>, vector<16xf32>,
        %add3A_2238 = arith.addf %add3A_2232, %get3A_2237 : vector<16xf32>
        %add3A_2239 = arith.constant 2304 : i32
        %add3A_2240 = arith.addi %add3A_2239, %add3A_2133 : i32
        %get3A_2241 = arith.index_cast %add3A_2240 : i32 to index
        %get3A_2242 = arith.constant 0 : index
        %get3A_2243 = tpu.vector_load %arg7[%get3A_2241, %get3A_2242] {strides = array<i32>} : memref<2560x16xf32, #tpu.memory_space<vmem>>, vector<16xf32>,
        %add3A_2244 = arith.addf %add3A_2238, %get3A_2243 : vector<16xf32>
        %add3A_2245 = arith.constant 2432 : i32
        %add3A_2246 = arith.addi %add3A_2245, %add3A_2133 : i32
        %get3A_2247 = arith.index_cast %add3A_2246 : i32 to index
        %get3A_2248 = arith.constant 0 : index
        %get3A_2249 = tpu.vector_load %arg7[%get3A_2247, %get3A_2248] {strides = array<i32>} : memref<2560x16xf32, #tpu.memory_space<vmem>>, vector<16xf32>,
        %add3A_2250 = arith.addf %add3A_2244, %get3A_2249 : vector<16xf32>
        %broadcast_in_dim3A_2251 = vector.broadcast %add3A_2133 : i32 to vector<16xi32>
        %slice3A_2252 = vector.extract_strided_slice %get3A_274 {offsets = [15], sizes = [1], strides = [1]} : vector<16xf32> to vector<1xf32>
        %squeeze3A_2253 = vector.extract %slice3A_2252[0] : f32 from vector<1xf32>
        %mul3A_2254 = vector.broadcast %squeeze3A_2253 : f32 to vector<16xf32>
        %mul3A_2255 = arith.mulf %add3A_2250, %mul3A_2254 : vector<16xf32>
        tpu.vector_store_idx %arg9[%iota3A, %broadcast_in_dim3A_2251], %mul3A_2255 : memref<16x128xf32, #tpu.memory_space<vmem>>[vector<16xi32>, vector<16xi32>], vector<16xf32>,
        %scan3A_2256 = arith.constant 0 : i32
        scf.yield %scan3A_2256 : i32
      }
      %scan3A_162 = arith.constant 8 : i32
      %dma_start3A_163 = arith.constant 0 : i32
      %dma_start3A_164 = arith.constant 0 : i32
      %dma_start3A_165 = arith.constant 0 : i32
      %dma_start3A_166 = tpu.memref_slice %arg9[%dma_start3A_164, %dma_start3A_165] : memref<16x128xf32, #tpu.memory_space<vmem>> -> memref<8x128xf32, #tpu.memory_space<vmem>>
      %dma_start3A_167 = arith.constant 0 : i32
      %dma_start3A_168 = arith.constant 0 : i32
      %dma_start3A_169 = tpu.memref_slice %arg4[%mul3A_110, %dma_start3A_163, %add3A, %dma_start3A_167, %dma_start3A_168] : memref<50x2x32x8x128xf32, #tpu.memory_space<hbm>> -> memref<1x1x1x8x128xf32, #tpu.memory_space<hbm>>
      %dma_start3A_170 = tpu.memref_squeeze %dma_start3A_169 : memref<1x1x1x8x128xf32, #tpu.memory_space<hbm>> -> memref<8x128xf32, #tpu.memory_space<hbm>>
      %dma_start3A_171 = arith.constant 0 : i32
      %dma_start3A_172 = arith.constant 0 : i32
      %dma_start3A_173 = tpu.memref_slice %arg4[%mul3A_110, %dma_start3A_163, %add3A, %dma_start3A_171, %dma_start3A_172] : memref<50x2x32x8x128xf32, #tpu.memory_space<hbm>> -> memref<1x1x1x8x128xf32, #tpu.memory_space<hbm>>
      %dma_start3A_174 = tpu.memref_squeeze %dma_start3A_173 : memref<1x1x1x8x128xf32, #tpu.memory_space<hbm>> -> memref<8x128xf32, #tpu.memory_space<hbm>>
      %dma_start3A_175 = arith.constant 0 : i32
      %dma_start3A_176 = arith.constant 0 : i32
      %dma_start3A_177 = tpu.memref_slice %arg9[%dma_start3A_175, %dma_start3A_176] : memref<16x128xf32, #tpu.memory_space<vmem>> -> memref<8x128xf32, #tpu.memory_space<vmem>>
      tpu.enqueue_dma source(%dma_start3A_177 : memref<8x128xf32, #tpu.memory_space<vmem>>) target(%dma_start3A_174 : memref<8x128xf32, #tpu.memory_space<hbm>>) target_semaphore(%arg17 : memref<!tpu.dma_semaphore, #tpu.memory_space<semaphore_mem>>)
      %dma_start3A_178 = arith.constant 1 : i32
      %dma_start3A_179 = arith.constant 8 : i32
      %dma_start3A_180 = arith.constant 0 : i32
      %dma_start3A_181 = tpu.memref_slice %arg9[%dma_start3A_179, %dma_start3A_180] : memref<16x128xf32, #tpu.memory_space<vmem>> -> memref<8x128xf32, #tpu.memory_space<vmem>>
      %dma_start3A_182 = arith.constant 0 : i32
      %dma_start3A_183 = arith.constant 0 : i32
      %dma_start3A_184 = tpu.memref_slice %arg4[%mul3A_110, %dma_start3A_178, %add3A, %dma_start3A_182, %dma_start3A_183] : memref<50x2x32x8x128xf32, #tpu.memory_space<hbm>> -> memref<1x1x1x8x128xf32, #tpu.memory_space<hbm>>
      %dma_start3A_185 = tpu.memref_squeeze %dma_start3A_184 : memref<1x1x1x8x128xf32, #tpu.memory_space<hbm>> -> memref<8x128xf32, #tpu.memory_space<hbm>>
      %dma_start3A_186 = arith.constant 0 : i32
      %dma_start3A_187 = arith.constant 0 : i32
      %dma_start3A_188 = tpu.memref_slice %arg4[%mul3A_110, %dma_start3A_178, %add3A, %dma_start3A_186, %dma_start3A_187] : memref<50x2x32x8x128xf32, #tpu.memory_space<hbm>> -> memref<1x1x1x8x128xf32, #tpu.memory_space<hbm>>
      %dma_start3A_189 = tpu.memref_squeeze %dma_start3A_188 : memref<1x1x1x8x128xf32, #tpu.memory_space<hbm>> -> memref<8x128xf32, #tpu.memory_space<hbm>>
      %dma_start3A_190 = arith.constant 8 : i32
      %dma_start3A_191 = arith.constant 0 : i32
      %dma_start3A_192 = tpu.memref_slice %arg9[%dma_start3A_190, %dma_start3A_191] : memref<16x128xf32, #tpu.memory_space<vmem>> -> memref<8x128xf32, #tpu.memory_space<vmem>>
      tpu.enqueue_dma source(%dma_start3A_192 : memref<8x128xf32, #tpu.memory_space<vmem>>) target(%dma_start3A_189 : memref<8x128xf32, #tpu.memory_space<hbm>>) target_semaphore(%arg17 : memref<!tpu.dma_semaphore, #tpu.memory_space<semaphore_mem>>)
      %add3A_193 = arith.constant 2 : i32
      %add3A_194 = arith.addi %mul3A_110, %add3A_193 : i32
      %lt3A_195 = arith.constant 50 : i32
      %lt3A_196 = arith.cmpi slt, %add3A_194, %lt3A_195 : i32
      %convert_element_type3A_197 = arith.extui %lt3A_196 : i1 to i32
      %cond3A_198 = arith.constant 0 : i32
      %cond3A_199 = arith.cmpi ne, %convert_element_type3A_197, %cond3A_198 : i32
      scf.if %cond3A_199 {
        %dma_wait3A_270 = arith.constant 0 : i32
        %dma_wait3A_271 = tpu.memref_slice %arg2[%add3A, %dma_wait3A_270] : memref<32x128000xi32, #tpu.memory_space<hbm>> -> memref<1x2560xi32, #tpu.memory_space<hbm>>
        %dma_wait3A_272 = tpu.memref_squeeze %dma_wait3A_271 : memref<1x2560xi32, #tpu.memory_space<hbm>> -> memref<2560xi32, #tpu.memory_space<hbm>>
        %dma_wait3A_273 = arith.constant 0 : i32
        %dma_wait3A_274 = tpu.memref_slice %arg2[%add3A, %dma_wait3A_273] : memref<32x128000xi32, #tpu.memory_space<hbm>> -> memref<1x2560xi32, #tpu.memory_space<hbm>>
        %dma_wait3A_275 = tpu.memref_squeeze %dma_wait3A_274 : memref<1x2560xi32, #tpu.memory_space<hbm>> -> memref<2560xi32, #tpu.memory_space<hbm>>
        tpu.wait_dma2 semaphore(%arg15 : memref<!tpu.dma_semaphore, #tpu.memory_space<semaphore_mem>>) src(%dma_wait3A_275 : memref<2560xi32, #tpu.memory_space<hbm>>) dst(%arg5 : memref<2560xi32, #tpu.memory_space<vmem>>)
      } else {
      }
      %dma_wait3A_200 = arith.constant 0 : i32
      %dma_wait3A_201 = arith.constant 0 : i32
      %dma_wait3A_202 = tpu.memref_slice %arg3[%dma_wait3A_200, %dma_wait3A_201] : memref<1000000x16xf32, #tpu.memory_space<hbm>> -> memref<2560x16xf32, #tpu.memory_space<hbm>>
      %dma_wait3A_203 = arith.constant 0 : i32
      %dma_wait3A_204 = arith.constant 0 : i32
      %dma_wait3A_205 = tpu.memref_slice %arg3[%dma_wait3A_203, %dma_wait3A_204] : memref<1000000x16xf32, #tpu.memory_space<hbm>> -> memref<2560x16xf32, #tpu.memory_space<hbm>>
      tpu.wait_dma2 semaphore(%arg14 : memref<!tpu.dma_semaphore, #tpu.memory_space<semaphore_mem>>) src(%dma_wait3A_205 : memref<2560x16xf32, #tpu.memory_space<hbm>>) dst(%arg8 : memref<2560x16xf32, #tpu.memory_space<vmem>>)
      %add3A_206 = arith.constant 2 : i32
      %add3A_207 = arith.addi %mul3A_110, %add3A_206 : i32
      %lt3A_208 = arith.constant 50 : i32
      %lt3A_209 = arith.cmpi slt, %add3A_207, %lt3A_208 : i32
      %convert_element_type3A_210 = arith.extui %lt3A_209 : i1 to i32
      %cond3A_211 = arith.constant 0 : i32
      %cond3A_212 = arith.cmpi ne, %convert_element_type3A_210, %cond3A_211 : i32
      scf.if %cond3A_212 {
        %add3A_270 = arith.constant 2 : i32
        %add3A_271 = arith.addi %mul3A_110, %add3A_270 : i32
        %dma_start3A_272 = arith.constant 0 : i32
        %dma_start3A_273 = arith.constant 0 : i32
        %dma_start3A_274 = tpu.memref_slice %arg7[%dma_start3A_272, %dma_start3A_273] : memref<2560x16xf32, #tpu.memory_space<vmem>> -> memref<1280x16xf32, #tpu.memory_space<vmem>>
        %dma_start3A_275 = arith.constant 0 : i32
        %dma_start3A_276 = tpu.memref_slice %arg5[%dma_start3A_275] : memref<2560xi32, #tpu.memory_space<vmem>> -> memref<1280xi32, #tpu.memory_space<vmem>>
        %dma_start3A_277 = arith.constant 0 : i32
        %dma_start3A_278 = arith.constant 0 : i32
        %dma_start3A_279 = tpu.memref_slice %arg3[%dma_start3A_277, %dma_start3A_278] : memref<1000000x16xf32, #tpu.memory_space<hbm>> -> memref<1000000x16xf32, #tpu.memory_space<hbm>>
        tpu.enqueue_indirect_dma source(%dma_start3A_279 : memref<1000000x16xf32, #tpu.memory_space<hbm>>) target(%dma_start3A_274 : memref<1280x16xf32, #tpu.memory_space<vmem>>) offsets(%dma_start3A_276 : memref<1280xi32, #tpu.memory_space<vmem>>) semaphore(%arg13 : memref<!tpu.dma_semaphore, #tpu.memory_space<semaphore_mem>>)
        %dma_start3A_280 = arith.constant 1280 : i32
        %dma_start3A_281 = arith.constant 0 : i32
        %dma_start3A_282 = tpu.memref_slice %arg7[%dma_start3A_280, %dma_start3A_281] : memref<2560x16xf32, #tpu.memory_space<vmem>> -> memref<1280x16xf32, #tpu.memory_space<vmem>>
        %dma_start3A_283 = arith.constant 1280 : i32
        %dma_start3A_284 = tpu.memref_slice %arg5[%dma_start3A_283] : memref<2560xi32, #tpu.memory_space<vmem>> -> memref<1280xi32, #tpu.memory_space<vmem>>
        %dma_start3A_285 = arith.constant 0 : i32
        %dma_start3A_286 = arith.constant 0 : i32
        %dma_start3A_287 = tpu.memref_slice %arg3[%dma_start3A_285, %dma_start3A_286] : memref<1000000x16xf32, #tpu.memory_space<hbm>> -> memref<1000000x16xf32, #tpu.memory_space<hbm>>
        tpu.enqueue_indirect_dma source(%dma_start3A_287 : memref<1000000x16xf32, #tpu.memory_space<hbm>>) target(%dma_start3A_282 : memref<1280x16xf32, #tpu.memory_space<vmem>>) offsets(%dma_start3A_284 : memref<1280xi32, #tpu.memory_space<vmem>>) semaphore(%arg13 : memref<!tpu.dma_semaphore, #tpu.memory_space<semaphore_mem>>)
      } else {
      }
      %scan3A_213 = arith.constant 0 : i32
      %scan3A_214 = arith.constant 0 : i32
      %scan3A_215 = arith.constant 8 : i32
      %scan3A_216 = arith.addi %scan3A_214, %scan3A_215 : i32
      %scan3A_217 = arith.constant 1 : i32
      %scan3A_218 = scf.for %scan3A_270 = %scan3A_214 to %scan3A_216 step %scan3A_217 iter_args(%scan3A_271 = %scan3A_213) -> (i32)  : i32 {
        %mul3A_272 = arith.constant 16 : i32
        %mul3A_273 = arith.muli %scan3A_270, %mul3A_272 : i32
        %broadcast_in_dim3A = arith.constant 0.000000e+00 : f32
        %broadcast_in_dim3A_274 = vector.broadcast %broadcast_in_dim3A : f32 to vector<16xf32>
        %add3A_275 = arith.constant 0 : i32
        %add3A_276 = arith.addi %add3A_275, %mul3A_273 : i32
        %get3A = arith.index_cast %add3A_276 : i32 to index
        %get3A_277 = tpu.vector_load %arg6[%get3A] {strides = array<i32>} : memref<2560xi32, #tpu.memory_space<vmem>>, vector<16xi32>,
        %gt3A = arith.constant 0 : i32
        %gt3A_278 = vector.broadcast %gt3A : i32 to vector<16xi32>
        %gt3A_279 = arith.cmpi sgt, %get3A_277, %gt3A_278 : vector<16xi32>
        %convert_element_type3A_280 = arith.extui %gt3A_279 : vector<16xi1> to vector<16xi32>
        %convert_element_type3A_281 = arith.sitofp %convert_element_type3A_280 : vector<16xi32> to vector<16xf32>
        %add3A_282 = arith.addf %broadcast_in_dim3A_274, %convert_element_type3A_281 : vector<16xf32>
        %add3A_283 = arith.constant 128 : i32
        %add3A_284 = arith.addi %add3A_283, %mul3A_273 : i32
        %get3A_285 = arith.index_cast %add3A_284 : i32 to index
        %get3A_286 = tpu.vector_load %arg6[%get3A_285] {strides = array<i32>} : memref<2560xi32, #tpu.memory_space<vmem>>, vector<16xi32>,
        %gt3A_287 = arith.constant 0 : i32
        %gt3A_288 = vector.broadcast %gt3A_287 : i32 to vector<16xi32>
        %gt3A_289 = arith.cmpi sgt, %get3A_286, %gt3A_288 : vector<16xi32>
        %convert_element_type3A_290 = arith.extui %gt3A_289 : vector<16xi1> to vector<16xi32>
        %convert_element_type3A_291 = arith.sitofp %convert_element_type3A_290 : vector<16xi32> to vector<16xf32>
        %add3A_292 = arith.addf %add3A_282, %convert_element_type3A_291 : vector<16xf32>
        %add3A_293 = arith.constant 256 : i32
        %add3A_294 = arith.addi %add3A_293, %mul3A_273 : i32
        %get3A_295 = arith.index_cast %add3A_294 : i32 to index
        %get3A_296 = tpu.vector_load %arg6[%get3A_295] {strides = array<i32>} : memref<2560xi32, #tpu.memory_space<vmem>>, vector<16xi32>,
        %gt3A_297 = arith.constant 0 : i32
        %gt3A_298 = vector.broadcast %gt3A_297 : i32 to vector<16xi32>
        %gt3A_299 = arith.cmpi sgt, %get3A_296, %gt3A_298 : vector<16xi32>
        %convert_element_type3A_300 = arith.extui %gt3A_299 : vector<16xi1> to vector<16xi32>
        %convert_element_type3A_301 = arith.sitofp %convert_element_type3A_300 : vector<16xi32> to vector<16xf32>
        %add3A_302 = arith.addf %add3A_292, %convert_element_type3A_301 : vector<16xf32>
        %add3A_303 = arith.constant 384 : i32
        %add3A_304 = arith.addi %add3A_303, %mul3A_273 : i32
        %get3A_305 = arith.index_cast %add3A_304 : i32 to index
        %get3A_306 = tpu.vector_load %arg6[%get3A_305] {strides = array<i32>} : memref<2560xi32, #tpu.memory_space<vmem>>, vector<16xi32>,
        %gt3A_307 = arith.constant 0 : i32
        %gt3A_308 = vector.broadcast %gt3A_307 : i32 to vector<16xi32>
        %gt3A_309 = arith.cmpi sgt, %get3A_306, %gt3A_308 : vector<16xi32>
        %convert_element_type3A_310 = arith.extui %gt3A_309 : vector<16xi1> to vector<16xi32>
        %convert_element_type3A_311 = arith.sitofp %convert_element_type3A_310 : vector<16xi32> to vector<16xf32>
        %add3A_312 = arith.addf %add3A_302, %convert_element_type3A_311 : vector<16xf32>
        %add3A_313 = arith.constant 512 : i32
        %add3A_314 = arith.addi %add3A_313, %mul3A_273 : i32
        %get3A_315 = arith.index_cast %add3A_314 : i32 to index
        %get3A_316 = tpu.vector_load %arg6[%get3A_315] {strides = array<i32>} : memref<2560xi32, #tpu.memory_space<vmem>>, vector<16xi32>,
        %gt3A_317 = arith.constant 0 : i32
        %gt3A_318 = vector.broadcast %gt3A_317 : i32 to vector<16xi32>
        %gt3A_319 = arith.cmpi sgt, %get3A_316, %gt3A_318 : vector<16xi32>
        %convert_element_type3A_320 = arith.extui %gt3A_319 : vector<16xi1> to vector<16xi32>
        %convert_element_type3A_321 = arith.sitofp %convert_element_type3A_320 : vector<16xi32> to vector<16xf32>
        %add3A_322 = arith.addf %add3A_312, %convert_element_type3A_321 : vector<16xf32>
        %add3A_323 = arith.constant 640 : i32
        %add3A_324 = arith.addi %add3A_323, %mul3A_273 : i32
        %get3A_325 = arith.index_cast %add3A_324 : i32 to index
        %get3A_326 = tpu.vector_load %arg6[%get3A_325] {strides = array<i32>} : memref<2560xi32, #tpu.memory_space<vmem>>, vector<16xi32>,
        %gt3A_327 = arith.constant 0 : i32
        %gt3A_328 = vector.broadcast %gt3A_327 : i32 to vector<16xi32>
        %gt3A_329 = arith.cmpi sgt, %get3A_326, %gt3A_328 : vector<16xi32>
        %convert_element_type3A_330 = arith.extui %gt3A_329 : vector<16xi1> to vector<16xi32>
        %convert_element_type3A_331 = arith.sitofp %convert_element_type3A_330 : vector<16xi32> to vector<16xf32>
        %add3A_332 = arith.addf %add3A_322, %convert_element_type3A_331 : vector<16xf32>
        %add3A_333 = arith.constant 768 : i32
        %add3A_334 = arith.addi %add3A_333, %mul3A_273 : i32
        %get3A_335 = arith.index_cast %add3A_334 : i32 to index
        %get3A_336 = tpu.vector_load %arg6[%get3A_335] {strides = array<i32>} : memref<2560xi32, #tpu.memory_space<vmem>>, vector<16xi32>,
        %gt3A_337 = arith.constant 0 : i32
        %gt3A_338 = vector.broadcast %gt3A_337 : i32 to vector<16xi32>
        %gt3A_339 = arith.cmpi sgt, %get3A_336, %gt3A_338 : vector<16xi32>
        %convert_element_type3A_340 = arith.extui %gt3A_339 : vector<16xi1> to vector<16xi32>
        %convert_element_type3A_341 = arith.sitofp %convert_element_type3A_340 : vector<16xi32> to vector<16xf32>
        %add3A_342 = arith.addf %add3A_332, %convert_element_type3A_341 : vector<16xf32>
        %add3A_343 = arith.constant 896 : i32
        %add3A_344 = arith.addi %add3A_343, %mul3A_273 : i32
        %get3A_345 = arith.index_cast %add3A_344 : i32 to index
        %get3A_346 = tpu.vector_load %arg6[%get3A_345] {strides = array<i32>} : memref<2560xi32, #tpu.memory_space<vmem>>, vector<16xi32>,
        %gt3A_347 = arith.constant 0 : i32
        %gt3A_348 = vector.broadcast %gt3A_347 : i32 to vector<16xi32>
        %gt3A_349 = arith.cmpi sgt, %get3A_346, %gt3A_348 : vector<16xi32>
        %convert_element_type3A_350 = arith.extui %gt3A_349 : vector<16xi1> to vector<16xi32>
        %convert_element_type3A_351 = arith.sitofp %convert_element_type3A_350 : vector<16xi32> to vector<16xf32>
        %add3A_352 = arith.addf %add3A_342, %convert_element_type3A_351 : vector<16xf32>
        %add3A_353 = arith.constant 1024 : i32
        %add3A_354 = arith.addi %add3A_353, %mul3A_273 : i32
        %get3A_355 = arith.index_cast %add3A_354 : i32 to index
        %get3A_356 = tpu.vector_load %arg6[%get3A_355] {strides = array<i32>} : memref<2560xi32, #tpu.memory_space<vmem>>, vector<16xi32>,
        %gt3A_357 = arith.constant 0 : i32
        %gt3A_358 = vector.broadcast %gt3A_357 : i32 to vector<16xi32>
        %gt3A_359 = arith.cmpi sgt, %get3A_356, %gt3A_358 : vector<16xi32>
        %convert_element_type3A_360 = arith.extui %gt3A_359 : vector<16xi1> to vector<16xi32>
        %convert_element_type3A_361 = arith.sitofp %convert_element_type3A_360 : vector<16xi32> to vector<16xf32>
        %add3A_362 = arith.addf %add3A_352, %convert_element_type3A_361 : vector<16xf32>
        %add3A_363 = arith.constant 1152 : i32
        %add3A_364 = arith.addi %add3A_363, %mul3A_273 : i32
        %get3A_365 = arith.index_cast %add3A_364 : i32 to index
        %get3A_366 = tpu.vector_load %arg6[%get3A_365] {strides = array<i32>} : memref<2560xi32, #tpu.memory_space<vmem>>, vector<16xi32>,
        %gt3A_367 = arith.constant 0 : i32
        %gt3A_368 = vector.broadcast %gt3A_367 : i32 to vector<16xi32>
        %gt3A_369 = arith.cmpi sgt, %get3A_366, %gt3A_368 : vector<16xi32>
        %convert_element_type3A_370 = arith.extui %gt3A_369 : vector<16xi1> to vector<16xi32>
        %convert_element_type3A_371 = arith.sitofp %convert_element_type3A_370 : vector<16xi32> to vector<16xf32>
        %add3A_372 = arith.addf %add3A_362, %convert_element_type3A_371 : vector<16xf32>
        %add3A_373 = arith.constant 1280 : i32
        %add3A_374 = arith.addi %add3A_373, %mul3A_273 : i32
        %get3A_375 = arith.index_cast %add3A_374 : i32 to index
        %get3A_376 = tpu.vector_load %arg6[%get3A_375] {strides = array<i32>} : memref<2560xi32, #tpu.memory_space<vmem>>, vector<16xi32>,
        %gt3A_377 = arith.constant 0 : i32
        %gt3A_378 = vector.broadcast %gt3A_377 : i32 to vector<16xi32>
        %gt3A_379 = arith.cmpi sgt, %get3A_376, %gt3A_378 : vector<16xi32>
        %convert_element_type3A_380 = arith.extui %gt3A_379 : vector<16xi1> to vector<16xi32>
        %convert_element_type3A_381 = arith.sitofp %convert_element_type3A_380 : vector<16xi32> to vector<16xf32>
        %add3A_382 = arith.addf %add3A_372, %convert_element_type3A_381 : vector<16xf32>
        %add3A_383 = arith.constant 1408 : i32
        %add3A_384 = arith.addi %add3A_383, %mul3A_273 : i32
        %get3A_385 = arith.index_cast %add3A_384 : i32 to index
        %get3A_386 = tpu.vector_load %arg6[%get3A_385] {strides = array<i32>} : memref<2560xi32, #tpu.memory_space<vmem>>, vector<16xi32>,
        %gt3A_387 = arith.constant 0 : i32
        %gt3A_388 = vector.broadcast %gt3A_387 : i32 to vector<16xi32>
        %gt3A_389 = arith.cmpi sgt, %get3A_386, %gt3A_388 : vector<16xi32>
        %convert_element_type3A_390 = arith.extui %gt3A_389 : vector<16xi1> to vector<16xi32>
        %convert_element_type3A_391 = arith.sitofp %convert_element_type3A_390 : vector<16xi32> to vector<16xf32>
        %add3A_392 = arith.addf %add3A_382, %convert_element_type3A_391 : vector<16xf32>
        %add3A_393 = arith.constant 1536 : i32
        %add3A_394 = arith.addi %add3A_393, %mul3A_273 : i32
        %get3A_395 = arith.index_cast %add3A_394 : i32 to index
        %get3A_396 = tpu.vector_load %arg6[%get3A_395] {strides = array<i32>} : memref<2560xi32, #tpu.memory_space<vmem>>, vector<16xi32>,
        %gt3A_397 = arith.constant 0 : i32
        %gt3A_398 = vector.broadcast %gt3A_397 : i32 to vector<16xi32>
        %gt3A_399 = arith.cmpi sgt, %get3A_396, %gt3A_398 : vector<16xi32>
        %convert_element_type3A_400 = arith.extui %gt3A_399 : vector<16xi1> to vector<16xi32>
        %convert_element_type3A_401 = arith.sitofp %convert_element_type3A_400 : vector<16xi32> to vector<16xf32>
        %add3A_402 = arith.addf %add3A_392, %convert_element_type3A_401 : vector<16xf32>
        %add3A_403 = arith.constant 1664 : i32
        %add3A_404 = arith.addi %add3A_403, %mul3A_273 : i32
        %get3A_405 = arith.index_cast %add3A_404 : i32 to index
        %get3A_406 = tpu.vector_load %arg6[%get3A_405] {strides = array<i32>} : memref<2560xi32, #tpu.memory_space<vmem>>, vector<16xi32>,
        %gt3A_407 = arith.constant 0 : i32
        %gt3A_408 = vector.broadcast %gt3A_407 : i32 to vector<16xi32>
        %gt3A_409 = arith.cmpi sgt, %get3A_406, %gt3A_408 : vector<16xi32>
        %convert_element_type3A_410 = arith.extui %gt3A_409 : vector<16xi1> to vector<16xi32>
        %convert_element_type3A_411 = arith.sitofp %convert_element_type3A_410 : vector<16xi32> to vector<16xf32>
        %add3A_412 = arith.addf %add3A_402, %convert_element_type3A_411 : vector<16xf32>
        %add3A_413 = arith.constant 1792 : i32
        %add3A_414 = arith.addi %add3A_413, %mul3A_273 : i32
        %get3A_415 = arith.index_cast %add3A_414 : i32 to index
        %get3A_416 = tpu.vector_load %arg6[%get3A_415] {strides = array<i32>} : memref<2560xi32, #tpu.memory_space<vmem>>, vector<16xi32>,
        %gt3A_417 = arith.constant 0 : i32
        %gt3A_418 = vector.broadcast %gt3A_417 : i32 to vector<16xi32>
        %gt3A_419 = arith.cmpi sgt, %get3A_416, %gt3A_418 : vector<16xi32>
        %convert_element_type3A_420 = arith.extui %gt3A_419 : vector<16xi1> to vector<16xi32>
        %convert_element_type3A_421 = arith.sitofp %convert_element_type3A_420 : vector<16xi32> to vector<16xf32>
        %add3A_422 = arith.addf %add3A_412, %convert_element_type3A_421 : vector<16xf32>
        %add3A_423 = arith.constant 1920 : i32
        %add3A_424 = arith.addi %add3A_423, %mul3A_273 : i32
        %get3A_425 = arith.index_cast %add3A_424 : i32 to index
        %get3A_426 = tpu.vector_load %arg6[%get3A_425] {strides = array<i32>} : memref<2560xi32, #tpu.memory_space<vmem>>, vector<16xi32>,
        %gt3A_427 = arith.constant 0 : i32
        %gt3A_428 = vector.broadcast %gt3A_427 : i32 to vector<16xi32>
        %gt3A_429 = arith.cmpi sgt, %get3A_426, %gt3A_428 : vector<16xi32>
        %convert_element_type3A_430 = arith.extui %gt3A_429 : vector<16xi1> to vector<16xi32>
        %convert_element_type3A_431 = arith.sitofp %convert_element_type3A_430 : vector<16xi32> to vector<16xf32>
        %add3A_432 = arith.addf %add3A_422, %convert_element_type3A_431 : vector<16xf32>
        %add3A_433 = arith.constant 2048 : i32
        %add3A_434 = arith.addi %add3A_433, %mul3A_273 : i32
        %get3A_435 = arith.index_cast %add3A_434 : i32 to index
        %get3A_436 = tpu.vector_load %arg6[%get3A_435] {strides = array<i32>} : memref<2560xi32, #tpu.memory_space<vmem>>, vector<16xi32>,
        %gt3A_437 = arith.constant 0 : i32
        %gt3A_438 = vector.broadcast %gt3A_437 : i32 to vector<16xi32>
        %gt3A_439 = arith.cmpi sgt, %get3A_436, %gt3A_438 : vector<16xi32>
        %convert_element_type3A_440 = arith.extui %gt3A_439 : vector<16xi1> to vector<16xi32>
        %convert_element_type3A_441 = arith.sitofp %convert_element_type3A_440 : vector<16xi32> to vector<16xf32>
        %add3A_442 = arith.addf %add3A_432, %convert_element_type3A_441 : vector<16xf32>
        %add3A_443 = arith.constant 2176 : i32
        %add3A_444 = arith.addi %add3A_443, %mul3A_273 : i32
        %get3A_445 = arith.index_cast %add3A_444 : i32 to index
        %get3A_446 = tpu.vector_load %arg6[%get3A_445] {strides = array<i32>} : memref<2560xi32, #tpu.memory_space<vmem>>, vector<16xi32>,
        %gt3A_447 = arith.constant 0 : i32
        %gt3A_448 = vector.broadcast %gt3A_447 : i32 to vector<16xi32>
        %gt3A_449 = arith.cmpi sgt, %get3A_446, %gt3A_448 : vector<16xi32>
        %convert_element_type3A_450 = arith.extui %gt3A_449 : vector<16xi1> to vector<16xi32>
        %convert_element_type3A_451 = arith.sitofp %convert_element_type3A_450 : vector<16xi32> to vector<16xf32>
        %add3A_452 = arith.addf %add3A_442, %convert_element_type3A_451 : vector<16xf32>
        %add3A_453 = arith.constant 2304 : i32
        %add3A_454 = arith.addi %add3A_453, %mul3A_273 : i32
        %get3A_455 = arith.index_cast %add3A_454 : i32 to index
        %get3A_456 = tpu.vector_load %arg6[%get3A_455] {strides = array<i32>} : memref<2560xi32, #tpu.memory_space<vmem>>, vector<16xi32>,
        %gt3A_457 = arith.constant 0 : i32
        %gt3A_458 = vector.broadcast %gt3A_457 : i32 to vector<16xi32>
        %gt3A_459 = arith.cmpi sgt, %get3A_456, %gt3A_458 : vector<16xi32>
        %convert_element_type3A_460 = arith.extui %gt3A_459 : vector<16xi1> to vector<16xi32>
        %convert_element_type3A_461 = arith.sitofp %convert_element_type3A_460 : vector<16xi32> to vector<16xf32>
        %add3A_462 = arith.addf %add3A_452, %convert_element_type3A_461 : vector<16xf32>
        %add3A_463 = arith.constant 2432 : i32
        %add3A_464 = arith.addi %add3A_463, %mul3A_273 : i32
        %get3A_465 = arith.index_cast %add3A_464 : i32 to index
        %get3A_466 = tpu.vector_load %arg6[%get3A_465] {strides = array<i32>} : memref<2560xi32, #tpu.memory_space<vmem>>, vector<16xi32>,
        %gt3A_467 = arith.constant 0 : i32
        %gt3A_468 = vector.broadcast %gt3A_467 : i32 to vector<16xi32>
        %gt3A_469 = arith.cmpi sgt, %get3A_466, %gt3A_468 : vector<16xi32>
        %convert_element_type3A_470 = arith.extui %gt3A_469 : vector<16xi1> to vector<16xi32>
        %convert_element_type3A_471 = arith.sitofp %convert_element_type3A_470 : vector<16xi32> to vector<16xf32>
        %add3A_472 = arith.addf %add3A_462, %convert_element_type3A_471 : vector<16xf32>
        %add3A_473 = arith.constant 9.99999997E-7 : f32
        %add3A_474 = vector.broadcast %add3A_473 : f32 to vector<16xf32>
        %add3A_475 = arith.addf %add3A_472, %add3A_474 : vector<16xf32>
        %div3A = arith.constant 1.000000e+00 : f32
        %div3A_476 = vector.broadcast %div3A : f32 to vector<16xf32>
        %div3A_477 = arith.divf %div3A_476, %add3A_475 : vector<16xf32>
        %swap3A = arith.index_cast %mul3A_273 : i32 to index
        %swap3A_478 = tpu.vector_load %arg12[%swap3A] {strides = array<i32>} : memref<128xf32, #tpu.memory_space<vmem>>, vector<16xf32>,
        tpu.vector_store %arg12[%swap3A], %div3A_477 {strides = array<i32>} : memref<128xf32, #tpu.memory_space<vmem>>, vector<16xf32>,
        %scan3A_479 = arith.constant 0 : i32
        scf.yield %scan3A_479 : i32
      }
      %scan3A_219 = arith.constant 8 : i32
      %add3A_220 = arith.constant 2 : i32
      %add3A_221 = arith.addi %add3A_112, %add3A_220 : i32
      %lt3A_222 = arith.constant 50 : i32
      %lt3A_223 = arith.cmpi slt, %add3A_221, %lt3A_222 : i32
      %convert_element_type3A_224 = arith.extui %lt3A_223 : i1 to i32
      %cond3A_225 = arith.constant 0 : i32
      %cond3A_226 = arith.cmpi ne, %convert_element_type3A_224, %cond3A_225 : i32
      scf.if %cond3A_226 {
        %add3A_270 = arith.constant 2 : i32
        %add3A_271 = arith.addi %add3A_112, %add3A_270 : i32
        %mul3A_272 = arith.constant 2560 : i32
        %mul3A_273 = arith.muli %add3A_271, %mul3A_272 : i32
        %dma_start3A_274 = tpu.memref_slice %arg2[%add3A, %mul3A_273] : memref<32x128000xi32, #tpu.memory_space<hbm>> -> memref<1x2560xi32, #tpu.memory_space<hbm>>
        %dma_start3A_275 = tpu.memref_squeeze %dma_start3A_274 : memref<1x2560xi32, #tpu.memory_space<hbm>> -> memref<2560xi32, #tpu.memory_space<hbm>>
        %dma_start3A_276 = tpu.memref_slice %arg2[%add3A, %mul3A_273] : memref<32x128000xi32, #tpu.memory_space<hbm>> -> memref<1x2560xi32, #tpu.memory_space<hbm>>
        %dma_start3A_277 = tpu.memref_squeeze %dma_start3A_276 : memref<1x2560xi32, #tpu.memory_space<hbm>> -> memref<2560xi32, #tpu.memory_space<hbm>>
        tpu.enqueue_dma source(%dma_start3A_277 : memref<2560xi32, #tpu.memory_space<hbm>>) target(%arg6 : memref<2560xi32, #tpu.memory_space<vmem>>) target_semaphore(%arg16 : memref<!tpu.dma_semaphore, #tpu.memory_space<semaphore_mem>>)
      } else {
      }
      %ge3A_227 = arith.constant 2 : i32
      %ge3A_228 = arith.cmpi sge, %add3A_112, %ge3A_227 : i32
      %convert_element_type3A_229 = arith.extui %ge3A_228 : i1 to i32
      %cond3A_230 = arith.constant 0 : i32
      %cond3A_231 = arith.cmpi ne, %convert_element_type3A_229, %cond3A_230 : i32
      scf.if %cond3A_231 {
        %dma_wait3A_270 = arith.constant 0 : i32
        %dma_wait3A_271 = arith.constant 0 : i32
        %dma_wait3A_272 = arith.constant 0 : i32
        %dma_wait3A_273 = arith.constant 0 : i32
        %dma_wait3A_274 = arith.constant 0 : i32
        %dma_wait3A_275 = tpu.memref_slice %arg10[%dma_wait3A_273, %dma_wait3A_274] : memref<16x128xf32, #tpu.memory_space<vmem>> -> memref<8x128xf32, #tpu.memory_space<vmem>>
        %dma_wait3A_276 = arith.constant 0 : i32
        %dma_wait3A_277 = arith.constant 0 : i32
        %dma_wait3A_278 = tpu.memref_slice %arg4[%dma_wait3A_270, %dma_wait3A_271, %dma_wait3A_272, %dma_wait3A_276, %dma_wait3A_277] : memref<50x2x32x8x128xf32, #tpu.memory_space<hbm>> -> memref<1x1x1x8x128xf32, #tpu.memory_space<hbm>>
        %dma_wait3A_279 = tpu.memref_squeeze %dma_wait3A_278 : memref<1x1x1x8x128xf32, #tpu.memory_space<hbm>> -> memref<8x128xf32, #tpu.memory_space<hbm>>
        %dma_wait3A_280 = arith.constant 0 : i32
        %dma_wait3A_281 = arith.constant 0 : i32
        %dma_wait3A_282 = tpu.memref_slice %arg10[%dma_wait3A_280, %dma_wait3A_281] : memref<16x128xf32, #tpu.memory_space<vmem>> -> memref<8x128xf32, #tpu.memory_space<vmem>>
        %dma_wait3A_283 = arith.constant 0 : i32
        %dma_wait3A_284 = arith.constant 0 : i32
        %dma_wait3A_285 = tpu.memref_slice %arg4[%dma_wait3A_270, %dma_wait3A_271, %dma_wait3A_272, %dma_wait3A_283, %dma_wait3A_284] : memref<50x2x32x8x128xf32, #tpu.memory_space<hbm>> -> memref<1x1x1x8x128xf32, #tpu.memory_space<hbm>>
        %dma_wait3A_286 = tpu.memref_squeeze %dma_wait3A_285 : memref<1x1x1x8x128xf32, #tpu.memory_space<hbm>> -> memref<8x128xf32, #tpu.memory_space<hbm>>
        tpu.wait_dma2 semaphore(%arg18 : memref<!tpu.dma_semaphore, #tpu.memory_space<semaphore_mem>>) src(%dma_wait3A_286 : memref<8x128xf32, #tpu.memory_space<hbm>>) dst(%dma_wait3A_282 : memref<8x128xf32, #tpu.memory_space<vmem>>)
        %dma_wait3A_287 = arith.constant 0 : i32
        %dma_wait3A_288 = arith.constant 0 : i32
        %dma_wait3A_289 = arith.constant 0 : i32
        %dma_wait3A_290 = arith.constant 8 : i32
        %dma_wait3A_291 = arith.constant 0 : i32
        %dma_wait3A_292 = tpu.memref_slice %arg10[%dma_wait3A_290, %dma_wait3A_291] : memref<16x128xf32, #tpu.memory_space<vmem>> -> memref<8x128xf32, #tpu.memory_space<vmem>>
        %dma_wait3A_293 = arith.constant 0 : i32
        %dma_wait3A_294 = arith.constant 0 : i32
        %dma_wait3A_295 = tpu.memref_slice %arg4[%dma_wait3A_287, %dma_wait3A_288, %dma_wait3A_289, %dma_wait3A_293, %dma_wait3A_294] : memref<50x2x32x8x128xf32, #tpu.memory_space<hbm>> -> memref<1x1x1x8x128xf32, #tpu.memory_space<hbm>>
        %dma_wait3A_296 = tpu.memref_squeeze %dma_wait3A_295 : memref<1x1x1x8x128xf32, #tpu.memory_space<hbm>> -> memref<8x128xf32, #tpu.memory_space<hbm>>
        %dma_wait3A_297 = arith.constant 8 : i32
        %dma_wait3A_298 = arith.constant 0 : i32
        %dma_wait3A_299 = tpu.memref_slice %arg10[%dma_wait3A_297, %dma_wait3A_298] : memref<16x128xf32, #tpu.memory_space<vmem>> -> memref<8x128xf32, #tpu.memory_space<vmem>>
        %dma_wait3A_300 = arith.constant 0 : i32
        %dma_wait3A_301 = arith.constant 0 : i32
        %dma_wait3A_302 = tpu.memref_slice %arg4[%dma_wait3A_287, %dma_wait3A_288, %dma_wait3A_289, %dma_wait3A_300, %dma_wait3A_301] : memref<50x2x32x8x128xf32, #tpu.memory_space<hbm>> -> memref<1x1x1x8x128xf32, #tpu.memory_space<hbm>>
        %dma_wait3A_303 = tpu.memref_squeeze %dma_wait3A_302 : memref<1x1x1x8x128xf32, #tpu.memory_space<hbm>> -> memref<8x128xf32, #tpu.memory_space<hbm>>
        tpu.wait_dma2 semaphore(%arg18 : memref<!tpu.dma_semaphore, #tpu.memory_space<semaphore_mem>>) src(%dma_wait3A_303 : memref<8x128xf32, #tpu.memory_space<hbm>>) dst(%dma_wait3A_299 : memref<8x128xf32, #tpu.memory_space<vmem>>)
      } else {
      }
      %scan3A_232 = arith.constant 0 : i32
      %scan3A_233 = arith.constant 0 : i32
      %scan3A_234 = arith.constant 8 : i32
      %scan3A_235 = arith.addi %scan3A_233, %scan3A_234 : i32
      %scan3A_236 = arith.constant 1 : i32
      %scan3A_237 = scf.for %scan3A_270 = %scan3A_233 to %scan3A_235 step %scan3A_236 iter_args(%scan3A_271 = %scan3A_232) -> (i32)  : i32 {
        %mul3A_272 = arith.constant 16 : i32
        %mul3A_273 = arith.muli %scan3A_270, %mul3A_272 : i32
        %get3A = arith.index_cast %mul3A_273 : i32 to index
        %get3A_274 = tpu.vector_load %arg12[%get3A] {strides = array<i32>} : memref<128xf32, #tpu.memory_space<vmem>>, vector<16xf32>,
        %add3A_275 = arith.constant 0 : i32
        %add3A_276 = arith.addi %mul3A_273, %add3A_275 : i32
        %get3A_277 = arith.index_cast %add3A_276 : i32 to index
        %get3A_278 = arith.constant 0 : index
        %get3A_279 = tpu.vector_load %arg8[%get3A_277, %get3A_278] {strides = array<i32>} : memref<2560x16xf32, #tpu.memory_space<vmem>>, vector<16xf32>,
        %add3A_280 = arith.constant 128 : i32
        %add3A_281 = arith.addi %add3A_280, %add3A_276 : i32
        %get3A_282 = arith.index_cast %add3A_281 : i32 to index
        %get3A_283 = arith.constant 0 : index
        %get3A_284 = tpu.vector_load %arg8[%get3A_282, %get3A_283] {strides = array<i32>} : memref<2560x16xf32, #tpu.memory_space<vmem>>, vector<16xf32>,
        %add3A_285 = arith.addf %get3A_279, %get3A_284 : vector<16xf32>
        %add3A_286 = arith.constant 256 : i32
        %add3A_287 = arith.addi %add3A_286, %add3A_276 : i32
        %get3A_288 = arith.index_cast %add3A_287 : i32 to index
        %get3A_289 = arith.constant 0 : index
        %get3A_290 = tpu.vector_load %arg8[%get3A_288, %get3A_289] {strides = array<i32>} : memref<2560x16xf32, #tpu.memory_space<vmem>>, vector<16xf32>,
        %add3A_291 = arith.addf %add3A_285, %get3A_290 : vector<16xf32>
        %add3A_292 = arith.constant 384 : i32
        %add3A_293 = arith.addi %add3A_292, %add3A_276 : i32
        %get3A_294 = arith.index_cast %add3A_293 : i32 to index
        %get3A_295 = arith.constant 0 : index
        %get3A_296 = tpu.vector_load %arg8[%get3A_294, %get3A_295] {strides = array<i32>} : memref<2560x16xf32, #tpu.memory_space<vmem>>, vector<16xf32>,
        %add3A_297 = arith.addf %add3A_291, %get3A_296 : vector<16xf32>
        %add3A_298 = arith.constant 512 : i32
        %add3A_299 = arith.addi %add3A_298, %add3A_276 : i32
        %get3A_300 = arith.index_cast %add3A_299 : i32 to index
        %get3A_301 = arith.constant 0 : index
        %get3A_302 = tpu.vector_load %arg8[%get3A_300, %get3A_301] {strides = array<i32>} : memref<2560x16xf32, #tpu.memory_space<vmem>>, vector<16xf32>,
        %add3A_303 = arith.addf %add3A_297, %get3A_302 : vector<16xf32>
        %add3A_304 = arith.constant 640 : i32
        %add3A_305 = arith.addi %add3A_304, %add3A_276 : i32
        %get3A_306 = arith.index_cast %add3A_305 : i32 to index
        %get3A_307 = arith.constant 0 : index
        %get3A_308 = tpu.vector_load %arg8[%get3A_306, %get3A_307] {strides = array<i32>} : memref<2560x16xf32, #tpu.memory_space<vmem>>, vector<16xf32>,
        %add3A_309 = arith.addf %add3A_303, %get3A_308 : vector<16xf32>
        %add3A_310 = arith.constant 768 : i32
        %add3A_311 = arith.addi %add3A_310, %add3A_276 : i32
        %get3A_312 = arith.index_cast %add3A_311 : i32 to index
        %get3A_313 = arith.constant 0 : index
        %get3A_314 = tpu.vector_load %arg8[%get3A_312, %get3A_313] {strides = array<i32>} : memref<2560x16xf32, #tpu.memory_space<vmem>>, vector<16xf32>,
        %add3A_315 = arith.addf %add3A_309, %get3A_314 : vector<16xf32>
        %add3A_316 = arith.constant 896 : i32
        %add3A_317 = arith.addi %add3A_316, %add3A_276 : i32
        %get3A_318 = arith.index_cast %add3A_317 : i32 to index
        %get3A_319 = arith.constant 0 : index
        %get3A_320 = tpu.vector_load %arg8[%get3A_318, %get3A_319] {strides = array<i32>} : memref<2560x16xf32, #tpu.memory_space<vmem>>, vector<16xf32>,
        %add3A_321 = arith.addf %add3A_315, %get3A_320 : vector<16xf32>
        %add3A_322 = arith.constant 1024 : i32
        %add3A_323 = arith.addi %add3A_322, %add3A_276 : i32
        %get3A_324 = arith.index_cast %add3A_323 : i32 to index
        %get3A_325 = arith.constant 0 : index
        %get3A_326 = tpu.vector_load %arg8[%get3A_324, %get3A_325] {strides = array<i32>} : memref<2560x16xf32, #tpu.memory_space<vmem>>, vector<16xf32>,
        %add3A_327 = arith.addf %add3A_321, %get3A_326 : vector<16xf32>
        %add3A_328 = arith.constant 1152 : i32
        %add3A_329 = arith.addi %add3A_328, %add3A_276 : i32
        %get3A_330 = arith.index_cast %add3A_329 : i32 to index
        %get3A_331 = arith.constant 0 : index
        %get3A_332 = tpu.vector_load %arg8[%get3A_330, %get3A_331] {strides = array<i32>} : memref<2560x16xf32, #tpu.memory_space<vmem>>, vector<16xf32>,
        %add3A_333 = arith.addf %add3A_327, %get3A_332 : vector<16xf32>
        %add3A_334 = arith.constant 1280 : i32
        %add3A_335 = arith.addi %add3A_334, %add3A_276 : i32
        %get3A_336 = arith.index_cast %add3A_335 : i32 to index
        %get3A_337 = arith.constant 0 : index
        %get3A_338 = tpu.vector_load %arg8[%get3A_336, %get3A_337] {strides = array<i32>} : memref<2560x16xf32, #tpu.memory_space<vmem>>, vector<16xf32>,
        %add3A_339 = arith.addf %add3A_333, %get3A_338 : vector<16xf32>
        %add3A_340 = arith.constant 1408 : i32
        %add3A_341 = arith.addi %add3A_340, %add3A_276 : i32
        %get3A_342 = arith.index_cast %add3A_341 : i32 to index
        %get3A_343 = arith.constant 0 : index
        %get3A_344 = tpu.vector_load %arg8[%get3A_342, %get3A_343] {strides = array<i32>} : memref<2560x16xf32, #tpu.memory_space<vmem>>, vector<16xf32>,
        %add3A_345 = arith.addf %add3A_339, %get3A_344 : vector<16xf32>
        %add3A_346 = arith.constant 1536 : i32
        %add3A_347 = arith.addi %add3A_346, %add3A_276 : i32
        %get3A_348 = arith.index_cast %add3A_347 : i32 to index
        %get3A_349 = arith.constant 0 : index
        %get3A_350 = tpu.vector_load %arg8[%get3A_348, %get3A_349] {strides = array<i32>} : memref<2560x16xf32, #tpu.memory_space<vmem>>, vector<16xf32>,
        %add3A_351 = arith.addf %add3A_345, %get3A_350 : vector<16xf32>
        %add3A_352 = arith.constant 1664 : i32
        %add3A_353 = arith.addi %add3A_352, %add3A_276 : i32
        %get3A_354 = arith.index_cast %add3A_353 : i32 to index
        %get3A_355 = arith.constant 0 : index
        %get3A_356 = tpu.vector_load %arg8[%get3A_354, %get3A_355] {strides = array<i32>} : memref<2560x16xf32, #tpu.memory_space<vmem>>, vector<16xf32>,
        %add3A_357 = arith.addf %add3A_351, %get3A_356 : vector<16xf32>
        %add3A_358 = arith.constant 1792 : i32
        %add3A_359 = arith.addi %add3A_358, %add3A_276 : i32
        %get3A_360 = arith.index_cast %add3A_359 : i32 to index
        %get3A_361 = arith.constant 0 : index
        %get3A_362 = tpu.vector_load %arg8[%get3A_360, %get3A_361] {strides = array<i32>} : memref<2560x16xf32, #tpu.memory_space<vmem>>, vector<16xf32>,
        %add3A_363 = arith.addf %add3A_357, %get3A_362 : vector<16xf32>
        %add3A_364 = arith.constant 1920 : i32
        %add3A_365 = arith.addi %add3A_364, %add3A_276 : i32
        %get3A_366 = arith.index_cast %add3A_365 : i32 to index
        %get3A_367 = arith.constant 0 : index
        %get3A_368 = tpu.vector_load %arg8[%get3A_366, %get3A_367] {strides = array<i32>} : memref<2560x16xf32, #tpu.memory_space<vmem>>, vector<16xf32>,
        %add3A_369 = arith.addf %add3A_363, %get3A_368 : vector<16xf32>
        %add3A_370 = arith.constant 2048 : i32
        %add3A_371 = arith.addi %add3A_370, %add3A_276 : i32
        %get3A_372 = arith.index_cast %add3A_371 : i32 to index
        %get3A_373 = arith.constant 0 : index
        %get3A_374 = tpu.vector_load %arg8[%get3A_372, %get3A_373] {strides = array<i32>} : memref<2560x16xf32, #tpu.memory_space<vmem>>, vector<16xf32>,
        %add3A_375 = arith.addf %add3A_369, %get3A_374 : vector<16xf32>
        %add3A_376 = arith.constant 2176 : i32
        %add3A_377 = arith.addi %add3A_376, %add3A_276 : i32
        %get3A_378 = arith.index_cast %add3A_377 : i32 to index
        %get3A_379 = arith.constant 0 : index
        %get3A_380 = tpu.vector_load %arg8[%get3A_378, %get3A_379] {strides = array<i32>} : memref<2560x16xf32, #tpu.memory_space<vmem>>, vector<16xf32>,
        %add3A_381 = arith.addf %add3A_375, %get3A_380 : vector<16xf32>
        %add3A_382 = arith.constant 2304 : i32
        %add3A_383 = arith.addi %add3A_382, %add3A_276 : i32
        %get3A_384 = arith.index_cast %add3A_383 : i32 to index
        %get3A_385 = arith.constant 0 : index
        %get3A_386 = tpu.vector_load %arg8[%get3A_384, %get3A_385] {strides = array<i32>} : memref<2560x16xf32, #tpu.memory_space<vmem>>, vector<16xf32>,
        %add3A_387 = arith.addf %add3A_381, %get3A_386 : vector<16xf32>
        %add3A_388 = arith.constant 2432 : i32
        %add3A_389 = arith.addi %add3A_388, %add3A_276 : i32
        %get3A_390 = arith.index_cast %add3A_389 : i32 to index
        %get3A_391 = arith.constant 0 : index
        %get3A_392 = tpu.vector_load %arg8[%get3A_390, %get3A_391] {strides = array<i32>} : memref<2560x16xf32, #tpu.memory_space<vmem>>, vector<16xf32>,
        %add3A_393 = arith.addf %add3A_387, %get3A_392 : vector<16xf32>
        %broadcast_in_dim3A = vector.broadcast %add3A_276 : i32 to vector<16xi32>
        %slice3A = vector.extract_strided_slice %get3A_274 {offsets = [0], sizes = [1], strides = [1]} : vector<16xf32> to vector<1xf32>
        %squeeze3A = vector.extract %slice3A[0] : f32 from vector<1xf32>
        %mul3A_394 = vector.broadcast %squeeze3A : f32 to vector<16xf32>
        %mul3A_395 = arith.mulf %add3A_393, %mul3A_394 : vector<16xf32>
        tpu.vector_store_idx %arg10[%iota3A, %broadcast_in_dim3A], %mul3A_395 : memref<16x128xf32, #tpu.memory_space<vmem>>[vector<16xi32>, vector<16xi32>], vector<16xf32>,
        %add3A_396 = arith.constant 1 : i32
        %add3A_397 = arith.addi %mul3A_273, %add3A_396 : i32
        %get3A_398 = arith.index_cast %add3A_397 : i32 to index
        %get3A_399 = arith.constant 0 : index
        %get3A_400 = tpu.vector_load %arg8[%get3A_398, %get3A_399] {strides = array<i32>} : memref<2560x16xf32, #tpu.memory_space<vmem>>, vector<16xf32>,
        %add3A_401 = arith.constant 128 : i32
        %add3A_402 = arith.addi %add3A_401, %add3A_397 : i32
        %get3A_403 = arith.index_cast %add3A_402 : i32 to index
        %get3A_404 = arith.constant 0 : index
        %get3A_405 = tpu.vector_load %arg8[%get3A_403, %get3A_404] {strides = array<i32>} : memref<2560x16xf32, #tpu.memory_space<vmem>>, vector<16xf32>,
        %add3A_406 = arith.addf %get3A_400, %get3A_405 : vector<16xf32>
        %add3A_407 = arith.constant 256 : i32
        %add3A_408 = arith.addi %add3A_407, %add3A_397 : i32
        %get3A_409 = arith.index_cast %add3A_408 : i32 to index
        %get3A_410 = arith.constant 0 : index
        %get3A_411 = tpu.vector_load %arg8[%get3A_409, %get3A_410] {strides = array<i32>} : memref<2560x16xf32, #tpu.memory_space<vmem>>, vector<16xf32>,
        %add3A_412 = arith.addf %add3A_406, %get3A_411 : vector<16xf32>
        %add3A_413 = arith.constant 384 : i32
        %add3A_414 = arith.addi %add3A_413, %add3A_397 : i32
        %get3A_415 = arith.index_cast %add3A_414 : i32 to index
        %get3A_416 = arith.constant 0 : index
        %get3A_417 = tpu.vector_load %arg8[%get3A_415, %get3A_416] {strides = array<i32>} : memref<2560x16xf32, #tpu.memory_space<vmem>>, vector<16xf32>,
        %add3A_418 = arith.addf %add3A_412, %get3A_417 : vector<16xf32>
        %add3A_419 = arith.constant 512 : i32
        %add3A_420 = arith.addi %add3A_419, %add3A_397 : i32
        %get3A_421 = arith.index_cast %add3A_420 : i32 to index
        %get3A_422 = arith.constant 0 : index
        %get3A_423 = tpu.vector_load %arg8[%get3A_421, %get3A_422] {strides = array<i32>} : memref<2560x16xf32, #tpu.memory_space<vmem>>, vector<16xf32>,
        %add3A_424 = arith.addf %add3A_418, %get3A_423 : vector<16xf32>
        %add3A_425 = arith.constant 640 : i32
        %add3A_426 = arith.addi %add3A_425, %add3A_397 : i32
        %get3A_427 = arith.index_cast %add3A_426 : i32 to index
        %get3A_428 = arith.constant 0 : index
        %get3A_429 = tpu.vector_load %arg8[%get3A_427, %get3A_428] {strides = array<i32>} : memref<2560x16xf32, #tpu.memory_space<vmem>>, vector<16xf32>,
        %add3A_430 = arith.addf %add3A_424, %get3A_429 : vector<16xf32>
        %add3A_431 = arith.constant 768 : i32
        %add3A_432 = arith.addi %add3A_431, %add3A_397 : i32
        %get3A_433 = arith.index_cast %add3A_432 : i32 to index
        %get3A_434 = arith.constant 0 : index
        %get3A_435 = tpu.vector_load %arg8[%get3A_433, %get3A_434] {strides = array<i32>} : memref<2560x16xf32, #tpu.memory_space<vmem>>, vector<16xf32>,
        %add3A_436 = arith.addf %add3A_430, %get3A_435 : vector<16xf32>
        %add3A_437 = arith.constant 896 : i32
        %add3A_438 = arith.addi %add3A_437, %add3A_397 : i32
        %get3A_439 = arith.index_cast %add3A_438 : i32 to index
        %get3A_440 = arith.constant 0 : index
        %get3A_441 = tpu.vector_load %arg8[%get3A_439, %get3A_440] {strides = array<i32>} : memref<2560x16xf32, #tpu.memory_space<vmem>>, vector<16xf32>,
        %add3A_442 = arith.addf %add3A_436, %get3A_441 : vector<16xf32>
        %add3A_443 = arith.constant 1024 : i32
        %add3A_444 = arith.addi %add3A_443, %add3A_397 : i32
        %get3A_445 = arith.index_cast %add3A_444 : i32 to index
        %get3A_446 = arith.constant 0 : index
        %get3A_447 = tpu.vector_load %arg8[%get3A_445, %get3A_446] {strides = array<i32>} : memref<2560x16xf32, #tpu.memory_space<vmem>>, vector<16xf32>,
        %add3A_448 = arith.addf %add3A_442, %get3A_447 : vector<16xf32>
        %add3A_449 = arith.constant 1152 : i32
        %add3A_450 = arith.addi %add3A_449, %add3A_397 : i32
        %get3A_451 = arith.index_cast %add3A_450 : i32 to index
        %get3A_452 = arith.constant 0 : index
        %get3A_453 = tpu.vector_load %arg8[%get3A_451, %get3A_452] {strides = array<i32>} : memref<2560x16xf32, #tpu.memory_space<vmem>>, vector<16xf32>,
        %add3A_454 = arith.addf %add3A_448, %get3A_453 : vector<16xf32>
        %add3A_455 = arith.constant 1280 : i32
        %add3A_456 = arith.addi %add3A_455, %add3A_397 : i32
        %get3A_457 = arith.index_cast %add3A_456 : i32 to index
        %get3A_458 = arith.constant 0 : index
        %get3A_459 = tpu.vector_load %arg8[%get3A_457, %get3A_458] {strides = array<i32>} : memref<2560x16xf32, #tpu.memory_space<vmem>>, vector<16xf32>,
        %add3A_460 = arith.addf %add3A_454, %get3A_459 : vector<16xf32>
        %add3A_461 = arith.constant 1408 : i32
        %add3A_462 = arith.addi %add3A_461, %add3A_397 : i32
        %get3A_463 = arith.index_cast %add3A_462 : i32 to index
        %get3A_464 = arith.constant 0 : index
        %get3A_465 = tpu.vector_load %arg8[%get3A_463, %get3A_464] {strides = array<i32>} : memref<2560x16xf32, #tpu.memory_space<vmem>>, vector<16xf32>,
        %add3A_466 = arith.addf %add3A_460, %get3A_465 : vector<16xf32>
        %add3A_467 = arith.constant 1536 : i32
        %add3A_468 = arith.addi %add3A_467, %add3A_397 : i32
        %get3A_469 = arith.index_cast %add3A_468 : i32 to index
        %get3A_470 = arith.constant 0 : index
        %get3A_471 = tpu.vector_load %arg8[%get3A_469, %get3A_470] {strides = array<i32>} : memref<2560x16xf32, #tpu.memory_space<vmem>>, vector<16xf32>,
        %add3A_472 = arith.addf %add3A_466, %get3A_471 : vector<16xf32>
        %add3A_473 = arith.constant 1664 : i32
        %add3A_474 = arith.addi %add3A_473, %add3A_397 : i32
        %get3A_475 = arith.index_cast %add3A_474 : i32 to index
        %get3A_476 = arith.constant 0 : index
        %get3A_477 = tpu.vector_load %arg8[%get3A_475, %get3A_476] {strides = array<i32>} : memref<2560x16xf32, #tpu.memory_space<vmem>>, vector<16xf32>,
        %add3A_478 = arith.addf %add3A_472, %get3A_477 : vector<16xf32>
        %add3A_479 = arith.constant 1792 : i32
        %add3A_480 = arith.addi %add3A_479, %add3A_397 : i32
        %get3A_481 = arith.index_cast %add3A_480 : i32 to index
        %get3A_482 = arith.constant 0 : index
        %get3A_483 = tpu.vector_load %arg8[%get3A_481, %get3A_482] {strides = array<i32>} : memref<2560x16xf32, #tpu.memory_space<vmem>>, vector<16xf32>,
        %add3A_484 = arith.addf %add3A_478, %get3A_483 : vector<16xf32>
        %add3A_485 = arith.constant 1920 : i32
        %add3A_486 = arith.addi %add3A_485, %add3A_397 : i32
        %get3A_487 = arith.index_cast %add3A_486 : i32 to index
        %get3A_488 = arith.constant 0 : index
        %get3A_489 = tpu.vector_load %arg8[%get3A_487, %get3A_488] {strides = array<i32>} : memref<2560x16xf32, #tpu.memory_space<vmem>>, vector<16xf32>,
        %add3A_490 = arith.addf %add3A_484, %get3A_489 : vector<16xf32>
        %add3A_491 = arith.constant 2048 : i32
        %add3A_492 = arith.addi %add3A_491, %add3A_397 : i32
        %get3A_493 = arith.index_cast %add3A_492 : i32 to index
        %get3A_494 = arith.constant 0 : index
        %get3A_495 = tpu.vector_load %arg8[%get3A_493, %get3A_494] {strides = array<i32>} : memref<2560x16xf32, #tpu.memory_space<vmem>>, vector<16xf32>,
        %add3A_496 = arith.addf %add3A_490, %get3A_495 : vector<16xf32>
        %add3A_497 = arith.constant 2176 : i32
        %add3A_498 = arith.addi %add3A_497, %add3A_397 : i32
        %get3A_499 = arith.index_cast %add3A_498 : i32 to index
        %get3A_500 = arith.constant 0 : index
        %get3A_501 = tpu.vector_load %arg8[%get3A_499, %get3A_500] {strides = array<i32>} : memref<2560x16xf32, #tpu.memory_space<vmem>>, vector<16xf32>,
        %add3A_502 = arith.addf %add3A_496, %get3A_501 : vector<16xf32>
        %add3A_503 = arith.constant 2304 : i32
        %add3A_504 = arith.addi %add3A_503, %add3A_397 : i32
        %get3A_505 = arith.index_cast %add3A_504 : i32 to index
        %get3A_506 = arith.constant 0 : index
        %get3A_507 = tpu.vector_load %arg8[%get3A_505, %get3A_506] {strides = array<i32>} : memref<2560x16xf32, #tpu.memory_space<vmem>>, vector<16xf32>,
        %add3A_508 = arith.addf %add3A_502, %get3A_507 : vector<16xf32>
        %add3A_509 = arith.constant 2432 : i32
        %add3A_510 = arith.addi %add3A_509, %add3A_397 : i32
        %get3A_511 = arith.index_cast %add3A_510 : i32 to index
        %get3A_512 = arith.constant 0 : index
        %get3A_513 = tpu.vector_load %arg8[%get3A_511, %get3A_512] {strides = array<i32>} : memref<2560x16xf32, #tpu.memory_space<vmem>>, vector<16xf32>,
        %add3A_514 = arith.addf %add3A_508, %get3A_513 : vector<16xf32>
        %broadcast_in_dim3A_515 = vector.broadcast %add3A_397 : i32 to vector<16xi32>
        %slice3A_516 = vector.extract_strided_slice %get3A_274 {offsets = [1], sizes = [1], strides = [1]} : vector<16xf32> to vector<1xf32>
        %squeeze3A_517 = vector.extract %slice3A_516[0] : f32 from vector<1xf32>
        %mul3A_518 = vector.broadcast %squeeze3A_517 : f32 to vector<16xf32>
        %mul3A_519 = arith.mulf %add3A_514, %mul3A_518 : vector<16xf32>
        tpu.vector_store_idx %arg10[%iota3A, %broadcast_in_dim3A_515], %mul3A_519 : memref<16x128xf32, #tpu.memory_space<vmem>>[vector<16xi32>, vector<16xi32>], vector<16xf32>,
        %add3A_520 = arith.constant 2 : i32
        %add3A_521 = arith.addi %mul3A_273, %add3A_520 : i32
        %get3A_522 = arith.index_cast %add3A_521 : i32 to index
        %get3A_523 = arith.constant 0 : index
        %get3A_524 = tpu.vector_load %arg8[%get3A_522, %get3A_523] {strides = array<i32>} : memref<2560x16xf32, #tpu.memory_space<vmem>>, vector<16xf32>,
        %add3A_525 = arith.constant 128 : i32
        %add3A_526 = arith.addi %add3A_525, %add3A_521 : i32
        %get3A_527 = arith.index_cast %add3A_526 : i32 to index
        %get3A_528 = arith.constant 0 : index
        %get3A_529 = tpu.vector_load %arg8[%get3A_527, %get3A_528] {strides = array<i32>} : memref<2560x16xf32, #tpu.memory_space<vmem>>, vector<16xf32>,
        %add3A_530 = arith.addf %get3A_524, %get3A_529 : vector<16xf32>
        %add3A_531 = arith.constant 256 : i32
        %add3A_532 = arith.addi %add3A_531, %add3A_521 : i32
        %get3A_533 = arith.index_cast %add3A_532 : i32 to index
        %get3A_534 = arith.constant 0 : index
        %get3A_535 = tpu.vector_load %arg8[%get3A_533, %get3A_534] {strides = array<i32>} : memref<2560x16xf32, #tpu.memory_space<vmem>>, vector<16xf32>,
        %add3A_536 = arith.addf %add3A_530, %get3A_535 : vector<16xf32>
        %add3A_537 = arith.constant 384 : i32
        %add3A_538 = arith.addi %add3A_537, %add3A_521 : i32
        %get3A_539 = arith.index_cast %add3A_538 : i32 to index
        %get3A_540 = arith.constant 0 : index
        %get3A_541 = tpu.vector_load %arg8[%get3A_539, %get3A_540] {strides = array<i32>} : memref<2560x16xf32, #tpu.memory_space<vmem>>, vector<16xf32>,
        %add3A_542 = arith.addf %add3A_536, %get3A_541 : vector<16xf32>
        %add3A_543 = arith.constant 512 : i32
        %add3A_544 = arith.addi %add3A_543, %add3A_521 : i32
        %get3A_545 = arith.index_cast %add3A_544 : i32 to index
        %get3A_546 = arith.constant 0 : index
        %get3A_547 = tpu.vector_load %arg8[%get3A_545, %get3A_546] {strides = array<i32>} : memref<2560x16xf32, #tpu.memory_space<vmem>>, vector<16xf32>,
        %add3A_548 = arith.addf %add3A_542, %get3A_547 : vector<16xf32>
        %add3A_549 = arith.constant 640 : i32
        %add3A_550 = arith.addi %add3A_549, %add3A_521 : i32
        %get3A_551 = arith.index_cast %add3A_550 : i32 to index
        %get3A_552 = arith.constant 0 : index
        %get3A_553 = tpu.vector_load %arg8[%get3A_551, %get3A_552] {strides = array<i32>} : memref<2560x16xf32, #tpu.memory_space<vmem>>, vector<16xf32>,
        %add3A_554 = arith.addf %add3A_548, %get3A_553 : vector<16xf32>
        %add3A_555 = arith.constant 768 : i32
        %add3A_556 = arith.addi %add3A_555, %add3A_521 : i32
        %get3A_557 = arith.index_cast %add3A_556 : i32 to index
        %get3A_558 = arith.constant 0 : index
        %get3A_559 = tpu.vector_load %arg8[%get3A_557, %get3A_558] {strides = array<i32>} : memref<2560x16xf32, #tpu.memory_space<vmem>>, vector<16xf32>,
        %add3A_560 = arith.addf %add3A_554, %get3A_559 : vector<16xf32>
        %add3A_561 = arith.constant 896 : i32
        %add3A_562 = arith.addi %add3A_561, %add3A_521 : i32
        %get3A_563 = arith.index_cast %add3A_562 : i32 to index
        %get3A_564 = arith.constant 0 : index
        %get3A_565 = tpu.vector_load %arg8[%get3A_563, %get3A_564] {strides = array<i32>} : memref<2560x16xf32, #tpu.memory_space<vmem>>, vector<16xf32>,
        %add3A_566 = arith.addf %add3A_560, %get3A_565 : vector<16xf32>
        %add3A_567 = arith.constant 1024 : i32
        %add3A_568 = arith.addi %add3A_567, %add3A_521 : i32
        %get3A_569 = arith.index_cast %add3A_568 : i32 to index
        %get3A_570 = arith.constant 0 : index
        %get3A_571 = tpu.vector_load %arg8[%get3A_569, %get3A_570] {strides = array<i32>} : memref<2560x16xf32, #tpu.memory_space<vmem>>, vector<16xf32>,
        %add3A_572 = arith.addf %add3A_566, %get3A_571 : vector<16xf32>
        %add3A_573 = arith.constant 1152 : i32
        %add3A_574 = arith.addi %add3A_573, %add3A_521 : i32
        %get3A_575 = arith.index_cast %add3A_574 : i32 to index
        %get3A_576 = arith.constant 0 : index
        %get3A_577 = tpu.vector_load %arg8[%get3A_575, %get3A_576] {strides = array<i32>} : memref<2560x16xf32, #tpu.memory_space<vmem>>, vector<16xf32>,
        %add3A_578 = arith.addf %add3A_572, %get3A_577 : vector<16xf32>
        %add3A_579 = arith.constant 1280 : i32
        %add3A_580 = arith.addi %add3A_579, %add3A_521 : i32
        %get3A_581 = arith.index_cast %add3A_580 : i32 to index
        %get3A_582 = arith.constant 0 : index
        %get3A_583 = tpu.vector_load %arg8[%get3A_581, %get3A_582] {strides = array<i32>} : memref<2560x16xf32, #tpu.memory_space<vmem>>, vector<16xf32>,
        %add3A_584 = arith.addf %add3A_578, %get3A_583 : vector<16xf32>
        %add3A_585 = arith.constant 1408 : i32
        %add3A_586 = arith.addi %add3A_585, %add3A_521 : i32
        %get3A_587 = arith.index_cast %add3A_586 : i32 to index
        %get3A_588 = arith.constant 0 : index
        %get3A_589 = tpu.vector_load %arg8[%get3A_587, %get3A_588] {strides = array<i32>} : memref<2560x16xf32, #tpu.memory_space<vmem>>, vector<16xf32>,
        %add3A_590 = arith.addf %add3A_584, %get3A_589 : vector<16xf32>
        %add3A_591 = arith.constant 1536 : i32
        %add3A_592 = arith.addi %add3A_591, %add3A_521 : i32
        %get3A_593 = arith.index_cast %add3A_592 : i32 to index
        %get3A_594 = arith.constant 0 : index
        %get3A_595 = tpu.vector_load %arg8[%get3A_593, %get3A_594] {strides = array<i32>} : memref<2560x16xf32, #tpu.memory_space<vmem>>, vector<16xf32>,
        %add3A_596 = arith.addf %add3A_590, %get3A_595 : vector<16xf32>
        %add3A_597 = arith.constant 1664 : i32
        %add3A_598 = arith.addi %add3A_597, %add3A_521 : i32
        %get3A_599 = arith.index_cast %add3A_598 : i32 to index
        %get3A_600 = arith.constant 0 : index
        %get3A_601 = tpu.vector_load %arg8[%get3A_599, %get3A_600] {strides = array<i32>} : memref<2560x16xf32, #tpu.memory_space<vmem>>, vector<16xf32>,
        %add3A_602 = arith.addf %add3A_596, %get3A_601 : vector<16xf32>
        %add3A_603 = arith.constant 1792 : i32
        %add3A_604 = arith.addi %add3A_603, %add3A_521 : i32
        %get3A_605 = arith.index_cast %add3A_604 : i32 to index
        %get3A_606 = arith.constant 0 : index
        %get3A_607 = tpu.vector_load %arg8[%get3A_605, %get3A_606] {strides = array<i32>} : memref<2560x16xf32, #tpu.memory_space<vmem>>, vector<16xf32>,
        %add3A_608 = arith.addf %add3A_602, %get3A_607 : vector<16xf32>
        %add3A_609 = arith.constant 1920 : i32
        %add3A_610 = arith.addi %add3A_609, %add3A_521 : i32
        %get3A_611 = arith.index_cast %add3A_610 : i32 to index
        %get3A_612 = arith.constant 0 : index
        %get3A_613 = tpu.vector_load %arg8[%get3A_611, %get3A_612] {strides = array<i32>} : memref<2560x16xf32, #tpu.memory_space<vmem>>, vector<16xf32>,
        %add3A_614 = arith.addf %add3A_608, %get3A_613 : vector<16xf32>
        %add3A_615 = arith.constant 2048 : i32
        %add3A_616 = arith.addi %add3A_615, %add3A_521 : i32
        %get3A_617 = arith.index_cast %add3A_616 : i32 to index
        %get3A_618 = arith.constant 0 : index
        %get3A_619 = tpu.vector_load %arg8[%get3A_617, %get3A_618] {strides = array<i32>} : memref<2560x16xf32, #tpu.memory_space<vmem>>, vector<16xf32>,
        %add3A_620 = arith.addf %add3A_614, %get3A_619 : vector<16xf32>
        %add3A_621 = arith.constant 2176 : i32
        %add3A_622 = arith.addi %add3A_621, %add3A_521 : i32
        %get3A_623 = arith.index_cast %add3A_622 : i32 to index
        %get3A_624 = arith.constant 0 : index
        %get3A_625 = tpu.vector_load %arg8[%get3A_623, %get3A_624] {strides = array<i32>} : memref<2560x16xf32, #tpu.memory_space<vmem>>, vector<16xf32>,
        %add3A_626 = arith.addf %add3A_620, %get3A_625 : vector<16xf32>
        %add3A_627 = arith.constant 2304 : i32
        %add3A_628 = arith.addi %add3A_627, %add3A_521 : i32
        %get3A_629 = arith.index_cast %add3A_628 : i32 to index
        %get3A_630 = arith.constant 0 : index
        %get3A_631 = tpu.vector_load %arg8[%get3A_629, %get3A_630] {strides = array<i32>} : memref<2560x16xf32, #tpu.memory_space<vmem>>, vector<16xf32>,
        %add3A_632 = arith.addf %add3A_626, %get3A_631 : vector<16xf32>
        %add3A_633 = arith.constant 2432 : i32
        %add3A_634 = arith.addi %add3A_633, %add3A_521 : i32
        %get3A_635 = arith.index_cast %add3A_634 : i32 to index
        %get3A_636 = arith.constant 0 : index
        %get3A_637 = tpu.vector_load %arg8[%get3A_635, %get3A_636] {strides = array<i32>} : memref<2560x16xf32, #tpu.memory_space<vmem>>, vector<16xf32>,
        %add3A_638 = arith.addf %add3A_632, %get3A_637 : vector<16xf32>
        %broadcast_in_dim3A_639 = vector.broadcast %add3A_521 : i32 to vector<16xi32>
        %slice3A_640 = vector.extract_strided_slice %get3A_274 {offsets = [2], sizes = [1], strides = [1]} : vector<16xf32> to vector<1xf32>
        %squeeze3A_641 = vector.extract %slice3A_640[0] : f32 from vector<1xf32>
        %mul3A_642 = vector.broadcast %squeeze3A_641 : f32 to vector<16xf32>
        %mul3A_643 = arith.mulf %add3A_638, %mul3A_642 : vector<16xf32>
        tpu.vector_store_idx %arg10[%iota3A, %broadcast_in_dim3A_639], %mul3A_643 : memref<16x128xf32, #tpu.memory_space<vmem>>[vector<16xi32>, vector<16xi32>], vector<16xf32>,
        %add3A_644 = arith.constant 3 : i32
        %add3A_645 = arith.addi %mul3A_273, %add3A_644 : i32
        %get3A_646 = arith.index_cast %add3A_645 : i32 to index
        %get3A_647 = arith.constant 0 : index
        %get3A_648 = tpu.vector_load %arg8[%get3A_646, %get3A_647] {strides = array<i32>} : memref<2560x16xf32, #tpu.memory_space<vmem>>, vector<16xf32>,
        %add3A_649 = arith.constant 128 : i32
        %add3A_650 = arith.addi %add3A_649, %add3A_645 : i32
        %get3A_651 = arith.index_cast %add3A_650 : i32 to index
        %get3A_652 = arith.constant 0 : index
        %get3A_653 = tpu.vector_load %arg8[%get3A_651, %get3A_652] {strides = array<i32>} : memref<2560x16xf32, #tpu.memory_space<vmem>>, vector<16xf32>,
        %add3A_654 = arith.addf %get3A_648, %get3A_653 : vector<16xf32>
        %add3A_655 = arith.constant 256 : i32
        %add3A_656 = arith.addi %add3A_655, %add3A_645 : i32
        %get3A_657 = arith.index_cast %add3A_656 : i32 to index
        %get3A_658 = arith.constant 0 : index
        %get3A_659 = tpu.vector_load %arg8[%get3A_657, %get3A_658] {strides = array<i32>} : memref<2560x16xf32, #tpu.memory_space<vmem>>, vector<16xf32>,
        %add3A_660 = arith.addf %add3A_654, %get3A_659 : vector<16xf32>
        %add3A_661 = arith.constant 384 : i32
        %add3A_662 = arith.addi %add3A_661, %add3A_645 : i32
        %get3A_663 = arith.index_cast %add3A_662 : i32 to index
        %get3A_664 = arith.constant 0 : index
        %get3A_665 = tpu.vector_load %arg8[%get3A_663, %get3A_664] {strides = array<i32>} : memref<2560x16xf32, #tpu.memory_space<vmem>>, vector<16xf32>,
        %add3A_666 = arith.addf %add3A_660, %get3A_665 : vector<16xf32>
        %add3A_667 = arith.constant 512 : i32
        %add3A_668 = arith.addi %add3A_667, %add3A_645 : i32
        %get3A_669 = arith.index_cast %add3A_668 : i32 to index
        %get3A_670 = arith.constant 0 : index
        %get3A_671 = tpu.vector_load %arg8[%get3A_669, %get3A_670] {strides = array<i32>} : memref<2560x16xf32, #tpu.memory_space<vmem>>, vector<16xf32>,
        %add3A_672 = arith.addf %add3A_666, %get3A_671 : vector<16xf32>
        %add3A_673 = arith.constant 640 : i32
        %add3A_674 = arith.addi %add3A_673, %add3A_645 : i32
        %get3A_675 = arith.index_cast %add3A_674 : i32 to index
        %get3A_676 = arith.constant 0 : index
        %get3A_677 = tpu.vector_load %arg8[%get3A_675, %get3A_676] {strides = array<i32>} : memref<2560x16xf32, #tpu.memory_space<vmem>>, vector<16xf32>,
        %add3A_678 = arith.addf %add3A_672, %get3A_677 : vector<16xf32>
        %add3A_679 = arith.constant 768 : i32
        %add3A_680 = arith.addi %add3A_679, %add3A_645 : i32
        %get3A_681 = arith.index_cast %add3A_680 : i32 to index
        %get3A_682 = arith.constant 0 : index
        %get3A_683 = tpu.vector_load %arg8[%get3A_681, %get3A_682] {strides = array<i32>} : memref<2560x16xf32, #tpu.memory_space<vmem>>, vector<16xf32>,
        %add3A_684 = arith.addf %add3A_678, %get3A_683 : vector<16xf32>
        %add3A_685 = arith.constant 896 : i32
        %add3A_686 = arith.addi %add3A_685, %add3A_645 : i32
        %get3A_687 = arith.index_cast %add3A_686 : i32 to index
        %get3A_688 = arith.constant 0 : index
        %get3A_689 = tpu.vector_load %arg8[%get3A_687, %get3A_688] {strides = array<i32>} : memref<2560x16xf32, #tpu.memory_space<vmem>>, vector<16xf32>,
        %add3A_690 = arith.addf %add3A_684, %get3A_689 : vector<16xf32>
        %add3A_691 = arith.constant 1024 : i32
        %add3A_692 = arith.addi %add3A_691, %add3A_645 : i32
        %get3A_693 = arith.index_cast %add3A_692 : i32 to index
        %get3A_694 = arith.constant 0 : index
        %get3A_695 = tpu.vector_load %arg8[%get3A_693, %get3A_694] {strides = array<i32>} : memref<2560x16xf32, #tpu.memory_space<vmem>>, vector<16xf32>,
        %add3A_696 = arith.addf %add3A_690, %get3A_695 : vector<16xf32>
        %add3A_697 = arith.constant 1152 : i32
        %add3A_698 = arith.addi %add3A_697, %add3A_645 : i32
        %get3A_699 = arith.index_cast %add3A_698 : i32 to index
        %get3A_700 = arith.constant 0 : index
        %get3A_701 = tpu.vector_load %arg8[%get3A_699, %get3A_700] {strides = array<i32>} : memref<2560x16xf32, #tpu.memory_space<vmem>>, vector<16xf32>,
        %add3A_702 = arith.addf %add3A_696, %get3A_701 : vector<16xf32>
        %add3A_703 = arith.constant 1280 : i32
        %add3A_704 = arith.addi %add3A_703, %add3A_645 : i32
        %get3A_705 = arith.index_cast %add3A_704 : i32 to index
        %get3A_706 = arith.constant 0 : index
        %get3A_707 = tpu.vector_load %arg8[%get3A_705, %get3A_706] {strides = array<i32>} : memref<2560x16xf32, #tpu.memory_space<vmem>>, vector<16xf32>,
        %add3A_708 = arith.addf %add3A_702, %get3A_707 : vector<16xf32>
        %add3A_709 = arith.constant 1408 : i32
        %add3A_710 = arith.addi %add3A_709, %add3A_645 : i32
        %get3A_711 = arith.index_cast %add3A_710 : i32 to index
        %get3A_712 = arith.constant 0 : index
        %get3A_713 = tpu.vector_load %arg8[%get3A_711, %get3A_712] {strides = array<i32>} : memref<2560x16xf32, #tpu.memory_space<vmem>>, vector<16xf32>,
        %add3A_714 = arith.addf %add3A_708, %get3A_713 : vector<16xf32>
        %add3A_715 = arith.constant 1536 : i32
        %add3A_716 = arith.addi %add3A_715, %add3A_645 : i32
        %get3A_717 = arith.index_cast %add3A_716 : i32 to index
        %get3A_718 = arith.constant 0 : index
        %get3A_719 = tpu.vector_load %arg8[%get3A_717, %get3A_718] {strides = array<i32>} : memref<2560x16xf32, #tpu.memory_space<vmem>>, vector<16xf32>,
        %add3A_720 = arith.addf %add3A_714, %get3A_719 : vector<16xf32>
        %add3A_721 = arith.constant 1664 : i32
        %add3A_722 = arith.addi %add3A_721, %add3A_645 : i32
        %get3A_723 = arith.index_cast %add3A_722 : i32 to index
        %get3A_724 = arith.constant 0 : index
        %get3A_725 = tpu.vector_load %arg8[%get3A_723, %get3A_724] {strides = array<i32>} : memref<2560x16xf32, #tpu.memory_space<vmem>>, vector<16xf32>,
        %add3A_726 = arith.addf %add3A_720, %get3A_725 : vector<16xf32>
        %add3A_727 = arith.constant 1792 : i32
        %add3A_728 = arith.addi %add3A_727, %add3A_645 : i32
        %get3A_729 = arith.index_cast %add3A_728 : i32 to index
        %get3A_730 = arith.constant 0 : index
        %get3A_731 = tpu.vector_load %arg8[%get3A_729, %get3A_730] {strides = array<i32>} : memref<2560x16xf32, #tpu.memory_space<vmem>>, vector<16xf32>,
        %add3A_732 = arith.addf %add3A_726, %get3A_731 : vector<16xf32>
        %add3A_733 = arith.constant 1920 : i32
        %add3A_734 = arith.addi %add3A_733, %add3A_645 : i32
        %get3A_735 = arith.index_cast %add3A_734 : i32 to index
        %get3A_736 = arith.constant 0 : index
        %get3A_737 = tpu.vector_load %arg8[%get3A_735, %get3A_736] {strides = array<i32>} : memref<2560x16xf32, #tpu.memory_space<vmem>>, vector<16xf32>,
        %add3A_738 = arith.addf %add3A_732, %get3A_737 : vector<16xf32>
        %add3A_739 = arith.constant 2048 : i32
        %add3A_740 = arith.addi %add3A_739, %add3A_645 : i32
        %get3A_741 = arith.index_cast %add3A_740 : i32 to index
        %get3A_742 = arith.constant 0 : index
        %get3A_743 = tpu.vector_load %arg8[%get3A_741, %get3A_742] {strides = array<i32>} : memref<2560x16xf32, #tpu.memory_space<vmem>>, vector<16xf32>,
        %add3A_744 = arith.addf %add3A_738, %get3A_743 : vector<16xf32>
        %add3A_745 = arith.constant 2176 : i32
        %add3A_746 = arith.addi %add3A_745, %add3A_645 : i32
        %get3A_747 = arith.index_cast %add3A_746 : i32 to index
        %get3A_748 = arith.constant 0 : index
        %get3A_749 = tpu.vector_load %arg8[%get3A_747, %get3A_748] {strides = array<i32>} : memref<2560x16xf32, #tpu.memory_space<vmem>>, vector<16xf32>,
        %add3A_750 = arith.addf %add3A_744, %get3A_749 : vector<16xf32>
        %add3A_751 = arith.constant 2304 : i32
        %add3A_752 = arith.addi %add3A_751, %add3A_645 : i32
        %get3A_753 = arith.index_cast %add3A_752 : i32 to index
        %get3A_754 = arith.constant 0 : index
        %get3A_755 = tpu.vector_load %arg8[%get3A_753, %get3A_754] {strides = array<i32>} : memref<2560x16xf32, #tpu.memory_space<vmem>>, vector<16xf32>,
        %add3A_756 = arith.addf %add3A_750, %get3A_755 : vector<16xf32>
        %add3A_757 = arith.constant 2432 : i32
        %add3A_758 = arith.addi %add3A_757, %add3A_645 : i32
        %get3A_759 = arith.index_cast %add3A_758 : i32 to index
        %get3A_760 = arith.constant 0 : index
        %get3A_761 = tpu.vector_load %arg8[%get3A_759, %get3A_760] {strides = array<i32>} : memref<2560x16xf32, #tpu.memory_space<vmem>>, vector<16xf32>,
        %add3A_762 = arith.addf %add3A_756, %get3A_761 : vector<16xf32>
        %broadcast_in_dim3A_763 = vector.broadcast %add3A_645 : i32 to vector<16xi32>
        %slice3A_764 = vector.extract_strided_slice %get3A_274 {offsets = [3], sizes = [1], strides = [1]} : vector<16xf32> to vector<1xf32>
        %squeeze3A_765 = vector.extract %slice3A_764[0] : f32 from vector<1xf32>
        %mul3A_766 = vector.broadcast %squeeze3A_765 : f32 to vector<16xf32>
        %mul3A_767 = arith.mulf %add3A_762, %mul3A_766 : vector<16xf32>
        tpu.vector_store_idx %arg10[%iota3A, %broadcast_in_dim3A_763], %mul3A_767 : memref<16x128xf32, #tpu.memory_space<vmem>>[vector<16xi32>, vector<16xi32>], vector<16xf32>,
        %add3A_768 = arith.constant 4 : i32
        %add3A_769 = arith.addi %mul3A_273, %add3A_768 : i32
        %get3A_770 = arith.index_cast %add3A_769 : i32 to index
        %get3A_771 = arith.constant 0 : index
        %get3A_772 = tpu.vector_load %arg8[%get3A_770, %get3A_771] {strides = array<i32>} : memref<2560x16xf32, #tpu.memory_space<vmem>>, vector<16xf32>,
        %add3A_773 = arith.constant 128 : i32
        %add3A_774 = arith.addi %add3A_773, %add3A_769 : i32
        %get3A_775 = arith.index_cast %add3A_774 : i32 to index
        %get3A_776 = arith.constant 0 : index
        %get3A_777 = tpu.vector_load %arg8[%get3A_775, %get3A_776] {strides = array<i32>} : memref<2560x16xf32, #tpu.memory_space<vmem>>, vector<16xf32>,
        %add3A_778 = arith.addf %get3A_772, %get3A_777 : vector<16xf32>
        %add3A_779 = arith.constant 256 : i32
        %add3A_780 = arith.addi %add3A_779, %add3A_769 : i32
        %get3A_781 = arith.index_cast %add3A_780 : i32 to index
        %get3A_782 = arith.constant 0 : index
        %get3A_783 = tpu.vector_load %arg8[%get3A_781, %get3A_782] {strides = array<i32>} : memref<2560x16xf32, #tpu.memory_space<vmem>>, vector<16xf32>,
        %add3A_784 = arith.addf %add3A_778, %get3A_783 : vector<16xf32>
        %add3A_785 = arith.constant 384 : i32
        %add3A_786 = arith.addi %add3A_785, %add3A_769 : i32
        %get3A_787 = arith.index_cast %add3A_786 : i32 to index
        %get3A_788 = arith.constant 0 : index
        %get3A_789 = tpu.vector_load %arg8[%get3A_787, %get3A_788] {strides = array<i32>} : memref<2560x16xf32, #tpu.memory_space<vmem>>, vector<16xf32>,
        %add3A_790 = arith.addf %add3A_784, %get3A_789 : vector<16xf32>
        %add3A_791 = arith.constant 512 : i32
        %add3A_792 = arith.addi %add3A_791, %add3A_769 : i32
        %get3A_793 = arith.index_cast %add3A_792 : i32 to index
        %get3A_794 = arith.constant 0 : index
        %get3A_795 = tpu.vector_load %arg8[%get3A_793, %get3A_794] {strides = array<i32>} : memref<2560x16xf32, #tpu.memory_space<vmem>>, vector<16xf32>,
        %add3A_796 = arith.addf %add3A_790, %get3A_795 : vector<16xf32>
        %add3A_797 = arith.constant 640 : i32
        %add3A_798 = arith.addi %add3A_797, %add3A_769 : i32
        %get3A_799 = arith.index_cast %add3A_798 : i32 to index
        %get3A_800 = arith.constant 0 : index
        %get3A_801 = tpu.vector_load %arg8[%get3A_799, %get3A_800] {strides = array<i32>} : memref<2560x16xf32, #tpu.memory_space<vmem>>, vector<16xf32>,
        %add3A_802 = arith.addf %add3A_796, %get3A_801 : vector<16xf32>
        %add3A_803 = arith.constant 768 : i32
        %add3A_804 = arith.addi %add3A_803, %add3A_769 : i32
        %get3A_805 = arith.index_cast %add3A_804 : i32 to index
        %get3A_806 = arith.constant 0 : index
        %get3A_807 = tpu.vector_load %arg8[%get3A_805, %get3A_806] {strides = array<i32>} : memref<2560x16xf32, #tpu.memory_space<vmem>>, vector<16xf32>,
        %add3A_808 = arith.addf %add3A_802, %get3A_807 : vector<16xf32>
        %add3A_809 = arith.constant 896 : i32
        %add3A_810 = arith.addi %add3A_809, %add3A_769 : i32
        %get3A_811 = arith.index_cast %add3A_810 : i32 to index
        %get3A_812 = arith.constant 0 : index
        %get3A_813 = tpu.vector_load %arg8[%get3A_811, %get3A_812] {strides = array<i32>} : memref<2560x16xf32, #tpu.memory_space<vmem>>, vector<16xf32>,
        %add3A_814 = arith.addf %add3A_808, %get3A_813 : vector<16xf32>
        %add3A_815 = arith.constant 1024 : i32
        %add3A_816 = arith.addi %add3A_815, %add3A_769 : i32
        %get3A_817 = arith.index_cast %add3A_816 : i32 to index
        %get3A_818 = arith.constant 0 : index
        %get3A_819 = tpu.vector_load %arg8[%get3A_817, %get3A_818] {strides = array<i32>} : memref<2560x16xf32, #tpu.memory_space<vmem>>, vector<16xf32>,
        %add3A_820 = arith.addf %add3A_814, %get3A_819 : vector<16xf32>
        %add3A_821 = arith.constant 1152 : i32
        %add3A_822 = arith.addi %add3A_821, %add3A_769 : i32
        %get3A_823 = arith.index_cast %add3A_822 : i32 to index
        %get3A_824 = arith.constant 0 : index
        %get3A_825 = tpu.vector_load %arg8[%get3A_823, %get3A_824] {strides = array<i32>} : memref<2560x16xf32, #tpu.memory_space<vmem>>, vector<16xf32>,
        %add3A_826 = arith.addf %add3A_820, %get3A_825 : vector<16xf32>
        %add3A_827 = arith.constant 1280 : i32
        %add3A_828 = arith.addi %add3A_827, %add3A_769 : i32
        %get3A_829 = arith.index_cast %add3A_828 : i32 to index
        %get3A_830 = arith.constant 0 : index
        %get3A_831 = tpu.vector_load %arg8[%get3A_829, %get3A_830] {strides = array<i32>} : memref<2560x16xf32, #tpu.memory_space<vmem>>, vector<16xf32>,
        %add3A_832 = arith.addf %add3A_826, %get3A_831 : vector<16xf32>
        %add3A_833 = arith.constant 1408 : i32
        %add3A_834 = arith.addi %add3A_833, %add3A_769 : i32
        %get3A_835 = arith.index_cast %add3A_834 : i32 to index
        %get3A_836 = arith.constant 0 : index
        %get3A_837 = tpu.vector_load %arg8[%get3A_835, %get3A_836] {strides = array<i32>} : memref<2560x16xf32, #tpu.memory_space<vmem>>, vector<16xf32>,
        %add3A_838 = arith.addf %add3A_832, %get3A_837 : vector<16xf32>
        %add3A_839 = arith.constant 1536 : i32
        %add3A_840 = arith.addi %add3A_839, %add3A_769 : i32
        %get3A_841 = arith.index_cast %add3A_840 : i32 to index
        %get3A_842 = arith.constant 0 : index
        %get3A_843 = tpu.vector_load %arg8[%get3A_841, %get3A_842] {strides = array<i32>} : memref<2560x16xf32, #tpu.memory_space<vmem>>, vector<16xf32>,
        %add3A_844 = arith.addf %add3A_838, %get3A_843 : vector<16xf32>
        %add3A_845 = arith.constant 1664 : i32
        %add3A_846 = arith.addi %add3A_845, %add3A_769 : i32
        %get3A_847 = arith.index_cast %add3A_846 : i32 to index
        %get3A_848 = arith.constant 0 : index
        %get3A_849 = tpu.vector_load %arg8[%get3A_847, %get3A_848] {strides = array<i32>} : memref<2560x16xf32, #tpu.memory_space<vmem>>, vector<16xf32>,
        %add3A_850 = arith.addf %add3A_844, %get3A_849 : vector<16xf32>
        %add3A_851 = arith.constant 1792 : i32
        %add3A_852 = arith.addi %add3A_851, %add3A_769 : i32
        %get3A_853 = arith.index_cast %add3A_852 : i32 to index
        %get3A_854 = arith.constant 0 : index
        %get3A_855 = tpu.vector_load %arg8[%get3A_853, %get3A_854] {strides = array<i32>} : memref<2560x16xf32, #tpu.memory_space<vmem>>, vector<16xf32>,
        %add3A_856 = arith.addf %add3A_850, %get3A_855 : vector<16xf32>
        %add3A_857 = arith.constant 1920 : i32
        %add3A_858 = arith.addi %add3A_857, %add3A_769 : i32
        %get3A_859 = arith.index_cast %add3A_858 : i32 to index
        %get3A_860 = arith.constant 0 : index
        %get3A_861 = tpu.vector_load %arg8[%get3A_859, %get3A_860] {strides = array<i32>} : memref<2560x16xf32, #tpu.memory_space<vmem>>, vector<16xf32>,
        %add3A_862 = arith.addf %add3A_856, %get3A_861 : vector<16xf32>
        %add3A_863 = arith.constant 2048 : i32
        %add3A_864 = arith.addi %add3A_863, %add3A_769 : i32
        %get3A_865 = arith.index_cast %add3A_864 : i32 to index
        %get3A_866 = arith.constant 0 : index
        %get3A_867 = tpu.vector_load %arg8[%get3A_865, %get3A_866] {strides = array<i32>} : memref<2560x16xf32, #tpu.memory_space<vmem>>, vector<16xf32>,
        %add3A_868 = arith.addf %add3A_862, %get3A_867 : vector<16xf32>
        %add3A_869 = arith.constant 2176 : i32
        %add3A_870 = arith.addi %add3A_869, %add3A_769 : i32
        %get3A_871 = arith.index_cast %add3A_870 : i32 to index
        %get3A_872 = arith.constant 0 : index
        %get3A_873 = tpu.vector_load %arg8[%get3A_871, %get3A_872] {strides = array<i32>} : memref<2560x16xf32, #tpu.memory_space<vmem>>, vector<16xf32>,
        %add3A_874 = arith.addf %add3A_868, %get3A_873 : vector<16xf32>
        %add3A_875 = arith.constant 2304 : i32
        %add3A_876 = arith.addi %add3A_875, %add3A_769 : i32
        %get3A_877 = arith.index_cast %add3A_876 : i32 to index
        %get3A_878 = arith.constant 0 : index
        %get3A_879 = tpu.vector_load %arg8[%get3A_877, %get3A_878] {strides = array<i32>} : memref<2560x16xf32, #tpu.memory_space<vmem>>, vector<16xf32>,
        %add3A_880 = arith.addf %add3A_874, %get3A_879 : vector<16xf32>
        %add3A_881 = arith.constant 2432 : i32
        %add3A_882 = arith.addi %add3A_881, %add3A_769 : i32
        %get3A_883 = arith.index_cast %add3A_882 : i32 to index
        %get3A_884 = arith.constant 0 : index
        %get3A_885 = tpu.vector_load %arg8[%get3A_883, %get3A_884] {strides = array<i32>} : memref<2560x16xf32, #tpu.memory_space<vmem>>, vector<16xf32>,
        %add3A_886 = arith.addf %add3A_880, %get3A_885 : vector<16xf32>
        %broadcast_in_dim3A_887 = vector.broadcast %add3A_769 : i32 to vector<16xi32>
        %slice3A_888 = vector.extract_strided_slice %get3A_274 {offsets = [4], sizes = [1], strides = [1]} : vector<16xf32> to vector<1xf32>
        %squeeze3A_889 = vector.extract %slice3A_888[0] : f32 from vector<1xf32>
        %mul3A_890 = vector.broadcast %squeeze3A_889 : f32 to vector<16xf32>
        %mul3A_891 = arith.mulf %add3A_886, %mul3A_890 : vector<16xf32>
        tpu.vector_store_idx %arg10[%iota3A, %broadcast_in_dim3A_887], %mul3A_891 : memref<16x128xf32, #tpu.memory_space<vmem>>[vector<16xi32>, vector<16xi32>], vector<16xf32>,
        %add3A_892 = arith.constant 5 : i32
        %add3A_893 = arith.addi %mul3A_273, %add3A_892 : i32
        %get3A_894 = arith.index_cast %add3A_893 : i32 to index
        %get3A_895 = arith.constant 0 : index
        %get3A_896 = tpu.vector_load %arg8[%get3A_894, %get3A_895] {strides = array<i32>} : memref<2560x16xf32, #tpu.memory_space<vmem>>, vector<16xf32>,
        %add3A_897 = arith.constant 128 : i32
        %add3A_898 = arith.addi %add3A_897, %add3A_893 : i32
        %get3A_899 = arith.index_cast %add3A_898 : i32 to index
        %get3A_900 = arith.constant 0 : index
        %get3A_901 = tpu.vector_load %arg8[%get3A_899, %get3A_900] {strides = array<i32>} : memref<2560x16xf32, #tpu.memory_space<vmem>>, vector<16xf32>,
        %add3A_902 = arith.addf %get3A_896, %get3A_901 : vector<16xf32>
        %add3A_903 = arith.constant 256 : i32
        %add3A_904 = arith.addi %add3A_903, %add3A_893 : i32
        %get3A_905 = arith.index_cast %add3A_904 : i32 to index
        %get3A_906 = arith.constant 0 : index
        %get3A_907 = tpu.vector_load %arg8[%get3A_905, %get3A_906] {strides = array<i32>} : memref<2560x16xf32, #tpu.memory_space<vmem>>, vector<16xf32>,
        %add3A_908 = arith.addf %add3A_902, %get3A_907 : vector<16xf32>
        %add3A_909 = arith.constant 384 : i32
        %add3A_910 = arith.addi %add3A_909, %add3A_893 : i32
        %get3A_911 = arith.index_cast %add3A_910 : i32 to index
        %get3A_912 = arith.constant 0 : index
        %get3A_913 = tpu.vector_load %arg8[%get3A_911, %get3A_912] {strides = array<i32>} : memref<2560x16xf32, #tpu.memory_space<vmem>>, vector<16xf32>,
        %add3A_914 = arith.addf %add3A_908, %get3A_913 : vector<16xf32>
        %add3A_915 = arith.constant 512 : i32
        %add3A_916 = arith.addi %add3A_915, %add3A_893 : i32
        %get3A_917 = arith.index_cast %add3A_916 : i32 to index
        %get3A_918 = arith.constant 0 : index
        %get3A_919 = tpu.vector_load %arg8[%get3A_917, %get3A_918] {strides = array<i32>} : memref<2560x16xf32, #tpu.memory_space<vmem>>, vector<16xf32>,
        %add3A_920 = arith.addf %add3A_914, %get3A_919 : vector<16xf32>
        %add3A_921 = arith.constant 640 : i32
        %add3A_922 = arith.addi %add3A_921, %add3A_893 : i32
        %get3A_923 = arith.index_cast %add3A_922 : i32 to index
        %get3A_924 = arith.constant 0 : index
        %get3A_925 = tpu.vector_load %arg8[%get3A_923, %get3A_924] {strides = array<i32>} : memref<2560x16xf32, #tpu.memory_space<vmem>>, vector<16xf32>,
        %add3A_926 = arith.addf %add3A_920, %get3A_925 : vector<16xf32>
        %add3A_927 = arith.constant 768 : i32
        %add3A_928 = arith.addi %add3A_927, %add3A_893 : i32
        %get3A_929 = arith.index_cast %add3A_928 : i32 to index
        %get3A_930 = arith.constant 0 : index
        %get3A_931 = tpu.vector_load %arg8[%get3A_929, %get3A_930] {strides = array<i32>} : memref<2560x16xf32, #tpu.memory_space<vmem>>, vector<16xf32>,
        %add3A_932 = arith.addf %add3A_926, %get3A_931 : vector<16xf32>
        %add3A_933 = arith.constant 896 : i32
        %add3A_934 = arith.addi %add3A_933, %add3A_893 : i32
        %get3A_935 = arith.index_cast %add3A_934 : i32 to index
        %get3A_936 = arith.constant 0 : index
        %get3A_937 = tpu.vector_load %arg8[%get3A_935, %get3A_936] {strides = array<i32>} : memref<2560x16xf32, #tpu.memory_space<vmem>>, vector<16xf32>,
        %add3A_938 = arith.addf %add3A_932, %get3A_937 : vector<16xf32>
        %add3A_939 = arith.constant 1024 : i32
        %add3A_940 = arith.addi %add3A_939, %add3A_893 : i32
        %get3A_941 = arith.index_cast %add3A_940 : i32 to index
        %get3A_942 = arith.constant 0 : index
        %get3A_943 = tpu.vector_load %arg8[%get3A_941, %get3A_942] {strides = array<i32>} : memref<2560x16xf32, #tpu.memory_space<vmem>>, vector<16xf32>,
        %add3A_944 = arith.addf %add3A_938, %get3A_943 : vector<16xf32>
        %add3A_945 = arith.constant 1152 : i32
        %add3A_946 = arith.addi %add3A_945, %add3A_893 : i32
        %get3A_947 = arith.index_cast %add3A_946 : i32 to index
        %get3A_948 = arith.constant 0 : index
        %get3A_949 = tpu.vector_load %arg8[%get3A_947, %get3A_948] {strides = array<i32>} : memref<2560x16xf32, #tpu.memory_space<vmem>>, vector<16xf32>,
        %add3A_950 = arith.addf %add3A_944, %get3A_949 : vector<16xf32>
        %add3A_951 = arith.constant 1280 : i32
        %add3A_952 = arith.addi %add3A_951, %add3A_893 : i32
        %get3A_953 = arith.index_cast %add3A_952 : i32 to index
        %get3A_954 = arith.constant 0 : index
        %get3A_955 = tpu.vector_load %arg8[%get3A_953, %get3A_954] {strides = array<i32>} : memref<2560x16xf32, #tpu.memory_space<vmem>>, vector<16xf32>,
        %add3A_956 = arith.addf %add3A_950, %get3A_955 : vector<16xf32>
        %add3A_957 = arith.constant 1408 : i32
        %add3A_958 = arith.addi %add3A_957, %add3A_893 : i32
        %get3A_959 = arith.index_cast %add3A_958 : i32 to index
        %get3A_960 = arith.constant 0 : index
        %get3A_961 = tpu.vector_load %arg8[%get3A_959, %get3A_960] {strides = array<i32>} : memref<2560x16xf32, #tpu.memory_space<vmem>>, vector<16xf32>,
        %add3A_962 = arith.addf %add3A_956, %get3A_961 : vector<16xf32>
        %add3A_963 = arith.constant 1536 : i32
        %add3A_964 = arith.addi %add3A_963, %add3A_893 : i32
        %get3A_965 = arith.index_cast %add3A_964 : i32 to index
        %get3A_966 = arith.constant 0 : index
        %get3A_967 = tpu.vector_load %arg8[%get3A_965, %get3A_966] {strides = array<i32>} : memref<2560x16xf32, #tpu.memory_space<vmem>>, vector<16xf32>,
        %add3A_968 = arith.addf %add3A_962, %get3A_967 : vector<16xf32>
        %add3A_969 = arith.constant 1664 : i32
        %add3A_970 = arith.addi %add3A_969, %add3A_893 : i32
        %get3A_971 = arith.index_cast %add3A_970 : i32 to index
        %get3A_972 = arith.constant 0 : index
        %get3A_973 = tpu.vector_load %arg8[%get3A_971, %get3A_972] {strides = array<i32>} : memref<2560x16xf32, #tpu.memory_space<vmem>>, vector<16xf32>,
        %add3A_974 = arith.addf %add3A_968, %get3A_973 : vector<16xf32>
        %add3A_975 = arith.constant 1792 : i32
        %add3A_976 = arith.addi %add3A_975, %add3A_893 : i32
        %get3A_977 = arith.index_cast %add3A_976 : i32 to index
        %get3A_978 = arith.constant 0 : index
        %get3A_979 = tpu.vector_load %arg8[%get3A_977, %get3A_978] {strides = array<i32>} : memref<2560x16xf32, #tpu.memory_space<vmem>>, vector<16xf32>,
        %add3A_980 = arith.addf %add3A_974, %get3A_979 : vector<16xf32>
        %add3A_981 = arith.constant 1920 : i32
        %add3A_982 = arith.addi %add3A_981, %add3A_893 : i32
        %get3A_983 = arith.index_cast %add3A_982 : i32 to index
        %get3A_984 = arith.constant 0 : index
        %get3A_985 = tpu.vector_load %arg8[%get3A_983, %get3A_984] {strides = array<i32>} : memref<2560x16xf32, #tpu.memory_space<vmem>>, vector<16xf32>,
        %add3A_986 = arith.addf %add3A_980, %get3A_985 : vector<16xf32>
        %add3A_987 = arith.constant 2048 : i32
        %add3A_988 = arith.addi %add3A_987, %add3A_893 : i32
        %get3A_989 = arith.index_cast %add3A_988 : i32 to index
        %get3A_990 = arith.constant 0 : index
        %get3A_991 = tpu.vector_load %arg8[%get3A_989, %get3A_990] {strides = array<i32>} : memref<2560x16xf32, #tpu.memory_space<vmem>>, vector<16xf32>,
        %add3A_992 = arith.addf %add3A_986, %get3A_991 : vector<16xf32>
        %add3A_993 = arith.constant 2176 : i32
        %add3A_994 = arith.addi %add3A_993, %add3A_893 : i32
        %get3A_995 = arith.index_cast %add3A_994 : i32 to index
        %get3A_996 = arith.constant 0 : index
        %get3A_997 = tpu.vector_load %arg8[%get3A_995, %get3A_996] {strides = array<i32>} : memref<2560x16xf32, #tpu.memory_space<vmem>>, vector<16xf32>,
        %add3A_998 = arith.addf %add3A_992, %get3A_997 : vector<16xf32>
        %add3A_999 = arith.constant 2304 : i32
        %add3A_1000 = arith.addi %add3A_999, %add3A_893 : i32
        %get3A_1001 = arith.index_cast %add3A_1000 : i32 to index
        %get3A_1002 = arith.constant 0 : index
        %get3A_1003 = tpu.vector_load %arg8[%get3A_1001, %get3A_1002] {strides = array<i32>} : memref<2560x16xf32, #tpu.memory_space<vmem>>, vector<16xf32>,
        %add3A_1004 = arith.addf %add3A_998, %get3A_1003 : vector<16xf32>
        %add3A_1005 = arith.constant 2432 : i32
        %add3A_1006 = arith.addi %add3A_1005, %add3A_893 : i32
        %get3A_1007 = arith.index_cast %add3A_1006 : i32 to index
        %get3A_1008 = arith.constant 0 : index
        %get3A_1009 = tpu.vector_load %arg8[%get3A_1007, %get3A_1008] {strides = array<i32>} : memref<2560x16xf32, #tpu.memory_space<vmem>>, vector<16xf32>,
        %add3A_1010 = arith.addf %add3A_1004, %get3A_1009 : vector<16xf32>
        %broadcast_in_dim3A_1011 = vector.broadcast %add3A_893 : i32 to vector<16xi32>
        %slice3A_1012 = vector.extract_strided_slice %get3A_274 {offsets = [5], sizes = [1], strides = [1]} : vector<16xf32> to vector<1xf32>
        %squeeze3A_1013 = vector.extract %slice3A_1012[0] : f32 from vector<1xf32>
        %mul3A_1014 = vector.broadcast %squeeze3A_1013 : f32 to vector<16xf32>
        %mul3A_1015 = arith.mulf %add3A_1010, %mul3A_1014 : vector<16xf32>
        tpu.vector_store_idx %arg10[%iota3A, %broadcast_in_dim3A_1011], %mul3A_1015 : memref<16x128xf32, #tpu.memory_space<vmem>>[vector<16xi32>, vector<16xi32>], vector<16xf32>,
        %add3A_1016 = arith.constant 6 : i32
        %add3A_1017 = arith.addi %mul3A_273, %add3A_1016 : i32
        %get3A_1018 = arith.index_cast %add3A_1017 : i32 to index
        %get3A_1019 = arith.constant 0 : index
        %get3A_1020 = tpu.vector_load %arg8[%get3A_1018, %get3A_1019] {strides = array<i32>} : memref<2560x16xf32, #tpu.memory_space<vmem>>, vector<16xf32>,
        %add3A_1021 = arith.constant 128 : i32
        %add3A_1022 = arith.addi %add3A_1021, %add3A_1017 : i32
        %get3A_1023 = arith.index_cast %add3A_1022 : i32 to index
        %get3A_1024 = arith.constant 0 : index
        %get3A_1025 = tpu.vector_load %arg8[%get3A_1023, %get3A_1024] {strides = array<i32>} : memref<2560x16xf32, #tpu.memory_space<vmem>>, vector<16xf32>,
        %add3A_1026 = arith.addf %get3A_1020, %get3A_1025 : vector<16xf32>
        %add3A_1027 = arith.constant 256 : i32
        %add3A_1028 = arith.addi %add3A_1027, %add3A_1017 : i32
        %get3A_1029 = arith.index_cast %add3A_1028 : i32 to index
        %get3A_1030 = arith.constant 0 : index
        %get3A_1031 = tpu.vector_load %arg8[%get3A_1029, %get3A_1030] {strides = array<i32>} : memref<2560x16xf32, #tpu.memory_space<vmem>>, vector<16xf32>,
        %add3A_1032 = arith.addf %add3A_1026, %get3A_1031 : vector<16xf32>
        %add3A_1033 = arith.constant 384 : i32
        %add3A_1034 = arith.addi %add3A_1033, %add3A_1017 : i32
        %get3A_1035 = arith.index_cast %add3A_1034 : i32 to index
        %get3A_1036 = arith.constant 0 : index
        %get3A_1037 = tpu.vector_load %arg8[%get3A_1035, %get3A_1036] {strides = array<i32>} : memref<2560x16xf32, #tpu.memory_space<vmem>>, vector<16xf32>,
        %add3A_1038 = arith.addf %add3A_1032, %get3A_1037 : vector<16xf32>
        %add3A_1039 = arith.constant 512 : i32
        %add3A_1040 = arith.addi %add3A_1039, %add3A_1017 : i32
        %get3A_1041 = arith.index_cast %add3A_1040 : i32 to index
        %get3A_1042 = arith.constant 0 : index
        %get3A_1043 = tpu.vector_load %arg8[%get3A_1041, %get3A_1042] {strides = array<i32>} : memref<2560x16xf32, #tpu.memory_space<vmem>>, vector<16xf32>,
        %add3A_1044 = arith.addf %add3A_1038, %get3A_1043 : vector<16xf32>
        %add3A_1045 = arith.constant 640 : i32
        %add3A_1046 = arith.addi %add3A_1045, %add3A_1017 : i32
        %get3A_1047 = arith.index_cast %add3A_1046 : i32 to index
        %get3A_1048 = arith.constant 0 : index
        %get3A_1049 = tpu.vector_load %arg8[%get3A_1047, %get3A_1048] {strides = array<i32>} : memref<2560x16xf32, #tpu.memory_space<vmem>>, vector<16xf32>,
        %add3A_1050 = arith.addf %add3A_1044, %get3A_1049 : vector<16xf32>
        %add3A_1051 = arith.constant 768 : i32
        %add3A_1052 = arith.addi %add3A_1051, %add3A_1017 : i32
        %get3A_1053 = arith.index_cast %add3A_1052 : i32 to index
        %get3A_1054 = arith.constant 0 : index
        %get3A_1055 = tpu.vector_load %arg8[%get3A_1053, %get3A_1054] {strides = array<i32>} : memref<2560x16xf32, #tpu.memory_space<vmem>>, vector<16xf32>,
        %add3A_1056 = arith.addf %add3A_1050, %get3A_1055 : vector<16xf32>
        %add3A_1057 = arith.constant 896 : i32
        %add3A_1058 = arith.addi %add3A_1057, %add3A_1017 : i32
        %get3A_1059 = arith.index_cast %add3A_1058 : i32 to index
        %get3A_1060 = arith.constant 0 : index
        %get3A_1061 = tpu.vector_load %arg8[%get3A_1059, %get3A_1060] {strides = array<i32>} : memref<2560x16xf32, #tpu.memory_space<vmem>>, vector<16xf32>,
        %add3A_1062 = arith.addf %add3A_1056, %get3A_1061 : vector<16xf32>
        %add3A_1063 = arith.constant 1024 : i32
        %add3A_1064 = arith.addi %add3A_1063, %add3A_1017 : i32
        %get3A_1065 = arith.index_cast %add3A_1064 : i32 to index
        %get3A_1066 = arith.constant 0 : index
        %get3A_1067 = tpu.vector_load %arg8[%get3A_1065, %get3A_1066] {strides = array<i32>} : memref<2560x16xf32, #tpu.memory_space<vmem>>, vector<16xf32>,
        %add3A_1068 = arith.addf %add3A_1062, %get3A_1067 : vector<16xf32>
        %add3A_1069 = arith.constant 1152 : i32
        %add3A_1070 = arith.addi %add3A_1069, %add3A_1017 : i32
        %get3A_1071 = arith.index_cast %add3A_1070 : i32 to index
        %get3A_1072 = arith.constant 0 : index
        %get3A_1073 = tpu.vector_load %arg8[%get3A_1071, %get3A_1072] {strides = array<i32>} : memref<2560x16xf32, #tpu.memory_space<vmem>>, vector<16xf32>,
        %add3A_1074 = arith.addf %add3A_1068, %get3A_1073 : vector<16xf32>
        %add3A_1075 = arith.constant 1280 : i32
        %add3A_1076 = arith.addi %add3A_1075, %add3A_1017 : i32
        %get3A_1077 = arith.index_cast %add3A_1076 : i32 to index
        %get3A_1078 = arith.constant 0 : index
        %get3A_1079 = tpu.vector_load %arg8[%get3A_1077, %get3A_1078] {strides = array<i32>} : memref<2560x16xf32, #tpu.memory_space<vmem>>, vector<16xf32>,
        %add3A_1080 = arith.addf %add3A_1074, %get3A_1079 : vector<16xf32>
        %add3A_1081 = arith.constant 1408 : i32
        %add3A_1082 = arith.addi %add3A_1081, %add3A_1017 : i32
        %get3A_1083 = arith.index_cast %add3A_1082 : i32 to index
        %get3A_1084 = arith.constant 0 : index
        %get3A_1085 = tpu.vector_load %arg8[%get3A_1083, %get3A_1084] {strides = array<i32>} : memref<2560x16xf32, #tpu.memory_space<vmem>>, vector<16xf32>,
        %add3A_1086 = arith.addf %add3A_1080, %get3A_1085 : vector<16xf32>
        %add3A_1087 = arith.constant 1536 : i32
        %add3A_1088 = arith.addi %add3A_1087, %add3A_1017 : i32
        %get3A_1089 = arith.index_cast %add3A_1088 : i32 to index
        %get3A_1090 = arith.constant 0 : index
        %get3A_1091 = tpu.vector_load %arg8[%get3A_1089, %get3A_1090] {strides = array<i32>} : memref<2560x16xf32, #tpu.memory_space<vmem>>, vector<16xf32>,
        %add3A_1092 = arith.addf %add3A_1086, %get3A_1091 : vector<16xf32>
        %add3A_1093 = arith.constant 1664 : i32
        %add3A_1094 = arith.addi %add3A_1093, %add3A_1017 : i32
        %get3A_1095 = arith.index_cast %add3A_1094 : i32 to index
        %get3A_1096 = arith.constant 0 : index
        %get3A_1097 = tpu.vector_load %arg8[%get3A_1095, %get3A_1096] {strides = array<i32>} : memref<2560x16xf32, #tpu.memory_space<vmem>>, vector<16xf32>,
        %add3A_1098 = arith.addf %add3A_1092, %get3A_1097 : vector<16xf32>
        %add3A_1099 = arith.constant 1792 : i32
        %add3A_1100 = arith.addi %add3A_1099, %add3A_1017 : i32
        %get3A_1101 = arith.index_cast %add3A_1100 : i32 to index
        %get3A_1102 = arith.constant 0 : index
        %get3A_1103 = tpu.vector_load %arg8[%get3A_1101, %get3A_1102] {strides = array<i32>} : memref<2560x16xf32, #tpu.memory_space<vmem>>, vector<16xf32>,
        %add3A_1104 = arith.addf %add3A_1098, %get3A_1103 : vector<16xf32>
        %add3A_1105 = arith.constant 1920 : i32
        %add3A_1106 = arith.addi %add3A_1105, %add3A_1017 : i32
        %get3A_1107 = arith.index_cast %add3A_1106 : i32 to index
        %get3A_1108 = arith.constant 0 : index
        %get3A_1109 = tpu.vector_load %arg8[%get3A_1107, %get3A_1108] {strides = array<i32>} : memref<2560x16xf32, #tpu.memory_space<vmem>>, vector<16xf32>,
        %add3A_1110 = arith.addf %add3A_1104, %get3A_1109 : vector<16xf32>
        %add3A_1111 = arith.constant 2048 : i32
        %add3A_1112 = arith.addi %add3A_1111, %add3A_1017 : i32
        %get3A_1113 = arith.index_cast %add3A_1112 : i32 to index
        %get3A_1114 = arith.constant 0 : index
        %get3A_1115 = tpu.vector_load %arg8[%get3A_1113, %get3A_1114] {strides = array<i32>} : memref<2560x16xf32, #tpu.memory_space<vmem>>, vector<16xf32>,
        %add3A_1116 = arith.addf %add3A_1110, %get3A_1115 : vector<16xf32>
        %add3A_1117 = arith.constant 2176 : i32
        %add3A_1118 = arith.addi %add3A_1117, %add3A_1017 : i32
        %get3A_1119 = arith.index_cast %add3A_1118 : i32 to index
        %get3A_1120 = arith.constant 0 : index
        %get3A_1121 = tpu.vector_load %arg8[%get3A_1119, %get3A_1120] {strides = array<i32>} : memref<2560x16xf32, #tpu.memory_space<vmem>>, vector<16xf32>,
        %add3A_1122 = arith.addf %add3A_1116, %get3A_1121 : vector<16xf32>
        %add3A_1123 = arith.constant 2304 : i32
        %add3A_1124 = arith.addi %add3A_1123, %add3A_1017 : i32
        %get3A_1125 = arith.index_cast %add3A_1124 : i32 to index
        %get3A_1126 = arith.constant 0 : index
        %get3A_1127 = tpu.vector_load %arg8[%get3A_1125, %get3A_1126] {strides = array<i32>} : memref<2560x16xf32, #tpu.memory_space<vmem>>, vector<16xf32>,
        %add3A_1128 = arith.addf %add3A_1122, %get3A_1127 : vector<16xf32>
        %add3A_1129 = arith.constant 2432 : i32
        %add3A_1130 = arith.addi %add3A_1129, %add3A_1017 : i32
        %get3A_1131 = arith.index_cast %add3A_1130 : i32 to index
        %get3A_1132 = arith.constant 0 : index
        %get3A_1133 = tpu.vector_load %arg8[%get3A_1131, %get3A_1132] {strides = array<i32>} : memref<2560x16xf32, #tpu.memory_space<vmem>>, vector<16xf32>,
        %add3A_1134 = arith.addf %add3A_1128, %get3A_1133 : vector<16xf32>
        %broadcast_in_dim3A_1135 = vector.broadcast %add3A_1017 : i32 to vector<16xi32>
        %slice3A_1136 = vector.extract_strided_slice %get3A_274 {offsets = [6], sizes = [1], strides = [1]} : vector<16xf32> to vector<1xf32>
        %squeeze3A_1137 = vector.extract %slice3A_1136[0] : f32 from vector<1xf32>
        %mul3A_1138 = vector.broadcast %squeeze3A_1137 : f32 to vector<16xf32>
        %mul3A_1139 = arith.mulf %add3A_1134, %mul3A_1138 : vector<16xf32>
        tpu.vector_store_idx %arg10[%iota3A, %broadcast_in_dim3A_1135], %mul3A_1139 : memref<16x128xf32, #tpu.memory_space<vmem>>[vector<16xi32>, vector<16xi32>], vector<16xf32>,
        %add3A_1140 = arith.constant 7 : i32
        %add3A_1141 = arith.addi %mul3A_273, %add3A_1140 : i32
        %get3A_1142 = arith.index_cast %add3A_1141 : i32 to index
        %get3A_1143 = arith.constant 0 : index
        %get3A_1144 = tpu.vector_load %arg8[%get3A_1142, %get3A_1143] {strides = array<i32>} : memref<2560x16xf32, #tpu.memory_space<vmem>>, vector<16xf32>,
        %add3A_1145 = arith.constant 128 : i32
        %add3A_1146 = arith.addi %add3A_1145, %add3A_1141 : i32
        %get3A_1147 = arith.index_cast %add3A_1146 : i32 to index
        %get3A_1148 = arith.constant 0 : index
        %get3A_1149 = tpu.vector_load %arg8[%get3A_1147, %get3A_1148] {strides = array<i32>} : memref<2560x16xf32, #tpu.memory_space<vmem>>, vector<16xf32>,
        %add3A_1150 = arith.addf %get3A_1144, %get3A_1149 : vector<16xf32>
        %add3A_1151 = arith.constant 256 : i32
        %add3A_1152 = arith.addi %add3A_1151, %add3A_1141 : i32
        %get3A_1153 = arith.index_cast %add3A_1152 : i32 to index
        %get3A_1154 = arith.constant 0 : index
        %get3A_1155 = tpu.vector_load %arg8[%get3A_1153, %get3A_1154] {strides = array<i32>} : memref<2560x16xf32, #tpu.memory_space<vmem>>, vector<16xf32>,
        %add3A_1156 = arith.addf %add3A_1150, %get3A_1155 : vector<16xf32>
        %add3A_1157 = arith.constant 384 : i32
        %add3A_1158 = arith.addi %add3A_1157, %add3A_1141 : i32
        %get3A_1159 = arith.index_cast %add3A_1158 : i32 to index
        %get3A_1160 = arith.constant 0 : index
        %get3A_1161 = tpu.vector_load %arg8[%get3A_1159, %get3A_1160] {strides = array<i32>} : memref<2560x16xf32, #tpu.memory_space<vmem>>, vector<16xf32>,
        %add3A_1162 = arith.addf %add3A_1156, %get3A_1161 : vector<16xf32>
        %add3A_1163 = arith.constant 512 : i32
        %add3A_1164 = arith.addi %add3A_1163, %add3A_1141 : i32
        %get3A_1165 = arith.index_cast %add3A_1164 : i32 to index
        %get3A_1166 = arith.constant 0 : index
        %get3A_1167 = tpu.vector_load %arg8[%get3A_1165, %get3A_1166] {strides = array<i32>} : memref<2560x16xf32, #tpu.memory_space<vmem>>, vector<16xf32>,
        %add3A_1168 = arith.addf %add3A_1162, %get3A_1167 : vector<16xf32>
        %add3A_1169 = arith.constant 640 : i32
        %add3A_1170 = arith.addi %add3A_1169, %add3A_1141 : i32
        %get3A_1171 = arith.index_cast %add3A_1170 : i32 to index
        %get3A_1172 = arith.constant 0 : index
        %get3A_1173 = tpu.vector_load %arg8[%get3A_1171, %get3A_1172] {strides = array<i32>} : memref<2560x16xf32, #tpu.memory_space<vmem>>, vector<16xf32>,
        %add3A_1174 = arith.addf %add3A_1168, %get3A_1173 : vector<16xf32>
        %add3A_1175 = arith.constant 768 : i32
        %add3A_1176 = arith.addi %add3A_1175, %add3A_1141 : i32
        %get3A_1177 = arith.index_cast %add3A_1176 : i32 to index
        %get3A_1178 = arith.constant 0 : index
        %get3A_1179 = tpu.vector_load %arg8[%get3A_1177, %get3A_1178] {strides = array<i32>} : memref<2560x16xf32, #tpu.memory_space<vmem>>, vector<16xf32>,
        %add3A_1180 = arith.addf %add3A_1174, %get3A_1179 : vector<16xf32>
        %add3A_1181 = arith.constant 896 : i32
        %add3A_1182 = arith.addi %add3A_1181, %add3A_1141 : i32
        %get3A_1183 = arith.index_cast %add3A_1182 : i32 to index
        %get3A_1184 = arith.constant 0 : index
        %get3A_1185 = tpu.vector_load %arg8[%get3A_1183, %get3A_1184] {strides = array<i32>} : memref<2560x16xf32, #tpu.memory_space<vmem>>, vector<16xf32>,
        %add3A_1186 = arith.addf %add3A_1180, %get3A_1185 : vector<16xf32>
        %add3A_1187 = arith.constant 1024 : i32
        %add3A_1188 = arith.addi %add3A_1187, %add3A_1141 : i32
        %get3A_1189 = arith.index_cast %add3A_1188 : i32 to index
        %get3A_1190 = arith.constant 0 : index
        %get3A_1191 = tpu.vector_load %arg8[%get3A_1189, %get3A_1190] {strides = array<i32>} : memref<2560x16xf32, #tpu.memory_space<vmem>>, vector<16xf32>,
        %add3A_1192 = arith.addf %add3A_1186, %get3A_1191 : vector<16xf32>
        %add3A_1193 = arith.constant 1152 : i32
        %add3A_1194 = arith.addi %add3A_1193, %add3A_1141 : i32
        %get3A_1195 = arith.index_cast %add3A_1194 : i32 to index
        %get3A_1196 = arith.constant 0 : index
        %get3A_1197 = tpu.vector_load %arg8[%get3A_1195, %get3A_1196] {strides = array<i32>} : memref<2560x16xf32, #tpu.memory_space<vmem>>, vector<16xf32>,
        %add3A_1198 = arith.addf %add3A_1192, %get3A_1197 : vector<16xf32>
        %add3A_1199 = arith.constant 1280 : i32
        %add3A_1200 = arith.addi %add3A_1199, %add3A_1141 : i32
        %get3A_1201 = arith.index_cast %add3A_1200 : i32 to index
        %get3A_1202 = arith.constant 0 : index
        %get3A_1203 = tpu.vector_load %arg8[%get3A_1201, %get3A_1202] {strides = array<i32>} : memref<2560x16xf32, #tpu.memory_space<vmem>>, vector<16xf32>,
        %add3A_1204 = arith.addf %add3A_1198, %get3A_1203 : vector<16xf32>
        %add3A_1205 = arith.constant 1408 : i32
        %add3A_1206 = arith.addi %add3A_1205, %add3A_1141 : i32
        %get3A_1207 = arith.index_cast %add3A_1206 : i32 to index
        %get3A_1208 = arith.constant 0 : index
        %get3A_1209 = tpu.vector_load %arg8[%get3A_1207, %get3A_1208] {strides = array<i32>} : memref<2560x16xf32, #tpu.memory_space<vmem>>, vector<16xf32>,
        %add3A_1210 = arith.addf %add3A_1204, %get3A_1209 : vector<16xf32>
        %add3A_1211 = arith.constant 1536 : i32
        %add3A_1212 = arith.addi %add3A_1211, %add3A_1141 : i32
        %get3A_1213 = arith.index_cast %add3A_1212 : i32 to index
        %get3A_1214 = arith.constant 0 : index
        %get3A_1215 = tpu.vector_load %arg8[%get3A_1213, %get3A_1214] {strides = array<i32>} : memref<2560x16xf32, #tpu.memory_space<vmem>>, vector<16xf32>,
        %add3A_1216 = arith.addf %add3A_1210, %get3A_1215 : vector<16xf32>
        %add3A_1217 = arith.constant 1664 : i32
        %add3A_1218 = arith.addi %add3A_1217, %add3A_1141 : i32
        %get3A_1219 = arith.index_cast %add3A_1218 : i32 to index
        %get3A_1220 = arith.constant 0 : index
        %get3A_1221 = tpu.vector_load %arg8[%get3A_1219, %get3A_1220] {strides = array<i32>} : memref<2560x16xf32, #tpu.memory_space<vmem>>, vector<16xf32>,
        %add3A_1222 = arith.addf %add3A_1216, %get3A_1221 : vector<16xf32>
        %add3A_1223 = arith.constant 1792 : i32
        %add3A_1224 = arith.addi %add3A_1223, %add3A_1141 : i32
        %get3A_1225 = arith.index_cast %add3A_1224 : i32 to index
        %get3A_1226 = arith.constant 0 : index
        %get3A_1227 = tpu.vector_load %arg8[%get3A_1225, %get3A_1226] {strides = array<i32>} : memref<2560x16xf32, #tpu.memory_space<vmem>>, vector<16xf32>,
        %add3A_1228 = arith.addf %add3A_1222, %get3A_1227 : vector<16xf32>
        %add3A_1229 = arith.constant 1920 : i32
        %add3A_1230 = arith.addi %add3A_1229, %add3A_1141 : i32
        %get3A_1231 = arith.index_cast %add3A_1230 : i32 to index
        %get3A_1232 = arith.constant 0 : index
        %get3A_1233 = tpu.vector_load %arg8[%get3A_1231, %get3A_1232] {strides = array<i32>} : memref<2560x16xf32, #tpu.memory_space<vmem>>, vector<16xf32>,
        %add3A_1234 = arith.addf %add3A_1228, %get3A_1233 : vector<16xf32>
        %add3A_1235 = arith.constant 2048 : i32
        %add3A_1236 = arith.addi %add3A_1235, %add3A_1141 : i32
        %get3A_1237 = arith.index_cast %add3A_1236 : i32 to index
        %get3A_1238 = arith.constant 0 : index
        %get3A_1239 = tpu.vector_load %arg8[%get3A_1237, %get3A_1238] {strides = array<i32>} : memref<2560x16xf32, #tpu.memory_space<vmem>>, vector<16xf32>,
        %add3A_1240 = arith.addf %add3A_1234, %get3A_1239 : vector<16xf32>
        %add3A_1241 = arith.constant 2176 : i32
        %add3A_1242 = arith.addi %add3A_1241, %add3A_1141 : i32
        %get3A_1243 = arith.index_cast %add3A_1242 : i32 to index
        %get3A_1244 = arith.constant 0 : index
        %get3A_1245 = tpu.vector_load %arg8[%get3A_1243, %get3A_1244] {strides = array<i32>} : memref<2560x16xf32, #tpu.memory_space<vmem>>, vector<16xf32>,
        %add3A_1246 = arith.addf %add3A_1240, %get3A_1245 : vector<16xf32>
        %add3A_1247 = arith.constant 2304 : i32
        %add3A_1248 = arith.addi %add3A_1247, %add3A_1141 : i32
        %get3A_1249 = arith.index_cast %add3A_1248 : i32 to index
        %get3A_1250 = arith.constant 0 : index
        %get3A_1251 = tpu.vector_load %arg8[%get3A_1249, %get3A_1250] {strides = array<i32>} : memref<2560x16xf32, #tpu.memory_space<vmem>>, vector<16xf32>,
        %add3A_1252 = arith.addf %add3A_1246, %get3A_1251 : vector<16xf32>
        %add3A_1253 = arith.constant 2432 : i32
        %add3A_1254 = arith.addi %add3A_1253, %add3A_1141 : i32
        %get3A_1255 = arith.index_cast %add3A_1254 : i32 to index
        %get3A_1256 = arith.constant 0 : index
        %get3A_1257 = tpu.vector_load %arg8[%get3A_1255, %get3A_1256] {strides = array<i32>} : memref<2560x16xf32, #tpu.memory_space<vmem>>, vector<16xf32>,
        %add3A_1258 = arith.addf %add3A_1252, %get3A_1257 : vector<16xf32>
        %broadcast_in_dim3A_1259 = vector.broadcast %add3A_1141 : i32 to vector<16xi32>
        %slice3A_1260 = vector.extract_strided_slice %get3A_274 {offsets = [7], sizes = [1], strides = [1]} : vector<16xf32> to vector<1xf32>
        %squeeze3A_1261 = vector.extract %slice3A_1260[0] : f32 from vector<1xf32>
        %mul3A_1262 = vector.broadcast %squeeze3A_1261 : f32 to vector<16xf32>
        %mul3A_1263 = arith.mulf %add3A_1258, %mul3A_1262 : vector<16xf32>
        tpu.vector_store_idx %arg10[%iota3A, %broadcast_in_dim3A_1259], %mul3A_1263 : memref<16x128xf32, #tpu.memory_space<vmem>>[vector<16xi32>, vector<16xi32>], vector<16xf32>,
        %add3A_1264 = arith.constant 8 : i32
        %add3A_1265 = arith.addi %mul3A_273, %add3A_1264 : i32
        %get3A_1266 = arith.index_cast %add3A_1265 : i32 to index
        %get3A_1267 = arith.constant 0 : index
        %get3A_1268 = tpu.vector_load %arg8[%get3A_1266, %get3A_1267] {strides = array<i32>} : memref<2560x16xf32, #tpu.memory_space<vmem>>, vector<16xf32>,
        %add3A_1269 = arith.constant 128 : i32
        %add3A_1270 = arith.addi %add3A_1269, %add3A_1265 : i32
        %get3A_1271 = arith.index_cast %add3A_1270 : i32 to index
        %get3A_1272 = arith.constant 0 : index
        %get3A_1273 = tpu.vector_load %arg8[%get3A_1271, %get3A_1272] {strides = array<i32>} : memref<2560x16xf32, #tpu.memory_space<vmem>>, vector<16xf32>,
        %add3A_1274 = arith.addf %get3A_1268, %get3A_1273 : vector<16xf32>
        %add3A_1275 = arith.constant 256 : i32
        %add3A_1276 = arith.addi %add3A_1275, %add3A_1265 : i32
        %get3A_1277 = arith.index_cast %add3A_1276 : i32 to index
        %get3A_1278 = arith.constant 0 : index
        %get3A_1279 = tpu.vector_load %arg8[%get3A_1277, %get3A_1278] {strides = array<i32>} : memref<2560x16xf32, #tpu.memory_space<vmem>>, vector<16xf32>,
        %add3A_1280 = arith.addf %add3A_1274, %get3A_1279 : vector<16xf32>
        %add3A_1281 = arith.constant 384 : i32
        %add3A_1282 = arith.addi %add3A_1281, %add3A_1265 : i32
        %get3A_1283 = arith.index_cast %add3A_1282 : i32 to index
        %get3A_1284 = arith.constant 0 : index
        %get3A_1285 = tpu.vector_load %arg8[%get3A_1283, %get3A_1284] {strides = array<i32>} : memref<2560x16xf32, #tpu.memory_space<vmem>>, vector<16xf32>,
        %add3A_1286 = arith.addf %add3A_1280, %get3A_1285 : vector<16xf32>
        %add3A_1287 = arith.constant 512 : i32
        %add3A_1288 = arith.addi %add3A_1287, %add3A_1265 : i32
        %get3A_1289 = arith.index_cast %add3A_1288 : i32 to index
        %get3A_1290 = arith.constant 0 : index
        %get3A_1291 = tpu.vector_load %arg8[%get3A_1289, %get3A_1290] {strides = array<i32>} : memref<2560x16xf32, #tpu.memory_space<vmem>>, vector<16xf32>,
        %add3A_1292 = arith.addf %add3A_1286, %get3A_1291 : vector<16xf32>
        %add3A_1293 = arith.constant 640 : i32
        %add3A_1294 = arith.addi %add3A_1293, %add3A_1265 : i32
        %get3A_1295 = arith.index_cast %add3A_1294 : i32 to index
        %get3A_1296 = arith.constant 0 : index
        %get3A_1297 = tpu.vector_load %arg8[%get3A_1295, %get3A_1296] {strides = array<i32>} : memref<2560x16xf32, #tpu.memory_space<vmem>>, vector<16xf32>,
        %add3A_1298 = arith.addf %add3A_1292, %get3A_1297 : vector<16xf32>
        %add3A_1299 = arith.constant 768 : i32
        %add3A_1300 = arith.addi %add3A_1299, %add3A_1265 : i32
        %get3A_1301 = arith.index_cast %add3A_1300 : i32 to index
        %get3A_1302 = arith.constant 0 : index
        %get3A_1303 = tpu.vector_load %arg8[%get3A_1301, %get3A_1302] {strides = array<i32>} : memref<2560x16xf32, #tpu.memory_space<vmem>>, vector<16xf32>,
        %add3A_1304 = arith.addf %add3A_1298, %get3A_1303 : vector<16xf32>
        %add3A_1305 = arith.constant 896 : i32
        %add3A_1306 = arith.addi %add3A_1305, %add3A_1265 : i32
        %get3A_1307 = arith.index_cast %add3A_1306 : i32 to index
        %get3A_1308 = arith.constant 0 : index
        %get3A_1309 = tpu.vector_load %arg8[%get3A_1307, %get3A_1308] {strides = array<i32>} : memref<2560x16xf32, #tpu.memory_space<vmem>>, vector<16xf32>,
        %add3A_1310 = arith.addf %add3A_1304, %get3A_1309 : vector<16xf32>
        %add3A_1311 = arith.constant 1024 : i32
        %add3A_1312 = arith.addi %add3A_1311, %add3A_1265 : i32
        %get3A_1313 = arith.index_cast %add3A_1312 : i32 to index
        %get3A_1314 = arith.constant 0 : index
        %get3A_1315 = tpu.vector_load %arg8[%get3A_1313, %get3A_1314] {strides = array<i32>} : memref<2560x16xf32, #tpu.memory_space<vmem>>, vector<16xf32>,
        %add3A_1316 = arith.addf %add3A_1310, %get3A_1315 : vector<16xf32>
        %add3A_1317 = arith.constant 1152 : i32
        %add3A_1318 = arith.addi %add3A_1317, %add3A_1265 : i32
        %get3A_1319 = arith.index_cast %add3A_1318 : i32 to index
        %get3A_1320 = arith.constant 0 : index
        %get3A_1321 = tpu.vector_load %arg8[%get3A_1319, %get3A_1320] {strides = array<i32>} : memref<2560x16xf32, #tpu.memory_space<vmem>>, vector<16xf32>,
        %add3A_1322 = arith.addf %add3A_1316, %get3A_1321 : vector<16xf32>
        %add3A_1323 = arith.constant 1280 : i32
        %add3A_1324 = arith.addi %add3A_1323, %add3A_1265 : i32
        %get3A_1325 = arith.index_cast %add3A_1324 : i32 to index
        %get3A_1326 = arith.constant 0 : index
        %get3A_1327 = tpu.vector_load %arg8[%get3A_1325, %get3A_1326] {strides = array<i32>} : memref<2560x16xf32, #tpu.memory_space<vmem>>, vector<16xf32>,
        %add3A_1328 = arith.addf %add3A_1322, %get3A_1327 : vector<16xf32>
        %add3A_1329 = arith.constant 1408 : i32
        %add3A_1330 = arith.addi %add3A_1329, %add3A_1265 : i32
        %get3A_1331 = arith.index_cast %add3A_1330 : i32 to index
        %get3A_1332 = arith.constant 0 : index
        %get3A_1333 = tpu.vector_load %arg8[%get3A_1331, %get3A_1332] {strides = array<i32>} : memref<2560x16xf32, #tpu.memory_space<vmem>>, vector<16xf32>,
        %add3A_1334 = arith.addf %add3A_1328, %get3A_1333 : vector<16xf32>
        %add3A_1335 = arith.constant 1536 : i32
        %add3A_1336 = arith.addi %add3A_1335, %add3A_1265 : i32
        %get3A_1337 = arith.index_cast %add3A_1336 : i32 to index
        %get3A_1338 = arith.constant 0 : index
        %get3A_1339 = tpu.vector_load %arg8[%get3A_1337, %get3A_1338] {strides = array<i32>} : memref<2560x16xf32, #tpu.memory_space<vmem>>, vector<16xf32>,
        %add3A_1340 = arith.addf %add3A_1334, %get3A_1339 : vector<16xf32>
        %add3A_1341 = arith.constant 1664 : i32
        %add3A_1342 = arith.addi %add3A_1341, %add3A_1265 : i32
        %get3A_1343 = arith.index_cast %add3A_1342 : i32 to index
        %get3A_1344 = arith.constant 0 : index
        %get3A_1345 = tpu.vector_load %arg8[%get3A_1343, %get3A_1344] {strides = array<i32>} : memref<2560x16xf32, #tpu.memory_space<vmem>>, vector<16xf32>,
        %add3A_1346 = arith.addf %add3A_1340, %get3A_1345 : vector<16xf32>
        %add3A_1347 = arith.constant 1792 : i32
        %add3A_1348 = arith.addi %add3A_1347, %add3A_1265 : i32
        %get3A_1349 = arith.index_cast %add3A_1348 : i32 to index
        %get3A_1350 = arith.constant 0 : index
        %get3A_1351 = tpu.vector_load %arg8[%get3A_1349, %get3A_1350] {strides = array<i32>} : memref<2560x16xf32, #tpu.memory_space<vmem>>, vector<16xf32>,
        %add3A_1352 = arith.addf %add3A_1346, %get3A_1351 : vector<16xf32>
        %add3A_1353 = arith.constant 1920 : i32
        %add3A_1354 = arith.addi %add3A_1353, %add3A_1265 : i32
        %get3A_1355 = arith.index_cast %add3A_1354 : i32 to index
        %get3A_1356 = arith.constant 0 : index
        %get3A_1357 = tpu.vector_load %arg8[%get3A_1355, %get3A_1356] {strides = array<i32>} : memref<2560x16xf32, #tpu.memory_space<vmem>>, vector<16xf32>,
        %add3A_1358 = arith.addf %add3A_1352, %get3A_1357 : vector<16xf32>
        %add3A_1359 = arith.constant 2048 : i32
        %add3A_1360 = arith.addi %add3A_1359, %add3A_1265 : i32
        %get3A_1361 = arith.index_cast %add3A_1360 : i32 to index
        %get3A_1362 = arith.constant 0 : index
        %get3A_1363 = tpu.vector_load %arg8[%get3A_1361, %get3A_1362] {strides = array<i32>} : memref<2560x16xf32, #tpu.memory_space<vmem>>, vector<16xf32>,
        %add3A_1364 = arith.addf %add3A_1358, %get3A_1363 : vector<16xf32>
        %add3A_1365 = arith.constant 2176 : i32
        %add3A_1366 = arith.addi %add3A_1365, %add3A_1265 : i32
        %get3A_1367 = arith.index_cast %add3A_1366 : i32 to index
        %get3A_1368 = arith.constant 0 : index
        %get3A_1369 = tpu.vector_load %arg8[%get3A_1367, %get3A_1368] {strides = array<i32>} : memref<2560x16xf32, #tpu.memory_space<vmem>>, vector<16xf32>,
        %add3A_1370 = arith.addf %add3A_1364, %get3A_1369 : vector<16xf32>
        %add3A_1371 = arith.constant 2304 : i32
        %add3A_1372 = arith.addi %add3A_1371, %add3A_1265 : i32
        %get3A_1373 = arith.index_cast %add3A_1372 : i32 to index
        %get3A_1374 = arith.constant 0 : index
        %get3A_1375 = tpu.vector_load %arg8[%get3A_1373, %get3A_1374] {strides = array<i32>} : memref<2560x16xf32, #tpu.memory_space<vmem>>, vector<16xf32>,
        %add3A_1376 = arith.addf %add3A_1370, %get3A_1375 : vector<16xf32>
        %add3A_1377 = arith.constant 2432 : i32
        %add3A_1378 = arith.addi %add3A_1377, %add3A_1265 : i32
        %get3A_1379 = arith.index_cast %add3A_1378 : i32 to index
        %get3A_1380 = arith.constant 0 : index
        %get3A_1381 = tpu.vector_load %arg8[%get3A_1379, %get3A_1380] {strides = array<i32>} : memref<2560x16xf32, #tpu.memory_space<vmem>>, vector<16xf32>,
        %add3A_1382 = arith.addf %add3A_1376, %get3A_1381 : vector<16xf32>
        %broadcast_in_dim3A_1383 = vector.broadcast %add3A_1265 : i32 to vector<16xi32>
        %slice3A_1384 = vector.extract_strided_slice %get3A_274 {offsets = [8], sizes = [1], strides = [1]} : vector<16xf32> to vector<1xf32>
        %squeeze3A_1385 = vector.extract %slice3A_1384[0] : f32 from vector<1xf32>
        %mul3A_1386 = vector.broadcast %squeeze3A_1385 : f32 to vector<16xf32>
        %mul3A_1387 = arith.mulf %add3A_1382, %mul3A_1386 : vector<16xf32>
        tpu.vector_store_idx %arg10[%iota3A, %broadcast_in_dim3A_1383], %mul3A_1387 : memref<16x128xf32, #tpu.memory_space<vmem>>[vector<16xi32>, vector<16xi32>], vector<16xf32>,
        %add3A_1388 = arith.constant 9 : i32
        %add3A_1389 = arith.addi %mul3A_273, %add3A_1388 : i32
        %get3A_1390 = arith.index_cast %add3A_1389 : i32 to index
        %get3A_1391 = arith.constant 0 : index
        %get3A_1392 = tpu.vector_load %arg8[%get3A_1390, %get3A_1391] {strides = array<i32>} : memref<2560x16xf32, #tpu.memory_space<vmem>>, vector<16xf32>,
        %add3A_1393 = arith.constant 128 : i32
        %add3A_1394 = arith.addi %add3A_1393, %add3A_1389 : i32
        %get3A_1395 = arith.index_cast %add3A_1394 : i32 to index
        %get3A_1396 = arith.constant 0 : index
        %get3A_1397 = tpu.vector_load %arg8[%get3A_1395, %get3A_1396] {strides = array<i32>} : memref<2560x16xf32, #tpu.memory_space<vmem>>, vector<16xf32>,
        %add3A_1398 = arith.addf %get3A_1392, %get3A_1397 : vector<16xf32>
        %add3A_1399 = arith.constant 256 : i32
        %add3A_1400 = arith.addi %add3A_1399, %add3A_1389 : i32
        %get3A_1401 = arith.index_cast %add3A_1400 : i32 to index
        %get3A_1402 = arith.constant 0 : index
        %get3A_1403 = tpu.vector_load %arg8[%get3A_1401, %get3A_1402] {strides = array<i32>} : memref<2560x16xf32, #tpu.memory_space<vmem>>, vector<16xf32>,
        %add3A_1404 = arith.addf %add3A_1398, %get3A_1403 : vector<16xf32>
        %add3A_1405 = arith.constant 384 : i32
        %add3A_1406 = arith.addi %add3A_1405, %add3A_1389 : i32
        %get3A_1407 = arith.index_cast %add3A_1406 : i32 to index
        %get3A_1408 = arith.constant 0 : index
        %get3A_1409 = tpu.vector_load %arg8[%get3A_1407, %get3A_1408] {strides = array<i32>} : memref<2560x16xf32, #tpu.memory_space<vmem>>, vector<16xf32>,
        %add3A_1410 = arith.addf %add3A_1404, %get3A_1409 : vector<16xf32>
        %add3A_1411 = arith.constant 512 : i32
        %add3A_1412 = arith.addi %add3A_1411, %add3A_1389 : i32
        %get3A_1413 = arith.index_cast %add3A_1412 : i32 to index
        %get3A_1414 = arith.constant 0 : index
        %get3A_1415 = tpu.vector_load %arg8[%get3A_1413, %get3A_1414] {strides = array<i32>} : memref<2560x16xf32, #tpu.memory_space<vmem>>, vector<16xf32>,
        %add3A_1416 = arith.addf %add3A_1410, %get3A_1415 : vector<16xf32>
        %add3A_1417 = arith.constant 640 : i32
        %add3A_1418 = arith.addi %add3A_1417, %add3A_1389 : i32
        %get3A_1419 = arith.index_cast %add3A_1418 : i32 to index
        %get3A_1420 = arith.constant 0 : index
        %get3A_1421 = tpu.vector_load %arg8[%get3A_1419, %get3A_1420] {strides = array<i32>} : memref<2560x16xf32, #tpu.memory_space<vmem>>, vector<16xf32>,
        %add3A_1422 = arith.addf %add3A_1416, %get3A_1421 : vector<16xf32>
        %add3A_1423 = arith.constant 768 : i32
        %add3A_1424 = arith.addi %add3A_1423, %add3A_1389 : i32
        %get3A_1425 = arith.index_cast %add3A_1424 : i32 to index
        %get3A_1426 = arith.constant 0 : index
        %get3A_1427 = tpu.vector_load %arg8[%get3A_1425, %get3A_1426] {strides = array<i32>} : memref<2560x16xf32, #tpu.memory_space<vmem>>, vector<16xf32>,
        %add3A_1428 = arith.addf %add3A_1422, %get3A_1427 : vector<16xf32>
        %add3A_1429 = arith.constant 896 : i32
        %add3A_1430 = arith.addi %add3A_1429, %add3A_1389 : i32
        %get3A_1431 = arith.index_cast %add3A_1430 : i32 to index
        %get3A_1432 = arith.constant 0 : index
        %get3A_1433 = tpu.vector_load %arg8[%get3A_1431, %get3A_1432] {strides = array<i32>} : memref<2560x16xf32, #tpu.memory_space<vmem>>, vector<16xf32>,
        %add3A_1434 = arith.addf %add3A_1428, %get3A_1433 : vector<16xf32>
        %add3A_1435 = arith.constant 1024 : i32
        %add3A_1436 = arith.addi %add3A_1435, %add3A_1389 : i32
        %get3A_1437 = arith.index_cast %add3A_1436 : i32 to index
        %get3A_1438 = arith.constant 0 : index
        %get3A_1439 = tpu.vector_load %arg8[%get3A_1437, %get3A_1438] {strides = array<i32>} : memref<2560x16xf32, #tpu.memory_space<vmem>>, vector<16xf32>,
        %add3A_1440 = arith.addf %add3A_1434, %get3A_1439 : vector<16xf32>
        %add3A_1441 = arith.constant 1152 : i32
        %add3A_1442 = arith.addi %add3A_1441, %add3A_1389 : i32
        %get3A_1443 = arith.index_cast %add3A_1442 : i32 to index
        %get3A_1444 = arith.constant 0 : index
        %get3A_1445 = tpu.vector_load %arg8[%get3A_1443, %get3A_1444] {strides = array<i32>} : memref<2560x16xf32, #tpu.memory_space<vmem>>, vector<16xf32>,
        %add3A_1446 = arith.addf %add3A_1440, %get3A_1445 : vector<16xf32>
        %add3A_1447 = arith.constant 1280 : i32
        %add3A_1448 = arith.addi %add3A_1447, %add3A_1389 : i32
        %get3A_1449 = arith.index_cast %add3A_1448 : i32 to index
        %get3A_1450 = arith.constant 0 : index
        %get3A_1451 = tpu.vector_load %arg8[%get3A_1449, %get3A_1450] {strides = array<i32>} : memref<2560x16xf32, #tpu.memory_space<vmem>>, vector<16xf32>,
        %add3A_1452 = arith.addf %add3A_1446, %get3A_1451 : vector<16xf32>
        %add3A_1453 = arith.constant 1408 : i32
        %add3A_1454 = arith.addi %add3A_1453, %add3A_1389 : i32
        %get3A_1455 = arith.index_cast %add3A_1454 : i32 to index
        %get3A_1456 = arith.constant 0 : index
        %get3A_1457 = tpu.vector_load %arg8[%get3A_1455, %get3A_1456] {strides = array<i32>} : memref<2560x16xf32, #tpu.memory_space<vmem>>, vector<16xf32>,
        %add3A_1458 = arith.addf %add3A_1452, %get3A_1457 : vector<16xf32>
        %add3A_1459 = arith.constant 1536 : i32
        %add3A_1460 = arith.addi %add3A_1459, %add3A_1389 : i32
        %get3A_1461 = arith.index_cast %add3A_1460 : i32 to index
        %get3A_1462 = arith.constant 0 : index
        %get3A_1463 = tpu.vector_load %arg8[%get3A_1461, %get3A_1462] {strides = array<i32>} : memref<2560x16xf32, #tpu.memory_space<vmem>>, vector<16xf32>,
        %add3A_1464 = arith.addf %add3A_1458, %get3A_1463 : vector<16xf32>
        %add3A_1465 = arith.constant 1664 : i32
        %add3A_1466 = arith.addi %add3A_1465, %add3A_1389 : i32
        %get3A_1467 = arith.index_cast %add3A_1466 : i32 to index
        %get3A_1468 = arith.constant 0 : index
        %get3A_1469 = tpu.vector_load %arg8[%get3A_1467, %get3A_1468] {strides = array<i32>} : memref<2560x16xf32, #tpu.memory_space<vmem>>, vector<16xf32>,
        %add3A_1470 = arith.addf %add3A_1464, %get3A_1469 : vector<16xf32>
        %add3A_1471 = arith.constant 1792 : i32
        %add3A_1472 = arith.addi %add3A_1471, %add3A_1389 : i32
        %get3A_1473 = arith.index_cast %add3A_1472 : i32 to index
        %get3A_1474 = arith.constant 0 : index
        %get3A_1475 = tpu.vector_load %arg8[%get3A_1473, %get3A_1474] {strides = array<i32>} : memref<2560x16xf32, #tpu.memory_space<vmem>>, vector<16xf32>,
        %add3A_1476 = arith.addf %add3A_1470, %get3A_1475 : vector<16xf32>
        %add3A_1477 = arith.constant 1920 : i32
        %add3A_1478 = arith.addi %add3A_1477, %add3A_1389 : i32
        %get3A_1479 = arith.index_cast %add3A_1478 : i32 to index
        %get3A_1480 = arith.constant 0 : index
        %get3A_1481 = tpu.vector_load %arg8[%get3A_1479, %get3A_1480] {strides = array<i32>} : memref<2560x16xf32, #tpu.memory_space<vmem>>, vector<16xf32>,
        %add3A_1482 = arith.addf %add3A_1476, %get3A_1481 : vector<16xf32>
        %add3A_1483 = arith.constant 2048 : i32
        %add3A_1484 = arith.addi %add3A_1483, %add3A_1389 : i32
        %get3A_1485 = arith.index_cast %add3A_1484 : i32 to index
        %get3A_1486 = arith.constant 0 : index
        %get3A_1487 = tpu.vector_load %arg8[%get3A_1485, %get3A_1486] {strides = array<i32>} : memref<2560x16xf32, #tpu.memory_space<vmem>>, vector<16xf32>,
        %add3A_1488 = arith.addf %add3A_1482, %get3A_1487 : vector<16xf32>
        %add3A_1489 = arith.constant 2176 : i32
        %add3A_1490 = arith.addi %add3A_1489, %add3A_1389 : i32
        %get3A_1491 = arith.index_cast %add3A_1490 : i32 to index
        %get3A_1492 = arith.constant 0 : index
        %get3A_1493 = tpu.vector_load %arg8[%get3A_1491, %get3A_1492] {strides = array<i32>} : memref<2560x16xf32, #tpu.memory_space<vmem>>, vector<16xf32>,
        %add3A_1494 = arith.addf %add3A_1488, %get3A_1493 : vector<16xf32>
        %add3A_1495 = arith.constant 2304 : i32
        %add3A_1496 = arith.addi %add3A_1495, %add3A_1389 : i32
        %get3A_1497 = arith.index_cast %add3A_1496 : i32 to index
        %get3A_1498 = arith.constant 0 : index
        %get3A_1499 = tpu.vector_load %arg8[%get3A_1497, %get3A_1498] {strides = array<i32>} : memref<2560x16xf32, #tpu.memory_space<vmem>>, vector<16xf32>,
        %add3A_1500 = arith.addf %add3A_1494, %get3A_1499 : vector<16xf32>
        %add3A_1501 = arith.constant 2432 : i32
        %add3A_1502 = arith.addi %add3A_1501, %add3A_1389 : i32
        %get3A_1503 = arith.index_cast %add3A_1502 : i32 to index
        %get3A_1504 = arith.constant 0 : index
        %get3A_1505 = tpu.vector_load %arg8[%get3A_1503, %get3A_1504] {strides = array<i32>} : memref<2560x16xf32, #tpu.memory_space<vmem>>, vector<16xf32>,
        %add3A_1506 = arith.addf %add3A_1500, %get3A_1505 : vector<16xf32>
        %broadcast_in_dim3A_1507 = vector.broadcast %add3A_1389 : i32 to vector<16xi32>
        %slice3A_1508 = vector.extract_strided_slice %get3A_274 {offsets = [9], sizes = [1], strides = [1]} : vector<16xf32> to vector<1xf32>
        %squeeze3A_1509 = vector.extract %slice3A_1508[0] : f32 from vector<1xf32>
        %mul3A_1510 = vector.broadcast %squeeze3A_1509 : f32 to vector<16xf32>
        %mul3A_1511 = arith.mulf %add3A_1506, %mul3A_1510 : vector<16xf32>
        tpu.vector_store_idx %arg10[%iota3A, %broadcast_in_dim3A_1507], %mul3A_1511 : memref<16x128xf32, #tpu.memory_space<vmem>>[vector<16xi32>, vector<16xi32>], vector<16xf32>,
        %add3A_1512 = arith.constant 10 : i32
        %add3A_1513 = arith.addi %mul3A_273, %add3A_1512 : i32
        %get3A_1514 = arith.index_cast %add3A_1513 : i32 to index
        %get3A_1515 = arith.constant 0 : index
        %get3A_1516 = tpu.vector_load %arg8[%get3A_1514, %get3A_1515] {strides = array<i32>} : memref<2560x16xf32, #tpu.memory_space<vmem>>, vector<16xf32>,
        %add3A_1517 = arith.constant 128 : i32
        %add3A_1518 = arith.addi %add3A_1517, %add3A_1513 : i32
        %get3A_1519 = arith.index_cast %add3A_1518 : i32 to index
        %get3A_1520 = arith.constant 0 : index
        %get3A_1521 = tpu.vector_load %arg8[%get3A_1519, %get3A_1520] {strides = array<i32>} : memref<2560x16xf32, #tpu.memory_space<vmem>>, vector<16xf32>,
        %add3A_1522 = arith.addf %get3A_1516, %get3A_1521 : vector<16xf32>
        %add3A_1523 = arith.constant 256 : i32
        %add3A_1524 = arith.addi %add3A_1523, %add3A_1513 : i32
        %get3A_1525 = arith.index_cast %add3A_1524 : i32 to index
        %get3A_1526 = arith.constant 0 : index
        %get3A_1527 = tpu.vector_load %arg8[%get3A_1525, %get3A_1526] {strides = array<i32>} : memref<2560x16xf32, #tpu.memory_space<vmem>>, vector<16xf32>,
        %add3A_1528 = arith.addf %add3A_1522, %get3A_1527 : vector<16xf32>
        %add3A_1529 = arith.constant 384 : i32
        %add3A_1530 = arith.addi %add3A_1529, %add3A_1513 : i32
        %get3A_1531 = arith.index_cast %add3A_1530 : i32 to index
        %get3A_1532 = arith.constant 0 : index
        %get3A_1533 = tpu.vector_load %arg8[%get3A_1531, %get3A_1532] {strides = array<i32>} : memref<2560x16xf32, #tpu.memory_space<vmem>>, vector<16xf32>,
        %add3A_1534 = arith.addf %add3A_1528, %get3A_1533 : vector<16xf32>
        %add3A_1535 = arith.constant 512 : i32
        %add3A_1536 = arith.addi %add3A_1535, %add3A_1513 : i32
        %get3A_1537 = arith.index_cast %add3A_1536 : i32 to index
        %get3A_1538 = arith.constant 0 : index
        %get3A_1539 = tpu.vector_load %arg8[%get3A_1537, %get3A_1538] {strides = array<i32>} : memref<2560x16xf32, #tpu.memory_space<vmem>>, vector<16xf32>,
        %add3A_1540 = arith.addf %add3A_1534, %get3A_1539 : vector<16xf32>
        %add3A_1541 = arith.constant 640 : i32
        %add3A_1542 = arith.addi %add3A_1541, %add3A_1513 : i32
        %get3A_1543 = arith.index_cast %add3A_1542 : i32 to index
        %get3A_1544 = arith.constant 0 : index
        %get3A_1545 = tpu.vector_load %arg8[%get3A_1543, %get3A_1544] {strides = array<i32>} : memref<2560x16xf32, #tpu.memory_space<vmem>>, vector<16xf32>,
        %add3A_1546 = arith.addf %add3A_1540, %get3A_1545 : vector<16xf32>
        %add3A_1547 = arith.constant 768 : i32
        %add3A_1548 = arith.addi %add3A_1547, %add3A_1513 : i32
        %get3A_1549 = arith.index_cast %add3A_1548 : i32 to index
        %get3A_1550 = arith.constant 0 : index
        %get3A_1551 = tpu.vector_load %arg8[%get3A_1549, %get3A_1550] {strides = array<i32>} : memref<2560x16xf32, #tpu.memory_space<vmem>>, vector<16xf32>,
        %add3A_1552 = arith.addf %add3A_1546, %get3A_1551 : vector<16xf32>
        %add3A_1553 = arith.constant 896 : i32
        %add3A_1554 = arith.addi %add3A_1553, %add3A_1513 : i32
        %get3A_1555 = arith.index_cast %add3A_1554 : i32 to index
        %get3A_1556 = arith.constant 0 : index
        %get3A_1557 = tpu.vector_load %arg8[%get3A_1555, %get3A_1556] {strides = array<i32>} : memref<2560x16xf32, #tpu.memory_space<vmem>>, vector<16xf32>,
        %add3A_1558 = arith.addf %add3A_1552, %get3A_1557 : vector<16xf32>
        %add3A_1559 = arith.constant 1024 : i32
        %add3A_1560 = arith.addi %add3A_1559, %add3A_1513 : i32
        %get3A_1561 = arith.index_cast %add3A_1560 : i32 to index
        %get3A_1562 = arith.constant 0 : index
        %get3A_1563 = tpu.vector_load %arg8[%get3A_1561, %get3A_1562] {strides = array<i32>} : memref<2560x16xf32, #tpu.memory_space<vmem>>, vector<16xf32>,
        %add3A_1564 = arith.addf %add3A_1558, %get3A_1563 : vector<16xf32>
        %add3A_1565 = arith.constant 1152 : i32
        %add3A_1566 = arith.addi %add3A_1565, %add3A_1513 : i32
        %get3A_1567 = arith.index_cast %add3A_1566 : i32 to index
        %get3A_1568 = arith.constant 0 : index
        %get3A_1569 = tpu.vector_load %arg8[%get3A_1567, %get3A_1568] {strides = array<i32>} : memref<2560x16xf32, #tpu.memory_space<vmem>>, vector<16xf32>,
        %add3A_1570 = arith.addf %add3A_1564, %get3A_1569 : vector<16xf32>
        %add3A_1571 = arith.constant 1280 : i32
        %add3A_1572 = arith.addi %add3A_1571, %add3A_1513 : i32
        %get3A_1573 = arith.index_cast %add3A_1572 : i32 to index
        %get3A_1574 = arith.constant 0 : index
        %get3A_1575 = tpu.vector_load %arg8[%get3A_1573, %get3A_1574] {strides = array<i32>} : memref<2560x16xf32, #tpu.memory_space<vmem>>, vector<16xf32>,
        %add3A_1576 = arith.addf %add3A_1570, %get3A_1575 : vector<16xf32>
        %add3A_1577 = arith.constant 1408 : i32
        %add3A_1578 = arith.addi %add3A_1577, %add3A_1513 : i32
        %get3A_1579 = arith.index_cast %add3A_1578 : i32 to index
        %get3A_1580 = arith.constant 0 : index
        %get3A_1581 = tpu.vector_load %arg8[%get3A_1579, %get3A_1580] {strides = array<i32>} : memref<2560x16xf32, #tpu.memory_space<vmem>>, vector<16xf32>,
        %add3A_1582 = arith.addf %add3A_1576, %get3A_1581 : vector<16xf32>
        %add3A_1583 = arith.constant 1536 : i32
        %add3A_1584 = arith.addi %add3A_1583, %add3A_1513 : i32
        %get3A_1585 = arith.index_cast %add3A_1584 : i32 to index
        %get3A_1586 = arith.constant 0 : index
        %get3A_1587 = tpu.vector_load %arg8[%get3A_1585, %get3A_1586] {strides = array<i32>} : memref<2560x16xf32, #tpu.memory_space<vmem>>, vector<16xf32>,
        %add3A_1588 = arith.addf %add3A_1582, %get3A_1587 : vector<16xf32>
        %add3A_1589 = arith.constant 1664 : i32
        %add3A_1590 = arith.addi %add3A_1589, %add3A_1513 : i32
        %get3A_1591 = arith.index_cast %add3A_1590 : i32 to index
        %get3A_1592 = arith.constant 0 : index
        %get3A_1593 = tpu.vector_load %arg8[%get3A_1591, %get3A_1592] {strides = array<i32>} : memref<2560x16xf32, #tpu.memory_space<vmem>>, vector<16xf32>,
        %add3A_1594 = arith.addf %add3A_1588, %get3A_1593 : vector<16xf32>
        %add3A_1595 = arith.constant 1792 : i32
        %add3A_1596 = arith.addi %add3A_1595, %add3A_1513 : i32
        %get3A_1597 = arith.index_cast %add3A_1596 : i32 to index
        %get3A_1598 = arith.constant 0 : index
        %get3A_1599 = tpu.vector_load %arg8[%get3A_1597, %get3A_1598] {strides = array<i32>} : memref<2560x16xf32, #tpu.memory_space<vmem>>, vector<16xf32>,
        %add3A_1600 = arith.addf %add3A_1594, %get3A_1599 : vector<16xf32>
        %add3A_1601 = arith.constant 1920 : i32
        %add3A_1602 = arith.addi %add3A_1601, %add3A_1513 : i32
        %get3A_1603 = arith.index_cast %add3A_1602 : i32 to index
        %get3A_1604 = arith.constant 0 : index
        %get3A_1605 = tpu.vector_load %arg8[%get3A_1603, %get3A_1604] {strides = array<i32>} : memref<2560x16xf32, #tpu.memory_space<vmem>>, vector<16xf32>,
        %add3A_1606 = arith.addf %add3A_1600, %get3A_1605 : vector<16xf32>
        %add3A_1607 = arith.constant 2048 : i32
        %add3A_1608 = arith.addi %add3A_1607, %add3A_1513 : i32
        %get3A_1609 = arith.index_cast %add3A_1608 : i32 to index
        %get3A_1610 = arith.constant 0 : index
        %get3A_1611 = tpu.vector_load %arg8[%get3A_1609, %get3A_1610] {strides = array<i32>} : memref<2560x16xf32, #tpu.memory_space<vmem>>, vector<16xf32>,
        %add3A_1612 = arith.addf %add3A_1606, %get3A_1611 : vector<16xf32>
        %add3A_1613 = arith.constant 2176 : i32
        %add3A_1614 = arith.addi %add3A_1613, %add3A_1513 : i32
        %get3A_1615 = arith.index_cast %add3A_1614 : i32 to index
        %get3A_1616 = arith.constant 0 : index
        %get3A_1617 = tpu.vector_load %arg8[%get3A_1615, %get3A_1616] {strides = array<i32>} : memref<2560x16xf32, #tpu.memory_space<vmem>>, vector<16xf32>,
        %add3A_1618 = arith.addf %add3A_1612, %get3A_1617 : vector<16xf32>
        %add3A_1619 = arith.constant 2304 : i32
        %add3A_1620 = arith.addi %add3A_1619, %add3A_1513 : i32
        %get3A_1621 = arith.index_cast %add3A_1620 : i32 to index
        %get3A_1622 = arith.constant 0 : index
        %get3A_1623 = tpu.vector_load %arg8[%get3A_1621, %get3A_1622] {strides = array<i32>} : memref<2560x16xf32, #tpu.memory_space<vmem>>, vector<16xf32>,
        %add3A_1624 = arith.addf %add3A_1618, %get3A_1623 : vector<16xf32>
        %add3A_1625 = arith.constant 2432 : i32
        %add3A_1626 = arith.addi %add3A_1625, %add3A_1513 : i32
        %get3A_1627 = arith.index_cast %add3A_1626 : i32 to index
        %get3A_1628 = arith.constant 0 : index
        %get3A_1629 = tpu.vector_load %arg8[%get3A_1627, %get3A_1628] {strides = array<i32>} : memref<2560x16xf32, #tpu.memory_space<vmem>>, vector<16xf32>,
        %add3A_1630 = arith.addf %add3A_1624, %get3A_1629 : vector<16xf32>
        %broadcast_in_dim3A_1631 = vector.broadcast %add3A_1513 : i32 to vector<16xi32>
        %slice3A_1632 = vector.extract_strided_slice %get3A_274 {offsets = [10], sizes = [1], strides = [1]} : vector<16xf32> to vector<1xf32>
        %squeeze3A_1633 = vector.extract %slice3A_1632[0] : f32 from vector<1xf32>
        %mul3A_1634 = vector.broadcast %squeeze3A_1633 : f32 to vector<16xf32>
        %mul3A_1635 = arith.mulf %add3A_1630, %mul3A_1634 : vector<16xf32>
        tpu.vector_store_idx %arg10[%iota3A, %broadcast_in_dim3A_1631], %mul3A_1635 : memref<16x128xf32, #tpu.memory_space<vmem>>[vector<16xi32>, vector<16xi32>], vector<16xf32>,
        %add3A_1636 = arith.constant 11 : i32
        %add3A_1637 = arith.addi %mul3A_273, %add3A_1636 : i32
        %get3A_1638 = arith.index_cast %add3A_1637 : i32 to index
        %get3A_1639 = arith.constant 0 : index
        %get3A_1640 = tpu.vector_load %arg8[%get3A_1638, %get3A_1639] {strides = array<i32>} : memref<2560x16xf32, #tpu.memory_space<vmem>>, vector<16xf32>,
        %add3A_1641 = arith.constant 128 : i32
        %add3A_1642 = arith.addi %add3A_1641, %add3A_1637 : i32
        %get3A_1643 = arith.index_cast %add3A_1642 : i32 to index
        %get3A_1644 = arith.constant 0 : index
        %get3A_1645 = tpu.vector_load %arg8[%get3A_1643, %get3A_1644] {strides = array<i32>} : memref<2560x16xf32, #tpu.memory_space<vmem>>, vector<16xf32>,
        %add3A_1646 = arith.addf %get3A_1640, %get3A_1645 : vector<16xf32>
        %add3A_1647 = arith.constant 256 : i32
        %add3A_1648 = arith.addi %add3A_1647, %add3A_1637 : i32
        %get3A_1649 = arith.index_cast %add3A_1648 : i32 to index
        %get3A_1650 = arith.constant 0 : index
        %get3A_1651 = tpu.vector_load %arg8[%get3A_1649, %get3A_1650] {strides = array<i32>} : memref<2560x16xf32, #tpu.memory_space<vmem>>, vector<16xf32>,
        %add3A_1652 = arith.addf %add3A_1646, %get3A_1651 : vector<16xf32>
        %add3A_1653 = arith.constant 384 : i32
        %add3A_1654 = arith.addi %add3A_1653, %add3A_1637 : i32
        %get3A_1655 = arith.index_cast %add3A_1654 : i32 to index
        %get3A_1656 = arith.constant 0 : index
        %get3A_1657 = tpu.vector_load %arg8[%get3A_1655, %get3A_1656] {strides = array<i32>} : memref<2560x16xf32, #tpu.memory_space<vmem>>, vector<16xf32>,
        %add3A_1658 = arith.addf %add3A_1652, %get3A_1657 : vector<16xf32>
        %add3A_1659 = arith.constant 512 : i32
        %add3A_1660 = arith.addi %add3A_1659, %add3A_1637 : i32
        %get3A_1661 = arith.index_cast %add3A_1660 : i32 to index
        %get3A_1662 = arith.constant 0 : index
        %get3A_1663 = tpu.vector_load %arg8[%get3A_1661, %get3A_1662] {strides = array<i32>} : memref<2560x16xf32, #tpu.memory_space<vmem>>, vector<16xf32>,
        %add3A_1664 = arith.addf %add3A_1658, %get3A_1663 : vector<16xf32>
        %add3A_1665 = arith.constant 640 : i32
        %add3A_1666 = arith.addi %add3A_1665, %add3A_1637 : i32
        %get3A_1667 = arith.index_cast %add3A_1666 : i32 to index
        %get3A_1668 = arith.constant 0 : index
        %get3A_1669 = tpu.vector_load %arg8[%get3A_1667, %get3A_1668] {strides = array<i32>} : memref<2560x16xf32, #tpu.memory_space<vmem>>, vector<16xf32>,
        %add3A_1670 = arith.addf %add3A_1664, %get3A_1669 : vector<16xf32>
        %add3A_1671 = arith.constant 768 : i32
        %add3A_1672 = arith.addi %add3A_1671, %add3A_1637 : i32
        %get3A_1673 = arith.index_cast %add3A_1672 : i32 to index
        %get3A_1674 = arith.constant 0 : index
        %get3A_1675 = tpu.vector_load %arg8[%get3A_1673, %get3A_1674] {strides = array<i32>} : memref<2560x16xf32, #tpu.memory_space<vmem>>, vector<16xf32>,
        %add3A_1676 = arith.addf %add3A_1670, %get3A_1675 : vector<16xf32>
        %add3A_1677 = arith.constant 896 : i32
        %add3A_1678 = arith.addi %add3A_1677, %add3A_1637 : i32
        %get3A_1679 = arith.index_cast %add3A_1678 : i32 to index
        %get3A_1680 = arith.constant 0 : index
        %get3A_1681 = tpu.vector_load %arg8[%get3A_1679, %get3A_1680] {strides = array<i32>} : memref<2560x16xf32, #tpu.memory_space<vmem>>, vector<16xf32>,
        %add3A_1682 = arith.addf %add3A_1676, %get3A_1681 : vector<16xf32>
        %add3A_1683 = arith.constant 1024 : i32
        %add3A_1684 = arith.addi %add3A_1683, %add3A_1637 : i32
        %get3A_1685 = arith.index_cast %add3A_1684 : i32 to index
        %get3A_1686 = arith.constant 0 : index
        %get3A_1687 = tpu.vector_load %arg8[%get3A_1685, %get3A_1686] {strides = array<i32>} : memref<2560x16xf32, #tpu.memory_space<vmem>>, vector<16xf32>,
        %add3A_1688 = arith.addf %add3A_1682, %get3A_1687 : vector<16xf32>
        %add3A_1689 = arith.constant 1152 : i32
        %add3A_1690 = arith.addi %add3A_1689, %add3A_1637 : i32
        %get3A_1691 = arith.index_cast %add3A_1690 : i32 to index
        %get3A_1692 = arith.constant 0 : index
        %get3A_1693 = tpu.vector_load %arg8[%get3A_1691, %get3A_1692] {strides = array<i32>} : memref<2560x16xf32, #tpu.memory_space<vmem>>, vector<16xf32>,
        %add3A_1694 = arith.addf %add3A_1688, %get3A_1693 : vector<16xf32>
        %add3A_1695 = arith.constant 1280 : i32
        %add3A_1696 = arith.addi %add3A_1695, %add3A_1637 : i32
        %get3A_1697 = arith.index_cast %add3A_1696 : i32 to index
        %get3A_1698 = arith.constant 0 : index
        %get3A_1699 = tpu.vector_load %arg8[%get3A_1697, %get3A_1698] {strides = array<i32>} : memref<2560x16xf32, #tpu.memory_space<vmem>>, vector<16xf32>,
        %add3A_1700 = arith.addf %add3A_1694, %get3A_1699 : vector<16xf32>
        %add3A_1701 = arith.constant 1408 : i32
        %add3A_1702 = arith.addi %add3A_1701, %add3A_1637 : i32
        %get3A_1703 = arith.index_cast %add3A_1702 : i32 to index
        %get3A_1704 = arith.constant 0 : index
        %get3A_1705 = tpu.vector_load %arg8[%get3A_1703, %get3A_1704] {strides = array<i32>} : memref<2560x16xf32, #tpu.memory_space<vmem>>, vector<16xf32>,
        %add3A_1706 = arith.addf %add3A_1700, %get3A_1705 : vector<16xf32>
        %add3A_1707 = arith.constant 1536 : i32
        %add3A_1708 = arith.addi %add3A_1707, %add3A_1637 : i32
        %get3A_1709 = arith.index_cast %add3A_1708 : i32 to index
        %get3A_1710 = arith.constant 0 : index
        %get3A_1711 = tpu.vector_load %arg8[%get3A_1709, %get3A_1710] {strides = array<i32>} : memref<2560x16xf32, #tpu.memory_space<vmem>>, vector<16xf32>,
        %add3A_1712 = arith.addf %add3A_1706, %get3A_1711 : vector<16xf32>
        %add3A_1713 = arith.constant 1664 : i32
        %add3A_1714 = arith.addi %add3A_1713, %add3A_1637 : i32
        %get3A_1715 = arith.index_cast %add3A_1714 : i32 to index
        %get3A_1716 = arith.constant 0 : index
        %get3A_1717 = tpu.vector_load %arg8[%get3A_1715, %get3A_1716] {strides = array<i32>} : memref<2560x16xf32, #tpu.memory_space<vmem>>, vector<16xf32>,
        %add3A_1718 = arith.addf %add3A_1712, %get3A_1717 : vector<16xf32>
        %add3A_1719 = arith.constant 1792 : i32
        %add3A_1720 = arith.addi %add3A_1719, %add3A_1637 : i32
        %get3A_1721 = arith.index_cast %add3A_1720 : i32 to index
        %get3A_1722 = arith.constant 0 : index
        %get3A_1723 = tpu.vector_load %arg8[%get3A_1721, %get3A_1722] {strides = array<i32>} : memref<2560x16xf32, #tpu.memory_space<vmem>>, vector<16xf32>,
        %add3A_1724 = arith.addf %add3A_1718, %get3A_1723 : vector<16xf32>
        %add3A_1725 = arith.constant 1920 : i32
        %add3A_1726 = arith.addi %add3A_1725, %add3A_1637 : i32
        %get3A_1727 = arith.index_cast %add3A_1726 : i32 to index
        %get3A_1728 = arith.constant 0 : index
        %get3A_1729 = tpu.vector_load %arg8[%get3A_1727, %get3A_1728] {strides = array<i32>} : memref<2560x16xf32, #tpu.memory_space<vmem>>, vector<16xf32>,
        %add3A_1730 = arith.addf %add3A_1724, %get3A_1729 : vector<16xf32>
        %add3A_1731 = arith.constant 2048 : i32
        %add3A_1732 = arith.addi %add3A_1731, %add3A_1637 : i32
        %get3A_1733 = arith.index_cast %add3A_1732 : i32 to index
        %get3A_1734 = arith.constant 0 : index
        %get3A_1735 = tpu.vector_load %arg8[%get3A_1733, %get3A_1734] {strides = array<i32>} : memref<2560x16xf32, #tpu.memory_space<vmem>>, vector<16xf32>,
        %add3A_1736 = arith.addf %add3A_1730, %get3A_1735 : vector<16xf32>
        %add3A_1737 = arith.constant 2176 : i32
        %add3A_1738 = arith.addi %add3A_1737, %add3A_1637 : i32
        %get3A_1739 = arith.index_cast %add3A_1738 : i32 to index
        %get3A_1740 = arith.constant 0 : index
        %get3A_1741 = tpu.vector_load %arg8[%get3A_1739, %get3A_1740] {strides = array<i32>} : memref<2560x16xf32, #tpu.memory_space<vmem>>, vector<16xf32>,
        %add3A_1742 = arith.addf %add3A_1736, %get3A_1741 : vector<16xf32>
        %add3A_1743 = arith.constant 2304 : i32
        %add3A_1744 = arith.addi %add3A_1743, %add3A_1637 : i32
        %get3A_1745 = arith.index_cast %add3A_1744 : i32 to index
        %get3A_1746 = arith.constant 0 : index
        %get3A_1747 = tpu.vector_load %arg8[%get3A_1745, %get3A_1746] {strides = array<i32>} : memref<2560x16xf32, #tpu.memory_space<vmem>>, vector<16xf32>,
        %add3A_1748 = arith.addf %add3A_1742, %get3A_1747 : vector<16xf32>
        %add3A_1749 = arith.constant 2432 : i32
        %add3A_1750 = arith.addi %add3A_1749, %add3A_1637 : i32
        %get3A_1751 = arith.index_cast %add3A_1750 : i32 to index
        %get3A_1752 = arith.constant 0 : index
        %get3A_1753 = tpu.vector_load %arg8[%get3A_1751, %get3A_1752] {strides = array<i32>} : memref<2560x16xf32, #tpu.memory_space<vmem>>, vector<16xf32>,
        %add3A_1754 = arith.addf %add3A_1748, %get3A_1753 : vector<16xf32>
        %broadcast_in_dim3A_1755 = vector.broadcast %add3A_1637 : i32 to vector<16xi32>
        %slice3A_1756 = vector.extract_strided_slice %get3A_274 {offsets = [11], sizes = [1], strides = [1]} : vector<16xf32> to vector<1xf32>
        %squeeze3A_1757 = vector.extract %slice3A_1756[0] : f32 from vector<1xf32>
        %mul3A_1758 = vector.broadcast %squeeze3A_1757 : f32 to vector<16xf32>
        %mul3A_1759 = arith.mulf %add3A_1754, %mul3A_1758 : vector<16xf32>
        tpu.vector_store_idx %arg10[%iota3A, %broadcast_in_dim3A_1755], %mul3A_1759 : memref<16x128xf32, #tpu.memory_space<vmem>>[vector<16xi32>, vector<16xi32>], vector<16xf32>,
        %add3A_1760 = arith.constant 12 : i32
        %add3A_1761 = arith.addi %mul3A_273, %add3A_1760 : i32
        %get3A_1762 = arith.index_cast %add3A_1761 : i32 to index
        %get3A_1763 = arith.constant 0 : index
        %get3A_1764 = tpu.vector_load %arg8[%get3A_1762, %get3A_1763] {strides = array<i32>} : memref<2560x16xf32, #tpu.memory_space<vmem>>, vector<16xf32>,
        %add3A_1765 = arith.constant 128 : i32
        %add3A_1766 = arith.addi %add3A_1765, %add3A_1761 : i32
        %get3A_1767 = arith.index_cast %add3A_1766 : i32 to index
        %get3A_1768 = arith.constant 0 : index
        %get3A_1769 = tpu.vector_load %arg8[%get3A_1767, %get3A_1768] {strides = array<i32>} : memref<2560x16xf32, #tpu.memory_space<vmem>>, vector<16xf32>,
        %add3A_1770 = arith.addf %get3A_1764, %get3A_1769 : vector<16xf32>
        %add3A_1771 = arith.constant 256 : i32
        %add3A_1772 = arith.addi %add3A_1771, %add3A_1761 : i32
        %get3A_1773 = arith.index_cast %add3A_1772 : i32 to index
        %get3A_1774 = arith.constant 0 : index
        %get3A_1775 = tpu.vector_load %arg8[%get3A_1773, %get3A_1774] {strides = array<i32>} : memref<2560x16xf32, #tpu.memory_space<vmem>>, vector<16xf32>,
        %add3A_1776 = arith.addf %add3A_1770, %get3A_1775 : vector<16xf32>
        %add3A_1777 = arith.constant 384 : i32
        %add3A_1778 = arith.addi %add3A_1777, %add3A_1761 : i32
        %get3A_1779 = arith.index_cast %add3A_1778 : i32 to index
        %get3A_1780 = arith.constant 0 : index
        %get3A_1781 = tpu.vector_load %arg8[%get3A_1779, %get3A_1780] {strides = array<i32>} : memref<2560x16xf32, #tpu.memory_space<vmem>>, vector<16xf32>,
        %add3A_1782 = arith.addf %add3A_1776, %get3A_1781 : vector<16xf32>
        %add3A_1783 = arith.constant 512 : i32
        %add3A_1784 = arith.addi %add3A_1783, %add3A_1761 : i32
        %get3A_1785 = arith.index_cast %add3A_1784 : i32 to index
        %get3A_1786 = arith.constant 0 : index
        %get3A_1787 = tpu.vector_load %arg8[%get3A_1785, %get3A_1786] {strides = array<i32>} : memref<2560x16xf32, #tpu.memory_space<vmem>>, vector<16xf32>,
        %add3A_1788 = arith.addf %add3A_1782, %get3A_1787 : vector<16xf32>
        %add3A_1789 = arith.constant 640 : i32
        %add3A_1790 = arith.addi %add3A_1789, %add3A_1761 : i32
        %get3A_1791 = arith.index_cast %add3A_1790 : i32 to index
        %get3A_1792 = arith.constant 0 : index
        %get3A_1793 = tpu.vector_load %arg8[%get3A_1791, %get3A_1792] {strides = array<i32>} : memref<2560x16xf32, #tpu.memory_space<vmem>>, vector<16xf32>,
        %add3A_1794 = arith.addf %add3A_1788, %get3A_1793 : vector<16xf32>
        %add3A_1795 = arith.constant 768 : i32
        %add3A_1796 = arith.addi %add3A_1795, %add3A_1761 : i32
        %get3A_1797 = arith.index_cast %add3A_1796 : i32 to index
        %get3A_1798 = arith.constant 0 : index
        %get3A_1799 = tpu.vector_load %arg8[%get3A_1797, %get3A_1798] {strides = array<i32>} : memref<2560x16xf32, #tpu.memory_space<vmem>>, vector<16xf32>,
        %add3A_1800 = arith.addf %add3A_1794, %get3A_1799 : vector<16xf32>
        %add3A_1801 = arith.constant 896 : i32
        %add3A_1802 = arith.addi %add3A_1801, %add3A_1761 : i32
        %get3A_1803 = arith.index_cast %add3A_1802 : i32 to index
        %get3A_1804 = arith.constant 0 : index
        %get3A_1805 = tpu.vector_load %arg8[%get3A_1803, %get3A_1804] {strides = array<i32>} : memref<2560x16xf32, #tpu.memory_space<vmem>>, vector<16xf32>,
        %add3A_1806 = arith.addf %add3A_1800, %get3A_1805 : vector<16xf32>
        %add3A_1807 = arith.constant 1024 : i32
        %add3A_1808 = arith.addi %add3A_1807, %add3A_1761 : i32
        %get3A_1809 = arith.index_cast %add3A_1808 : i32 to index
        %get3A_1810 = arith.constant 0 : index
        %get3A_1811 = tpu.vector_load %arg8[%get3A_1809, %get3A_1810] {strides = array<i32>} : memref<2560x16xf32, #tpu.memory_space<vmem>>, vector<16xf32>,
        %add3A_1812 = arith.addf %add3A_1806, %get3A_1811 : vector<16xf32>
        %add3A_1813 = arith.constant 1152 : i32
        %add3A_1814 = arith.addi %add3A_1813, %add3A_1761 : i32
        %get3A_1815 = arith.index_cast %add3A_1814 : i32 to index
        %get3A_1816 = arith.constant 0 : index
        %get3A_1817 = tpu.vector_load %arg8[%get3A_1815, %get3A_1816] {strides = array<i32>} : memref<2560x16xf32, #tpu.memory_space<vmem>>, vector<16xf32>,
        %add3A_1818 = arith.addf %add3A_1812, %get3A_1817 : vector<16xf32>
        %add3A_1819 = arith.constant 1280 : i32
        %add3A_1820 = arith.addi %add3A_1819, %add3A_1761 : i32
        %get3A_1821 = arith.index_cast %add3A_1820 : i32 to index
        %get3A_1822 = arith.constant 0 : index
        %get3A_1823 = tpu.vector_load %arg8[%get3A_1821, %get3A_1822] {strides = array<i32>} : memref<2560x16xf32, #tpu.memory_space<vmem>>, vector<16xf32>,
        %add3A_1824 = arith.addf %add3A_1818, %get3A_1823 : vector<16xf32>
        %add3A_1825 = arith.constant 1408 : i32
        %add3A_1826 = arith.addi %add3A_1825, %add3A_1761 : i32
        %get3A_1827 = arith.index_cast %add3A_1826 : i32 to index
        %get3A_1828 = arith.constant 0 : index
        %get3A_1829 = tpu.vector_load %arg8[%get3A_1827, %get3A_1828] {strides = array<i32>} : memref<2560x16xf32, #tpu.memory_space<vmem>>, vector<16xf32>,
        %add3A_1830 = arith.addf %add3A_1824, %get3A_1829 : vector<16xf32>
        %add3A_1831 = arith.constant 1536 : i32
        %add3A_1832 = arith.addi %add3A_1831, %add3A_1761 : i32
        %get3A_1833 = arith.index_cast %add3A_1832 : i32 to index
        %get3A_1834 = arith.constant 0 : index
        %get3A_1835 = tpu.vector_load %arg8[%get3A_1833, %get3A_1834] {strides = array<i32>} : memref<2560x16xf32, #tpu.memory_space<vmem>>, vector<16xf32>,
        %add3A_1836 = arith.addf %add3A_1830, %get3A_1835 : vector<16xf32>
        %add3A_1837 = arith.constant 1664 : i32
        %add3A_1838 = arith.addi %add3A_1837, %add3A_1761 : i32
        %get3A_1839 = arith.index_cast %add3A_1838 : i32 to index
        %get3A_1840 = arith.constant 0 : index
        %get3A_1841 = tpu.vector_load %arg8[%get3A_1839, %get3A_1840] {strides = array<i32>} : memref<2560x16xf32, #tpu.memory_space<vmem>>, vector<16xf32>,
        %add3A_1842 = arith.addf %add3A_1836, %get3A_1841 : vector<16xf32>
        %add3A_1843 = arith.constant 1792 : i32
        %add3A_1844 = arith.addi %add3A_1843, %add3A_1761 : i32
        %get3A_1845 = arith.index_cast %add3A_1844 : i32 to index
        %get3A_1846 = arith.constant 0 : index
        %get3A_1847 = tpu.vector_load %arg8[%get3A_1845, %get3A_1846] {strides = array<i32>} : memref<2560x16xf32, #tpu.memory_space<vmem>>, vector<16xf32>,
        %add3A_1848 = arith.addf %add3A_1842, %get3A_1847 : vector<16xf32>
        %add3A_1849 = arith.constant 1920 : i32
        %add3A_1850 = arith.addi %add3A_1849, %add3A_1761 : i32
        %get3A_1851 = arith.index_cast %add3A_1850 : i32 to index
        %get3A_1852 = arith.constant 0 : index
        %get3A_1853 = tpu.vector_load %arg8[%get3A_1851, %get3A_1852] {strides = array<i32>} : memref<2560x16xf32, #tpu.memory_space<vmem>>, vector<16xf32>,
        %add3A_1854 = arith.addf %add3A_1848, %get3A_1853 : vector<16xf32>
        %add3A_1855 = arith.constant 2048 : i32
        %add3A_1856 = arith.addi %add3A_1855, %add3A_1761 : i32
        %get3A_1857 = arith.index_cast %add3A_1856 : i32 to index
        %get3A_1858 = arith.constant 0 : index
        %get3A_1859 = tpu.vector_load %arg8[%get3A_1857, %get3A_1858] {strides = array<i32>} : memref<2560x16xf32, #tpu.memory_space<vmem>>, vector<16xf32>,
        %add3A_1860 = arith.addf %add3A_1854, %get3A_1859 : vector<16xf32>
        %add3A_1861 = arith.constant 2176 : i32
        %add3A_1862 = arith.addi %add3A_1861, %add3A_1761 : i32
        %get3A_1863 = arith.index_cast %add3A_1862 : i32 to index
        %get3A_1864 = arith.constant 0 : index
        %get3A_1865 = tpu.vector_load %arg8[%get3A_1863, %get3A_1864] {strides = array<i32>} : memref<2560x16xf32, #tpu.memory_space<vmem>>, vector<16xf32>,
        %add3A_1866 = arith.addf %add3A_1860, %get3A_1865 : vector<16xf32>
        %add3A_1867 = arith.constant 2304 : i32
        %add3A_1868 = arith.addi %add3A_1867, %add3A_1761 : i32
        %get3A_1869 = arith.index_cast %add3A_1868 : i32 to index
        %get3A_1870 = arith.constant 0 : index
        %get3A_1871 = tpu.vector_load %arg8[%get3A_1869, %get3A_1870] {strides = array<i32>} : memref<2560x16xf32, #tpu.memory_space<vmem>>, vector<16xf32>,
        %add3A_1872 = arith.addf %add3A_1866, %get3A_1871 : vector<16xf32>
        %add3A_1873 = arith.constant 2432 : i32
        %add3A_1874 = arith.addi %add3A_1873, %add3A_1761 : i32
        %get3A_1875 = arith.index_cast %add3A_1874 : i32 to index
        %get3A_1876 = arith.constant 0 : index
        %get3A_1877 = tpu.vector_load %arg8[%get3A_1875, %get3A_1876] {strides = array<i32>} : memref<2560x16xf32, #tpu.memory_space<vmem>>, vector<16xf32>,
        %add3A_1878 = arith.addf %add3A_1872, %get3A_1877 : vector<16xf32>
        %broadcast_in_dim3A_1879 = vector.broadcast %add3A_1761 : i32 to vector<16xi32>
        %slice3A_1880 = vector.extract_strided_slice %get3A_274 {offsets = [12], sizes = [1], strides = [1]} : vector<16xf32> to vector<1xf32>
        %squeeze3A_1881 = vector.extract %slice3A_1880[0] : f32 from vector<1xf32>
        %mul3A_1882 = vector.broadcast %squeeze3A_1881 : f32 to vector<16xf32>
        %mul3A_1883 = arith.mulf %add3A_1878, %mul3A_1882 : vector<16xf32>
        tpu.vector_store_idx %arg10[%iota3A, %broadcast_in_dim3A_1879], %mul3A_1883 : memref<16x128xf32, #tpu.memory_space<vmem>>[vector<16xi32>, vector<16xi32>], vector<16xf32>,
        %add3A_1884 = arith.constant 13 : i32
        %add3A_1885 = arith.addi %mul3A_273, %add3A_1884 : i32
        %get3A_1886 = arith.index_cast %add3A_1885 : i32 to index
        %get3A_1887 = arith.constant 0 : index
        %get3A_1888 = tpu.vector_load %arg8[%get3A_1886, %get3A_1887] {strides = array<i32>} : memref<2560x16xf32, #tpu.memory_space<vmem>>, vector<16xf32>,
        %add3A_1889 = arith.constant 128 : i32
        %add3A_1890 = arith.addi %add3A_1889, %add3A_1885 : i32
        %get3A_1891 = arith.index_cast %add3A_1890 : i32 to index
        %get3A_1892 = arith.constant 0 : index
        %get3A_1893 = tpu.vector_load %arg8[%get3A_1891, %get3A_1892] {strides = array<i32>} : memref<2560x16xf32, #tpu.memory_space<vmem>>, vector<16xf32>,
        %add3A_1894 = arith.addf %get3A_1888, %get3A_1893 : vector<16xf32>
        %add3A_1895 = arith.constant 256 : i32
        %add3A_1896 = arith.addi %add3A_1895, %add3A_1885 : i32
        %get3A_1897 = arith.index_cast %add3A_1896 : i32 to index
        %get3A_1898 = arith.constant 0 : index
        %get3A_1899 = tpu.vector_load %arg8[%get3A_1897, %get3A_1898] {strides = array<i32>} : memref<2560x16xf32, #tpu.memory_space<vmem>>, vector<16xf32>,
        %add3A_1900 = arith.addf %add3A_1894, %get3A_1899 : vector<16xf32>
        %add3A_1901 = arith.constant 384 : i32
        %add3A_1902 = arith.addi %add3A_1901, %add3A_1885 : i32
        %get3A_1903 = arith.index_cast %add3A_1902 : i32 to index
        %get3A_1904 = arith.constant 0 : index
        %get3A_1905 = tpu.vector_load %arg8[%get3A_1903, %get3A_1904] {strides = array<i32>} : memref<2560x16xf32, #tpu.memory_space<vmem>>, vector<16xf32>,
        %add3A_1906 = arith.addf %add3A_1900, %get3A_1905 : vector<16xf32>
        %add3A_1907 = arith.constant 512 : i32
        %add3A_1908 = arith.addi %add3A_1907, %add3A_1885 : i32
        %get3A_1909 = arith.index_cast %add3A_1908 : i32 to index
        %get3A_1910 = arith.constant 0 : index
        %get3A_1911 = tpu.vector_load %arg8[%get3A_1909, %get3A_1910] {strides = array<i32>} : memref<2560x16xf32, #tpu.memory_space<vmem>>, vector<16xf32>,
        %add3A_1912 = arith.addf %add3A_1906, %get3A_1911 : vector<16xf32>
        %add3A_1913 = arith.constant 640 : i32
        %add3A_1914 = arith.addi %add3A_1913, %add3A_1885 : i32
        %get3A_1915 = arith.index_cast %add3A_1914 : i32 to index
        %get3A_1916 = arith.constant 0 : index
        %get3A_1917 = tpu.vector_load %arg8[%get3A_1915, %get3A_1916] {strides = array<i32>} : memref<2560x16xf32, #tpu.memory_space<vmem>>, vector<16xf32>,
        %add3A_1918 = arith.addf %add3A_1912, %get3A_1917 : vector<16xf32>
        %add3A_1919 = arith.constant 768 : i32
        %add3A_1920 = arith.addi %add3A_1919, %add3A_1885 : i32
        %get3A_1921 = arith.index_cast %add3A_1920 : i32 to index
        %get3A_1922 = arith.constant 0 : index
        %get3A_1923 = tpu.vector_load %arg8[%get3A_1921, %get3A_1922] {strides = array<i32>} : memref<2560x16xf32, #tpu.memory_space<vmem>>, vector<16xf32>,
        %add3A_1924 = arith.addf %add3A_1918, %get3A_1923 : vector<16xf32>
        %add3A_1925 = arith.constant 896 : i32
        %add3A_1926 = arith.addi %add3A_1925, %add3A_1885 : i32
        %get3A_1927 = arith.index_cast %add3A_1926 : i32 to index
        %get3A_1928 = arith.constant 0 : index
        %get3A_1929 = tpu.vector_load %arg8[%get3A_1927, %get3A_1928] {strides = array<i32>} : memref<2560x16xf32, #tpu.memory_space<vmem>>, vector<16xf32>,
        %add3A_1930 = arith.addf %add3A_1924, %get3A_1929 : vector<16xf32>
        %add3A_1931 = arith.constant 1024 : i32
        %add3A_1932 = arith.addi %add3A_1931, %add3A_1885 : i32
        %get3A_1933 = arith.index_cast %add3A_1932 : i32 to index
        %get3A_1934 = arith.constant 0 : index
        %get3A_1935 = tpu.vector_load %arg8[%get3A_1933, %get3A_1934] {strides = array<i32>} : memref<2560x16xf32, #tpu.memory_space<vmem>>, vector<16xf32>,
        %add3A_1936 = arith.addf %add3A_1930, %get3A_1935 : vector<16xf32>
        %add3A_1937 = arith.constant 1152 : i32
        %add3A_1938 = arith.addi %add3A_1937, %add3A_1885 : i32
        %get3A_1939 = arith.index_cast %add3A_1938 : i32 to index
        %get3A_1940 = arith.constant 0 : index
        %get3A_1941 = tpu.vector_load %arg8[%get3A_1939, %get3A_1940] {strides = array<i32>} : memref<2560x16xf32, #tpu.memory_space<vmem>>, vector<16xf32>,
        %add3A_1942 = arith.addf %add3A_1936, %get3A_1941 : vector<16xf32>
        %add3A_1943 = arith.constant 1280 : i32
        %add3A_1944 = arith.addi %add3A_1943, %add3A_1885 : i32
        %get3A_1945 = arith.index_cast %add3A_1944 : i32 to index
        %get3A_1946 = arith.constant 0 : index
        %get3A_1947 = tpu.vector_load %arg8[%get3A_1945, %get3A_1946] {strides = array<i32>} : memref<2560x16xf32, #tpu.memory_space<vmem>>, vector<16xf32>,
        %add3A_1948 = arith.addf %add3A_1942, %get3A_1947 : vector<16xf32>
        %add3A_1949 = arith.constant 1408 : i32
        %add3A_1950 = arith.addi %add3A_1949, %add3A_1885 : i32
        %get3A_1951 = arith.index_cast %add3A_1950 : i32 to index
        %get3A_1952 = arith.constant 0 : index
        %get3A_1953 = tpu.vector_load %arg8[%get3A_1951, %get3A_1952] {strides = array<i32>} : memref<2560x16xf32, #tpu.memory_space<vmem>>, vector<16xf32>,
        %add3A_1954 = arith.addf %add3A_1948, %get3A_1953 : vector<16xf32>
        %add3A_1955 = arith.constant 1536 : i32
        %add3A_1956 = arith.addi %add3A_1955, %add3A_1885 : i32
        %get3A_1957 = arith.index_cast %add3A_1956 : i32 to index
        %get3A_1958 = arith.constant 0 : index
        %get3A_1959 = tpu.vector_load %arg8[%get3A_1957, %get3A_1958] {strides = array<i32>} : memref<2560x16xf32, #tpu.memory_space<vmem>>, vector<16xf32>,
        %add3A_1960 = arith.addf %add3A_1954, %get3A_1959 : vector<16xf32>
        %add3A_1961 = arith.constant 1664 : i32
        %add3A_1962 = arith.addi %add3A_1961, %add3A_1885 : i32
        %get3A_1963 = arith.index_cast %add3A_1962 : i32 to index
        %get3A_1964 = arith.constant 0 : index
        %get3A_1965 = tpu.vector_load %arg8[%get3A_1963, %get3A_1964] {strides = array<i32>} : memref<2560x16xf32, #tpu.memory_space<vmem>>, vector<16xf32>,
        %add3A_1966 = arith.addf %add3A_1960, %get3A_1965 : vector<16xf32>
        %add3A_1967 = arith.constant 1792 : i32
        %add3A_1968 = arith.addi %add3A_1967, %add3A_1885 : i32
        %get3A_1969 = arith.index_cast %add3A_1968 : i32 to index
        %get3A_1970 = arith.constant 0 : index
        %get3A_1971 = tpu.vector_load %arg8[%get3A_1969, %get3A_1970] {strides = array<i32>} : memref<2560x16xf32, #tpu.memory_space<vmem>>, vector<16xf32>,
        %add3A_1972 = arith.addf %add3A_1966, %get3A_1971 : vector<16xf32>
        %add3A_1973 = arith.constant 1920 : i32
        %add3A_1974 = arith.addi %add3A_1973, %add3A_1885 : i32
        %get3A_1975 = arith.index_cast %add3A_1974 : i32 to index
        %get3A_1976 = arith.constant 0 : index
        %get3A_1977 = tpu.vector_load %arg8[%get3A_1975, %get3A_1976] {strides = array<i32>} : memref<2560x16xf32, #tpu.memory_space<vmem>>, vector<16xf32>,
        %add3A_1978 = arith.addf %add3A_1972, %get3A_1977 : vector<16xf32>
        %add3A_1979 = arith.constant 2048 : i32
        %add3A_1980 = arith.addi %add3A_1979, %add3A_1885 : i32
        %get3A_1981 = arith.index_cast %add3A_1980 : i32 to index
        %get3A_1982 = arith.constant 0 : index
        %get3A_1983 = tpu.vector_load %arg8[%get3A_1981, %get3A_1982] {strides = array<i32>} : memref<2560x16xf32, #tpu.memory_space<vmem>>, vector<16xf32>,
        %add3A_1984 = arith.addf %add3A_1978, %get3A_1983 : vector<16xf32>
        %add3A_1985 = arith.constant 2176 : i32
        %add3A_1986 = arith.addi %add3A_1985, %add3A_1885 : i32
        %get3A_1987 = arith.index_cast %add3A_1986 : i32 to index
        %get3A_1988 = arith.constant 0 : index
        %get3A_1989 = tpu.vector_load %arg8[%get3A_1987, %get3A_1988] {strides = array<i32>} : memref<2560x16xf32, #tpu.memory_space<vmem>>, vector<16xf32>,
        %add3A_1990 = arith.addf %add3A_1984, %get3A_1989 : vector<16xf32>
        %add3A_1991 = arith.constant 2304 : i32
        %add3A_1992 = arith.addi %add3A_1991, %add3A_1885 : i32
        %get3A_1993 = arith.index_cast %add3A_1992 : i32 to index
        %get3A_1994 = arith.constant 0 : index
        %get3A_1995 = tpu.vector_load %arg8[%get3A_1993, %get3A_1994] {strides = array<i32>} : memref<2560x16xf32, #tpu.memory_space<vmem>>, vector<16xf32>,
        %add3A_1996 = arith.addf %add3A_1990, %get3A_1995 : vector<16xf32>
        %add3A_1997 = arith.constant 2432 : i32
        %add3A_1998 = arith.addi %add3A_1997, %add3A_1885 : i32
        %get3A_1999 = arith.index_cast %add3A_1998 : i32 to index
        %get3A_2000 = arith.constant 0 : index
        %get3A_2001 = tpu.vector_load %arg8[%get3A_1999, %get3A_2000] {strides = array<i32>} : memref<2560x16xf32, #tpu.memory_space<vmem>>, vector<16xf32>,
        %add3A_2002 = arith.addf %add3A_1996, %get3A_2001 : vector<16xf32>
        %broadcast_in_dim3A_2003 = vector.broadcast %add3A_1885 : i32 to vector<16xi32>
        %slice3A_2004 = vector.extract_strided_slice %get3A_274 {offsets = [13], sizes = [1], strides = [1]} : vector<16xf32> to vector<1xf32>
        %squeeze3A_2005 = vector.extract %slice3A_2004[0] : f32 from vector<1xf32>
        %mul3A_2006 = vector.broadcast %squeeze3A_2005 : f32 to vector<16xf32>
        %mul3A_2007 = arith.mulf %add3A_2002, %mul3A_2006 : vector<16xf32>
        tpu.vector_store_idx %arg10[%iota3A, %broadcast_in_dim3A_2003], %mul3A_2007 : memref<16x128xf32, #tpu.memory_space<vmem>>[vector<16xi32>, vector<16xi32>], vector<16xf32>,
        %add3A_2008 = arith.constant 14 : i32
        %add3A_2009 = arith.addi %mul3A_273, %add3A_2008 : i32
        %get3A_2010 = arith.index_cast %add3A_2009 : i32 to index
        %get3A_2011 = arith.constant 0 : index
        %get3A_2012 = tpu.vector_load %arg8[%get3A_2010, %get3A_2011] {strides = array<i32>} : memref<2560x16xf32, #tpu.memory_space<vmem>>, vector<16xf32>,
        %add3A_2013 = arith.constant 128 : i32
        %add3A_2014 = arith.addi %add3A_2013, %add3A_2009 : i32
        %get3A_2015 = arith.index_cast %add3A_2014 : i32 to index
        %get3A_2016 = arith.constant 0 : index
        %get3A_2017 = tpu.vector_load %arg8[%get3A_2015, %get3A_2016] {strides = array<i32>} : memref<2560x16xf32, #tpu.memory_space<vmem>>, vector<16xf32>,
        %add3A_2018 = arith.addf %get3A_2012, %get3A_2017 : vector<16xf32>
        %add3A_2019 = arith.constant 256 : i32
        %add3A_2020 = arith.addi %add3A_2019, %add3A_2009 : i32
        %get3A_2021 = arith.index_cast %add3A_2020 : i32 to index
        %get3A_2022 = arith.constant 0 : index
        %get3A_2023 = tpu.vector_load %arg8[%get3A_2021, %get3A_2022] {strides = array<i32>} : memref<2560x16xf32, #tpu.memory_space<vmem>>, vector<16xf32>,
        %add3A_2024 = arith.addf %add3A_2018, %get3A_2023 : vector<16xf32>
        %add3A_2025 = arith.constant 384 : i32
        %add3A_2026 = arith.addi %add3A_2025, %add3A_2009 : i32
        %get3A_2027 = arith.index_cast %add3A_2026 : i32 to index
        %get3A_2028 = arith.constant 0 : index
        %get3A_2029 = tpu.vector_load %arg8[%get3A_2027, %get3A_2028] {strides = array<i32>} : memref<2560x16xf32, #tpu.memory_space<vmem>>, vector<16xf32>,
        %add3A_2030 = arith.addf %add3A_2024, %get3A_2029 : vector<16xf32>
        %add3A_2031 = arith.constant 512 : i32
        %add3A_2032 = arith.addi %add3A_2031, %add3A_2009 : i32
        %get3A_2033 = arith.index_cast %add3A_2032 : i32 to index
        %get3A_2034 = arith.constant 0 : index
        %get3A_2035 = tpu.vector_load %arg8[%get3A_2033, %get3A_2034] {strides = array<i32>} : memref<2560x16xf32, #tpu.memory_space<vmem>>, vector<16xf32>,
        %add3A_2036 = arith.addf %add3A_2030, %get3A_2035 : vector<16xf32>
        %add3A_2037 = arith.constant 640 : i32
        %add3A_2038 = arith.addi %add3A_2037, %add3A_2009 : i32
        %get3A_2039 = arith.index_cast %add3A_2038 : i32 to index
        %get3A_2040 = arith.constant 0 : index
        %get3A_2041 = tpu.vector_load %arg8[%get3A_2039, %get3A_2040] {strides = array<i32>} : memref<2560x16xf32, #tpu.memory_space<vmem>>, vector<16xf32>,
        %add3A_2042 = arith.addf %add3A_2036, %get3A_2041 : vector<16xf32>
        %add3A_2043 = arith.constant 768 : i32
        %add3A_2044 = arith.addi %add3A_2043, %add3A_2009 : i32
        %get3A_2045 = arith.index_cast %add3A_2044 : i32 to index
        %get3A_2046 = arith.constant 0 : index
        %get3A_2047 = tpu.vector_load %arg8[%get3A_2045, %get3A_2046] {strides = array<i32>} : memref<2560x16xf32, #tpu.memory_space<vmem>>, vector<16xf32>,
        %add3A_2048 = arith.addf %add3A_2042, %get3A_2047 : vector<16xf32>
        %add3A_2049 = arith.constant 896 : i32
        %add3A_2050 = arith.addi %add3A_2049, %add3A_2009 : i32
        %get3A_2051 = arith.index_cast %add3A_2050 : i32 to index
        %get3A_2052 = arith.constant 0 : index
        %get3A_2053 = tpu.vector_load %arg8[%get3A_2051, %get3A_2052] {strides = array<i32>} : memref<2560x16xf32, #tpu.memory_space<vmem>>, vector<16xf32>,
        %add3A_2054 = arith.addf %add3A_2048, %get3A_2053 : vector<16xf32>
        %add3A_2055 = arith.constant 1024 : i32
        %add3A_2056 = arith.addi %add3A_2055, %add3A_2009 : i32
        %get3A_2057 = arith.index_cast %add3A_2056 : i32 to index
        %get3A_2058 = arith.constant 0 : index
        %get3A_2059 = tpu.vector_load %arg8[%get3A_2057, %get3A_2058] {strides = array<i32>} : memref<2560x16xf32, #tpu.memory_space<vmem>>, vector<16xf32>,
        %add3A_2060 = arith.addf %add3A_2054, %get3A_2059 : vector<16xf32>
        %add3A_2061 = arith.constant 1152 : i32
        %add3A_2062 = arith.addi %add3A_2061, %add3A_2009 : i32
        %get3A_2063 = arith.index_cast %add3A_2062 : i32 to index
        %get3A_2064 = arith.constant 0 : index
        %get3A_2065 = tpu.vector_load %arg8[%get3A_2063, %get3A_2064] {strides = array<i32>} : memref<2560x16xf32, #tpu.memory_space<vmem>>, vector<16xf32>,
        %add3A_2066 = arith.addf %add3A_2060, %get3A_2065 : vector<16xf32>
        %add3A_2067 = arith.constant 1280 : i32
        %add3A_2068 = arith.addi %add3A_2067, %add3A_2009 : i32
        %get3A_2069 = arith.index_cast %add3A_2068 : i32 to index
        %get3A_2070 = arith.constant 0 : index
        %get3A_2071 = tpu.vector_load %arg8[%get3A_2069, %get3A_2070] {strides = array<i32>} : memref<2560x16xf32, #tpu.memory_space<vmem>>, vector<16xf32>,
        %add3A_2072 = arith.addf %add3A_2066, %get3A_2071 : vector<16xf32>
        %add3A_2073 = arith.constant 1408 : i32
        %add3A_2074 = arith.addi %add3A_2073, %add3A_2009 : i32
        %get3A_2075 = arith.index_cast %add3A_2074 : i32 to index
        %get3A_2076 = arith.constant 0 : index
        %get3A_2077 = tpu.vector_load %arg8[%get3A_2075, %get3A_2076] {strides = array<i32>} : memref<2560x16xf32, #tpu.memory_space<vmem>>, vector<16xf32>,
        %add3A_2078 = arith.addf %add3A_2072, %get3A_2077 : vector<16xf32>
        %add3A_2079 = arith.constant 1536 : i32
        %add3A_2080 = arith.addi %add3A_2079, %add3A_2009 : i32
        %get3A_2081 = arith.index_cast %add3A_2080 : i32 to index
        %get3A_2082 = arith.constant 0 : index
        %get3A_2083 = tpu.vector_load %arg8[%get3A_2081, %get3A_2082] {strides = array<i32>} : memref<2560x16xf32, #tpu.memory_space<vmem>>, vector<16xf32>,
        %add3A_2084 = arith.addf %add3A_2078, %get3A_2083 : vector<16xf32>
        %add3A_2085 = arith.constant 1664 : i32
        %add3A_2086 = arith.addi %add3A_2085, %add3A_2009 : i32
        %get3A_2087 = arith.index_cast %add3A_2086 : i32 to index
        %get3A_2088 = arith.constant 0 : index
        %get3A_2089 = tpu.vector_load %arg8[%get3A_2087, %get3A_2088] {strides = array<i32>} : memref<2560x16xf32, #tpu.memory_space<vmem>>, vector<16xf32>,
        %add3A_2090 = arith.addf %add3A_2084, %get3A_2089 : vector<16xf32>
        %add3A_2091 = arith.constant 1792 : i32
        %add3A_2092 = arith.addi %add3A_2091, %add3A_2009 : i32
        %get3A_2093 = arith.index_cast %add3A_2092 : i32 to index
        %get3A_2094 = arith.constant 0 : index
        %get3A_2095 = tpu.vector_load %arg8[%get3A_2093, %get3A_2094] {strides = array<i32>} : memref<2560x16xf32, #tpu.memory_space<vmem>>, vector<16xf32>,
        %add3A_2096 = arith.addf %add3A_2090, %get3A_2095 : vector<16xf32>
        %add3A_2097 = arith.constant 1920 : i32
        %add3A_2098 = arith.addi %add3A_2097, %add3A_2009 : i32
        %get3A_2099 = arith.index_cast %add3A_2098 : i32 to index
        %get3A_2100 = arith.constant 0 : index
        %get3A_2101 = tpu.vector_load %arg8[%get3A_2099, %get3A_2100] {strides = array<i32>} : memref<2560x16xf32, #tpu.memory_space<vmem>>, vector<16xf32>,
        %add3A_2102 = arith.addf %add3A_2096, %get3A_2101 : vector<16xf32>
        %add3A_2103 = arith.constant 2048 : i32
        %add3A_2104 = arith.addi %add3A_2103, %add3A_2009 : i32
        %get3A_2105 = arith.index_cast %add3A_2104 : i32 to index
        %get3A_2106 = arith.constant 0 : index
        %get3A_2107 = tpu.vector_load %arg8[%get3A_2105, %get3A_2106] {strides = array<i32>} : memref<2560x16xf32, #tpu.memory_space<vmem>>, vector<16xf32>,
        %add3A_2108 = arith.addf %add3A_2102, %get3A_2107 : vector<16xf32>
        %add3A_2109 = arith.constant 2176 : i32
        %add3A_2110 = arith.addi %add3A_2109, %add3A_2009 : i32
        %get3A_2111 = arith.index_cast %add3A_2110 : i32 to index
        %get3A_2112 = arith.constant 0 : index
        %get3A_2113 = tpu.vector_load %arg8[%get3A_2111, %get3A_2112] {strides = array<i32>} : memref<2560x16xf32, #tpu.memory_space<vmem>>, vector<16xf32>,
        %add3A_2114 = arith.addf %add3A_2108, %get3A_2113 : vector<16xf32>
        %add3A_2115 = arith.constant 2304 : i32
        %add3A_2116 = arith.addi %add3A_2115, %add3A_2009 : i32
        %get3A_2117 = arith.index_cast %add3A_2116 : i32 to index
        %get3A_2118 = arith.constant 0 : index
        %get3A_2119 = tpu.vector_load %arg8[%get3A_2117, %get3A_2118] {strides = array<i32>} : memref<2560x16xf32, #tpu.memory_space<vmem>>, vector<16xf32>,
        %add3A_2120 = arith.addf %add3A_2114, %get3A_2119 : vector<16xf32>
        %add3A_2121 = arith.constant 2432 : i32
        %add3A_2122 = arith.addi %add3A_2121, %add3A_2009 : i32
        %get3A_2123 = arith.index_cast %add3A_2122 : i32 to index
        %get3A_2124 = arith.constant 0 : index
        %get3A_2125 = tpu.vector_load %arg8[%get3A_2123, %get3A_2124] {strides = array<i32>} : memref<2560x16xf32, #tpu.memory_space<vmem>>, vector<16xf32>,
        %add3A_2126 = arith.addf %add3A_2120, %get3A_2125 : vector<16xf32>
        %broadcast_in_dim3A_2127 = vector.broadcast %add3A_2009 : i32 to vector<16xi32>
        %slice3A_2128 = vector.extract_strided_slice %get3A_274 {offsets = [14], sizes = [1], strides = [1]} : vector<16xf32> to vector<1xf32>
        %squeeze3A_2129 = vector.extract %slice3A_2128[0] : f32 from vector<1xf32>
        %mul3A_2130 = vector.broadcast %squeeze3A_2129 : f32 to vector<16xf32>
        %mul3A_2131 = arith.mulf %add3A_2126, %mul3A_2130 : vector<16xf32>
        tpu.vector_store_idx %arg10[%iota3A, %broadcast_in_dim3A_2127], %mul3A_2131 : memref<16x128xf32, #tpu.memory_space<vmem>>[vector<16xi32>, vector<16xi32>], vector<16xf32>,
        %add3A_2132 = arith.constant 15 : i32
        %add3A_2133 = arith.addi %mul3A_273, %add3A_2132 : i32
        %get3A_2134 = arith.index_cast %add3A_2133 : i32 to index
        %get3A_2135 = arith.constant 0 : index
        %get3A_2136 = tpu.vector_load %arg8[%get3A_2134, %get3A_2135] {strides = array<i32>} : memref<2560x16xf32, #tpu.memory_space<vmem>>, vector<16xf32>,
        %add3A_2137 = arith.constant 128 : i32
        %add3A_2138 = arith.addi %add3A_2137, %add3A_2133 : i32
        %get3A_2139 = arith.index_cast %add3A_2138 : i32 to index
        %get3A_2140 = arith.constant 0 : index
        %get3A_2141 = tpu.vector_load %arg8[%get3A_2139, %get3A_2140] {strides = array<i32>} : memref<2560x16xf32, #tpu.memory_space<vmem>>, vector<16xf32>,
        %add3A_2142 = arith.addf %get3A_2136, %get3A_2141 : vector<16xf32>
        %add3A_2143 = arith.constant 256 : i32
        %add3A_2144 = arith.addi %add3A_2143, %add3A_2133 : i32
        %get3A_2145 = arith.index_cast %add3A_2144 : i32 to index
        %get3A_2146 = arith.constant 0 : index
        %get3A_2147 = tpu.vector_load %arg8[%get3A_2145, %get3A_2146] {strides = array<i32>} : memref<2560x16xf32, #tpu.memory_space<vmem>>, vector<16xf32>,
        %add3A_2148 = arith.addf %add3A_2142, %get3A_2147 : vector<16xf32>
        %add3A_2149 = arith.constant 384 : i32
        %add3A_2150 = arith.addi %add3A_2149, %add3A_2133 : i32
        %get3A_2151 = arith.index_cast %add3A_2150 : i32 to index
        %get3A_2152 = arith.constant 0 : index
        %get3A_2153 = tpu.vector_load %arg8[%get3A_2151, %get3A_2152] {strides = array<i32>} : memref<2560x16xf32, #tpu.memory_space<vmem>>, vector<16xf32>,
        %add3A_2154 = arith.addf %add3A_2148, %get3A_2153 : vector<16xf32>
        %add3A_2155 = arith.constant 512 : i32
        %add3A_2156 = arith.addi %add3A_2155, %add3A_2133 : i32
        %get3A_2157 = arith.index_cast %add3A_2156 : i32 to index
        %get3A_2158 = arith.constant 0 : index
        %get3A_2159 = tpu.vector_load %arg8[%get3A_2157, %get3A_2158] {strides = array<i32>} : memref<2560x16xf32, #tpu.memory_space<vmem>>, vector<16xf32>,
        %add3A_2160 = arith.addf %add3A_2154, %get3A_2159 : vector<16xf32>
        %add3A_2161 = arith.constant 640 : i32
        %add3A_2162 = arith.addi %add3A_2161, %add3A_2133 : i32
        %get3A_2163 = arith.index_cast %add3A_2162 : i32 to index
        %get3A_2164 = arith.constant 0 : index
        %get3A_2165 = tpu.vector_load %arg8[%get3A_2163, %get3A_2164] {strides = array<i32>} : memref<2560x16xf32, #tpu.memory_space<vmem>>, vector<16xf32>,
        %add3A_2166 = arith.addf %add3A_2160, %get3A_2165 : vector<16xf32>
        %add3A_2167 = arith.constant 768 : i32
        %add3A_2168 = arith.addi %add3A_2167, %add3A_2133 : i32
        %get3A_2169 = arith.index_cast %add3A_2168 : i32 to index
        %get3A_2170 = arith.constant 0 : index
        %get3A_2171 = tpu.vector_load %arg8[%get3A_2169, %get3A_2170] {strides = array<i32>} : memref<2560x16xf32, #tpu.memory_space<vmem>>, vector<16xf32>,
        %add3A_2172 = arith.addf %add3A_2166, %get3A_2171 : vector<16xf32>
        %add3A_2173 = arith.constant 896 : i32
        %add3A_2174 = arith.addi %add3A_2173, %add3A_2133 : i32
        %get3A_2175 = arith.index_cast %add3A_2174 : i32 to index
        %get3A_2176 = arith.constant 0 : index
        %get3A_2177 = tpu.vector_load %arg8[%get3A_2175, %get3A_2176] {strides = array<i32>} : memref<2560x16xf32, #tpu.memory_space<vmem>>, vector<16xf32>,
        %add3A_2178 = arith.addf %add3A_2172, %get3A_2177 : vector<16xf32>
        %add3A_2179 = arith.constant 1024 : i32
        %add3A_2180 = arith.addi %add3A_2179, %add3A_2133 : i32
        %get3A_2181 = arith.index_cast %add3A_2180 : i32 to index
        %get3A_2182 = arith.constant 0 : index
        %get3A_2183 = tpu.vector_load %arg8[%get3A_2181, %get3A_2182] {strides = array<i32>} : memref<2560x16xf32, #tpu.memory_space<vmem>>, vector<16xf32>,
        %add3A_2184 = arith.addf %add3A_2178, %get3A_2183 : vector<16xf32>
        %add3A_2185 = arith.constant 1152 : i32
        %add3A_2186 = arith.addi %add3A_2185, %add3A_2133 : i32
        %get3A_2187 = arith.index_cast %add3A_2186 : i32 to index
        %get3A_2188 = arith.constant 0 : index
        %get3A_2189 = tpu.vector_load %arg8[%get3A_2187, %get3A_2188] {strides = array<i32>} : memref<2560x16xf32, #tpu.memory_space<vmem>>, vector<16xf32>,
        %add3A_2190 = arith.addf %add3A_2184, %get3A_2189 : vector<16xf32>
        %add3A_2191 = arith.constant 1280 : i32
        %add3A_2192 = arith.addi %add3A_2191, %add3A_2133 : i32
        %get3A_2193 = arith.index_cast %add3A_2192 : i32 to index
        %get3A_2194 = arith.constant 0 : index
        %get3A_2195 = tpu.vector_load %arg8[%get3A_2193, %get3A_2194] {strides = array<i32>} : memref<2560x16xf32, #tpu.memory_space<vmem>>, vector<16xf32>,
        %add3A_2196 = arith.addf %add3A_2190, %get3A_2195 : vector<16xf32>
        %add3A_2197 = arith.constant 1408 : i32
        %add3A_2198 = arith.addi %add3A_2197, %add3A_2133 : i32
        %get3A_2199 = arith.index_cast %add3A_2198 : i32 to index
        %get3A_2200 = arith.constant 0 : index
        %get3A_2201 = tpu.vector_load %arg8[%get3A_2199, %get3A_2200] {strides = array<i32>} : memref<2560x16xf32, #tpu.memory_space<vmem>>, vector<16xf32>,
        %add3A_2202 = arith.addf %add3A_2196, %get3A_2201 : vector<16xf32>
        %add3A_2203 = arith.constant 1536 : i32
        %add3A_2204 = arith.addi %add3A_2203, %add3A_2133 : i32
        %get3A_2205 = arith.index_cast %add3A_2204 : i32 to index
        %get3A_2206 = arith.constant 0 : index
        %get3A_2207 = tpu.vector_load %arg8[%get3A_2205, %get3A_2206] {strides = array<i32>} : memref<2560x16xf32, #tpu.memory_space<vmem>>, vector<16xf32>,
        %add3A_2208 = arith.addf %add3A_2202, %get3A_2207 : vector<16xf32>
        %add3A_2209 = arith.constant 1664 : i32
        %add3A_2210 = arith.addi %add3A_2209, %add3A_2133 : i32
        %get3A_2211 = arith.index_cast %add3A_2210 : i32 to index
        %get3A_2212 = arith.constant 0 : index
        %get3A_2213 = tpu.vector_load %arg8[%get3A_2211, %get3A_2212] {strides = array<i32>} : memref<2560x16xf32, #tpu.memory_space<vmem>>, vector<16xf32>,
        %add3A_2214 = arith.addf %add3A_2208, %get3A_2213 : vector<16xf32>
        %add3A_2215 = arith.constant 1792 : i32
        %add3A_2216 = arith.addi %add3A_2215, %add3A_2133 : i32
        %get3A_2217 = arith.index_cast %add3A_2216 : i32 to index
        %get3A_2218 = arith.constant 0 : index
        %get3A_2219 = tpu.vector_load %arg8[%get3A_2217, %get3A_2218] {strides = array<i32>} : memref<2560x16xf32, #tpu.memory_space<vmem>>, vector<16xf32>,
        %add3A_2220 = arith.addf %add3A_2214, %get3A_2219 : vector<16xf32>
        %add3A_2221 = arith.constant 1920 : i32
        %add3A_2222 = arith.addi %add3A_2221, %add3A_2133 : i32
        %get3A_2223 = arith.index_cast %add3A_2222 : i32 to index
        %get3A_2224 = arith.constant 0 : index
        %get3A_2225 = tpu.vector_load %arg8[%get3A_2223, %get3A_2224] {strides = array<i32>} : memref<2560x16xf32, #tpu.memory_space<vmem>>, vector<16xf32>,
        %add3A_2226 = arith.addf %add3A_2220, %get3A_2225 : vector<16xf32>
        %add3A_2227 = arith.constant 2048 : i32
        %add3A_2228 = arith.addi %add3A_2227, %add3A_2133 : i32
        %get3A_2229 = arith.index_cast %add3A_2228 : i32 to index
        %get3A_2230 = arith.constant 0 : index
        %get3A_2231 = tpu.vector_load %arg8[%get3A_2229, %get3A_2230] {strides = array<i32>} : memref<2560x16xf32, #tpu.memory_space<vmem>>, vector<16xf32>,
        %add3A_2232 = arith.addf %add3A_2226, %get3A_2231 : vector<16xf32>
        %add3A_2233 = arith.constant 2176 : i32
        %add3A_2234 = arith.addi %add3A_2233, %add3A_2133 : i32
        %get3A_2235 = arith.index_cast %add3A_2234 : i32 to index
        %get3A_2236 = arith.constant 0 : index
        %get3A_2237 = tpu.vector_load %arg8[%get3A_2235, %get3A_2236] {strides = array<i32>} : memref<2560x16xf32, #tpu.memory_space<vmem>>, vector<16xf32>,
        %add3A_2238 = arith.addf %add3A_2232, %get3A_2237 : vector<16xf32>
        %add3A_2239 = arith.constant 2304 : i32
        %add3A_2240 = arith.addi %add3A_2239, %add3A_2133 : i32
        %get3A_2241 = arith.index_cast %add3A_2240 : i32 to index
        %get3A_2242 = arith.constant 0 : index
        %get3A_2243 = tpu.vector_load %arg8[%get3A_2241, %get3A_2242] {strides = array<i32>} : memref<2560x16xf32, #tpu.memory_space<vmem>>, vector<16xf32>,
        %add3A_2244 = arith.addf %add3A_2238, %get3A_2243 : vector<16xf32>
        %add3A_2245 = arith.constant 2432 : i32
        %add3A_2246 = arith.addi %add3A_2245, %add3A_2133 : i32
        %get3A_2247 = arith.index_cast %add3A_2246 : i32 to index
        %get3A_2248 = arith.constant 0 : index
        %get3A_2249 = tpu.vector_load %arg8[%get3A_2247, %get3A_2248] {strides = array<i32>} : memref<2560x16xf32, #tpu.memory_space<vmem>>, vector<16xf32>,
        %add3A_2250 = arith.addf %add3A_2244, %get3A_2249 : vector<16xf32>
        %broadcast_in_dim3A_2251 = vector.broadcast %add3A_2133 : i32 to vector<16xi32>
        %slice3A_2252 = vector.extract_strided_slice %get3A_274 {offsets = [15], sizes = [1], strides = [1]} : vector<16xf32> to vector<1xf32>
        %squeeze3A_2253 = vector.extract %slice3A_2252[0] : f32 from vector<1xf32>
        %mul3A_2254 = vector.broadcast %squeeze3A_2253 : f32 to vector<16xf32>
        %mul3A_2255 = arith.mulf %add3A_2250, %mul3A_2254 : vector<16xf32>
        tpu.vector_store_idx %arg10[%iota3A, %broadcast_in_dim3A_2251], %mul3A_2255 : memref<16x128xf32, #tpu.memory_space<vmem>>[vector<16xi32>, vector<16xi32>], vector<16xf32>,
        %scan3A_2256 = arith.constant 0 : i32
        scf.yield %scan3A_2256 : i32
      }
      %scan3A_238 = arith.constant 8 : i32
      %dma_start3A_239 = arith.constant 0 : i32
      %dma_start3A_240 = arith.constant 0 : i32
      %dma_start3A_241 = arith.constant 0 : i32
      %dma_start3A_242 = tpu.memref_slice %arg10[%dma_start3A_240, %dma_start3A_241] : memref<16x128xf32, #tpu.memory_space<vmem>> -> memref<8x128xf32, #tpu.memory_space<vmem>>
      %dma_start3A_243 = arith.constant 0 : i32
      %dma_start3A_244 = arith.constant 0 : i32
      %dma_start3A_245 = tpu.memref_slice %arg4[%add3A_112, %dma_start3A_239, %add3A, %dma_start3A_243, %dma_start3A_244] : memref<50x2x32x8x128xf32, #tpu.memory_space<hbm>> -> memref<1x1x1x8x128xf32, #tpu.memory_space<hbm>>
      %dma_start3A_246 = tpu.memref_squeeze %dma_start3A_245 : memref<1x1x1x8x128xf32, #tpu.memory_space<hbm>> -> memref<8x128xf32, #tpu.memory_space<hbm>>
      %dma_start3A_247 = arith.constant 0 : i32
      %dma_start3A_248 = arith.constant 0 : i32
      %dma_start3A_249 = tpu.memref_slice %arg4[%add3A_112, %dma_start3A_239, %add3A, %dma_start3A_247, %dma_start3A_248] : memref<50x2x32x8x128xf32, #tpu.memory_space<hbm>> -> memref<1x1x1x8x128xf32, #tpu.memory_space<hbm>>
      %dma_start3A_250 = tpu.memref_squeeze %dma_start3A_249 : memref<1x1x1x8x128xf32, #tpu.memory_space<hbm>> -> memref<8x128xf32, #tpu.memory_space<hbm>>
      %dma_start3A_251 = arith.constant 0 : i32
      %dma_start3A_252 = arith.constant 0 : i32
      %dma_start3A_253 = tpu.memref_slice %arg10[%dma_start3A_251, %dma_start3A_252] : memref<16x128xf32, #tpu.memory_space<vmem>> -> memref<8x128xf32, #tpu.memory_space<vmem>>
      tpu.enqueue_dma source(%dma_start3A_253 : memref<8x128xf32, #tpu.memory_space<vmem>>) target(%dma_start3A_250 : memref<8x128xf32, #tpu.memory_space<hbm>>) target_semaphore(%arg18 : memref<!tpu.dma_semaphore, #tpu.memory_space<semaphore_mem>>)
      %dma_start3A_254 = arith.constant 1 : i32
      %dma_start3A_255 = arith.constant 8 : i32
      %dma_start3A_256 = arith.constant 0 : i32
      %dma_start3A_257 = tpu.memref_slice %arg10[%dma_start3A_255, %dma_start3A_256] : memref<16x128xf32, #tpu.memory_space<vmem>> -> memref<8x128xf32, #tpu.memory_space<vmem>>
      %dma_start3A_258 = arith.constant 0 : i32
      %dma_start3A_259 = arith.constant 0 : i32
      %dma_start3A_260 = tpu.memref_slice %arg4[%add3A_112, %dma_start3A_254, %add3A, %dma_start3A_258, %dma_start3A_259] : memref<50x2x32x8x128xf32, #tpu.memory_space<hbm>> -> memref<1x1x1x8x128xf32, #tpu.memory_space<hbm>>
      %dma_start3A_261 = tpu.memref_squeeze %dma_start3A_260 : memref<1x1x1x8x128xf32, #tpu.memory_space<hbm>> -> memref<8x128xf32, #tpu.memory_space<hbm>>
      %dma_start3A_262 = arith.constant 0 : i32
      %dma_start3A_263 = arith.constant 0 : i32
      %dma_start3A_264 = tpu.memref_slice %arg4[%add3A_112, %dma_start3A_254, %add3A, %dma_start3A_262, %dma_start3A_263] : memref<50x2x32x8x128xf32, #tpu.memory_space<hbm>> -> memref<1x1x1x8x128xf32, #tpu.memory_space<hbm>>
      %dma_start3A_265 = tpu.memref_squeeze %dma_start3A_264 : memref<1x1x1x8x128xf32, #tpu.memory_space<hbm>> -> memref<8x128xf32, #tpu.memory_space<hbm>>
      %dma_start3A_266 = arith.constant 8 : i32
      %dma_start3A_267 = arith.constant 0 : i32
      %dma_start3A_268 = tpu.memref_slice %arg10[%dma_start3A_266, %dma_start3A_267] : memref<16x128xf32, #tpu.memory_space<vmem>> -> memref<8x128xf32, #tpu.memory_space<vmem>>
      tpu.enqueue_dma source(%dma_start3A_268 : memref<8x128xf32, #tpu.memory_space<vmem>>) target(%dma_start3A_265 : memref<8x128xf32, #tpu.memory_space<hbm>>) target_semaphore(%arg18 : memref<!tpu.dma_semaphore, #tpu.memory_space<semaphore_mem>>)
      %scan3A_269 = arith.constant 0 : i32
      scf.yield %scan3A_269 : i32
    }
    %scan3A_38 = arith.constant 25 : i32
    %dma_wait3A_39 = arith.constant 0 : i32
    %dma_wait3A_40 = arith.constant 0 : i32
    %dma_wait3A_41 = arith.constant 0 : i32
    %dma_wait3A_42 = arith.constant 0 : i32
    %dma_wait3A_43 = arith.constant 0 : i32
    %dma_wait3A_44 = tpu.memref_slice %arg9[%dma_wait3A_42, %dma_wait3A_43] : memref<16x128xf32, #tpu.memory_space<vmem>> -> memref<8x128xf32, #tpu.memory_space<vmem>>
    %dma_wait3A_45 = arith.constant 0 : i32
    %dma_wait3A_46 = arith.constant 0 : i32
    %dma_wait3A_47 = tpu.memref_slice %arg4[%dma_wait3A_39, %dma_wait3A_40, %dma_wait3A_41, %dma_wait3A_45, %dma_wait3A_46] : memref<50x2x32x8x128xf32, #tpu.memory_space<hbm>> -> memref<1x1x1x8x128xf32, #tpu.memory_space<hbm>>
    %dma_wait3A_48 = tpu.memref_squeeze %dma_wait3A_47 : memref<1x1x1x8x128xf32, #tpu.memory_space<hbm>> -> memref<8x128xf32, #tpu.memory_space<hbm>>
    %dma_wait3A_49 = arith.constant 0 : i32
    %dma_wait3A_50 = arith.constant 0 : i32
    %dma_wait3A_51 = tpu.memref_slice %arg9[%dma_wait3A_49, %dma_wait3A_50] : memref<16x128xf32, #tpu.memory_space<vmem>> -> memref<8x128xf32, #tpu.memory_space<vmem>>
    %dma_wait3A_52 = arith.constant 0 : i32
    %dma_wait3A_53 = arith.constant 0 : i32
    %dma_wait3A_54 = tpu.memref_slice %arg4[%dma_wait3A_39, %dma_wait3A_40, %dma_wait3A_41, %dma_wait3A_52, %dma_wait3A_53] : memref<50x2x32x8x128xf32, #tpu.memory_space<hbm>> -> memref<1x1x1x8x128xf32, #tpu.memory_space<hbm>>
    %dma_wait3A_55 = tpu.memref_squeeze %dma_wait3A_54 : memref<1x1x1x8x128xf32, #tpu.memory_space<hbm>> -> memref<8x128xf32, #tpu.memory_space<hbm>>
    tpu.wait_dma2 semaphore(%arg17 : memref<!tpu.dma_semaphore, #tpu.memory_space<semaphore_mem>>) src(%dma_wait3A_55 : memref<8x128xf32, #tpu.memory_space<hbm>>) dst(%dma_wait3A_51 : memref<8x128xf32, #tpu.memory_space<vmem>>)
    %dma_wait3A_56 = arith.constant 0 : i32
    %dma_wait3A_57 = arith.constant 0 : i32
    %dma_wait3A_58 = arith.constant 0 : i32
    %dma_wait3A_59 = arith.constant 8 : i32
    %dma_wait3A_60 = arith.constant 0 : i32
    %dma_wait3A_61 = tpu.memref_slice %arg9[%dma_wait3A_59, %dma_wait3A_60] : memref<16x128xf32, #tpu.memory_space<vmem>> -> memref<8x128xf32, #tpu.memory_space<vmem>>
    %dma_wait3A_62 = arith.constant 0 : i32
    %dma_wait3A_63 = arith.constant 0 : i32
    %dma_wait3A_64 = tpu.memref_slice %arg4[%dma_wait3A_56, %dma_wait3A_57, %dma_wait3A_58, %dma_wait3A_62, %dma_wait3A_63] : memref<50x2x32x8x128xf32, #tpu.memory_space<hbm>> -> memref<1x1x1x8x128xf32, #tpu.memory_space<hbm>>
    %dma_wait3A_65 = tpu.memref_squeeze %dma_wait3A_64 : memref<1x1x1x8x128xf32, #tpu.memory_space<hbm>> -> memref<8x128xf32, #tpu.memory_space<hbm>>
    %dma_wait3A_66 = arith.constant 8 : i32
    %dma_wait3A_67 = arith.constant 0 : i32
    %dma_wait3A_68 = tpu.memref_slice %arg9[%dma_wait3A_66, %dma_wait3A_67] : memref<16x128xf32, #tpu.memory_space<vmem>> -> memref<8x128xf32, #tpu.memory_space<vmem>>
    %dma_wait3A_69 = arith.constant 0 : i32
    %dma_wait3A_70 = arith.constant 0 : i32
    %dma_wait3A_71 = tpu.memref_slice %arg4[%dma_wait3A_56, %dma_wait3A_57, %dma_wait3A_58, %dma_wait3A_69, %dma_wait3A_70] : memref<50x2x32x8x128xf32, #tpu.memory_space<hbm>> -> memref<1x1x1x8x128xf32, #tpu.memory_space<hbm>>
    %dma_wait3A_72 = tpu.memref_squeeze %dma_wait3A_71 : memref<1x1x1x8x128xf32, #tpu.memory_space<hbm>> -> memref<8x128xf32, #tpu.memory_space<hbm>>
    tpu.wait_dma2 semaphore(%arg17 : memref<!tpu.dma_semaphore, #tpu.memory_space<semaphore_mem>>) src(%dma_wait3A_72 : memref<8x128xf32, #tpu.memory_space<hbm>>) dst(%dma_wait3A_68 : memref<8x128xf32, #tpu.memory_space<vmem>>)
    %dma_wait3A_73 = arith.constant 0 : i32
    %dma_wait3A_74 = arith.constant 0 : i32
    %dma_wait3A_75 = arith.constant 0 : i32
    %dma_wait3A_76 = arith.constant 0 : i32
    %dma_wait3A_77 = arith.constant 0 : i32
    %dma_wait3A_78 = tpu.memref_slice %arg10[%dma_wait3A_76, %dma_wait3A_77] : memref<16x128xf32, #tpu.memory_space<vmem>> -> memref<8x128xf32, #tpu.memory_space<vmem>>
    %dma_wait3A_79 = arith.constant 0 : i32
    %dma_wait3A_80 = arith.constant 0 : i32
    %dma_wait3A_81 = tpu.memref_slice %arg4[%dma_wait3A_73, %dma_wait3A_74, %dma_wait3A_75, %dma_wait3A_79, %dma_wait3A_80] : memref<50x2x32x8x128xf32, #tpu.memory_space<hbm>> -> memref<1x1x1x8x128xf32, #tpu.memory_space<hbm>>
    %dma_wait3A_82 = tpu.memref_squeeze %dma_wait3A_81 : memref<1x1x1x8x128xf32, #tpu.memory_space<hbm>> -> memref<8x128xf32, #tpu.memory_space<hbm>>
    %dma_wait3A_83 = arith.constant 0 : i32
    %dma_wait3A_84 = arith.constant 0 : i32
    %dma_wait3A_85 = tpu.memref_slice %arg10[%dma_wait3A_83, %dma_wait3A_84] : memref<16x128xf32, #tpu.memory_space<vmem>> -> memref<8x128xf32, #tpu.memory_space<vmem>>
    %dma_wait3A_86 = arith.constant 0 : i32
    %dma_wait3A_87 = arith.constant 0 : i32
    %dma_wait3A_88 = tpu.memref_slice %arg4[%dma_wait3A_73, %dma_wait3A_74, %dma_wait3A_75, %dma_wait3A_86, %dma_wait3A_87] : memref<50x2x32x8x128xf32, #tpu.memory_space<hbm>> -> memref<1x1x1x8x128xf32, #tpu.memory_space<hbm>>
    %dma_wait3A_89 = tpu.memref_squeeze %dma_wait3A_88 : memref<1x1x1x8x128xf32, #tpu.memory_space<hbm>> -> memref<8x128xf32, #tpu.memory_space<hbm>>
    tpu.wait_dma2 semaphore(%arg18 : memref<!tpu.dma_semaphore, #tpu.memory_space<semaphore_mem>>) src(%dma_wait3A_89 : memref<8x128xf32, #tpu.memory_space<hbm>>) dst(%dma_wait3A_85 : memref<8x128xf32, #tpu.memory_space<vmem>>)
    %dma_wait3A_90 = arith.constant 0 : i32
    %dma_wait3A_91 = arith.constant 0 : i32
    %dma_wait3A_92 = arith.constant 0 : i32
    %dma_wait3A_93 = arith.constant 8 : i32
    %dma_wait3A_94 = arith.constant 0 : i32
    %dma_wait3A_95 = tpu.memref_slice %arg10[%dma_wait3A_93, %dma_wait3A_94] : memref<16x128xf32, #tpu.memory_space<vmem>> -> memref<8x128xf32, #tpu.memory_space<vmem>>
    %dma_wait3A_96 = arith.constant 0 : i32
    %dma_wait3A_97 = arith.constant 0 : i32
    %dma_wait3A_98 = tpu.memref_slice %arg4[%dma_wait3A_90, %dma_wait3A_91, %dma_wait3A_92, %dma_wait3A_96, %dma_wait3A_97] : memref<50x2x32x8x128xf32, #tpu.memory_space<hbm>> -> memref<1x1x1x8x128xf32, #tpu.memory_space<hbm>>
    %dma_wait3A_99 = tpu.memref_squeeze %dma_wait3A_98 : memref<1x1x1x8x128xf32, #tpu.memory_space<hbm>> -> memref<8x128xf32, #tpu.memory_space<hbm>>
    %dma_wait3A_100 = arith.constant 8 : i32
    %dma_wait3A_101 = arith.constant 0 : i32
    %dma_wait3A_102 = tpu.memref_slice %arg10[%dma_wait3A_100, %dma_wait3A_101] : memref<16x128xf32, #tpu.memory_space<vmem>> -> memref<8x128xf32, #tpu.memory_space<vmem>>
    %dma_wait3A_103 = arith.constant 0 : i32
    %dma_wait3A_104 = arith.constant 0 : i32
    %dma_wait3A_105 = tpu.memref_slice %arg4[%dma_wait3A_90, %dma_wait3A_91, %dma_wait3A_92, %dma_wait3A_103, %dma_wait3A_104] : memref<50x2x32x8x128xf32, #tpu.memory_space<hbm>> -> memref<1x1x1x8x128xf32, #tpu.memory_space<hbm>>
    %dma_wait3A_106 = tpu.memref_squeeze %dma_wait3A_105 : memref<1x1x1x8x128xf32, #tpu.memory_space<hbm>> -> memref<8x128xf32, #tpu.memory_space<hbm>>
    tpu.wait_dma2 semaphore(%arg18 : memref<!tpu.dma_semaphore, #tpu.memory_space<semaphore_mem>>) src(%dma_wait3A_106 : memref<8x128xf32, #tpu.memory_space<hbm>>) dst(%dma_wait3A_102 : memref<8x128xf32, #tpu.memory_space<vmem>>)
    return
  }
}

</mosaic_0001>

<sc_bundles>
// kernel: kernel.3.cloned.1.call-start
scs
__scs_entry_jumppad:
0x0: {  	(pc) =	sbr.rel $0x88, $3  }
0x1: {  	(tag) =	ssettag $0x0;
	lr =	simm.s32 $0x1  }
0x2: {  	[smem:$0x3F9F] =	sst lr;
	_ =	strace $0xD0000000  }
0x3: {  	_ = 	snop  }
0x4: {  	_ = 	snop  }
0x5: {  	_ = 	snop  }
0x6: {  	_ = 	snop  }
0x7: {  	_ = 	snop  }
__scs_overlays_trampoline_lowered:
0x8: {  	[smem:$0x3FAE] =	sst s0  }
0x9: {  	[smem:$0x3FAF] =	sst s1  }
0xa: {  	[smem:$0x3FB0] =	sst s2  }
0xb: {  	[smem:$0x3FB1] =	sst s3  }
0xc: {  	[smem:$0x3FB2] =	sst s4  }
0xd: {  	[smem:$0x3FB3] =	sst s5  }
0xe: {  	[smem:$0x3FB4] =	sst s6  }
0xf: {  	[smem:$0x3FB5] =	sst s7  }
0x10: {  	[smem:$0x3FB6] =	sst s8  }
0x11: {  	[smem:$0x3FB7] =	sst s9;
	s0 =	simm.s32 @!p0 $0x0  }
0x12: {  	s1 =	sld [smem:$0x3F9D];
	s0 =	simm.s32 @p0 $0x1  }
0x13: {  	[smem:$0x3FB8] =	sst s0;
	s0 =	simm.s32 @!p1 $0x0  }
0x14: {  	s2 =	sld [smem:$0x3F9C];
	s0 =	simm.s32 @p1 $0x1  }
0x15: {  	[smem:$0x3FB9] =	sst s0;
	s0 =	simm.s32 @!p2 $0x0  }
0x16: {  	s3 =	sld [smem:$0x3FDB];
	s0 =	simm.s32 @p2 $0x1  }
0x17: {  	s4 =	simm.s32 $0x1BF5;
	[smem:$0x3FBB] =	sst s0  }
0x18: {  	s0 =	sld [smem:$0x3F9E];
	_ =	swait.ge [sflag:s4], $0x0  }
0x19: {  	s7 =	sld [smem:$0x3F9F]  }
0x1a: {  	s8 =	sadd.s32 $0xFFFFE003, lr  }
0x1b: {  	s9 =	sadd.s32 $0xFFFFFEF7, lr;
	s5 =	simm.s32 $0xFFFFFFFF;
	p2 =	slt.u32 s8, $0xFFFFF086  }
0x1c: {  	p1 =	slt.u32 s9, $0xF7A;
	s5 =	simm.s32 @!p2 $0x0  }
0x1d: {  	s5 =	simm.s32 @p1 $0x1;
	p0 =	seq.s32 s7, s2  }
0x1e: {  	s7 =	smul.u32 @!p0 $0xF7A, s2;
	p2 =	seq.s32 @!p0 s5, $0x0  }
0x1f: {  	s9 =	smul.u32 $0xF7A, s1;
	s8 =	simm.s32 @!p0 $0x1BF5;
	p2 =	por !p2, p0  }
0x20: {  	[sflag:s8] =	ssyncset.s32 @!p0 $0xFFFFF086;
	s6 =	sadd.s32 @!p0 s3, s7;
	s7 =	simm.s32 @!p0 $0x108  }
0x21: {  	s3 =	sadd.s32 s3, s9;
	s6 =	sadd.s32 @!p0 $0x88, s6;
	s7 =	simm.s32 @p2 $0x1082  }
0x22: {  	[simem:s7], [sflag:s8] =	dma.local @!p0 [hbm:s6], $0xF7A  }
0x23: {  	s9 =	sor.u32 $0xD0000000, s2;
	s6 =	simm.s32 $0x108;
	_ =	swait.ge @!p0 [sflag:s8], $0x0  }
0x24: {  	s3 =	sadd.s32 $0x88, s3;
	s6 =	simm.s32 @!p1 $0x1082;
	[sflag:s4] =	ssyncset.s32 $0xFFFFF086  }
0x25: {  	[simem:s6], [sflag:s4] =	dma.local [hbm:s3], $0xF7A  }
0x26: {  	[smem:$0x3F9F] =	sst s1;
	(tag) =	ssettag s2;
	_ =	strace s9  }
0x27: {  	s1 =	sld [smem:$0x3FAF]  }
0x28: {  	s2 =	sld [smem:$0x3FB0]  }
0x29: {  	s4 =	sld [smem:$0x3FB2]  }
0x2a: {  	p0 =	seq.s32 s5, $0x0;
	s5 =	sld [smem:$0x3FB3]  }
0x2b: {  	s6 =	sld [smem:$0x3FB4]  }
0x2c: {  	s7 =	sld [smem:$0x3FB5]  }
0x2d: {  	s3 =	simm.s32 $0x108;
	s8 =	sld [smem:$0x3FB6]  }
0x2e: {  	s3 =	simm.s32 @!p0 $0x1082;
	s9 =	sld [smem:$0x3FB7]  }
0x2f: {  	lr =	sadd.s32 s0, s3;
	s0 =	sld [smem:$0x3FAE]  }
0x30: {  	s3 =	sld [smem:$0x3FB1]  }
0x31: {  	[smem:$0x3FBA] =	sst s10  }
0x32: {  	s10 =	sld [smem:$0x3FB8];
	_ =	sdelay $0x3  }
0x33: {  	p0 =	seq.s32 s10, $0x1;
	s10 =	sld [smem:$0x3FBA];
	_ =	sdelay $0x3  }
0x34: {  	[smem:$0x3FBA] =	sst s10  }
0x35: {  	s10 =	sld [smem:$0x3FB9];
	_ =	sdelay $0x3  }
0x36: {  	p1 =	seq.s32 s10, $0x1;
	s10 =	sld [smem:$0x3FBA];
	_ =	sdelay $0x3  }
0x37: {  	[smem:$0x3FBA] =	sst s10  }
0x38: {  	s10 =	sld [smem:$0x3FBB]  }
0x39: {  	_ = 	snop;
	(pc) =	sbr.ind lr, $3  }
0x3a: {  	_ = 	snop  }
0x3b: {  	_ = 	snop  }
0x3c: {  	p2 =	seq.s32 s10, $0x1;
	s10 =	sld [smem:$0x3FBA]  }
0x3d: {  	_ =	shalt  }
0x3e: {  	_ =	shalt  }
0x3f: {  	_ =	shalt  }
0x40: {  	_ =	shalt  }
0x41: {  	_ =	shalt  }
0x42: {  	_ =	shalt  }
0x43: {  	_ =	shalt  }
0x44: {  	_ =	shalt  }
0x45: {  	_ =	shalt  }
0x46: {  	_ =	shalt  }
0x47: {  	_ =	shalt  }
0x48: {  	_ =	shalt  }
0x49: {  	_ =	shalt  }
0x4a: {  	_ =	shalt  }
0x4b: {  	_ =	shalt  }
0x4c: {  	_ =	shalt  }
0x4d: {  	_ =	shalt  }
0x4e: {  	_ =	shalt  }
0x4f: {  	_ =	shalt  }
0x50: {  	_ =	shalt  }
0x51: {  	_ =	shalt  }
0x52: {  	_ =	shalt  }
0x53: {  	_ =	shalt  }
0x54: {  	_ =	shalt  }
0x55: {  	_ =	shalt  }
0x56: {  	_ =	shalt  }
0x57: {  	_ =	shalt  }
0x58: {  	_ =	shalt  }
0x59: {  	_ =	shalt  }
0x5a: {  	_ =	shalt  }
0x5b: {  	_ =	shalt  }
0x5c: {  	_ =	shalt  }
0x5d: {  	_ =	shalt  }
0x5e: {  	_ =	shalt  }
0x5f: {  	_ =	shalt  }
0x60: {  	_ =	shalt  }
0x61: {  	_ =	shalt  }
0x62: {  	_ =	shalt  }
0x63: {  	_ =	shalt  }
0x64: {  	_ =	shalt  }
0x65: {  	_ =	shalt  }
0x66: {  	_ =	shalt  }
0x67: {  	_ =	shalt  }
0x68: {  	_ =	shalt  }
0x69: {  	_ =	shalt  }
0x6a: {  	_ =	shalt  }
0x6b: {  	_ =	shalt  }
0x6c: {  	_ =	shalt  }
0x6d: {  	_ =	shalt  }
0x6e: {  	_ =	shalt  }
0x6f: {  	_ =	shalt  }
0x70: {  	_ =	shalt  }
0x71: {  	_ =	shalt  }
0x72: {  	_ =	shalt  }
0x73: {  	_ =	shalt  }
0x74: {  	_ =	shalt  }
0x75: {  	_ =	shalt  }
0x76: {  	_ =	shalt  }
0x77: {  	_ =	shalt  }
0x78: {  	_ =	shalt  }
0x79: {  	_ =	shalt  }
0x7a: {  	_ =	shalt  }
0x7b: {  	_ =	shalt  }
0x7c: {  	_ =	shalt  }
0x7d: {  	_ =	shalt  }
0x7e: {  	_ =	shalt  }
0x7f: {  	_ =	shalt  }
0x80: {  	_ =	shalt  }
0x81: {  	_ =	shalt  }
0x82: {  	_ =	shalt  }
0x83: {  	_ =	shalt  }
0x84: {  	_ =	shalt  }
0x85: {  	_ =	shalt  }
0x86: {  	_ =	shalt  }
0x87: {  	_ =	shalt  }
.Lfunc_end0:
.L_simem_size_0:
called_computation_lowered:
.L_overlay_start_0:
0x88: {  	s2 =	sld [smem:$0x3FD9]  }
0x89: {  	s3 =	sld [smem:$0x3FFE];
	_ =	sdelay $0x1  }
0x8a: {  	s1 =	srdreg.scid  }
0x8b: {  	s0 =	sand.u32 $0x1, s1  }
0x8c: {  	s17 =	sshll.u32 s0, $0xA;
	s2 =	sadd.s32 s3, s2  }
0x8d: {  	s2 =	sadd.s32 s2, s17  }
0x8e: {  	[smem:$0x3FC6] =	sst s2  }
0x8f: {  	_ = 	snop  }
0x90: {  	s2 =	sld [smem:$0x3FD0];
	(tm) =	ssettm $0x1  }
0x91: {  	s18 =	sld [smem:$0x3FFB];
	_ =	sdelay $0x3  }
0x92: {  	_ =	strace s18  }
0x93: {  	s3 =	sld [smem:$0x3FFC];
	_ =	sdelay $0x3  }
0x94: {  	_ =	strace s3  }
0x95: {  	s3 =	sld [smem:$0x3FFD];
	_ =	sdelay $0x3  }
0x96: {  	_ =	strace s3  }
0x97: {  	_ =	strace $0x8FFFFFFF  }
0x98: {  	s19 =	sld [smem:$0x3FDB];
	_ =	sdelay $0x1  }
0x99: {  	s4 =	simm.s32 $_scs_section_size  }
0x9a: {  	s5 =	simm.s32 $_size__tile_overlayer_lowered;
	s6 =	simm.s32 $_tile_overlayer_lowered  }
0x9b: {  	s22 =	simm.s32 $0x1BFF;
	s21 =	sshll.u32 s6, $0x1;
	s3 =	sadd.s32 s4, s19  }
0x9c: {  	s7 =	simm.s32 $0x0;
	s20 =	sshll.u32 s5, $0x1;
	s5 =	sadd.s32 s21, s3  }
0x9d: {  	[timem:s7], [sflag:s22] =	dma.local [hbm:s5], s20  }
0x9e: {  	_ =	swait.ge [sflag:s22], s20  }
0x9f: {  	s4 =	ssub.s32 $0x0, s20;
	[sflag:s22] =	ssyncset.done $0x0  }
0xa0: {  	[sflag:s22] =	ssyncadd.s32 s4;
	_ =	sdelay $0x1  }
0xa1: {  	s23 =	simm.s32 $0x1B8B  }
0xa2: {  	_ =	swait.ge [sflag:s23], $0x1  }
0xa3: {  	[sflag:s23] =	ssyncset.done $0x0  }
0xa4: {  	s25 =	simm.s32 $0x1B8E;
	s24 =	sld [smem:$0x3FFE];
	[sflag:s23] =	ssyncadd.s32 $0xFFFFFFFF  }
0xa5: {  	s26 =	simm.s32 $execute0_lowered;
	[smem:$0x3FD2] =	sst s25  }
0xa6: {  	s5 =	sshll.u32 s26, $0x1;
	_ =	strace $0x80000046;
	[dreg:$0x1] =	wrdreg $0xFFFFFFFF  }
0xa7: {  	s28 =	simm.s32 $_size_execute0_lowered;
	s3 =	sadd.s32 s3, s5;
	[dreg:$0x0] =	wrdreg $0x0  }
0xa8: {  	s5 =	sshll.u32 s28, $0x1;
	[dreg:$0x2] =	wrdreg s3  }
0xa9: {  	[dreg:$0x3] =	wrdreg s5  }
0xaa: {  	[dreg:$0x4] =	wrdreg $0xC0  }
0xab: {  	_ =	task [dreg:s7], $0x5FFFF  }
0xac: {  	[dreg:$0x1] =	wrdreg $0xFFFFFFFF  }
0xad: {  	[dreg:$0x0] =	wrdreg $0x60  }
0xae: {  	[dreg:$0x2] =	wrdreg s24  }
0xaf: {  	[dreg:$0x3] =	wrdreg s2  }
0xb0: {  	[dreg:$0x4] =	wrdreg $0x9  }
0xb1: {  	_ =	task.clear_ibuf [dreg:s7], $0x5FFFF;
	_ =	strace $0x90000046  }
0xb2: {  	s29 =	simm.s32 $0x9;
	_ =	strace $0x80000048  }
0xb3: {  	_ =	swait.ge [sflag:s29], $0x1  }
0xb4: {  	[sflag:s29] =	ssyncadd.s32 $0xFFFFFFFF  }
0xb5: {  	_ =	strace $0x90000048  }
0xb6: {  	_ =	sfence  }
0xb7: {  	s30 =	sld [smem:$0x0];
	_ =	sdelay $0x2  }
0xb8: {  	s31 =	sshll.u32 s1, $0xD;
	s1 =	sshrl.u32 s1, $0x2  }
0xb9: {  	s3 =	sand.u32 $0x4000, s31;
	s1 =	sadd.s32 s1, s30  }
0xba: {  	s0 =	sor.u32 s3, s0;
	s1 =	sshll.u32 s1, $0x11  }
0xbb: {  	s0 =	sor.u32 s1, s0  }
0xbc: {  	s0 =	sadd.s32 $0x8F2B, s0  }
0xbd: {  	[sflag:s0] =	ssyncadd.remote.s32 $0x1  }
0xbe: {  	_ =	sfence.sel $0xFFFF  }
0xbf: {  	[dreg:$0x0] =	wrdreg $0xFFFFFFFF;
	(pc) =	sbr.abs _section_cstart, $3  }
0xc0: {  	[dreg:$0x1] =	wrdreg $0xFFFFFFFF  }
0xc1: {  	_ =	task.clear_ibuf [dreg:s7], $0x2FFFF;
	_ =	strace $0x9FFFFFFF  }
0xc2: {  	(tm) =	ssettm $0x7FFFFFFF  }
0xc3: {  	_ =	shalt  }
tec
execute0_lowered:
.L_overlay_start_1:
0x0: {  	(tag) =	ssettag $0x1  }
0x1: {  	s0 =	srdreg.scid  }
0x2: {  	s2 =	stileid.u32;
	s1 =	rddreg [dreg:$0x0];
	s16 =	simm.s32 $0x500  }
0x3: {  	s19 =	simm.s32 $0xA00;
	s20 =	simm.s32 $0x4;
	s21 =	simm.s32 $0x1  }
0x4: {  	s22 =	simm.s32 $0xB400;
	s23 =	simm.s32 $0xF00;
	s24 =	simm.s32 $0x10400  }
0x5: {  	s25 =	simm.s32 $0x15400;
	s28 =	simm.s32 $0x15C00;
	s29 =	simm.s32 $0x16000  }
0x6: {  	s30 =	simm.s32 $0x5;
	s31 =	simm.s32 $0x6;
	s0 =	sand.u32 $0x1, s0  }
0x7: {  	s3 =	sshll.u32 s2, $0x1;
	s2 =	rddreg [dreg:$0x1];
	s4 =	sadd.s32 $0x600, s1  }
0x8: {  	s5 =	sor.u32 s0, s3;
	s3 =	simm.s32 $0x0;
	s0 =	ssub.s32 $0x2, s0  }
0x9: {  	s10 =	sadd.s32 $0x1000, s2;
	s12 =	sadd.s32 $0x2000, s2;
	s7 =	smul.u32 $0x1F400, s5  }
0xa: {  	v0 =	vlaneseq.u32;
	s13 =	sadd.s32 $0x3000, s2;
	[smem:$0x7FF] =	sst s3;
	s8 =	sshrl.u32 s0, $0x1  }
0xb: {  	v0 =	vmul.u32 $0x80, v0;
	_ =	strace $0x80000047;
	s0 =	ssub.s32 s0, s8;
	s6 =	sshrl.u32 s7, $0x3  }
0xc: {  	v1 =	vimm.s32 $0x0;
	vm0 =	vcmask $0x300;
	s8 =	sadd.s32 $0x1400, s7;
	s11 =	sadd.s32 $0x1E00, s7;
	s0 =	smax.u32 s0, $0x1  }
0xd: {  	v2 =	vsel vm0, $0x3, v1;
	v3 =	vor.u32 $0x1, v0;
	s9 =	sadd.s32 s4, s6;
	s6 =	sadd.s32 $0xF42A00, s1;
	[dreg:$0x5] =	wrdreg s0  }
0xe: {  	v4 =	vor.u32 $0x2, v0;
	v5 =	vor.u32 $0x3, v0;
	v6 =	vor.u32 $0x4, v0;
	s1 =	simm.s32 $0x0;
	[dreg:$0x3] =	wrdreg s9;
	s26 =	sadd.s32 $0x140, s9  }
0xf: {  	v7 =	vor.u32 $0x5, v0;
	v8 =	vor.u32 $0x6, v0;
	v9 =	vor.u32 $0x7, v0;
	s9 =	sshll.u32 s5, $0x7;
	[dreg:$0x4] =	wrdreg s26;
	s26 =	simm.s32 $0x15800  }
.LBB2_1:
0x10: {  	s0 =	rddreg [dreg:$0x3];
	s14 =	simm.s32 $0x3  }
0x11: {  	[tilespmem:s3], [sflag:$0x3] =	stream.linear.gather [hbm4b:s0+s3], $0xA00, $0x38;
	[tilespmem:$0x16500] =	vst v63  }
0x12: {  	_ =	swait.ge [sflag:s14], $0xA00  }
0x13: {  	[sflag:s14] =	ssyncset.done $0x0  }
0x14: {  	s15 =	simm.s32 $0x1400;
	[sflag:s14] =	ssyncadd.s32 $0xFFFFF600  }
0x15: {  	[tilespmem:s15], [sflag:$0x1] =	stream.indirect.gather [hbm4b:s6+s16], $0x10, s3, s16, $0xb8;
	[tilespmem:$0x16500] =	vst v63  }
0x16: {  	s17 =	simm.s32 $0x6400  }
0x17: {  	[tilespmem:s17], [sflag:$0x1] =	stream.indirect.gather [hbm4b:s6+s16], $0x10, s16, s16, $0xb8;
	[tilespmem:$0x16500] =	vst v63  }
0x18: {  	s0 =	simm.s32 $0x0;
	s18 =	rddreg [dreg:$0x4]  }
0x19: {  	[tilespmem:s19], [sflag:$0x4] =	stream.linear.gather [hbm4b:s18+s3], $0xA00, $0x38;
	[tilespmem:$0x16500] =	vst v63  }
.LBB2_2:
0x1a: {  	_ =	swait.ge [sflag:s20], $0xA00  }
0x1b: {  	[sflag:s20] =	ssyncset.done $0x0  }
0x1c: {  	[sflag:s20] =	ssyncadd.s32 $0xFFFFF600  }
0x1d: {  	_ =	swait.ge [sflag:s21], $0xA000  }
0x1e: {  	[sflag:s21] =	ssyncset.done $0x0  }
0x1f: {  	[sflag:s21] =	ssyncadd.s32 $0xFFFF6000  }
0x20: {  	[tilespmem:s22], [sflag:$0x2] =	stream.indirect.gather [hbm4b:s6+s16], $0x10, s19, s16, $0xb8;
	[tilespmem:$0x16500] =	vst v63  }
0x21: {  	s14 =	simm.s32 $0x0  }
0x22: {  	[tilespmem:s24], [sflag:$0x2] =	stream.indirect.gather [hbm4b:s6+s16], $0x10, s23, s16, $0xb8;
	[tilespmem:$0x16500] =	vst v63  }
0x23: {  	v10 =	vld [tilespmem:s14+$0x0]  }
0x24: {  	v11 =	vld [tilespmem:s14+$0x80];
	_ =	sdelay $0x1  }
0x25: {  	v12 =	vld [tilespmem:s14+$0x100];
	_ =	sdelay $0x1  }
0x26: {  	v13 =	vld [tilespmem:s14+$0x180]  }
0x27: {  	vm0 =	vgt.s32 v10, $0x0;
	vm1 =	vgt.s32 v11, $0x0  }
0x28: {  	v14 =	vld [tilespmem:s14+$0x200];
	v10 =	vsel vm0, $0x3F800000, v1;
	v11 =	vsel vm1, $0x3F800000, v1  }
0x29: {  	vm0 =	vgt.s32 v12, $0x0;
	v10 =	vadd.f32 v11, v10  }
0x2a: {  	v12 =	vld [tilespmem:s14+$0x280];
	v11 =	vsel vm0, $0x3F800000, v1  }
0x2b: {  	vm0 =	vgt.s32 v13, $0x0;
	v10 =	vadd.f32 v11, v10  }
0x2c: {  	v13 =	vld [tilespmem:s14+$0x300];
	v11 =	vsel vm0, $0x3F800000, v1  }
0x2d: {  	vm0 =	vgt.s32 v14, $0x0;
	v10 =	vadd.f32 v11, v10  }
0x2e: {  	v14 =	vld [tilespmem:s14+$0x380];
	v11 =	vsel vm0, $0x3F800000, v1  }
0x2f: {  	vm0 =	vgt.s32 v12, $0x0;
	v10 =	vadd.f32 v11, v10  }
0x30: {  	v12 =	vld [tilespmem:s14+$0x400];
	v11 =	vsel vm0, $0x3F800000, v1  }
0x31: {  	vm0 =	vgt.s32 v13, $0x0;
	v10 =	vadd.f32 v11, v10  }
0x32: {  	v13 =	vld [tilespmem:s14+$0x480];
	v11 =	vsel vm0, $0x3F800000, v1  }
0x33: {  	s7 =	simm.s32 $0x10;
	v15 =	vld [tilespmem:s14+$0x500];
	vm0 =	vgt.s32 v14, $0x0;
	v10 =	vadd.f32 v11, v10  }
0x34: {  	v17 =	vld [tilespmem:s7+$0x80];
	v14 =	vsel vm0, $0x3F800000, v1  }
0x35: {  	vm0 =	vgt.s32 v12, $0x0;
	v12 =	vld [tilespmem:s14+$0x580];
	v10 =	vadd.f32 v14, v10  }
0x36: {  	v11 =	vld [tilespmem:s14+$0x600];
	v16 =	vsel vm0, $0x3F800000, v1  }
0x37: {  	vm0 =	vgt.s32 v13, $0x0;
	v14 =	vld [tilespmem:s7+$0x0];
	v10 =	vadd.f32 v16, v10  }
0x38: {  	v13 =	vsel vm0, $0x3F800000, v1  }
0x39: {  	vm0 =	vgt.s32 v15, $0x0;
	v16 =	vld [tilespmem:s7+$0x100];
	v10 =	vadd.f32 v13, v10  }
0x3a: {  	v15 =	vld [tilespmem:s14+$0x680];
	v13 =	vsel vm0, $0x3F800000, v1  }
0x3b: {  	vm1 =	vgt.s32 v12, $0x0;
	vm0 =	vgt.s32 v11, $0x0;
	v11 =	vld [tilespmem:s7+$0x180];
	v10 =	vadd.f32 v13, v10  }
0x3c: {  	vm3 =	vgt.s32 v17, $0x0;
	v12 =	vsel vm1, $0x3F800000, v1;
	vm2 =	vgt.s32 v14, $0x0;
	v13 =	vld [tilespmem:s14+$0x700]  }
0x3d: {  	v18 =	vld [tilespmem:s7+$0x200];
	v17 =	vsel vm3, $0x3F800000, v1;
	v14 =	vsel vm2, $0x3F800000, v1;
	v10 =	vadd.f32 v12, v10  }
0x3e: {  	vm1 =	vgt.s32 v16, $0x0;
	v16 =	vld [tilespmem:s14+$0x780];
	v12 =	vadd.f32 v17, v14;
	v14 =	vsel vm0, $0x3F800000, v1  }
0x3f: {  	v19 =	vld [tilespmem:s7+$0x280];
	v17 =	vsel vm1, $0x3F800000, v1;
	vm0 =	vgt.s32 v15, $0x0;
	v10 =	vadd.f32 v14, v10  }
0x40: {  	vm1 =	vgt.s32 v11, $0x0;
	v11 =	vsel vm0, $0x3F800000, v1;
	v12 =	vadd.f32 v17, v12;
	v14 =	vld [tilespmem:s14+$0x800]  }
0x41: {  	v15 =	vsel vm1, $0x3F800000, v1;
	v17 =	vld [tilespmem:s7+$0x300];
	vm0 =	vgt.s32 v13, $0x0;
	v10 =	vadd.f32 v11, v10  }
0x42: {  	vm1 =	vgt.s32 v18, $0x0;
	v13 =	vld [tilespmem:s14+$0x880];
	v11 =	vadd.f32 v15, v12;
	v12 =	vsel vm0, $0x3F800000, v1  }
0x43: {  	v18 =	vld [tilespmem:s7+$0x380];
	v15 =	vsel vm1, $0x3F800000, v1;
	vm0 =	vgt.s32 v16, $0x0;
	v10 =	vadd.f32 v12, v10  }
0x44: {  	vm1 =	vgt.s32 v19, $0x0;
	v11 =	vadd.f32 v15, v11;
	v12 =	vsel vm0, $0x3F800000, v1;
	v15 =	vld [tilespmem:s14+$0x900]  }
0x45: {  	v19 =	vld [tilespmem:s7+$0x400];
	v16 =	vsel vm1, $0x3F800000, v1;
	vm0 =	vgt.s32 v14, $0x0;
	v10 =	vadd.f32 v12, v10  }
0x46: {  	v20 =	vld [tilespmem:s14+$0x980];
	vm1 =	vgt.s32 v17, $0x0;
	v11 =	vadd.f32 v16, v11;
	v14 =	vsel vm0, $0x3F800000, v1  }
0x47: {  	v16 =	vsel vm1, $0x3F800000, v1;
	v12 =	vld [tilespmem:s7+$0x480];
	vm0 =	vgt.s32 v13, $0x0;
	v14 =	vadd.f32 v14, v10  }
0x48: {  	vm1 =	vgt.s32 v18, $0x0;
	v13 =	vld [tilespmem:s7+$0x500];
	v11 =	vadd.f32 v16, v11;
	v16 =	vsel vm0, $0x3F800000, v1  }
0x49: {  	v17 =	vsel vm1, $0x3F800000, v1;
	v10 =	vld [tilespmem:s7+$0x600];
	vm0 =	vgt.s32 v15, $0x0;
	v18 =	vadd.f32 v16, v14  }
0x4a: {  	s18 =	simm.s32 $0x20;
	vm1 =	vgt.s32 v19, $0x0;
	v14 =	vadd.f32 v17, v11;
	v11 =	vld [tilespmem:s7+$0x580];
	v17 =	vsel vm0, $0x3F800000, v1  }
0x4b: {  	s5 =	simm.s32 $0xC0;
	v15 =	vsel vm1, $0x3F800000, v1;
	v16 =	vld [tilespmem:s18+$0x0];
	vm0 =	vgt.s32 v20, $0x0;
	v17 =	vadd.f32 v17, v18  }
.LBB2_3:
0x4c: {  	p0 =	sne.s32 s5, $0x1C0;
	v18 =	vld [tilespmem:s18+$0x80];
	v14 =	vadd.f32 v15, v14;
	vm1 =	vgt.s32 v12, $0x0;
	v12 =	vsel vm0, $0x3F800000, v1  }
0x4d: {  	v15 =	vsel vm1, $0x3F800000, v1;
	v12 =	vadd.f32 v12, v17  }
0x4e: {  	v17 =	vld [tilespmem:s18+$0x100];
	v14 =	vadd.f32 v15, v14;
	vm0 =	vgt.s32 v13, $0x0  }
0x4f: {  	v13 =	vsel vm0, $0x3F800000, v1;
	vm0 =	vgt.s32 v10, $0x0;
	v10 =	vld [tilespmem:s7+$0x680];
	v12 =	vadd.f32 $9.999999970e-07, v12  }
0x50: {  	vm2 =	vgt.s32 v11, $0x0;
	vm1 =	vgt.s32 v16, $0x0;
	v15 =	vld [tilespmem:s18+$0x180];
	v13 =	vadd.f32 v13, v14  }
0x51: {  	v11 =	vsel vm2, $0x3F800000, v1;
	vm3 =	vgt.s32 v18, $0x0;
	v14 =	vld [tilespmem:s7+$0x700];
	(erf) = vrcp.f32 v12  }
0x52: {  	v12 =	vsel vm1, $0x3F800000, v1;
	v16 =	vsel vm3, $0x3F800000, v1;
	v18 =	vld [tilespmem:s18+$0x200];
	v11 =	vadd.f32 v11, v13  }
0x53: {  	v13 =	vsel vm0, $0x3F800000, v1;
	v12 =	vadd.f32 v16, v12;
	vm1 =	vgt.s32 v17, $0x0;
	v16 =	vld [tilespmem:s7+$0x780]  }
0x54: {  	v17 =	vsel vm1, $0x3F800000, v1;
	v19 =	vld [tilespmem:s18+$0x280];
	v11 =	vadd.f32 v13, v11;
	vm0 =	vgt.s32 v10, $0x0  }
0x55: {  	v10 =	vadd.f32 v17, v12;
	vm1 =	vgt.s32 v15, $0x0;
	v12 =	vsel vm0, $0x3F800000, v1;
	v13 =	vld [tilespmem:s7+$0x800]  }
0x56: {  	v15 =	vsel vm1, $0x3F800000, v1;
	v17 =	vld [tilespmem:s18+$0x300];
	v11 =	vadd.f32 v12, v11;
	vm0 =	vgt.s32 v14, $0x0  }
0x57: {  	v10 =	vadd.f32 v15, v10;
	vm1 =	vgt.s32 v18, $0x0;
	v12 =	vsel vm0, $0x3F800000, v1;
	v14 =	vld [tilespmem:s7+$0x880]  }
0x58: {  	v15 =	vsel vm1, $0x3F800000, v1;
	v18 =	vld [tilespmem:s18+$0x380];
	v11 =	vadd.f32 v12, v11;
	vm0 =	vgt.s32 v16, $0x0  }
0x59: {  	v10 =	vadd.f32 v15, v10;
	vm1 =	vgt.s32 v19, $0x0;
	v20 =	vsel vm0, $0x3F800000, v1;
	v15 =	vld [tilespmem:s7+$0x900]  }
0x5a: {  	v16 =	vsel vm1, $0x3F800000, v1;
	v19 =	vld [tilespmem:s18+$0x400];
	v11 =	vadd.f32 v20, v11;
	vm0 =	vgt.s32 v13, $0x0;
	v12 =	vpop (erf)  }
0x5b: {  	v10 =	vadd.f32 v16, v10;
	vm1 =	vgt.s32 v17, $0x0;
	v13 =	vsel vm0, $0x3F800000, v1;
	v20 =	vld [tilespmem:s7+$0x980];
	[tilespmem:s14+$0x16400] =	vst v12;
	s14 =	smov.u32 s7;
	s7 =	smov.u32 s18  }
.Ltmp0:
0x5c: {  	v16 =	vsel vm1, $0x3F800000, v1;
	v12 =	vld [tilespmem:s7+$0x480];
	v11 =	vadd.f32 v13, v11;
	vm0 =	vgt.s32 v14, $0x0;
	(pc) =	sbr.rel @p0 .LBB2_3-.Ltmp0, $4  }
0x5d: {  	v14 =	vadd.f32 v16, v10;
	vm1 =	vgt.s32 v18, $0x0;
	v10 =	vld [tilespmem:s7+$0x600];
	v16 =	vsel vm0, $0x3F800000, v1  }
0x5e: {  	v17 =	vsel vm1, $0x3F800000, v1;
	v13 =	vld [tilespmem:s7+$0x500];
	v18 =	vadd.f32 v16, v11;
	vm0 =	vgt.s32 v15, $0x0  }
0x5f: {  	s18 =	sshra.s32 s5, $0x2;
	v14 =	vadd.f32 v17, v14;
	vm1 =	vgt.s32 v19, $0x0;
	v11 =	vld [tilespmem:s7+$0x580];
	v17 =	vsel vm0, $0x3F800000, v1  }
0x60: {  	s5 =	sadd.s32 $0x40, s5;
	v16 =	vld [tilespmem:s18+$0x0];
	v15 =	vsel vm1, $0x3F800000, v1;
	v17 =	vadd.f32 v17, v18;
	vm0 =	vgt.s32 v20, $0x0  }
0x61: {  	v18 =	vld [tilespmem:s18+$0x80];
	v19 =	vsel vm0, $0x3F800000, v1  }
0x62: {  	v17 =	vadd.f32 v19, v17  }
0x63: {  	v55 =	vld [tilespmem:s18+$0x100]  }
0x64: {  	v20 =	vld [tilespmem:s7+$0x680];
	v17 =	vadd.f32 $9.999999970e-07, v17  }
0x65: {  	v21 =	vld [tilespmem:s18+$0x180]  }
0x66: {  	v22 =	vld [tilespmem:s7+$0x700];
	vm10 =	vgt.s32 v16, $0x0;
	vm1 =	vgt.s32 v18, $0x0;
	(erf) = vrcp.f32 v17  }
0x67: {  	v56 =	vld [tilespmem:s18+$0x200];
	v57 =	vsel vm10, $0x3F800000, v1;
	v18 =	vsel vm1, $0x3F800000, v1  }
0x68: {  	v23 =	vld [tilespmem:s7+$0x780];
	vm11 =	vgt.s32 v55, $0x0;
	v17 =	vadd.f32 v18, v57  }
0x69: {  	v58 =	vld [tilespmem:s18+$0x280];
	v19 =	vsel vm11, $0x3F800000, v1  }
0x6a: {  	v24 =	vld [tilespmem:s7+$0x800];
	vm12 =	vgt.s32 v21, $0x0;
	v17 =	vadd.f32 v19, v17  }
0x6b: {  	v59 =	vld [tilespmem:s18+$0x300];
	v21 =	vsel vm12, $0x3F800000, v1  }
0x6c: {  	v25 =	vld [tilespmem:s7+$0x880];
	vm13 =	vgt.s32 v56, $0x0;
	v17 =	vadd.f32 v21, v17  }
0x6d: {  	v60 =	vld [tilespmem:s18+$0x380];
	v61 =	vsel vm13, $0x3F800000, v1  }
0x6e: {  	v26 =	vld [tilespmem:s7+$0x900];
	vm14 =	vgt.s32 v58, $0x0;
	v17 =	vadd.f32 v61, v17  }
0x6f: {  	v62 =	vld [tilespmem:s18+$0x400];
	v63 =	vsel vm14, $0x3F800000, v1;
	v27 =	vpop (erf)  }
0x70: {  	v28 =	vld [tilespmem:s7+$0x980];
	vm15 =	vgt.s32 v59, $0x0;
	v17 =	vadd.f32 v63, v17;
	[tilespmem:s14+$0x16400] =	vst v27  }
0x71: {  	v19 =	vsel vm15, $0x3F800000, v1;
	v31 =	vld [tilespmem:s18+$0x480]  }
0x72: {  	vm4 =	vgt.s32 v60, $0x0;
	v17 =	vadd.f32 v19, v17  }
0x73: {  	v16 =	vsel vm4, $0x3F800000, v1;
	v32 =	vld [tilespmem:s18+$0x500]  }
0x74: {  	vm5 =	vgt.s32 v62, $0x0;
	v16 =	vadd.f32 v16, v17  }
0x75: {  	v14 =	vadd.f32 v15, v14;
	vm6 =	vgt.s32 v12, $0x0;
	v34 =	vsel vm5, $0x3F800000, v1;
	v33 =	vld [tilespmem:s18+$0x580]  }
0x76: {  	v35 =	vsel vm6, $0x3F800000, v1;
	v15 =	vadd.f32 v34, v16;
	vm7 =	vgt.s32 v31, $0x0  }
0x77: {  	v14 =	vadd.f32 v35, v14;
	vm8 =	vgt.s32 v13, $0x0;
	v36 =	vld [tilespmem:s18+$0x600];
	v37 =	vsel vm7, $0x3F800000, v1  }
0x78: {  	v38 =	vsel vm8, $0x3F800000, v1;
	vm9 =	vgt.s32 v32, $0x0;
	v15 =	vadd.f32 v37, v15  }
0x79: {  	v14 =	vadd.f32 v38, v14;
	vm10 =	vgt.s32 v11, $0x0;
	v39 =	vld [tilespmem:s18+$0x680];
	v11 =	vsel vm9, $0x3F800000, v1  }
0x7a: {  	v40 =	vsel vm10, $0x3F800000, v1;
	vm11 =	vgt.s32 v33, $0x0;
	v11 =	vadd.f32 v11, v15  }
0x7b: {  	vm12 =	vgt.s32 v10, $0x0;
	v10 =	vadd.f32 v40, v14;
	v42 =	vld [tilespmem:s18+$0x700];
	v41 =	vsel vm11, $0x3F800000, v1  }
0x7c: {  	v43 =	vsel vm12, $0x3F800000, v1;
	vm13 =	vgt.s32 v36, $0x0;
	v11 =	vadd.f32 v41, v11  }
0x7d: {  	vm14 =	vgt.s32 v20, $0x0;
	v10 =	vadd.f32 v43, v10;
	v45 =	vld [tilespmem:s18+$0x780];
	v44 =	vsel vm13, $0x3F800000, v1  }
0x7e: {  	v46 =	vsel vm14, $0x3F800000, v1;
	vm15 =	vgt.s32 v39, $0x0;
	v11 =	vadd.f32 v44, v11  }
0x7f: {  	vm4 =	vgt.s32 v22, $0x0;
	v10 =	vadd.f32 v46, v10;
	v48 =	vld [tilespmem:s18+$0x800];
	v47 =	vsel vm15, $0x3F800000, v1  }
0x80: {  	v49 =	vsel vm4, $0x3F800000, v1;
	vm5 =	vgt.s32 v42, $0x0;
	v11 =	vadd.f32 v47, v11  }
0x81: {  	vm6 =	vgt.s32 v23, $0x0;
	v10 =	vadd.f32 v49, v10;
	v51 =	vld [tilespmem:s18+$0x880];
	v50 =	vsel vm5, $0x3F800000, v1  }
0x82: {  	v52 =	vsel vm6, $0x3F800000, v1;
	vm7 =	vgt.s32 v45, $0x0;
	v11 =	vadd.f32 v50, v11  }
0x83: {  	vm8 =	vgt.s32 v24, $0x0;
	v10 =	vadd.f32 v52, v10;
	v54 =	vld [tilespmem:s18+$0x900];
	v53 =	vsel vm7, $0x3F800000, v1  }
0x84: {  	v55 =	vsel vm8, $0x3F800000, v1;
	vm9 =	vgt.s32 v48, $0x0;
	v11 =	vadd.f32 v53, v11  }
0x85: {  	vm10 =	vgt.s32 v25, $0x0;
	v57 =	vld [tilespmem:s18+$0x980];
	v10 =	vadd.f32 v55, v10;
	v56 =	vsel vm9, $0x3F800000, v1  }
0x86: {  	v58 =	vsel vm10, $0x3F800000, v1;
	vm11 =	vgt.s32 v51, $0x0;
	v11 =	vadd.f32 v56, v11  }
0x87: {  	vm12 =	vgt.s32 v26, $0x0;
	v10 =	vadd.f32 v58, v10;
	v59 =	vsel vm11, $0x3F800000, v1  }
0x88: {  	v60 =	vsel vm12, $0x3F800000, v1;
	vm13 =	vgt.s32 v54, $0x0;
	v11 =	vadd.f32 v59, v11  }
0x89: {  	vm14 =	vgt.s32 v28, $0x0;
	v10 =	vadd.f32 v60, v10;
	v61 =	vsel vm13, $0x3F800000, v1  }
0x8a: {  	v62 =	vsel vm14, $0x3F800000, v1;
	vm15 =	vgt.s32 v57, $0x0;
	v11 =	vadd.f32 v61, v11  }
0x8b: {  	v10 =	vadd.f32 v62, v10;
	v63 =	vsel vm15, $0x3F800000, v1  }
0x8c: {  	v11 =	vadd.f32 v63, v11  }
0x8d: {  	v10 =	vadd.f32 $9.999999970e-07, v10  }
0x8e: {  	v11 =	vadd.f32 $9.999999970e-07, v11  }
0x8f: {  	(erf) = vrcp.f32 v10  }
0x90: {  	(erf) = vrcp.f32 v11;
	_ =	sdelay $0x3  }
0x91: {  	p0 =	seq.s32 s0, $0x18  }
0x92: {  	p1 =	seq.s32 @!p0 s0, $0x0  }
0x93: {  	s17 =	smul.u32 @!p0 $0x1400, s0;
	p1 =	por p0, !p1  }
.Ltmp1:
0x94: {  	_ = 	snop;
	(pc) =	sbr.rel @!p1 .LBB2_5-.Ltmp1, $4  }
0x95: {  	s5 =	sadd.s32 @!p0 s17, s8;
	v10 =	vpop (erf)  }
0x96: {  	s5 =	sshrl.u32 @!p0 s5, $0x3;
	[tilespmem:s7+$0x16400] =	vst v10;
	v10 =	vpop (erf)  }
0x97: {  	s5 =	sadd.s32 @!p0 s4, s5;
	s7 =	simm.s32 @!p0 $0x0;
	[tilespmem:s18+$0x16400] =	vst v10  }
0x98: {  	[tilespmem:s7], [sflag:$0x3] =	stream.linear.gather @!p0 [hbm4b:s5+s7], $0xA00, $0x38;
	[tilespmem:$0x16500] =	vst v63  }
0x99: {  	_ =	swait.ge [sflag:s30], $0x400  }
.Ltmp2:
0x9a: {  	[sflag:s30] =	ssyncset.done $0x0;
	(pc) =	sbr.rel .LBB2_7-.Ltmp2, $4  }
0x9b: {  	[sflag:s30] =	ssyncadd.s32 $0xFFFFFC00  }
0x9c: {  	_ =	swait.ge [sflag:s30], $0x400  }
0x9d: {  	[sflag:s30] =	ssyncset.done $0x0  }
0x9e: {  	p1 =	por $0x0, $0x0;
	[sflag:s30] =	ssyncadd.s32 $0xFFFFFC00  }
.LBB2_5:
0x9f: {  	p1 =	por @!p0 $0x1, $0x1  }
.LBB2_7:
0xa0: {  	s18 =	simm.s32 $0x0  }
.LBB2_8:
0xa1: {  	s5 =	sshll.u32 s18, $0x8  }
0xa2: {  	s7 =	sand.u32 $0x3FFFFF00, s5  }
0xa3: {  	v10 =	vld [tilespmem:s7+$0x1400]  }
0xa4: {  	v11 =	vld [tilespmem:s7+$0x1C00];
	_ =	sdelay $0x1  }
0xa5: {  	v12 =	vld [tilespmem:s7+$0x2400];
	_ =	sdelay $0x1  }
0xa6: {  	v13 =	vld [tilespmem:s7+$0x2C00]  }
0xa7: {  	v10 =	vadd.f32 v11, v10  }
0xa8: {  	v11 =	vld [tilespmem:s7+$0x3400]  }
0xa9: {  	v10 =	vadd.f32 v12, v10  }
0xaa: {  	v39 =	vld [tilespmem:s7+$0x3C00]  }
0xab: {  	v10 =	vadd.f32 v13, v10  }
0xac: {  	v40 =	vld [tilespmem:s7+$0x4400]  }
0xad: {  	v10 =	vadd.f32 v11, v10  }
0xae: {  	v11 =	vld [tilespmem:s7+$0x4C00]  }
0xaf: {  	v10 =	vadd.f32 v39, v10  }
0xb0: {  	v41 =	vld [tilespmem:s7+$0x5400]  }
0xb1: {  	v10 =	vadd.f32 v40, v10  }
0xb2: {  	v42 =	vld [tilespmem:s7+$0x5C00]  }
0xb3: {  	v10 =	vadd.f32 v11, v10  }
0xb4: {  	v11 =	vld [tilespmem:s7+$0x6400]  }
0xb5: {  	v10 =	vadd.f32 v41, v10  }
0xb6: {  	v43 =	vld [tilespmem:s7+$0x6C00]  }
0xb7: {  	v10 =	vadd.f32 v42, v10  }
0xb8: {  	v44 =	vld [tilespmem:s7+$0x7400]  }
0xb9: {  	v10 =	vadd.f32 v11, v10  }
0xba: {  	v11 =	vld [tilespmem:s7+$0x7C00]  }
0xbb: {  	v10 =	vadd.f32 v43, v10  }
0xbc: {  	v45 =	vld [tilespmem:s7+$0x8400]  }
0xbd: {  	v10 =	vadd.f32 v44, v10  }
0xbe: {  	v46 =	vld [tilespmem:s7+$0x8C00]  }
0xbf: {  	v10 =	vadd.f32 v11, v10  }
0xc0: {  	v11 =	vld [tilespmem:s7+$0x9400]  }
0xc1: {  	v10 =	vadd.f32 v45, v10  }
0xc2: {  	v47 =	vld [tilespmem:s7+$0x9C00]  }
0xc3: {  	v13 =	vadd.f32 v46, v10  }
0xc4: {  	s14 =	sshll.u32 s18, $0x4;
	v14 =	vld [tilespmem:s7+$0xA400]  }
0xc5: {  	v48 =	vmov s14;
	v15 =	vld [tilespmem:s7+$0xAC00];
	v11 =	vadd.f32 v11, v13  }
0xc6: {  	v10 =	vld [tilespmem:s14+$0x16400];
	v13 =	vshrl.u32 v48, $0x3  }
0xc7: {  	v49 =	vshll.u32 v13, v2;
	v11 =	vadd.f32 v47, v11  }
0xc8: {  	v12 =	vbroadcast v49, $0x0  }
0xc9: {  	v11 =	vadd.f32 v14, v11  }
0xca: {  	v12 =	vor.u32 v0, v12  }
0xcb: {  	v50 =	vbroadcast v10, $0x0;
	v11 =	vadd.f32 v15, v11;
	_ =	sdelay $0x1  }
0xcc: {  	s5 =	sor.u32 $0x1, s14;
	v11 =	vmul.f32 v11, v50  }
0xcd: {  	s15 =	sshll.u32 s5, $0x4  }
0xce: {  	s15 =	sand.u32 $0x3FFFFF10, s15;
	[tilespmem:v12+s25+$0x0] =	vst.idx.msk $0xffff, v11  }
0xcf: {  	v11 =	vld [tilespmem:s15+$0x1400]  }
0xd0: {  	v12 =	vld [tilespmem:s7+$0x1C10];
	_ =	sdelay $0x1  }
0xd1: {  	v51 =	vld [tilespmem:s7+$0x2410];
	_ =	sdelay $0x1  }
0xd2: {  	v52 =	vld [tilespmem:s7+$0x2C10]  }
0xd3: {  	v11 =	vadd.f32 v12, v11  }
0xd4: {  	v53 =	vld [tilespmem:s7+$0x3410]  }
0xd5: {  	v11 =	vadd.f32 v51, v11  }
0xd6: {  	v54 =	vld [tilespmem:s7+$0x3C10]  }
0xd7: {  	v11 =	vadd.f32 v52, v11  }
0xd8: {  	v55 =	vld [tilespmem:s7+$0x4410]  }
0xd9: {  	v11 =	vadd.f32 v53, v11  }
0xda: {  	v56 =	vld [tilespmem:s7+$0x4C10]  }
0xdb: {  	v11 =	vadd.f32 v54, v11  }
0xdc: {  	v57 =	vld [tilespmem:s7+$0x5410]  }
0xdd: {  	v11 =	vadd.f32 v55, v11  }
0xde: {  	v58 =	vld [tilespmem:s7+$0x5C10]  }
0xdf: {  	v11 =	vadd.f32 v56, v11  }
0xe0: {  	v59 =	vld [tilespmem:s7+$0x6410]  }
0xe1: {  	v11 =	vadd.f32 v57, v11  }
0xe2: {  	v60 =	vld [tilespmem:s7+$0x6C10]  }
0xe3: {  	v11 =	vadd.f32 v58, v11  }
0xe4: {  	v61 =	vld [tilespmem:s7+$0x7410]  }
0xe5: {  	v11 =	vadd.f32 v59, v11  }
0xe6: {  	v62 =	vld [tilespmem:s7+$0x7C10]  }
0xe7: {  	v11 =	vadd.f32 v60, v11  }
0xe8: {  	v63 =	vld [tilespmem:s7+$0x8410]  }
0xe9: {  	v11 =	vadd.f32 v61, v11  }
0xea: {  	v16 =	vld [tilespmem:s7+$0x8C10]  }
0xeb: {  	v11 =	vadd.f32 v62, v11  }
0xec: {  	v17 =	vld [tilespmem:s7+$0x9410]  }
0xed: {  	v11 =	vadd.f32 v63, v11  }
0xee: {  	v18 =	vld [tilespmem:s7+$0x9C10]  }
0xef: {  	v11 =	vadd.f32 v16, v11  }
0xf0: {  	v19 =	vld [tilespmem:s7+$0xA410]  }
0xf1: {  	v20 =	vmov s5;
	v11 =	vadd.f32 v17, v11  }
0xf2: {  	v21 =	vld [tilespmem:s7+$0xAC10];
	v12 =	vshrl.u32 v20, $0x3  }
0xf3: {  	v12 =	vshll.u32 v12, v2;
	v11 =	vadd.f32 v18, v11  }
0xf4: {  	v12 =	vbroadcast v12, $0x0  }
0xf5: {  	v11 =	vadd.f32 v19, v11  }
0xf6: {  	v12 =	vadd.s32 v3, v12  }
0xf7: {  	v22 =	vbroadcast v10, $0x1;
	v11 =	vadd.f32 v21, v11;
	_ =	sdelay $0x1  }
0xf8: {  	s5 =	sor.u32 $0x2, s14;
	v11 =	vmul.f32 v11, v22  }
0xf9: {  	s15 =	sshll.u32 s5, $0x4  }
0xfa: {  	s15 =	sand.u32 $0x3FFFFF20, s15;
	[tilespmem:v12+s25+$0x0] =	vst.idx.msk $0xffff, v11  }
0xfb: {  	v11 =	vld [tilespmem:s15+$0x1400]  }
0xfc: {  	v12 =	vld [tilespmem:s7+$0x1C20];
	_ =	sdelay $0x1  }
0xfd: {  	v23 =	vld [tilespmem:s7+$0x2420];
	_ =	sdelay $0x1  }
0xfe: {  	v24 =	vld [tilespmem:s7+$0x2C20]  }
0xff: {  	v11 =	vadd.f32 v12, v11  }
0x100: {  	v25 =	vld [tilespmem:s7+$0x3420]  }
0x101: {  	v11 =	vadd.f32 v23, v11  }
0x102: {  	v26 =	vld [tilespmem:s7+$0x3C20]  }
0x103: {  	v11 =	vadd.f32 v24, v11  }
0x104: {  	v27 =	vld [tilespmem:s7+$0x4420]  }
0x105: {  	v11 =	vadd.f32 v25, v11  }
0x106: {  	v28 =	vld [tilespmem:s7+$0x4C20]  }
0x107: {  	v11 =	vadd.f32 v26, v11  }
0x108: {  	v29 =	vld [tilespmem:s7+$0x5420]  }
0x109: {  	v11 =	vadd.f32 v27, v11  }
0x10a: {  	v30 =	vld [tilespmem:s7+$0x5C20]  }
0x10b: {  	v11 =	vadd.f32 v28, v11  }
0x10c: {  	v31 =	vld [tilespmem:s7+$0x6420]  }
0x10d: {  	v11 =	vadd.f32 v29, v11  }
0x10e: {  	v32 =	vld [tilespmem:s7+$0x6C20]  }
0x10f: {  	v11 =	vadd.f32 v30, v11  }
0x110: {  	v33 =	vld [tilespmem:s7+$0x7420]  }
0x111: {  	v11 =	vadd.f32 v31, v11  }
0x112: {  	v34 =	vld [tilespmem:s7+$0x7C20]  }
0x113: {  	v11 =	vadd.f32 v32, v11  }
0x114: {  	v35 =	vld [tilespmem:s7+$0x8420]  }
0x115: {  	v11 =	vadd.f32 v33, v11  }
0x116: {  	v36 =	vld [tilespmem:s7+$0x8C20]  }
0x117: {  	v11 =	vadd.f32 v34, v11  }
0x118: {  	v37 =	vld [tilespmem:s7+$0x9420]  }
0x119: {  	v11 =	vadd.f32 v35, v11  }
0x11a: {  	v38 =	vld [tilespmem:s7+$0x9C20]  }
0x11b: {  	v11 =	vadd.f32 v36, v11  }
0x11c: {  	v39 =	vld [tilespmem:s7+$0xA420]  }
0x11d: {  	v40 =	vmov s5;
	v11 =	vadd.f32 v37, v11  }
0x11e: {  	v41 =	vld [tilespmem:s7+$0xAC20];
	v12 =	vshrl.u32 v40, $0x3  }
0x11f: {  	v12 =	vshll.u32 v12, v2;
	v11 =	vadd.f32 v38, v11  }
0x120: {  	v12 =	vbroadcast v12, $0x0  }
0x121: {  	v11 =	vadd.f32 v39, v11  }
0x122: {  	v12 =	vadd.s32 v4, v12  }
0x123: {  	v42 =	vbroadcast v10, $0x2;
	v11 =	vadd.f32 v41, v11;
	_ =	sdelay $0x1  }
0x124: {  	s5 =	sor.u32 $0x3, s14;
	v11 =	vmul.f32 v11, v42  }
0x125: {  	s15 =	sshll.u32 s5, $0x4  }
0x126: {  	s15 =	sand.u32 $0x3FFFFF30, s15;
	[tilespmem:v12+s25+$0x0] =	vst.idx.msk $0xffff, v11  }
0x127: {  	v11 =	vld [tilespmem:s15+$0x1400]  }
0x128: {  	v12 =	vld [tilespmem:s7+$0x1C30];
	_ =	sdelay $0x1  }
0x129: {  	v43 =	vld [tilespmem:s7+$0x2430];
	_ =	sdelay $0x1  }
0x12a: {  	v44 =	vld [tilespmem:s7+$0x2C30]  }
0x12b: {  	v11 =	vadd.f32 v12, v11  }
0x12c: {  	v45 =	vld [tilespmem:s7+$0x3430]  }
0x12d: {  	v11 =	vadd.f32 v43, v11  }
0x12e: {  	v46 =	vld [tilespmem:s7+$0x3C30]  }
0x12f: {  	v11 =	vadd.f32 v44, v11  }
0x130: {  	v47 =	vld [tilespmem:s7+$0x4430]  }
0x131: {  	v11 =	vadd.f32 v45, v11  }
0x132: {  	v48 =	vld [tilespmem:s7+$0x4C30]  }
0x133: {  	v11 =	vadd.f32 v46, v11  }
0x134: {  	v49 =	vld [tilespmem:s7+$0x5430]  }
0x135: {  	v11 =	vadd.f32 v47, v11  }
0x136: {  	v50 =	vld [tilespmem:s7+$0x5C30]  }
0x137: {  	v11 =	vadd.f32 v48, v11  }
0x138: {  	v51 =	vld [tilespmem:s7+$0x6430]  }
0x139: {  	v11 =	vadd.f32 v49, v11  }
0x13a: {  	v52 =	vld [tilespmem:s7+$0x6C30]  }
0x13b: {  	v11 =	vadd.f32 v50, v11  }
0x13c: {  	v53 =	vld [tilespmem:s7+$0x7430]  }
0x13d: {  	v11 =	vadd.f32 v51, v11  }
0x13e: {  	v54 =	vld [tilespmem:s7+$0x7C30]  }
0x13f: {  	v11 =	vadd.f32 v52, v11  }
0x140: {  	v55 =	vld [tilespmem:s7+$0x8430]  }
0x141: {  	v11 =	vadd.f32 v53, v11  }
0x142: {  	v56 =	vld [tilespmem:s7+$0x8C30]  }
0x143: {  	v11 =	vadd.f32 v54, v11  }
0x144: {  	v57 =	vld [tilespmem:s7+$0x9430]  }
0x145: {  	v11 =	vadd.f32 v55, v11  }
0x146: {  	v58 =	vld [tilespmem:s7+$0x9C30]  }
0x147: {  	v11 =	vadd.f32 v56, v11  }
0x148: {  	v59 =	vld [tilespmem:s7+$0xA430]  }
0x149: {  	v60 =	vmov s5;
	v11 =	vadd.f32 v57, v11  }
0x14a: {  	v61 =	vld [tilespmem:s7+$0xAC30];
	v12 =	vshrl.u32 v60, $0x3  }
0x14b: {  	v12 =	vshll.u32 v12, v2;
	v11 =	vadd.f32 v58, v11  }
0x14c: {  	v12 =	vbroadcast v12, $0x0  }
0x14d: {  	v11 =	vadd.f32 v59, v11  }
0x14e: {  	v12 =	vadd.s32 v5, v12  }
0x14f: {  	v62 =	vbroadcast v10, $0x3;
	v11 =	vadd.f32 v61, v11;
	_ =	sdelay $0x1  }
0x150: {  	s5 =	sor.u32 $0x4, s14;
	v11 =	vmul.f32 v11, v62  }
0x151: {  	s15 =	sshll.u32 s5, $0x4  }
0x152: {  	s15 =	sand.u32 $0x3FFFFF40, s15;
	[tilespmem:v12+s25+$0x0] =	vst.idx.msk $0xffff, v11  }
0x153: {  	v11 =	vld [tilespmem:s15+$0x1400]  }
0x154: {  	v12 =	vld [tilespmem:s7+$0x1C40];
	_ =	sdelay $0x1  }
0x155: {  	v63 =	vld [tilespmem:s7+$0x2440];
	_ =	sdelay $0x1  }
0x156: {  	v16 =	vld [tilespmem:s7+$0x2C40]  }
0x157: {  	v11 =	vadd.f32 v12, v11  }
0x158: {  	v17 =	vld [tilespmem:s7+$0x3440]  }
0x159: {  	v11 =	vadd.f32 v63, v11  }
0x15a: {  	v18 =	vld [tilespmem:s7+$0x3C40]  }
0x15b: {  	v11 =	vadd.f32 v16, v11  }
0x15c: {  	v19 =	vld [tilespmem:s7+$0x4440]  }
0x15d: {  	v11 =	vadd.f32 v17, v11  }
0x15e: {  	v20 =	vld [tilespmem:s7+$0x4C40]  }
0x15f: {  	v11 =	vadd.f32 v18, v11  }
0x160: {  	v21 =	vld [tilespmem:s7+$0x5440]  }
0x161: {  	v11 =	vadd.f32 v19, v11  }
0x162: {  	v22 =	vld [tilespmem:s7+$0x5C40]  }
0x163: {  	v11 =	vadd.f32 v20, v11  }
0x164: {  	v23 =	vld [tilespmem:s7+$0x6440]  }
0x165: {  	v11 =	vadd.f32 v21, v11  }
0x166: {  	v24 =	vld [tilespmem:s7+$0x6C40]  }
0x167: {  	v11 =	vadd.f32 v22, v11  }
0x168: {  	v25 =	vld [tilespmem:s7+$0x7440]  }
0x169: {  	v11 =	vadd.f32 v23, v11  }
0x16a: {  	v26 =	vld [tilespmem:s7+$0x7C40]  }
0x16b: {  	v11 =	vadd.f32 v24, v11  }
0x16c: {  	v27 =	vld [tilespmem:s7+$0x8440]  }
0x16d: {  	v11 =	vadd.f32 v25, v11  }
0x16e: {  	v28 =	vld [tilespmem:s7+$0x8C40]  }
0x16f: {  	v11 =	vadd.f32 v26, v11  }
0x170: {  	v29 =	vld [tilespmem:s7+$0x9440]  }
0x171: {  	v11 =	vadd.f32 v27, v11  }
0x172: {  	v30 =	vld [tilespmem:s7+$0x9C40]  }
0x173: {  	v11 =	vadd.f32 v28, v11  }
0x174: {  	v31 =	vld [tilespmem:s7+$0xA440]  }
0x175: {  	v32 =	vmov s5;
	v11 =	vadd.f32 v29, v11  }
0x176: {  	v33 =	vld [tilespmem:s7+$0xAC40];
	v12 =	vshrl.u32 v32, $0x3  }
0x177: {  	v12 =	vshll.u32 v12, v2;
	v11 =	vadd.f32 v30, v11  }
0x178: {  	v12 =	vbroadcast v12, $0x0  }
0x179: {  	v11 =	vadd.f32 v31, v11  }
0x17a: {  	v12 =	vadd.s32 v6, v12  }
0x17b: {  	v34 =	vbroadcast v10, $0x4;
	v11 =	vadd.f32 v33, v11;
	_ =	sdelay $0x1  }
0x17c: {  	s5 =	sor.u32 $0x5, s14;
	v11 =	vmul.f32 v11, v34  }
0x17d: {  	s15 =	sshll.u32 s5, $0x4  }
0x17e: {  	s15 =	sand.u32 $0x3FFFFF50, s15;
	[tilespmem:v12+s25+$0x0] =	vst.idx.msk $0xffff, v11  }
0x17f: {  	v11 =	vld [tilespmem:s15+$0x1400]  }
0x180: {  	v12 =	vld [tilespmem:s7+$0x1C50];
	_ =	sdelay $0x1  }
0x181: {  	v35 =	vld [tilespmem:s7+$0x2450];
	_ =	sdelay $0x1  }
0x182: {  	v36 =	vld [tilespmem:s7+$0x2C50]  }
0x183: {  	v11 =	vadd.f32 v12, v11  }
0x184: {  	v37 =	vld [tilespmem:s7+$0x3450]  }
0x185: {  	v11 =	vadd.f32 v35, v11  }
0x186: {  	v38 =	vld [tilespmem:s7+$0x3C50]  }
0x187: {  	v11 =	vadd.f32 v36, v11  }
0x188: {  	v39 =	vld [tilespmem:s7+$0x4450]  }
0x189: {  	v11 =	vadd.f32 v37, v11  }
0x18a: {  	v40 =	vld [tilespmem:s7+$0x4C50]  }
0x18b: {  	v11 =	vadd.f32 v38, v11  }
0x18c: {  	v41 =	vld [tilespmem:s7+$0x5450]  }
0x18d: {  	v11 =	vadd.f32 v39, v11  }
0x18e: {  	v42 =	vld [tilespmem:s7+$0x5C50]  }
0x18f: {  	v11 =	vadd.f32 v40, v11  }
0x190: {  	v43 =	vld [tilespmem:s7+$0x6450]  }
0x191: {  	v11 =	vadd.f32 v41, v11  }
0x192: {  	v44 =	vld [tilespmem:s7+$0x6C50]  }
0x193: {  	v11 =	vadd.f32 v42, v11  }
0x194: {  	v45 =	vld [tilespmem:s7+$0x7450]  }
0x195: {  	v11 =	vadd.f32 v43, v11  }
0x196: {  	v46 =	vld [tilespmem:s7+$0x7C50]  }
0x197: {  	v11 =	vadd.f32 v44, v11  }
0x198: {  	v47 =	vld [tilespmem:s7+$0x8450]  }
0x199: {  	v11 =	vadd.f32 v45, v11  }
0x19a: {  	v48 =	vld [tilespmem:s7+$0x8C50]  }
0x19b: {  	v11 =	vadd.f32 v46, v11  }
0x19c: {  	v49 =	vld [tilespmem:s7+$0x9450]  }
0x19d: {  	v11 =	vadd.f32 v47, v11  }
0x19e: {  	v50 =	vld [tilespmem:s7+$0x9C50]  }
0x19f: {  	v11 =	vadd.f32 v48, v11  }
0x1a0: {  	v51 =	vld [tilespmem:s7+$0xA450]  }
0x1a1: {  	v52 =	vmov s5;
	v11 =	vadd.f32 v49, v11  }
0x1a2: {  	v53 =	vld [tilespmem:s7+$0xAC50];
	v12 =	vshrl.u32 v52, $0x3  }
0x1a3: {  	v12 =	vshll.u32 v12, v2;
	v11 =	vadd.f32 v50, v11  }
0x1a4: {  	v12 =	vbroadcast v12, $0x0  }
0x1a5: {  	v11 =	vadd.f32 v51, v11  }
0x1a6: {  	v12 =	vadd.s32 v7, v12  }
0x1a7: {  	v54 =	vbroadcast v10, $0x5;
	v11 =	vadd.f32 v53, v11;
	_ =	sdelay $0x1  }
0x1a8: {  	s5 =	sor.u32 $0x6, s14;
	v11 =	vmul.f32 v11, v54  }
0x1a9: {  	s15 =	sshll.u32 s5, $0x4  }
0x1aa: {  	s15 =	sand.u32 $0x3FFFFF60, s15;
	[tilespmem:v12+s25+$0x0] =	vst.idx.msk $0xffff, v11  }
0x1ab: {  	v11 =	vld [tilespmem:s15+$0x1400]  }
0x1ac: {  	v12 =	vld [tilespmem:s7+$0x1C60];
	_ =	sdelay $0x1  }
0x1ad: {  	v55 =	vld [tilespmem:s7+$0x2460];
	_ =	sdelay $0x1  }
0x1ae: {  	v56 =	vld [tilespmem:s7+$0x2C60]  }
0x1af: {  	v11 =	vadd.f32 v12, v11  }
0x1b0: {  	v57 =	vld [tilespmem:s7+$0x3460]  }
0x1b1: {  	v11 =	vadd.f32 v55, v11  }
0x1b2: {  	v58 =	vld [tilespmem:s7+$0x3C60]  }
0x1b3: {  	v11 =	vadd.f32 v56, v11  }
0x1b4: {  	v59 =	vld [tilespmem:s7+$0x4460]  }
0x1b5: {  	v11 =	vadd.f32 v57, v11  }
0x1b6: {  	v60 =	vld [tilespmem:s7+$0x4C60]  }
0x1b7: {  	v11 =	vadd.f32 v58, v11  }
0x1b8: {  	v61 =	vld [tilespmem:s7+$0x5460]  }
0x1b9: {  	v11 =	vadd.f32 v59, v11  }
0x1ba: {  	v62 =	vld [tilespmem:s7+$0x5C60]  }
0x1bb: {  	v11 =	vadd.f32 v60, v11  }
0x1bc: {  	v63 =	vld [tilespmem:s7+$0x6460]  }
0x1bd: {  	v11 =	vadd.f32 v61, v11  }
0x1be: {  	v16 =	vld [tilespmem:s7+$0x6C60]  }
0x1bf: {  	v11 =	vadd.f32 v62, v11  }
0x1c0: {  	v17 =	vld [tilespmem:s7+$0x7460]  }
0x1c1: {  	v11 =	vadd.f32 v63, v11  }
0x1c2: {  	v18 =	vld [tilespmem:s7+$0x7C60]  }
0x1c3: {  	v11 =	vadd.f32 v16, v11  }
0x1c4: {  	v19 =	vld [tilespmem:s7+$0x8460]  }
0x1c5: {  	v11 =	vadd.f32 v17, v11  }
0x1c6: {  	v20 =	vld [tilespmem:s7+$0x8C60]  }
0x1c7: {  	v11 =	vadd.f32 v18, v11  }
0x1c8: {  	v21 =	vld [tilespmem:s7+$0x9460]  }
0x1c9: {  	v11 =	vadd.f32 v19, v11  }
0x1ca: {  	v22 =	vld [tilespmem:s7+$0x9C60]  }
0x1cb: {  	v11 =	vadd.f32 v20, v11  }
0x1cc: {  	v23 =	vld [tilespmem:s7+$0xA460]  }
0x1cd: {  	v24 =	vmov s5;
	v11 =	vadd.f32 v21, v11  }
0x1ce: {  	v25 =	vld [tilespmem:s7+$0xAC60];
	v12 =	vshrl.u32 v24, $0x3  }
0x1cf: {  	v12 =	vshll.u32 v12, v2;
	v11 =	vadd.f32 v22, v11  }
0x1d0: {  	v12 =	vbroadcast v12, $0x0  }
0x1d1: {  	v11 =	vadd.f32 v23, v11  }
0x1d2: {  	v12 =	vadd.s32 v8, v12  }
0x1d3: {  	v26 =	vbroadcast v10, $0x6;
	v11 =	vadd.f32 v25, v11;
	_ =	sdelay $0x1  }
0x1d4: {  	s5 =	sor.u32 $0x7, s14;
	v11 =	vmul.f32 v11, v26  }
0x1d5: {  	s15 =	sshll.u32 s5, $0x4  }
0x1d6: {  	s15 =	sand.u32 $0x3FFFFF70, s15;
	[tilespmem:v12+s25+$0x0] =	vst.idx.msk $0xffff, v11  }
0x1d7: {  	v11 =	vld [tilespmem:s15+$0x1400]  }
0x1d8: {  	v12 =	vld [tilespmem:s7+$0x1C70];
	_ =	sdelay $0x1  }
0x1d9: {  	v27 =	vld [tilespmem:s7+$0x2470];
	_ =	sdelay $0x1  }
0x1da: {  	v28 =	vld [tilespmem:s7+$0x2C70]  }
0x1db: {  	v11 =	vadd.f32 v12, v11  }
0x1dc: {  	v29 =	vld [tilespmem:s7+$0x3470]  }
0x1dd: {  	v11 =	vadd.f32 v27, v11  }
0x1de: {  	v30 =	vld [tilespmem:s7+$0x3C70]  }
0x1df: {  	v11 =	vadd.f32 v28, v11  }
0x1e0: {  	v31 =	vld [tilespmem:s7+$0x4470]  }
0x1e1: {  	v11 =	vadd.f32 v29, v11  }
0x1e2: {  	v32 =	vld [tilespmem:s7+$0x4C70]  }
0x1e3: {  	v11 =	vadd.f32 v30, v11  }
0x1e4: {  	v33 =	vld [tilespmem:s7+$0x5470]  }
0x1e5: {  	v11 =	vadd.f32 v31, v11  }
0x1e6: {  	v34 =	vld [tilespmem:s7+$0x5C70]  }
0x1e7: {  	v11 =	vadd.f32 v32, v11  }
0x1e8: {  	v35 =	vld [tilespmem:s7+$0x6470]  }
0x1e9: {  	v11 =	vadd.f32 v33, v11  }
0x1ea: {  	v36 =	vld [tilespmem:s7+$0x6C70]  }
0x1eb: {  	v11 =	vadd.f32 v34, v11  }
0x1ec: {  	v37 =	vld [tilespmem:s7+$0x7470]  }
0x1ed: {  	v11 =	vadd.f32 v35, v11  }
0x1ee: {  	v38 =	vld [tilespmem:s7+$0x7C70]  }
0x1ef: {  	v11 =	vadd.f32 v36, v11  }
0x1f0: {  	v39 =	vld [tilespmem:s7+$0x8470]  }
0x1f1: {  	v11 =	vadd.f32 v37, v11  }
0x1f2: {  	v40 =	vld [tilespmem:s7+$0x8C70]  }
0x1f3: {  	v11 =	vadd.f32 v38, v11  }
0x1f4: {  	v41 =	vld [tilespmem:s7+$0x9470]  }
0x1f5: {  	v11 =	vadd.f32 v39, v11  }
0x1f6: {  	v42 =	vld [tilespmem:s7+$0x9C70]  }
0x1f7: {  	v11 =	vadd.f32 v40, v11  }
0x1f8: {  	v43 =	vld [tilespmem:s7+$0xA470]  }
0x1f9: {  	v44 =	vmov s5;
	v11 =	vadd.f32 v41, v11  }
0x1fa: {  	v45 =	vld [tilespmem:s7+$0xAC70];
	v12 =	vshrl.u32 v44, $0x3  }
0x1fb: {  	v12 =	vshll.u32 v12, v2;
	v11 =	vadd.f32 v42, v11  }
0x1fc: {  	v12 =	vbroadcast v12, $0x0  }
0x1fd: {  	v11 =	vadd.f32 v43, v11  }
0x1fe: {  	v12 =	vadd.s32 v9, v12  }
0x1ff: {  	v46 =	vbroadcast v10, $0x7;
	v11 =	vadd.f32 v45, v11;
	_ =	sdelay $0x1  }
0x200: {  	s5 =	sor.u32 $0x8, s14;
	v11 =	vmul.f32 v11, v46  }
0x201: {  	s15 =	sshll.u32 s5, $0x4  }
0x202: {  	s15 =	sand.u32 $0x3FFFFF80, s15;
	[tilespmem:v12+s25+$0x0] =	vst.idx.msk $0xffff, v11  }
0x203: {  	v11 =	vld [tilespmem:s15+$0x1400]  }
0x204: {  	v12 =	vld [tilespmem:s7+$0x1C80];
	_ =	sdelay $0x1  }
0x205: {  	v47 =	vld [tilespmem:s7+$0x2480];
	_ =	sdelay $0x1  }
0x206: {  	v48 =	vld [tilespmem:s7+$0x2C80]  }
0x207: {  	v11 =	vadd.f32 v12, v11  }
0x208: {  	v49 =	vld [tilespmem:s7+$0x3480]  }
0x209: {  	v11 =	vadd.f32 v47, v11  }
0x20a: {  	v50 =	vld [tilespmem:s7+$0x3C80]  }
0x20b: {  	v11 =	vadd.f32 v48, v11  }
0x20c: {  	v51 =	vld [tilespmem:s7+$0x4480]  }
0x20d: {  	v11 =	vadd.f32 v49, v11  }
0x20e: {  	v52 =	vld [tilespmem:s7+$0x4C80]  }
0x20f: {  	v11 =	vadd.f32 v50, v11  }
0x210: {  	v53 =	vld [tilespmem:s7+$0x5480]  }
0x211: {  	v11 =	vadd.f32 v51, v11  }
0x212: {  	v54 =	vld [tilespmem:s7+$0x5C80]  }
0x213: {  	v11 =	vadd.f32 v52, v11  }
0x214: {  	v55 =	vld [tilespmem:s7+$0x6480]  }
0x215: {  	v11 =	vadd.f32 v53, v11  }
0x216: {  	v56 =	vld [tilespmem:s7+$0x6C80]  }
0x217: {  	v11 =	vadd.f32 v54, v11  }
0x218: {  	v57 =	vld [tilespmem:s7+$0x7480]  }
0x219: {  	v11 =	vadd.f32 v55, v11  }
0x21a: {  	v58 =	vld [tilespmem:s7+$0x7C80]  }
0x21b: {  	v11 =	vadd.f32 v56, v11  }
0x21c: {  	v59 =	vld [tilespmem:s7+$0x8480]  }
0x21d: {  	v11 =	vadd.f32 v57, v11  }
0x21e: {  	v60 =	vld [tilespmem:s7+$0x8C80]  }
0x21f: {  	v11 =	vadd.f32 v58, v11  }
0x220: {  	v61 =	vld [tilespmem:s7+$0x9480]  }
0x221: {  	v11 =	vadd.f32 v59, v11  }
0x222: {  	v62 =	vld [tilespmem:s7+$0x9C80]  }
0x223: {  	v11 =	vadd.f32 v60, v11  }
0x224: {  	v63 =	vld [tilespmem:s7+$0xA480]  }
0x225: {  	v18 =	vmov s5;
	v11 =	vadd.f32 v61, v11  }
0x226: {  	v19 =	vld [tilespmem:s7+$0xAC80];
	v12 =	vshrl.u32 v18, $0x3  }
0x227: {  	v12 =	vshll.u32 v12, v2;
	v11 =	vadd.f32 v62, v11  }
0x228: {  	v12 =	vbroadcast v12, $0x0  }
0x229: {  	v11 =	vadd.f32 v63, v11  }
0x22a: {  	v12 =	vadd.s32 v0, v12  }
0x22b: {  	v20 =	vbroadcast v10, $0x8;
	v11 =	vadd.f32 v19, v11;
	_ =	sdelay $0x1  }
0x22c: {  	s5 =	sor.u32 $0x9, s14;
	v11 =	vmul.f32 v11, v20  }
0x22d: {  	s15 =	sshll.u32 s5, $0x4  }
0x22e: {  	s15 =	sand.u32 $0x3FFFFF90, s15;
	[tilespmem:v12+s25+$0x0] =	vst.idx.msk $0xffff, v11  }
0x22f: {  	v11 =	vld [tilespmem:s15+$0x1400]  }
0x230: {  	v12 =	vld [tilespmem:s7+$0x1C90];
	_ =	sdelay $0x1  }
0x231: {  	v21 =	vld [tilespmem:s7+$0x2490];
	_ =	sdelay $0x1  }
0x232: {  	v22 =	vld [tilespmem:s7+$0x2C90]  }
0x233: {  	v11 =	vadd.f32 v12, v11  }
0x234: {  	v23 =	vld [tilespmem:s7+$0x3490]  }
0x235: {  	v11 =	vadd.f32 v21, v11  }
0x236: {  	v24 =	vld [tilespmem:s7+$0x3C90]  }
0x237: {  	v11 =	vadd.f32 v22, v11  }
0x238: {  	v25 =	vld [tilespmem:s7+$0x4490]  }
0x239: {  	v11 =	vadd.f32 v23, v11  }
0x23a: {  	v26 =	vld [tilespmem:s7+$0x4C90]  }
0x23b: {  	v11 =	vadd.f32 v24, v11  }
0x23c: {  	v27 =	vld [tilespmem:s7+$0x5490]  }
0x23d: {  	v11 =	vadd.f32 v25, v11  }
0x23e: {  	v28 =	vld [tilespmem:s7+$0x5C90]  }
0x23f: {  	v11 =	vadd.f32 v26, v11  }
0x240: {  	v29 =	vld [tilespmem:s7+$0x6490]  }
0x241: {  	v11 =	vadd.f32 v27, v11  }
0x242: {  	v30 =	vld [tilespmem:s7+$0x6C90]  }
0x243: {  	v11 =	vadd.f32 v28, v11  }
0x244: {  	v31 =	vld [tilespmem:s7+$0x7490]  }
0x245: {  	v11 =	vadd.f32 v29, v11  }
0x246: {  	v32 =	vld [tilespmem:s7+$0x7C90]  }
0x247: {  	v11 =	vadd.f32 v30, v11  }
0x248: {  	v33 =	vld [tilespmem:s7+$0x8490]  }
0x249: {  	v11 =	vadd.f32 v31, v11  }
0x24a: {  	v34 =	vld [tilespmem:s7+$0x8C90]  }
0x24b: {  	v11 =	vadd.f32 v32, v11  }
0x24c: {  	v35 =	vld [tilespmem:s7+$0x9490]  }
0x24d: {  	v11 =	vadd.f32 v33, v11  }
0x24e: {  	v36 =	vld [tilespmem:s7+$0x9C90]  }
0x24f: {  	v11 =	vadd.f32 v34, v11  }
0x250: {  	v37 =	vld [tilespmem:s7+$0xA490]  }
0x251: {  	v38 =	vmov s5;
	v11 =	vadd.f32 v35, v11  }
0x252: {  	v39 =	vld [tilespmem:s7+$0xAC90];
	v12 =	vshrl.u32 v38, $0x3  }
0x253: {  	v12 =	vshll.u32 v12, v2;
	v11 =	vadd.f32 v36, v11  }
0x254: {  	v12 =	vbroadcast v12, $0x0  }
0x255: {  	v11 =	vadd.f32 v37, v11  }
0x256: {  	v12 =	vadd.s32 v3, v12  }
0x257: {  	v40 =	vbroadcast v10, $0x9;
	v11 =	vadd.f32 v39, v11;
	_ =	sdelay $0x1  }
0x258: {  	s5 =	sor.u32 $0xA, s14;
	v11 =	vmul.f32 v11, v40  }
0x259: {  	s15 =	sshll.u32 s5, $0x4  }
0x25a: {  	s15 =	sand.u32 $0x3FFFFFA0, s15;
	[tilespmem:v12+s25+$0x0] =	vst.idx.msk $0xffff, v11  }
0x25b: {  	v11 =	vld [tilespmem:s15+$0x1400]  }
0x25c: {  	v12 =	vld [tilespmem:s7+$0x1CA0];
	_ =	sdelay $0x1  }
0x25d: {  	v41 =	vld [tilespmem:s7+$0x24A0];
	_ =	sdelay $0x1  }
0x25e: {  	v42 =	vld [tilespmem:s7+$0x2CA0]  }
0x25f: {  	v11 =	vadd.f32 v12, v11  }
0x260: {  	v43 =	vld [tilespmem:s7+$0x34A0]  }
0x261: {  	v11 =	vadd.f32 v41, v11  }
0x262: {  	v44 =	vld [tilespmem:s7+$0x3CA0]  }
0x263: {  	v11 =	vadd.f32 v42, v11  }
0x264: {  	v45 =	vld [tilespmem:s7+$0x44A0]  }
0x265: {  	v11 =	vadd.f32 v43, v11  }
0x266: {  	v46 =	vld [tilespmem:s7+$0x4CA0]  }
0x267: {  	v11 =	vadd.f32 v44, v11  }
0x268: {  	v47 =	vld [tilespmem:s7+$0x54A0]  }
0x269: {  	v11 =	vadd.f32 v45, v11  }
0x26a: {  	v48 =	vld [tilespmem:s7+$0x5CA0]  }
0x26b: {  	v11 =	vadd.f32 v46, v11  }
0x26c: {  	v49 =	vld [tilespmem:s7+$0x64A0]  }
0x26d: {  	v11 =	vadd.f32 v47, v11  }
0x26e: {  	v50 =	vld [tilespmem:s7+$0x6CA0]  }
0x26f: {  	v11 =	vadd.f32 v48, v11  }
0x270: {  	v51 =	vld [tilespmem:s7+$0x74A0]  }
0x271: {  	v11 =	vadd.f32 v49, v11  }
0x272: {  	v52 =	vld [tilespmem:s7+$0x7CA0]  }
0x273: {  	v11 =	vadd.f32 v50, v11  }
0x274: {  	v53 =	vld [tilespmem:s7+$0x84A0]  }
0x275: {  	v11 =	vadd.f32 v51, v11  }
0x276: {  	v54 =	vld [tilespmem:s7+$0x8CA0]  }
0x277: {  	v11 =	vadd.f32 v52, v11  }
0x278: {  	v55 =	vld [tilespmem:s7+$0x94A0]  }
0x279: {  	v11 =	vadd.f32 v53, v11  }
0x27a: {  	v56 =	vld [tilespmem:s7+$0x9CA0]  }
0x27b: {  	v11 =	vadd.f32 v54, v11  }
0x27c: {  	v57 =	vld [tilespmem:s7+$0xA4A0]  }
0x27d: {  	v58 =	vmov s5;
	v11 =	vadd.f32 v55, v11  }
0x27e: {  	v59 =	vld [tilespmem:s7+$0xACA0];
	v12 =	vshrl.u32 v58, $0x3  }
0x27f: {  	v12 =	vshll.u32 v12, v2;
	v11 =	vadd.f32 v56, v11  }
0x280: {  	v12 =	vbroadcast v12, $0x0  }
0x281: {  	v11 =	vadd.f32 v57, v11  }
0x282: {  	v12 =	vadd.s32 v4, v12  }
0x283: {  	v60 =	vbroadcast v10, $0xA;
	v11 =	vadd.f32 v59, v11;
	_ =	sdelay $0x1  }
0x284: {  	s5 =	sor.u32 $0xB, s14;
	v11 =	vmul.f32 v11, v60  }
0x285: {  	s15 =	sshll.u32 s5, $0x4  }
0x286: {  	s15 =	sand.u32 $0x3FFFFFB0, s15;
	[tilespmem:v12+s25+$0x0] =	vst.idx.msk $0xffff, v11  }
0x287: {  	v11 =	vld [tilespmem:s15+$0x1400]  }
0x288: {  	v12 =	vld [tilespmem:s7+$0x1CB0];
	_ =	sdelay $0x1  }
0x289: {  	v61 =	vld [tilespmem:s7+$0x24B0];
	_ =	sdelay $0x1  }
0x28a: {  	v62 =	vld [tilespmem:s7+$0x2CB0]  }
0x28b: {  	v11 =	vadd.f32 v12, v11  }
0x28c: {  	v63 =	vld [tilespmem:s7+$0x34B0]  }
0x28d: {  	v11 =	vadd.f32 v61, v11  }
0x28e: {  	v16 =	vld [tilespmem:s7+$0x3CB0]  }
0x28f: {  	v11 =	vadd.f32 v62, v11  }
0x290: {  	v17 =	vld [tilespmem:s7+$0x44B0]  }
0x291: {  	v11 =	vadd.f32 v63, v11  }
0x292: {  	v18 =	vld [tilespmem:s7+$0x4CB0]  }
0x293: {  	v11 =	vadd.f32 v16, v11  }
0x294: {  	v19 =	vld [tilespmem:s7+$0x54B0]  }
0x295: {  	v11 =	vadd.f32 v17, v11  }
0x296: {  	v20 =	vld [tilespmem:s7+$0x5CB0]  }
0x297: {  	v11 =	vadd.f32 v18, v11  }
0x298: {  	v21 =	vld [tilespmem:s7+$0x64B0]  }
0x299: {  	v11 =	vadd.f32 v19, v11  }
0x29a: {  	v22 =	vld [tilespmem:s7+$0x6CB0]  }
0x29b: {  	v11 =	vadd.f32 v20, v11  }
0x29c: {  	v23 =	vld [tilespmem:s7+$0x74B0]  }
0x29d: {  	v11 =	vadd.f32 v21, v11  }
0x29e: {  	v24 =	vld [tilespmem:s7+$0x7CB0]  }
0x29f: {  	v11 =	vadd.f32 v22, v11  }
0x2a0: {  	v25 =	vld [tilespmem:s7+$0x84B0]  }
0x2a1: {  	v11 =	vadd.f32 v23, v11  }
0x2a2: {  	v26 =	vld [tilespmem:s7+$0x8CB0]  }
0x2a3: {  	v11 =	vadd.f32 v24, v11  }
0x2a4: {  	v27 =	vld [tilespmem:s7+$0x94B0]  }
0x2a5: {  	v11 =	vadd.f32 v25, v11  }
0x2a6: {  	v28 =	vld [tilespmem:s7+$0x9CB0]  }
0x2a7: {  	v11 =	vadd.f32 v26, v11  }
0x2a8: {  	v29 =	vld [tilespmem:s7+$0xA4B0]  }
0x2a9: {  	v30 =	vmov s5;
	v11 =	vadd.f32 v27, v11  }
0x2aa: {  	v31 =	vld [tilespmem:s7+$0xACB0];
	v12 =	vshrl.u32 v30, $0x3  }
0x2ab: {  	v12 =	vshll.u32 v12, v2;
	v11 =	vadd.f32 v28, v11  }
0x2ac: {  	v12 =	vbroadcast v12, $0x0  }
0x2ad: {  	v11 =	vadd.f32 v29, v11  }
0x2ae: {  	v12 =	vadd.s32 v5, v12  }
0x2af: {  	v32 =	vbroadcast v10, $0xB;
	v11 =	vadd.f32 v31, v11;
	_ =	sdelay $0x1  }
0x2b0: {  	s5 =	sor.u32 $0xC, s14;
	v11 =	vmul.f32 v11, v32  }
0x2b1: {  	s15 =	sshll.u32 s5, $0x4  }
0x2b2: {  	s15 =	sand.u32 $0x3FFFFFC0, s15;
	[tilespmem:v12+s25+$0x0] =	vst.idx.msk $0xffff, v11  }
0x2b3: {  	v11 =	vld [tilespmem:s15+$0x1400]  }
0x2b4: {  	v12 =	vld [tilespmem:s7+$0x1CC0];
	_ =	sdelay $0x1  }
0x2b5: {  	v33 =	vld [tilespmem:s7+$0x24C0];
	_ =	sdelay $0x1  }
0x2b6: {  	v34 =	vld [tilespmem:s7+$0x2CC0]  }
0x2b7: {  	v11 =	vadd.f32 v12, v11  }
0x2b8: {  	v35 =	vld [tilespmem:s7+$0x34C0]  }
0x2b9: {  	v11 =	vadd.f32 v33, v11  }
0x2ba: {  	v36 =	vld [tilespmem:s7+$0x3CC0]  }
0x2bb: {  	v11 =	vadd.f32 v34, v11  }
0x2bc: {  	v37 =	vld [tilespmem:s7+$0x44C0]  }
0x2bd: {  	v11 =	vadd.f32 v35, v11  }
0x2be: {  	v38 =	vld [tilespmem:s7+$0x4CC0]  }
0x2bf: {  	v11 =	vadd.f32 v36, v11  }
0x2c0: {  	v39 =	vld [tilespmem:s7+$0x54C0]  }
0x2c1: {  	v11 =	vadd.f32 v37, v11  }
0x2c2: {  	v40 =	vld [tilespmem:s7+$0x5CC0]  }
0x2c3: {  	v11 =	vadd.f32 v38, v11  }
0x2c4: {  	v41 =	vld [tilespmem:s7+$0x64C0]  }
0x2c5: {  	v11 =	vadd.f32 v39, v11  }
0x2c6: {  	v42 =	vld [tilespmem:s7+$0x6CC0]  }
0x2c7: {  	v11 =	vadd.f32 v40, v11  }
0x2c8: {  	v43 =	vld [tilespmem:s7+$0x74C0]  }
0x2c9: {  	v11 =	vadd.f32 v41, v11  }
0x2ca: {  	v44 =	vld [tilespmem:s7+$0x7CC0]  }
0x2cb: {  	v11 =	vadd.f32 v42, v11  }
0x2cc: {  	v45 =	vld [tilespmem:s7+$0x84C0]  }
0x2cd: {  	v11 =	vadd.f32 v43, v11  }
0x2ce: {  	v46 =	vld [tilespmem:s7+$0x8CC0]  }
0x2cf: {  	v11 =	vadd.f32 v44, v11  }
0x2d0: {  	v47 =	vld [tilespmem:s7+$0x94C0]  }
0x2d1: {  	v11 =	vadd.f32 v45, v11  }
0x2d2: {  	v48 =	vld [tilespmem:s7+$0x9CC0]  }
0x2d3: {  	v11 =	vadd.f32 v46, v11  }
0x2d4: {  	v49 =	vld [tilespmem:s7+$0xA4C0]  }
0x2d5: {  	v50 =	vmov s5;
	v11 =	vadd.f32 v47, v11  }
0x2d6: {  	v51 =	vld [tilespmem:s7+$0xACC0];
	v12 =	vshrl.u32 v50, $0x3  }
0x2d7: {  	v12 =	vshll.u32 v12, v2;
	v11 =	vadd.f32 v48, v11  }
0x2d8: {  	v12 =	vbroadcast v12, $0x0  }
0x2d9: {  	v11 =	vadd.f32 v49, v11  }
0x2da: {  	v12 =	vadd.s32 v6, v12  }
0x2db: {  	v52 =	vbroadcast v10, $0xC;
	v11 =	vadd.f32 v51, v11;
	_ =	sdelay $0x1  }
0x2dc: {  	s5 =	sor.u32 $0xD, s14;
	v11 =	vmul.f32 v11, v52  }
0x2dd: {  	s15 =	sshll.u32 s5, $0x4  }
0x2de: {  	s15 =	sand.u32 $0x3FFFFFD0, s15;
	[tilespmem:v12+s25+$0x0] =	vst.idx.msk $0xffff, v11  }
0x2df: {  	v11 =	vld [tilespmem:s15+$0x1400]  }
0x2e0: {  	v12 =	vld [tilespmem:s7+$0x1CD0];
	_ =	sdelay $0x1  }
0x2e1: {  	v53 =	vld [tilespmem:s7+$0x24D0];
	_ =	sdelay $0x1  }
0x2e2: {  	v54 =	vld [tilespmem:s7+$0x2CD0]  }
0x2e3: {  	v11 =	vadd.f32 v12, v11  }
0x2e4: {  	v55 =	vld [tilespmem:s7+$0x34D0]  }
0x2e5: {  	v11 =	vadd.f32 v53, v11  }
0x2e6: {  	v56 =	vld [tilespmem:s7+$0x3CD0]  }
0x2e7: {  	v11 =	vadd.f32 v54, v11  }
0x2e8: {  	v57 =	vld [tilespmem:s7+$0x44D0]  }
0x2e9: {  	v11 =	vadd.f32 v55, v11  }
0x2ea: {  	v58 =	vld [tilespmem:s7+$0x4CD0]  }
0x2eb: {  	v11 =	vadd.f32 v56, v11  }
0x2ec: {  	v59 =	vld [tilespmem:s7+$0x54D0]  }
0x2ed: {  	v11 =	vadd.f32 v57, v11  }
0x2ee: {  	v60 =	vld [tilespmem:s7+$0x5CD0]  }
0x2ef: {  	v11 =	vadd.f32 v58, v11  }
0x2f0: {  	v61 =	vld [tilespmem:s7+$0x64D0]  }
0x2f1: {  	v11 =	vadd.f32 v59, v11  }
0x2f2: {  	v62 =	vld [tilespmem:s7+$0x6CD0]  }
0x2f3: {  	v11 =	vadd.f32 v60, v11  }
0x2f4: {  	v63 =	vld [tilespmem:s7+$0x74D0]  }
0x2f5: {  	v11 =	vadd.f32 v61, v11  }
0x2f6: {  	v16 =	vld [tilespmem:s7+$0x7CD0]  }
0x2f7: {  	v11 =	vadd.f32 v62, v11  }
0x2f8: {  	v17 =	vld [tilespmem:s7+$0x84D0]  }
0x2f9: {  	v11 =	vadd.f32 v63, v11  }
0x2fa: {  	v18 =	vld [tilespmem:s7+$0x8CD0]  }
0x2fb: {  	v11 =	vadd.f32 v16, v11  }
0x2fc: {  	v19 =	vld [tilespmem:s7+$0x94D0]  }
0x2fd: {  	v11 =	vadd.f32 v17, v11  }
0x2fe: {  	v20 =	vld [tilespmem:s7+$0x9CD0]  }
0x2ff: {  	v11 =	vadd.f32 v18, v11  }
0x300: {  	v21 =	vld [tilespmem:s7+$0xA4D0]  }
0x301: {  	v22 =	vmov s5;
	v11 =	vadd.f32 v19, v11  }
0x302: {  	v23 =	vld [tilespmem:s7+$0xACD0];
	v12 =	vshrl.u32 v22, $0x3  }
0x303: {  	v12 =	vshll.u32 v12, v2;
	v11 =	vadd.f32 v20, v11  }
0x304: {  	v12 =	vbroadcast v12, $0x0  }
0x305: {  	v11 =	vadd.f32 v21, v11  }
0x306: {  	v12 =	vadd.s32 v7, v12  }
0x307: {  	v24 =	vbroadcast v10, $0xD;
	v11 =	vadd.f32 v23, v11;
	_ =	sdelay $0x1  }
0x308: {  	s15 =	sor.u32 $0xE, s14;
	v11 =	vmul.f32 v11, v24  }
0x309: {  	s14 =	sshll.u32 s15, $0x4  }
0x30a: {  	s14 =	sand.u32 $0x3FFFFFE0, s14;
	[tilespmem:v12+s25+$0x0] =	vst.idx.msk $0xffff, v11  }
0x30b: {  	v11 =	vld [tilespmem:s14+$0x1400]  }
0x30c: {  	v12 =	vld [tilespmem:s7+$0x1CE0];
	_ =	sdelay $0x1  }
0x30d: {  	v25 =	vld [tilespmem:s7+$0x24E0];
	_ =	sdelay $0x1  }
0x30e: {  	v26 =	vld [tilespmem:s7+$0x2CE0]  }
0x30f: {  	v11 =	vadd.f32 v12, v11  }
0x310: {  	v27 =	vld [tilespmem:s7+$0x34E0]  }
0x311: {  	v11 =	vadd.f32 v25, v11  }
0x312: {  	v28 =	vld [tilespmem:s7+$0x3CE0]  }
0x313: {  	v11 =	vadd.f32 v26, v11  }
0x314: {  	v29 =	vld [tilespmem:s7+$0x44E0]  }
0x315: {  	v11 =	vadd.f32 v27, v11  }
0x316: {  	v30 =	vld [tilespmem:s7+$0x4CE0]  }
0x317: {  	v11 =	vadd.f32 v28, v11  }
0x318: {  	v31 =	vld [tilespmem:s7+$0x54E0]  }
0x319: {  	v11 =	vadd.f32 v29, v11  }
0x31a: {  	v32 =	vld [tilespmem:s7+$0x5CE0]  }
0x31b: {  	v11 =	vadd.f32 v30, v11  }
0x31c: {  	v33 =	vld [tilespmem:s7+$0x64E0]  }
0x31d: {  	v11 =	vadd.f32 v31, v11  }
0x31e: {  	v34 =	vld [tilespmem:s7+$0x6CE0]  }
0x31f: {  	v11 =	vadd.f32 v32, v11  }
0x320: {  	v35 =	vld [tilespmem:s7+$0x74E0]  }
0x321: {  	v11 =	vadd.f32 v33, v11  }
0x322: {  	v36 =	vld [tilespmem:s7+$0x7CE0]  }
0x323: {  	v11 =	vadd.f32 v34, v11  }
0x324: {  	v37 =	vld [tilespmem:s7+$0x84E0]  }
0x325: {  	v11 =	vadd.f32 v35, v11  }
0x326: {  	v38 =	vld [tilespmem:s7+$0x8CE0]  }
0x327: {  	v11 =	vadd.f32 v36, v11  }
0x328: {  	v39 =	vld [tilespmem:s7+$0x94E0]  }
0x329: {  	v11 =	vadd.f32 v37, v11  }
0x32a: {  	v40 =	vld [tilespmem:s7+$0x9CE0]  }
0x32b: {  	v11 =	vadd.f32 v38, v11  }
0x32c: {  	v41 =	vld [tilespmem:s7+$0xA4E0]  }
0x32d: {  	v42 =	vmov s15;
	v11 =	vadd.f32 v39, v11  }
0x32e: {  	v43 =	vld [tilespmem:s7+$0xACE0];
	v12 =	vshrl.u32 v42, $0x3  }
0x32f: {  	v12 =	vshll.u32 v12, v2;
	v11 =	vadd.f32 v40, v11  }
0x330: {  	v12 =	vbroadcast v12, $0x0  }
0x331: {  	v11 =	vadd.f32 v41, v11  }
0x332: {  	v12 =	vadd.s32 v8, v12  }
0x333: {  	v44 =	vbroadcast v10, $0xE;
	v11 =	vadd.f32 v43, v11;
	_ =	sdelay $0x1  }
0x334: {  	s5 =	sshllo.u32 s18, $0x4;
	v11 =	vmul.f32 v11, v44  }
0x335: {  	s15 =	sshll.u32 s5, $0x4  }
0x336: {  	s14 =	sand.u32 $0x3FFFFFF0, s15;
	[tilespmem:v12+s25+$0x0] =	vst.idx.msk $0xffff, v11  }
0x337: {  	v11 =	vld [tilespmem:s14+$0x1400]  }
0x338: {  	v12 =	vld [tilespmem:s7+$0x1CF0];
	_ =	sdelay $0x1  }
0x339: {  	v45 =	vld [tilespmem:s7+$0x24F0];
	_ =	sdelay $0x1  }
0x33a: {  	v46 =	vld [tilespmem:s7+$0x2CF0]  }
0x33b: {  	v11 =	vadd.f32 v12, v11  }
0x33c: {  	v47 =	vld [tilespmem:s7+$0x34F0]  }
0x33d: {  	v11 =	vadd.f32 v45, v11  }
0x33e: {  	v48 =	vld [tilespmem:s7+$0x3CF0]  }
0x33f: {  	v11 =	vadd.f32 v46, v11  }
0x340: {  	v49 =	vld [tilespmem:s7+$0x44F0]  }
0x341: {  	v11 =	vadd.f32 v47, v11  }
0x342: {  	v50 =	vld [tilespmem:s7+$0x4CF0]  }
0x343: {  	v11 =	vadd.f32 v48, v11  }
0x344: {  	v51 =	vld [tilespmem:s7+$0x54F0]  }
0x345: {  	v11 =	vadd.f32 v49, v11  }
0x346: {  	v52 =	vld [tilespmem:s7+$0x5CF0]  }
0x347: {  	v11 =	vadd.f32 v50, v11  }
0x348: {  	v53 =	vld [tilespmem:s7+$0x64F0]  }
0x349: {  	v11 =	vadd.f32 v51, v11  }
0x34a: {  	v54 =	vld [tilespmem:s7+$0x6CF0]  }
0x34b: {  	v11 =	vadd.f32 v52, v11  }
0x34c: {  	v55 =	vld [tilespmem:s7+$0x74F0]  }
0x34d: {  	v11 =	vadd.f32 v53, v11  }
0x34e: {  	v56 =	vld [tilespmem:s7+$0x7CF0]  }
0x34f: {  	v11 =	vadd.f32 v54, v11  }
0x350: {  	v57 =	vld [tilespmem:s7+$0x84F0]  }
0x351: {  	v11 =	vadd.f32 v55, v11  }
0x352: {  	v58 =	vld [tilespmem:s7+$0x8CF0]  }
0x353: {  	v11 =	vadd.f32 v56, v11  }
0x354: {  	v59 =	vld [tilespmem:s7+$0x94F0]  }
0x355: {  	v11 =	vadd.f32 v57, v11  }
0x356: {  	v60 =	vld [tilespmem:s7+$0x9CF0]  }
0x357: {  	v11 =	vadd.f32 v58, v11  }
0x358: {  	v61 =	vld [tilespmem:s7+$0xA4F0]  }
0x359: {  	v62 =	vmov s5;
	v11 =	vadd.f32 v59, v11  }
0x35a: {  	v63 =	vld [tilespmem:s7+$0xACF0];
	v12 =	vshrl.u32 v62, $0x3  }
0x35b: {  	v12 =	vshll.u32 v12, v2;
	v11 =	vadd.f32 v60, v11  }
0x35c: {  	v12 =	vbroadcast v12, $0x0  }
0x35d: {  	v11 =	vadd.f32 v61, v11  }
0x35e: {  	p2 =	sne.s32 s18, $0x7;
	v12 =	vadd.s32 v9, v12  }
.Ltmp3:
0x35f: {  	v10 =	vbroadcast v10, $0xF;
	v11 =	vadd.f32 v63, v11;
	(pc) =	sbr.rel @p2 .LBB2_8-.Ltmp3, $3  }
0x360: {  	_ = 	snop  }
0x361: {  	v10 =	vmul.f32 v11, v10;
	_ =	sdelay $0x1  }
0x362: {  	s18 =	sadd.s32 $0x1, s18;
	[tilespmem:v12+s25+$0x0] =	vst.idx.msk $0xffff, v10  }
0x363: {  	s5 =	sshll.u32 s0, $0xE  }
0x364: {  	s18 =	sor.u32 s9, s5  }
0x365: {  	s5 =	sadd.s32 s2, s18  }
0x366: {  	[hbm4b:s5+s3] =	stream.linear.scatter [tilespmem:s25], [sflag:$0x5], $0x400, $0x38;
	[tilespmem:$0x16500] =	vst v63  }
0x367: {  	s15 =	sadd.s32 s18, s10;
	s5 =	simm.s32 @p0 $0x2  }
0x368: {  	[hbm4b:s15+s3] =	stream.linear.scatter [tilespmem:s26], [sflag:$0x5], $0x400, $0x38;
	[tilespmem:$0x16500] =	vst v63  }
0x369: {  	_ =	swait.ge @p0 [sflag:s5], $0xA000  }
0x36a: {  	[sflag:s5] =	ssyncset.done @p0 $0x0  }
0x36b: {  	[sflag:s5] =	ssyncadd.s32 @p0 $0xFFFF6000;
	s5 =	simm.s32 @!p0 $0x3  }
0x36c: {  	_ =	swait.ge @!p0 [sflag:s5], $0xA00  }
0x36d: {  	[sflag:s5] =	ssyncset.done @!p0 $0x0  }
0x36e: {  	[sflag:s5] =	ssyncadd.s32 @!p0 $0xFFFFF600;
	s5 =	simm.s32 @!p0 $0x2  }
0x36f: {  	_ =	swait.ge @!p0 [sflag:s5], $0xA000  }
0x370: {  	s7 =	simm.s32 @!p0 $0x0;
	[sflag:s5] =	ssyncset.done @!p0 $0x0  }
0x371: {  	s14 =	simm.s32 @!p0 $0x1400;
	[sflag:s5] =	ssyncadd.s32 @!p0 $0xFFFF6000;
	s5 =	simm.s32 @!p0 $0x500  }
0x372: {  	[tilespmem:s14], [sflag:$0x1] =	stream.indirect.gather @!p0 [hbm4b:s6+s5], $0x10, s7, s5, $0xb8;
	[tilespmem:$0x16500] =	vst v63  }
0x373: {  	s7 =	simm.s32 @!p0 $0x6400;
	s14 =	simm.s32 $0x0  }
0x374: {  	[tilespmem:s7], [sflag:$0x1] =	stream.indirect.gather @!p0 [hbm4b:s6+s5], $0x10, s5, s5, $0xb8;
	[tilespmem:$0x16500] =	vst v63  }
0x375: {  	v10 =	vld [tilespmem:s14+$0xA00]  }
0x376: {  	v11 =	vld [tilespmem:s14+$0xA80];
	_ =	sdelay $0x1  }
0x377: {  	v12 =	vld [tilespmem:s14+$0xB00];
	_ =	sdelay $0x1  }
0x378: {  	v13 =	vld [tilespmem:s14+$0xB80]  }
0x379: {  	vm0 =	vgt.s32 v10, $0x0;
	vm1 =	vgt.s32 v11, $0x0  }
0x37a: {  	v14 =	vld [tilespmem:s14+$0xC00];
	v10 =	vsel vm0, $0x3F800000, v1;
	v11 =	vsel vm1, $0x3F800000, v1  }
0x37b: {  	vm0 =	vgt.s32 v12, $0x0;
	v10 =	vadd.f32 v11, v10  }
0x37c: {  	v12 =	vld [tilespmem:s14+$0xC80];
	v11 =	vsel vm0, $0x3F800000, v1  }
0x37d: {  	vm0 =	vgt.s32 v13, $0x0;
	v10 =	vadd.f32 v11, v10  }
0x37e: {  	v13 =	vld [tilespmem:s14+$0xD00];
	v11 =	vsel vm0, $0x3F800000, v1  }
0x37f: {  	vm0 =	vgt.s32 v14, $0x0;
	v10 =	vadd.f32 v11, v10  }
0x380: {  	v14 =	vld [tilespmem:s14+$0xD80];
	v11 =	vsel vm0, $0x3F800000, v1  }
0x381: {  	vm0 =	vgt.s32 v12, $0x0;
	v10 =	vadd.f32 v11, v10  }
0x382: {  	v12 =	vld [tilespmem:s14+$0xE00];
	v11 =	vsel vm0, $0x3F800000, v1  }
0x383: {  	vm0 =	vgt.s32 v13, $0x0;
	v10 =	vadd.f32 v11, v10  }
0x384: {  	v13 =	vld [tilespmem:s14+$0xE80];
	v11 =	vsel vm0, $0x3F800000, v1  }
0x385: {  	s7 =	simm.s32 $0x10;
	v15 =	vld [tilespmem:s14+$0xF00];
	vm0 =	vgt.s32 v14, $0x0;
	v10 =	vadd.f32 v11, v10  }
0x386: {  	v17 =	vld [tilespmem:s7+$0xA80];
	v14 =	vsel vm0, $0x3F800000, v1  }
0x387: {  	vm0 =	vgt.s32 v12, $0x0;
	v12 =	vld [tilespmem:s14+$0xF80];
	v10 =	vadd.f32 v14, v10  }
0x388: {  	v11 =	vld [tilespmem:s14+$0x1000];
	v16 =	vsel vm0, $0x3F800000, v1  }
0x389: {  	vm0 =	vgt.s32 v13, $0x0;
	v14 =	vld [tilespmem:s7+$0xA00];
	v10 =	vadd.f32 v16, v10  }
0x38a: {  	v13 =	vsel vm0, $0x3F800000, v1  }
0x38b: {  	vm0 =	vgt.s32 v15, $0x0;
	v16 =	vld [tilespmem:s7+$0xB00];
	v10 =	vadd.f32 v13, v10  }
0x38c: {  	v15 =	vld [tilespmem:s14+$0x1080];
	v13 =	vsel vm0, $0x3F800000, v1  }
0x38d: {  	vm1 =	vgt.s32 v12, $0x0;
	vm0 =	vgt.s32 v11, $0x0;
	v11 =	vld [tilespmem:s7+$0xB80];
	v10 =	vadd.f32 v13, v10  }
0x38e: {  	vm3 =	vgt.s32 v17, $0x0;
	v12 =	vsel vm1, $0x3F800000, v1;
	vm2 =	vgt.s32 v14, $0x0;
	v13 =	vld [tilespmem:s14+$0x1100]  }
0x38f: {  	v18 =	vld [tilespmem:s7+$0xC00];
	v17 =	vsel vm3, $0x3F800000, v1;
	v14 =	vsel vm2, $0x3F800000, v1;
	v10 =	vadd.f32 v12, v10  }
0x390: {  	vm1 =	vgt.s32 v16, $0x0;
	v16 =	vld [tilespmem:s14+$0x1180];
	v12 =	vadd.f32 v17, v14;
	v14 =	vsel vm0, $0x3F800000, v1  }
0x391: {  	v19 =	vld [tilespmem:s7+$0xC80];
	v17 =	vsel vm1, $0x3F800000, v1;
	vm0 =	vgt.s32 v15, $0x0;
	v10 =	vadd.f32 v14, v10  }
0x392: {  	vm1 =	vgt.s32 v11, $0x0;
	v11 =	vsel vm0, $0x3F800000, v1;
	v12 =	vadd.f32 v17, v12;
	v14 =	vld [tilespmem:s14+$0x1200]  }
0x393: {  	v15 =	vsel vm1, $0x3F800000, v1;
	v17 =	vld [tilespmem:s7+$0xD00];
	vm0 =	vgt.s32 v13, $0x0;
	v10 =	vadd.f32 v11, v10  }
0x394: {  	vm1 =	vgt.s32 v18, $0x0;
	v13 =	vld [tilespmem:s14+$0x1280];
	v11 =	vadd.f32 v15, v12;
	v12 =	vsel vm0, $0x3F800000, v1  }
0x395: {  	v18 =	vld [tilespmem:s7+$0xD80];
	v15 =	vsel vm1, $0x3F800000, v1;
	vm0 =	vgt.s32 v16, $0x0;
	v10 =	vadd.f32 v12, v10  }
0x396: {  	vm1 =	vgt.s32 v19, $0x0;
	v11 =	vadd.f32 v15, v11;
	v12 =	vsel vm0, $0x3F800000, v1;
	v15 =	vld [tilespmem:s14+$0x1300]  }
0x397: {  	v19 =	vld [tilespmem:s7+$0xE00];
	v16 =	vsel vm1, $0x3F800000, v1;
	vm0 =	vgt.s32 v14, $0x0;
	v10 =	vadd.f32 v12, v10  }
0x398: {  	v20 =	vld [tilespmem:s14+$0x1380];
	vm1 =	vgt.s32 v17, $0x0;
	v11 =	vadd.f32 v16, v11;
	v14 =	vsel vm0, $0x3F800000, v1  }
0x399: {  	v16 =	vsel vm1, $0x3F800000, v1;
	v12 =	vld [tilespmem:s7+$0xE80];
	vm0 =	vgt.s32 v13, $0x0;
	v14 =	vadd.f32 v14, v10  }
0x39a: {  	vm1 =	vgt.s32 v18, $0x0;
	v13 =	vld [tilespmem:s7+$0xF00];
	v11 =	vadd.f32 v16, v11;
	v16 =	vsel vm0, $0x3F800000, v1  }
0x39b: {  	v17 =	vsel vm1, $0x3F800000, v1;
	v10 =	vld [tilespmem:s7+$0x1000];
	vm0 =	vgt.s32 v15, $0x0;
	v18 =	vadd.f32 v16, v14  }
0x39c: {  	s5 =	simm.s32 $0x20;
	vm1 =	vgt.s32 v19, $0x0;
	v14 =	vadd.f32 v17, v11;
	v11 =	vld [tilespmem:s7+$0xF80];
	v17 =	vsel vm0, $0x3F800000, v1  }
0x39d: {  	s15 =	simm.s32 $0xC0;
	v15 =	vsel vm1, $0x3F800000, v1;
	v16 =	vld [tilespmem:s5+$0xA00];
	vm0 =	vgt.s32 v20, $0x0;
	v17 =	vadd.f32 v17, v18  }
.LBB2_10:
0x39e: {  	p2 =	sne.s32 s15, $0x1C0;
	v18 =	vld [tilespmem:s5+$0xA80];
	v14 =	vadd.f32 v15, v14;
	vm1 =	vgt.s32 v12, $0x0;
	v12 =	vsel vm0, $0x3F800000, v1  }
0x39f: {  	v15 =	vsel vm1, $0x3F800000, v1;
	v12 =	vadd.f32 v12, v17  }
0x3a0: {  	v17 =	vld [tilespmem:s5+$0xB00];
	v14 =	vadd.f32 v15, v14;
	vm0 =	vgt.s32 v13, $0x0  }
0x3a1: {  	v13 =	vsel vm0, $0x3F800000, v1;
	vm0 =	vgt.s32 v10, $0x0;
	v10 =	vld [tilespmem:s7+$0x1080];
	v12 =	vadd.f32 $9.999999970e-07, v12  }
0x3a2: {  	vm2 =	vgt.s32 v11, $0x0;
	vm1 =	vgt.s32 v16, $0x0;
	v15 =	vld [tilespmem:s5+$0xB80];
	v13 =	vadd.f32 v13, v14  }
0x3a3: {  	v11 =	vsel vm2, $0x3F800000, v1;
	vm3 =	vgt.s32 v18, $0x0;
	v14 =	vld [tilespmem:s7+$0x1100];
	(erf) = vrcp.f32 v12  }
0x3a4: {  	v12 =	vsel vm1, $0x3F800000, v1;
	v16 =	vsel vm3, $0x3F800000, v1;
	v18 =	vld [tilespmem:s5+$0xC00];
	v11 =	vadd.f32 v11, v13  }
0x3a5: {  	v13 =	vsel vm0, $0x3F800000, v1;
	v12 =	vadd.f32 v16, v12;
	vm1 =	vgt.s32 v17, $0x0;
	v16 =	vld [tilespmem:s7+$0x1180]  }
0x3a6: {  	v17 =	vsel vm1, $0x3F800000, v1;
	v19 =	vld [tilespmem:s5+$0xC80];
	v11 =	vadd.f32 v13, v11;
	vm0 =	vgt.s32 v10, $0x0  }
0x3a7: {  	v10 =	vadd.f32 v17, v12;
	vm1 =	vgt.s32 v15, $0x0;
	v12 =	vsel vm0, $0x3F800000, v1;
	v13 =	vld [tilespmem:s7+$0x1200]  }
0x3a8: {  	v15 =	vsel vm1, $0x3F800000, v1;
	v17 =	vld [tilespmem:s5+$0xD00];
	v11 =	vadd.f32 v12, v11;
	vm0 =	vgt.s32 v14, $0x0  }
0x3a9: {  	v10 =	vadd.f32 v15, v10;
	vm1 =	vgt.s32 v18, $0x0;
	v12 =	vsel vm0, $0x3F800000, v1;
	v14 =	vld [tilespmem:s7+$0x1280]  }
0x3aa: {  	v15 =	vsel vm1, $0x3F800000, v1;
	v18 =	vld [tilespmem:s5+$0xD80];
	v11 =	vadd.f32 v12, v11;
	vm0 =	vgt.s32 v16, $0x0  }
0x3ab: {  	v10 =	vadd.f32 v15, v10;
	vm1 =	vgt.s32 v19, $0x0;
	v20 =	vsel vm0, $0x3F800000, v1;
	v15 =	vld [tilespmem:s7+$0x1300]  }
0x3ac: {  	v16 =	vsel vm1, $0x3F800000, v1;
	v19 =	vld [tilespmem:s5+$0xE00];
	v11 =	vadd.f32 v20, v11;
	vm0 =	vgt.s32 v13, $0x0;
	v12 =	vpop (erf)  }
0x3ad: {  	v10 =	vadd.f32 v16, v10;
	vm1 =	vgt.s32 v17, $0x0;
	v13 =	vsel vm0, $0x3F800000, v1;
	v20 =	vld [tilespmem:s7+$0x1380];
	[tilespmem:s14+$0x16480] =	vst v12;
	s14 =	smov.u32 s7;
	s7 =	smov.u32 s5  }
.Ltmp4:
0x3ae: {  	v16 =	vsel vm1, $0x3F800000, v1;
	v12 =	vld [tilespmem:s7+$0xE80];
	v11 =	vadd.f32 v13, v11;
	vm0 =	vgt.s32 v14, $0x0;
	(pc) =	sbr.rel @p2 .LBB2_10-.Ltmp4, $4  }
0x3af: {  	v14 =	vadd.f32 v16, v10;
	vm1 =	vgt.s32 v18, $0x0;
	v10 =	vld [tilespmem:s7+$0x1000];
	v16 =	vsel vm0, $0x3F800000, v1  }
0x3b0: {  	v17 =	vsel vm1, $0x3F800000, v1;
	v13 =	vld [tilespmem:s7+$0xF00];
	v18 =	vadd.f32 v16, v11;
	vm0 =	vgt.s32 v15, $0x0  }
0x3b1: {  	s5 =	sshra.s32 s15, $0x2;
	v14 =	vadd.f32 v17, v14;
	vm1 =	vgt.s32 v19, $0x0;
	v11 =	vld [tilespmem:s7+$0xF80];
	v17 =	vsel vm0, $0x3F800000, v1  }
0x3b2: {  	s15 =	sadd.s32 $0x40, s15;
	v16 =	vld [tilespmem:s5+$0xA00];
	v15 =	vsel vm1, $0x3F800000, v1;
	v17 =	vadd.f32 v17, v18;
	vm0 =	vgt.s32 v20, $0x0  }
0x3b3: {  	v18 =	vld [tilespmem:s5+$0xA80];
	v19 =	vsel vm0, $0x3F800000, v1  }
0x3b4: {  	v17 =	vadd.f32 v19, v17  }
0x3b5: {  	v55 =	vld [tilespmem:s5+$0xB00]  }
0x3b6: {  	v20 =	vld [tilespmem:s7+$0x1080];
	v17 =	vadd.f32 $9.999999970e-07, v17  }
0x3b7: {  	v21 =	vld [tilespmem:s5+$0xB80]  }
0x3b8: {  	v22 =	vld [tilespmem:s7+$0x1100];
	vm10 =	vgt.s32 v16, $0x0;
	vm1 =	vgt.s32 v18, $0x0;
	(erf) = vrcp.f32 v17  }
0x3b9: {  	v56 =	vld [tilespmem:s5+$0xC00];
	v57 =	vsel vm10, $0x3F800000, v1;
	v18 =	vsel vm1, $0x3F800000, v1  }
0x3ba: {  	v23 =	vld [tilespmem:s7+$0x1180];
	vm11 =	vgt.s32 v55, $0x0;
	v17 =	vadd.f32 v18, v57  }
0x3bb: {  	v58 =	vld [tilespmem:s5+$0xC80];
	v19 =	vsel vm11, $0x3F800000, v1  }
0x3bc: {  	v24 =	vld [tilespmem:s7+$0x1200];
	vm12 =	vgt.s32 v21, $0x0;
	v17 =	vadd.f32 v19, v17  }
0x3bd: {  	v59 =	vld [tilespmem:s5+$0xD00];
	v21 =	vsel vm12, $0x3F800000, v1  }
0x3be: {  	v25 =	vld [tilespmem:s7+$0x1280];
	vm13 =	vgt.s32 v56, $0x0;
	v17 =	vadd.f32 v21, v17  }
0x3bf: {  	v60 =	vld [tilespmem:s5+$0xD80];
	v61 =	vsel vm13, $0x3F800000, v1  }
0x3c0: {  	v26 =	vld [tilespmem:s7+$0x1300];
	vm14 =	vgt.s32 v58, $0x0;
	v17 =	vadd.f32 v61, v17  }
0x3c1: {  	v62 =	vld [tilespmem:s5+$0xE00];
	v63 =	vsel vm14, $0x3F800000, v1;
	v27 =	vpop (erf)  }
0x3c2: {  	v28 =	vld [tilespmem:s7+$0x1380];
	vm15 =	vgt.s32 v59, $0x0;
	v17 =	vadd.f32 v63, v17;
	[tilespmem:s14+$0x16480] =	vst v27  }
0x3c3: {  	v19 =	vsel vm15, $0x3F800000, v1;
	v31 =	vld [tilespmem:s5+$0xE80]  }
0x3c4: {  	vm4 =	vgt.s32 v60, $0x0;
	v17 =	vadd.f32 v19, v17  }
0x3c5: {  	v16 =	vsel vm4, $0x3F800000, v1;
	v32 =	vld [tilespmem:s5+$0xF00]  }
0x3c6: {  	vm5 =	vgt.s32 v62, $0x0;
	v16 =	vadd.f32 v16, v17  }
0x3c7: {  	v14 =	vadd.f32 v15, v14;
	vm6 =	vgt.s32 v12, $0x0;
	v34 =	vsel vm5, $0x3F800000, v1;
	v33 =	vld [tilespmem:s5+$0xF80]  }
0x3c8: {  	v35 =	vsel vm6, $0x3F800000, v1;
	v15 =	vadd.f32 v34, v16;
	vm7 =	vgt.s32 v31, $0x0  }
0x3c9: {  	v14 =	vadd.f32 v35, v14;
	vm8 =	vgt.s32 v13, $0x0;
	v36 =	vld [tilespmem:s5+$0x1000];
	v37 =	vsel vm7, $0x3F800000, v1  }
0x3ca: {  	v38 =	vsel vm8, $0x3F800000, v1;
	vm9 =	vgt.s32 v32, $0x0;
	v15 =	vadd.f32 v37, v15  }
0x3cb: {  	v14 =	vadd.f32 v38, v14;
	vm10 =	vgt.s32 v11, $0x0;
	v39 =	vld [tilespmem:s5+$0x1080];
	v11 =	vsel vm9, $0x3F800000, v1  }
0x3cc: {  	v40 =	vsel vm10, $0x3F800000, v1;
	vm11 =	vgt.s32 v33, $0x0;
	v11 =	vadd.f32 v11, v15  }
0x3cd: {  	vm12 =	vgt.s32 v10, $0x0;
	v10 =	vadd.f32 v40, v14;
	v42 =	vld [tilespmem:s5+$0x1100];
	v41 =	vsel vm11, $0x3F800000, v1  }
0x3ce: {  	v43 =	vsel vm12, $0x3F800000, v1;
	vm13 =	vgt.s32 v36, $0x0;
	v11 =	vadd.f32 v41, v11  }
0x3cf: {  	vm14 =	vgt.s32 v20, $0x0;
	v10 =	vadd.f32 v43, v10;
	v45 =	vld [tilespmem:s5+$0x1180];
	v44 =	vsel vm13, $0x3F800000, v1  }
0x3d0: {  	v46 =	vsel vm14, $0x3F800000, v1;
	vm15 =	vgt.s32 v39, $0x0;
	v11 =	vadd.f32 v44, v11  }
0x3d1: {  	vm4 =	vgt.s32 v22, $0x0;
	v10 =	vadd.f32 v46, v10;
	v48 =	vld [tilespmem:s5+$0x1200];
	v47 =	vsel vm15, $0x3F800000, v1  }
0x3d2: {  	v49 =	vsel vm4, $0x3F800000, v1;
	vm5 =	vgt.s32 v42, $0x0;
	v11 =	vadd.f32 v47, v11  }
0x3d3: {  	vm6 =	vgt.s32 v23, $0x0;
	v10 =	vadd.f32 v49, v10;
	v51 =	vld [tilespmem:s5+$0x1280];
	v50 =	vsel vm5, $0x3F800000, v1  }
0x3d4: {  	v52 =	vsel vm6, $0x3F800000, v1;
	vm7 =	vgt.s32 v45, $0x0;
	v11 =	vadd.f32 v50, v11  }
0x3d5: {  	vm8 =	vgt.s32 v24, $0x0;
	v10 =	vadd.f32 v52, v10;
	v54 =	vld [tilespmem:s5+$0x1300];
	v53 =	vsel vm7, $0x3F800000, v1  }
0x3d6: {  	v55 =	vsel vm8, $0x3F800000, v1;
	vm9 =	vgt.s32 v48, $0x0;
	v11 =	vadd.f32 v53, v11  }
0x3d7: {  	vm10 =	vgt.s32 v25, $0x0;
	v57 =	vld [tilespmem:s5+$0x1380];
	v10 =	vadd.f32 v55, v10;
	v56 =	vsel vm9, $0x3F800000, v1  }
0x3d8: {  	v58 =	vsel vm10, $0x3F800000, v1;
	vm11 =	vgt.s32 v51, $0x0;
	v11 =	vadd.f32 v56, v11  }
0x3d9: {  	vm12 =	vgt.s32 v26, $0x0;
	v10 =	vadd.f32 v58, v10;
	v59 =	vsel vm11, $0x3F800000, v1  }
0x3da: {  	v60 =	vsel vm12, $0x3F800000, v1;
	vm13 =	vgt.s32 v54, $0x0;
	v11 =	vadd.f32 v59, v11  }
0x3db: {  	vm14 =	vgt.s32 v28, $0x0;
	v10 =	vadd.f32 v60, v10;
	v61 =	vsel vm13, $0x3F800000, v1  }
0x3dc: {  	v62 =	vsel vm14, $0x3F800000, v1;
	vm15 =	vgt.s32 v57, $0x0;
	v11 =	vadd.f32 v61, v11  }
0x3dd: {  	v10 =	vadd.f32 v62, v10;
	v63 =	vsel vm15, $0x3F800000, v1  }
0x3de: {  	v11 =	vadd.f32 v63, v11  }
0x3df: {  	v10 =	vadd.f32 $9.999999970e-07, v10  }
0x3e0: {  	v11 =	vadd.f32 $9.999999970e-07, v11  }
0x3e1: {  	(erf) = vrcp.f32 v10  }
0x3e2: {  	(erf) = vrcp.f32 v11;
	_ =	sdelay $0x7  }
0x3e3: {  	s14 =	sadd.s32 @!p0 s17, s11;
	v10 =	vpop (erf)  }
0x3e4: {  	[tilespmem:s7+$0x16480] =	vst v10;
	s7 =	sshrl.u32 @!p0 s14, $0x3;
	v10 =	vpop (erf)  }
0x3e5: {  	s14 =	simm.s32 @!p0 $0xA00;
	[tilespmem:s5+$0x16480] =	vst v10;
	s5 =	sadd.s32 @!p0 s4, s7;
	s7 =	simm.s32 @!p0 $0x0  }
0x3e6: {  	[tilespmem:s14], [sflag:$0x4] =	stream.linear.gather @!p0 [hbm4b:s5+s7], $0xA00, $0x38;
	[tilespmem:$0x16500] =	vst v63  }
0x3e7: {  	p0 =	por p0, !p1  }
0x3e8: {  	_ =	swait.ge @p0 [sflag:s31], $0x400  }
0x3e9: {  	[sflag:s31] =	ssyncset.done @p0 $0x0  }
0x3ea: {  	[sflag:s31] =	ssyncadd.s32 @p0 $0xFFFFFC00  }
0x3eb: {  	_ =	swait.ge @p0 [sflag:s31], $0x400  }
0x3ec: {  	[sflag:s31] =	ssyncset.done @p0 $0x0  }
0x3ed: {  	s17 =	simm.s32 $0x0;
	[sflag:s31] =	ssyncadd.s32 @p0 $0xFFFFFC00  }
.LBB2_12:
0x3ee: {  	s5 =	sshll.u32 s17, $0x8  }
0x3ef: {  	s7 =	sand.u32 $0x3FFFFF00, s5  }
0x3f0: {  	v10 =	vld [tilespmem:s7+$0xB400]  }
0x3f1: {  	v11 =	vld [tilespmem:s7+$0xBC00];
	_ =	sdelay $0x1  }
0x3f2: {  	v12 =	vld [tilespmem:s7+$0xC400];
	_ =	sdelay $0x1  }
0x3f3: {  	v13 =	vld [tilespmem:s7+$0xCC00]  }
0x3f4: {  	v10 =	vadd.f32 v11, v10  }
0x3f5: {  	v11 =	vld [tilespmem:s7+$0xD400]  }
0x3f6: {  	v10 =	vadd.f32 v12, v10  }
0x3f7: {  	v39 =	vld [tilespmem:s7+$0xDC00]  }
0x3f8: {  	v10 =	vadd.f32 v13, v10  }
0x3f9: {  	v40 =	vld [tilespmem:s7+$0xE400]  }
0x3fa: {  	v10 =	vadd.f32 v11, v10  }
0x3fb: {  	v11 =	vld [tilespmem:s7+$0xEC00]  }
0x3fc: {  	v10 =	vadd.f32 v39, v10  }
0x3fd: {  	v41 =	vld [tilespmem:s7+$0xF400]  }
0x3fe: {  	v10 =	vadd.f32 v40, v10  }
0x3ff: {  	v42 =	vld [tilespmem:s7+$0xFC00]  }
0x400: {  	v10 =	vadd.f32 v11, v10  }
0x401: {  	v11 =	vld [tilespmem:s7+$0x10400]  }
0x402: {  	v10 =	vadd.f32 v41, v10  }
0x403: {  	v43 =	vld [tilespmem:s7+$0x10C00]  }
0x404: {  	v10 =	vadd.f32 v42, v10  }
0x405: {  	v44 =	vld [tilespmem:s7+$0x11400]  }
0x406: {  	v10 =	vadd.f32 v11, v10  }
0x407: {  	v11 =	vld [tilespmem:s7+$0x11C00]  }
0x408: {  	v10 =	vadd.f32 v43, v10  }
0x409: {  	v45 =	vld [tilespmem:s7+$0x12400]  }
0x40a: {  	v10 =	vadd.f32 v44, v10  }
0x40b: {  	v46 =	vld [tilespmem:s7+$0x12C00]  }
0x40c: {  	v10 =	vadd.f32 v11, v10  }
0x40d: {  	v11 =	vld [tilespmem:s7+$0x13400]  }
0x40e: {  	v10 =	vadd.f32 v45, v10  }
0x40f: {  	v47 =	vld [tilespmem:s7+$0x13C00]  }
0x410: {  	v13 =	vadd.f32 v46, v10  }
0x411: {  	s14 =	sshll.u32 s17, $0x4;
	v14 =	vld [tilespmem:s7+$0x14400]  }
0x412: {  	v48 =	vmov s14;
	v15 =	vld [tilespmem:s7+$0x14C00];
	v11 =	vadd.f32 v11, v13  }
0x413: {  	v10 =	vld [tilespmem:s14+$0x16480];
	v13 =	vshrl.u32 v48, $0x3  }
0x414: {  	v49 =	vshll.u32 v13, v2;
	v11 =	vadd.f32 v47, v11  }
0x415: {  	v12 =	vbroadcast v49, $0x0  }
0x416: {  	v11 =	vadd.f32 v14, v11  }
0x417: {  	v12 =	vor.u32 v0, v12  }
0x418: {  	v50 =	vbroadcast v10, $0x0;
	v11 =	vadd.f32 v15, v11;
	_ =	sdelay $0x1  }
0x419: {  	s5 =	sor.u32 $0x1, s14;
	v11 =	vmul.f32 v11, v50  }
0x41a: {  	s15 =	sshll.u32 s5, $0x4  }
0x41b: {  	s15 =	sand.u32 $0x3FFFFF10, s15;
	[tilespmem:v12+s28+$0x0] =	vst.idx.msk $0xffff, v11  }
0x41c: {  	v11 =	vld [tilespmem:s15+$0xB400]  }
0x41d: {  	v12 =	vld [tilespmem:s7+$0xBC10];
	_ =	sdelay $0x1  }
0x41e: {  	v51 =	vld [tilespmem:s7+$0xC410];
	_ =	sdelay $0x1  }
0x41f: {  	v52 =	vld [tilespmem:s7+$0xCC10]  }
0x420: {  	v11 =	vadd.f32 v12, v11  }
0x421: {  	v53 =	vld [tilespmem:s7+$0xD410]  }
0x422: {  	v11 =	vadd.f32 v51, v11  }
0x423: {  	v54 =	vld [tilespmem:s7+$0xDC10]  }
0x424: {  	v11 =	vadd.f32 v52, v11  }
0x425: {  	v55 =	vld [tilespmem:s7+$0xE410]  }
0x426: {  	v11 =	vadd.f32 v53, v11  }
0x427: {  	v56 =	vld [tilespmem:s7+$0xEC10]  }
0x428: {  	v11 =	vadd.f32 v54, v11  }
0x429: {  	v57 =	vld [tilespmem:s7+$0xF410]  }
0x42a: {  	v11 =	vadd.f32 v55, v11  }
0x42b: {  	v58 =	vld [tilespmem:s7+$0xFC10]  }
0x42c: {  	v11 =	vadd.f32 v56, v11  }
0x42d: {  	v59 =	vld [tilespmem:s7+$0x10410]  }
0x42e: {  	v11 =	vadd.f32 v57, v11  }
0x42f: {  	v60 =	vld [tilespmem:s7+$0x10C10]  }
0x430: {  	v11 =	vadd.f32 v58, v11  }
0x431: {  	v61 =	vld [tilespmem:s7+$0x11410]  }
0x432: {  	v11 =	vadd.f32 v59, v11  }
0x433: {  	v62 =	vld [tilespmem:s7+$0x11C10]  }
0x434: {  	v11 =	vadd.f32 v60, v11  }
0x435: {  	v63 =	vld [tilespmem:s7+$0x12410]  }
0x436: {  	v11 =	vadd.f32 v61, v11  }
0x437: {  	v16 =	vld [tilespmem:s7+$0x12C10]  }
0x438: {  	v11 =	vadd.f32 v62, v11  }
0x439: {  	v17 =	vld [tilespmem:s7+$0x13410]  }
0x43a: {  	v11 =	vadd.f32 v63, v11  }
0x43b: {  	v18 =	vld [tilespmem:s7+$0x13C10]  }
0x43c: {  	v11 =	vadd.f32 v16, v11  }
0x43d: {  	v19 =	vld [tilespmem:s7+$0x14410]  }
0x43e: {  	v20 =	vmov s5;
	v11 =	vadd.f32 v17, v11  }
0x43f: {  	v21 =	vld [tilespmem:s7+$0x14C10];
	v12 =	vshrl.u32 v20, $0x3  }
0x440: {  	v12 =	vshll.u32 v12, v2;
	v11 =	vadd.f32 v18, v11  }
0x441: {  	v12 =	vbroadcast v12, $0x0  }
0x442: {  	v11 =	vadd.f32 v19, v11  }
0x443: {  	v12 =	vadd.s32 v3, v12  }
0x444: {  	v22 =	vbroadcast v10, $0x1;
	v11 =	vadd.f32 v21, v11;
	_ =	sdelay $0x1  }
0x445: {  	s5 =	sor.u32 $0x2, s14;
	v11 =	vmul.f32 v11, v22  }
0x446: {  	s15 =	sshll.u32 s5, $0x4  }
0x447: {  	s15 =	sand.u32 $0x3FFFFF20, s15;
	[tilespmem:v12+s28+$0x0] =	vst.idx.msk $0xffff, v11  }
0x448: {  	v11 =	vld [tilespmem:s15+$0xB400]  }
0x449: {  	v12 =	vld [tilespmem:s7+$0xBC20];
	_ =	sdelay $0x1  }
0x44a: {  	v23 =	vld [tilespmem:s7+$0xC420];
	_ =	sdelay $0x1  }
0x44b: {  	v24 =	vld [tilespmem:s7+$0xCC20]  }
0x44c: {  	v11 =	vadd.f32 v12, v11  }
0x44d: {  	v25 =	vld [tilespmem:s7+$0xD420]  }
0x44e: {  	v11 =	vadd.f32 v23, v11  }
0x44f: {  	v26 =	vld [tilespmem:s7+$0xDC20]  }
0x450: {  	v11 =	vadd.f32 v24, v11  }
0x451: {  	v27 =	vld [tilespmem:s7+$0xE420]  }
0x452: {  	v11 =	vadd.f32 v25, v11  }
0x453: {  	v28 =	vld [tilespmem:s7+$0xEC20]  }
0x454: {  	v11 =	vadd.f32 v26, v11  }
0x455: {  	v29 =	vld [tilespmem:s7+$0xF420]  }
0x456: {  	v11 =	vadd.f32 v27, v11  }
0x457: {  	v30 =	vld [tilespmem:s7+$0xFC20]  }
0x458: {  	v11 =	vadd.f32 v28, v11  }
0x459: {  	v31 =	vld [tilespmem:s7+$0x10420]  }
0x45a: {  	v11 =	vadd.f32 v29, v11  }
0x45b: {  	v32 =	vld [tilespmem:s7+$0x10C20]  }
0x45c: {  	v11 =	vadd.f32 v30, v11  }
0x45d: {  	v33 =	vld [tilespmem:s7+$0x11420]  }
0x45e: {  	v11 =	vadd.f32 v31, v11  }
0x45f: {  	v34 =	vld [tilespmem:s7+$0x11C20]  }
0x460: {  	v11 =	vadd.f32 v32, v11  }
0x461: {  	v35 =	vld [tilespmem:s7+$0x12420]  }
0x462: {  	v11 =	vadd.f32 v33, v11  }
0x463: {  	v36 =	vld [tilespmem:s7+$0x12C20]  }
0x464: {  	v11 =	vadd.f32 v34, v11  }
0x465: {  	v37 =	vld [tilespmem:s7+$0x13420]  }
0x466: {  	v11 =	vadd.f32 v35, v11  }
0x467: {  	v38 =	vld [tilespmem:s7+$0x13C20]  }
0x468: {  	v11 =	vadd.f32 v36, v11  }
0x469: {  	v39 =	vld [tilespmem:s7+$0x14420]  }
0x46a: {  	v40 =	vmov s5;
	v11 =	vadd.f32 v37, v11  }
0x46b: {  	v41 =	vld [tilespmem:s7+$0x14C20];
	v12 =	vshrl.u32 v40, $0x3  }
0x46c: {  	v12 =	vshll.u32 v12, v2;
	v11 =	vadd.f32 v38, v11  }
0x46d: {  	v12 =	vbroadcast v12, $0x0  }
0x46e: {  	v11 =	vadd.f32 v39, v11  }
0x46f: {  	v12 =	vadd.s32 v4, v12  }
0x470: {  	v42 =	vbroadcast v10, $0x2;
	v11 =	vadd.f32 v41, v11;
	_ =	sdelay $0x1  }
0x471: {  	s5 =	sor.u32 $0x3, s14;
	v11 =	vmul.f32 v11, v42  }
0x472: {  	s15 =	sshll.u32 s5, $0x4  }
0x473: {  	s15 =	sand.u32 $0x3FFFFF30, s15;
	[tilespmem:v12+s28+$0x0] =	vst.idx.msk $0xffff, v11  }
0x474: {  	v11 =	vld [tilespmem:s15+$0xB400]  }
0x475: {  	v12 =	vld [tilespmem:s7+$0xBC30];
	_ =	sdelay $0x1  }
0x476: {  	v43 =	vld [tilespmem:s7+$0xC430];
	_ =	sdelay $0x1  }
0x477: {  	v44 =	vld [tilespmem:s7+$0xCC30]  }
0x478: {  	v11 =	vadd.f32 v12, v11  }
0x479: {  	v45 =	vld [tilespmem:s7+$0xD430]  }
0x47a: {  	v11 =	vadd.f32 v43, v11  }
0x47b: {  	v46 =	vld [tilespmem:s7+$0xDC30]  }
0x47c: {  	v11 =	vadd.f32 v44, v11  }
0x47d: {  	v47 =	vld [tilespmem:s7+$0xE430]  }
0x47e: {  	v11 =	vadd.f32 v45, v11  }
0x47f: {  	v48 =	vld [tilespmem:s7+$0xEC30]  }
0x480: {  	v11 =	vadd.f32 v46, v11  }
0x481: {  	v49 =	vld [tilespmem:s7+$0xF430]  }
0x482: {  	v11 =	vadd.f32 v47, v11  }
0x483: {  	v50 =	vld [tilespmem:s7+$0xFC30]  }
0x484: {  	v11 =	vadd.f32 v48, v11  }
0x485: {  	v51 =	vld [tilespmem:s7+$0x10430]  }
0x486: {  	v11 =	vadd.f32 v49, v11  }
0x487: {  	v52 =	vld [tilespmem:s7+$0x10C30]  }
0x488: {  	v11 =	vadd.f32 v50, v11  }
0x489: {  	v53 =	vld [tilespmem:s7+$0x11430]  }
0x48a: {  	v11 =	vadd.f32 v51, v11  }
0x48b: {  	v54 =	vld [tilespmem:s7+$0x11C30]  }
0x48c: {  	v11 =	vadd.f32 v52, v11  }
0x48d: {  	v55 =	vld [tilespmem:s7+$0x12430]  }
0x48e: {  	v11 =	vadd.f32 v53, v11  }
0x48f: {  	v56 =	vld [tilespmem:s7+$0x12C30]  }
0x490: {  	v11 =	vadd.f32 v54, v11  }
0x491: {  	v57 =	vld [tilespmem:s7+$0x13430]  }
0x492: {  	v11 =	vadd.f32 v55, v11  }
0x493: {  	v58 =	vld [tilespmem:s7+$0x13C30]  }
0x494: {  	v11 =	vadd.f32 v56, v11  }
0x495: {  	v59 =	vld [tilespmem:s7+$0x14430]  }
0x496: {  	v60 =	vmov s5;
	v11 =	vadd.f32 v57, v11  }
0x497: {  	v61 =	vld [tilespmem:s7+$0x14C30];
	v12 =	vshrl.u32 v60, $0x3  }
0x498: {  	v12 =	vshll.u32 v12, v2;
	v11 =	vadd.f32 v58, v11  }
0x499: {  	v12 =	vbroadcast v12, $0x0  }
0x49a: {  	v11 =	vadd.f32 v59, v11  }
0x49b: {  	v12 =	vadd.s32 v5, v12  }
0x49c: {  	v62 =	vbroadcast v10, $0x3;
	v11 =	vadd.f32 v61, v11;
	_ =	sdelay $0x1  }
0x49d: {  	s5 =	sor.u32 $0x4, s14;
	v11 =	vmul.f32 v11, v62  }
0x49e: {  	s15 =	sshll.u32 s5, $0x4  }
0x49f: {  	s15 =	sand.u32 $0x3FFFFF40, s15;
	[tilespmem:v12+s28+$0x0] =	vst.idx.msk $0xffff, v11  }
0x4a0: {  	v11 =	vld [tilespmem:s15+$0xB400]  }
0x4a1: {  	v12 =	vld [tilespmem:s7+$0xBC40];
	_ =	sdelay $0x1  }
0x4a2: {  	v63 =	vld [tilespmem:s7+$0xC440];
	_ =	sdelay $0x1  }
0x4a3: {  	v16 =	vld [tilespmem:s7+$0xCC40]  }
0x4a4: {  	v11 =	vadd.f32 v12, v11  }
0x4a5: {  	v17 =	vld [tilespmem:s7+$0xD440]  }
0x4a6: {  	v11 =	vadd.f32 v63, v11  }
0x4a7: {  	v18 =	vld [tilespmem:s7+$0xDC40]  }
0x4a8: {  	v11 =	vadd.f32 v16, v11  }
0x4a9: {  	v19 =	vld [tilespmem:s7+$0xE440]  }
0x4aa: {  	v11 =	vadd.f32 v17, v11  }
0x4ab: {  	v20 =	vld [tilespmem:s7+$0xEC40]  }
0x4ac: {  	v11 =	vadd.f32 v18, v11  }
0x4ad: {  	v21 =	vld [tilespmem:s7+$0xF440]  }
0x4ae: {  	v11 =	vadd.f32 v19, v11  }
0x4af: {  	v22 =	vld [tilespmem:s7+$0xFC40]  }
0x4b0: {  	v11 =	vadd.f32 v20, v11  }
0x4b1: {  	v23 =	vld [tilespmem:s7+$0x10440]  }
0x4b2: {  	v11 =	vadd.f32 v21, v11  }
0x4b3: {  	v24 =	vld [tilespmem:s7+$0x10C40]  }
0x4b4: {  	v11 =	vadd.f32 v22, v11  }
0x4b5: {  	v25 =	vld [tilespmem:s7+$0x11440]  }
0x4b6: {  	v11 =	vadd.f32 v23, v11  }
0x4b7: {  	v26 =	vld [tilespmem:s7+$0x11C40]  }
0x4b8: {  	v11 =	vadd.f32 v24, v11  }
0x4b9: {  	v27 =	vld [tilespmem:s7+$0x12440]  }
0x4ba: {  	v11 =	vadd.f32 v25, v11  }
0x4bb: {  	v28 =	vld [tilespmem:s7+$0x12C40]  }
0x4bc: {  	v11 =	vadd.f32 v26, v11  }
0x4bd: {  	v29 =	vld [tilespmem:s7+$0x13440]  }
0x4be: {  	v11 =	vadd.f32 v27, v11  }
0x4bf: {  	v30 =	vld [tilespmem:s7+$0x13C40]  }
0x4c0: {  	v11 =	vadd.f32 v28, v11  }
0x4c1: {  	v31 =	vld [tilespmem:s7+$0x14440]  }
0x4c2: {  	v32 =	vmov s5;
	v11 =	vadd.f32 v29, v11  }
0x4c3: {  	v33 =	vld [tilespmem:s7+$0x14C40];
	v12 =	vshrl.u32 v32, $0x3  }
0x4c4: {  	v12 =	vshll.u32 v12, v2;
	v11 =	vadd.f32 v30, v11  }
0x4c5: {  	v12 =	vbroadcast v12, $0x0  }
0x4c6: {  	v11 =	vadd.f32 v31, v11  }
0x4c7: {  	v12 =	vadd.s32 v6, v12  }
0x4c8: {  	v34 =	vbroadcast v10, $0x4;
	v11 =	vadd.f32 v33, v11;
	_ =	sdelay $0x1  }
0x4c9: {  	s5 =	sor.u32 $0x5, s14;
	v11 =	vmul.f32 v11, v34  }
0x4ca: {  	s15 =	sshll.u32 s5, $0x4  }
0x4cb: {  	s15 =	sand.u32 $0x3FFFFF50, s15;
	[tilespmem:v12+s28+$0x0] =	vst.idx.msk $0xffff, v11  }
0x4cc: {  	v11 =	vld [tilespmem:s15+$0xB400]  }
0x4cd: {  	v12 =	vld [tilespmem:s7+$0xBC50];
	_ =	sdelay $0x1  }
0x4ce: {  	v35 =	vld [tilespmem:s7+$0xC450];
	_ =	sdelay $0x1  }
0x4cf: {  	v36 =	vld [tilespmem:s7+$0xCC50]  }
0x4d0: {  	v11 =	vadd.f32 v12, v11  }
0x4d1: {  	v37 =	vld [tilespmem:s7+$0xD450]  }
0x4d2: {  	v11 =	vadd.f32 v35, v11  }
0x4d3: {  	v38 =	vld [tilespmem:s7+$0xDC50]  }
0x4d4: {  	v11 =	vadd.f32 v36, v11  }
0x4d5: {  	v39 =	vld [tilespmem:s7+$0xE450]  }
0x4d6: {  	v11 =	vadd.f32 v37, v11  }
0x4d7: {  	v40 =	vld [tilespmem:s7+$0xEC50]  }
0x4d8: {  	v11 =	vadd.f32 v38, v11  }
0x4d9: {  	v41 =	vld [tilespmem:s7+$0xF450]  }
0x4da: {  	v11 =	vadd.f32 v39, v11  }
0x4db: {  	v42 =	vld [tilespmem:s7+$0xFC50]  }
0x4dc: {  	v11 =	vadd.f32 v40, v11  }
0x4dd: {  	v43 =	vld [tilespmem:s7+$0x10450]  }
0x4de: {  	v11 =	vadd.f32 v41, v11  }
0x4df: {  	v44 =	vld [tilespmem:s7+$0x10C50]  }
0x4e0: {  	v11 =	vadd.f32 v42, v11  }
0x4e1: {  	v45 =	vld [tilespmem:s7+$0x11450]  }
0x4e2: {  	v11 =	vadd.f32 v43, v11  }
0x4e3: {  	v46 =	vld [tilespmem:s7+$0x11C50]  }
0x4e4: {  	v11 =	vadd.f32 v44, v11  }
0x4e5: {  	v47 =	vld [tilespmem:s7+$0x12450]  }
0x4e6: {  	v11 =	vadd.f32 v45, v11  }
0x4e7: {  	v48 =	vld [tilespmem:s7+$0x12C50]  }
0x4e8: {  	v11 =	vadd.f32 v46, v11  }
0x4e9: {  	v49 =	vld [tilespmem:s7+$0x13450]  }
0x4ea: {  	v11 =	vadd.f32 v47, v11  }
0x4eb: {  	v50 =	vld [tilespmem:s7+$0x13C50]  }
0x4ec: {  	v11 =	vadd.f32 v48, v11  }
0x4ed: {  	v51 =	vld [tilespmem:s7+$0x14450]  }
0x4ee: {  	v52 =	vmov s5;
	v11 =	vadd.f32 v49, v11  }
0x4ef: {  	v53 =	vld [tilespmem:s7+$0x14C50];
	v12 =	vshrl.u32 v52, $0x3  }
0x4f0: {  	v12 =	vshll.u32 v12, v2;
	v11 =	vadd.f32 v50, v11  }
0x4f1: {  	v12 =	vbroadcast v12, $0x0  }
0x4f2: {  	v11 =	vadd.f32 v51, v11  }
0x4f3: {  	v12 =	vadd.s32 v7, v12  }
0x4f4: {  	v54 =	vbroadcast v10, $0x5;
	v11 =	vadd.f32 v53, v11;
	_ =	sdelay $0x1  }
0x4f5: {  	s5 =	sor.u32 $0x6, s14;
	v11 =	vmul.f32 v11, v54  }
0x4f6: {  	s15 =	sshll.u32 s5, $0x4  }
0x4f7: {  	s15 =	sand.u32 $0x3FFFFF60, s15;
	[tilespmem:v12+s28+$0x0] =	vst.idx.msk $0xffff, v11  }
0x4f8: {  	v11 =	vld [tilespmem:s15+$0xB400]  }
0x4f9: {  	v12 =	vld [tilespmem:s7+$0xBC60];
	_ =	sdelay $0x1  }
0x4fa: {  	v55 =	vld [tilespmem:s7+$0xC460];
	_ =	sdelay $0x1  }
0x4fb: {  	v56 =	vld [tilespmem:s7+$0xCC60]  }
0x4fc: {  	v11 =	vadd.f32 v12, v11  }
0x4fd: {  	v57 =	vld [tilespmem:s7+$0xD460]  }
0x4fe: {  	v11 =	vadd.f32 v55, v11  }
0x4ff: {  	v58 =	vld [tilespmem:s7+$0xDC60]  }
0x500: {  	v11 =	vadd.f32 v56, v11  }
0x501: {  	v59 =	vld [tilespmem:s7+$0xE460]  }
0x502: {  	v11 =	vadd.f32 v57, v11  }
0x503: {  	v60 =	vld [tilespmem:s7+$0xEC60]  }
0x504: {  	v11 =	vadd.f32 v58, v11  }
0x505: {  	v61 =	vld [tilespmem:s7+$0xF460]  }
0x506: {  	v11 =	vadd.f32 v59, v11  }
0x507: {  	v62 =	vld [tilespmem:s7+$0xFC60]  }
0x508: {  	v11 =	vadd.f32 v60, v11  }
0x509: {  	v63 =	vld [tilespmem:s7+$0x10460]  }
0x50a: {  	v11 =	vadd.f32 v61, v11  }
0x50b: {  	v16 =	vld [tilespmem:s7+$0x10C60]  }
0x50c: {  	v11 =	vadd.f32 v62, v11  }
0x50d: {  	v17 =	vld [tilespmem:s7+$0x11460]  }
0x50e: {  	v11 =	vadd.f32 v63, v11  }
0x50f: {  	v18 =	vld [tilespmem:s7+$0x11C60]  }
0x510: {  	v11 =	vadd.f32 v16, v11  }
0x511: {  	v19 =	vld [tilespmem:s7+$0x12460]  }
0x512: {  	v11 =	vadd.f32 v17, v11  }
0x513: {  	v20 =	vld [tilespmem:s7+$0x12C60]  }
0x514: {  	v11 =	vadd.f32 v18, v11  }
0x515: {  	v21 =	vld [tilespmem:s7+$0x13460]  }
0x516: {  	v11 =	vadd.f32 v19, v11  }
0x517: {  	v22 =	vld [tilespmem:s7+$0x13C60]  }
0x518: {  	v11 =	vadd.f32 v20, v11  }
0x519: {  	v23 =	vld [tilespmem:s7+$0x14460]  }
0x51a: {  	v24 =	vmov s5;
	v11 =	vadd.f32 v21, v11  }
0x51b: {  	v25 =	vld [tilespmem:s7+$0x14C60];
	v12 =	vshrl.u32 v24, $0x3  }
0x51c: {  	v12 =	vshll.u32 v12, v2;
	v11 =	vadd.f32 v22, v11  }
0x51d: {  	v12 =	vbroadcast v12, $0x0  }
0x51e: {  	v11 =	vadd.f32 v23, v11  }
0x51f: {  	v12 =	vadd.s32 v8, v12  }
0x520: {  	v26 =	vbroadcast v10, $0x6;
	v11 =	vadd.f32 v25, v11;
	_ =	sdelay $0x1  }
0x521: {  	s5 =	sor.u32 $0x7, s14;
	v11 =	vmul.f32 v11, v26  }
0x522: {  	s15 =	sshll.u32 s5, $0x4  }
0x523: {  	s15 =	sand.u32 $0x3FFFFF70, s15;
	[tilespmem:v12+s28+$0x0] =	vst.idx.msk $0xffff, v11  }
0x524: {  	v11 =	vld [tilespmem:s15+$0xB400]  }
0x525: {  	v12 =	vld [tilespmem:s7+$0xBC70];
	_ =	sdelay $0x1  }
0x526: {  	v27 =	vld [tilespmem:s7+$0xC470];
	_ =	sdelay $0x1  }
0x527: {  	v28 =	vld [tilespmem:s7+$0xCC70]  }
0x528: {  	v11 =	vadd.f32 v12, v11  }
0x529: {  	v29 =	vld [tilespmem:s7+$0xD470]  }
0x52a: {  	v11 =	vadd.f32 v27, v11  }
0x52b: {  	v30 =	vld [tilespmem:s7+$0xDC70]  }
0x52c: {  	v11 =	vadd.f32 v28, v11  }
0x52d: {  	v31 =	vld [tilespmem:s7+$0xE470]  }
0x52e: {  	v11 =	vadd.f32 v29, v11  }
0x52f: {  	v32 =	vld [tilespmem:s7+$0xEC70]  }
0x530: {  	v11 =	vadd.f32 v30, v11  }
0x531: {  	v33 =	vld [tilespmem:s7+$0xF470]  }
0x532: {  	v11 =	vadd.f32 v31, v11  }
0x533: {  	v34 =	vld [tilespmem:s7+$0xFC70]  }
0x534: {  	v11 =	vadd.f32 v32, v11  }
0x535: {  	v35 =	vld [tilespmem:s7+$0x10470]  }
0x536: {  	v11 =	vadd.f32 v33, v11  }
0x537: {  	v36 =	vld [tilespmem:s7+$0x10C70]  }
0x538: {  	v11 =	vadd.f32 v34, v11  }
0x539: {  	v37 =	vld [tilespmem:s7+$0x11470]  }
0x53a: {  	v11 =	vadd.f32 v35, v11  }
0x53b: {  	v38 =	vld [tilespmem:s7+$0x11C70]  }
0x53c: {  	v11 =	vadd.f32 v36, v11  }
0x53d: {  	v39 =	vld [tilespmem:s7+$0x12470]  }
0x53e: {  	v11 =	vadd.f32 v37, v11  }
0x53f: {  	v40 =	vld [tilespmem:s7+$0x12C70]  }
0x540: {  	v11 =	vadd.f32 v38, v11  }
0x541: {  	v41 =	vld [tilespmem:s7+$0x13470]  }
0x542: {  	v11 =	vadd.f32 v39, v11  }
0x543: {  	v42 =	vld [tilespmem:s7+$0x13C70]  }
0x544: {  	v11 =	vadd.f32 v40, v11  }
0x545: {  	v43 =	vld [tilespmem:s7+$0x14470]  }
0x546: {  	v44 =	vmov s5;
	v11 =	vadd.f32 v41, v11  }
0x547: {  	v45 =	vld [tilespmem:s7+$0x14C70];
	v12 =	vshrl.u32 v44, $0x3  }
0x548: {  	v12 =	vshll.u32 v12, v2;
	v11 =	vadd.f32 v42, v11  }
0x549: {  	v12 =	vbroadcast v12, $0x0  }
0x54a: {  	v11 =	vadd.f32 v43, v11  }
0x54b: {  	v12 =	vadd.s32 v9, v12  }
0x54c: {  	v46 =	vbroadcast v10, $0x7;
	v11 =	vadd.f32 v45, v11;
	_ =	sdelay $0x1  }
0x54d: {  	s5 =	sor.u32 $0x8, s14;
	v11 =	vmul.f32 v11, v46  }
0x54e: {  	s15 =	sshll.u32 s5, $0x4  }
0x54f: {  	s15 =	sand.u32 $0x3FFFFF80, s15;
	[tilespmem:v12+s28+$0x0] =	vst.idx.msk $0xffff, v11  }
0x550: {  	v11 =	vld [tilespmem:s15+$0xB400]  }
0x551: {  	v12 =	vld [tilespmem:s7+$0xBC80];
	_ =	sdelay $0x1  }
0x552: {  	v47 =	vld [tilespmem:s7+$0xC480];
	_ =	sdelay $0x1  }
0x553: {  	v48 =	vld [tilespmem:s7+$0xCC80]  }
0x554: {  	v11 =	vadd.f32 v12, v11  }
0x555: {  	v49 =	vld [tilespmem:s7+$0xD480]  }
0x556: {  	v11 =	vadd.f32 v47, v11  }
0x557: {  	v50 =	vld [tilespmem:s7+$0xDC80]  }
0x558: {  	v11 =	vadd.f32 v48, v11  }
0x559: {  	v51 =	vld [tilespmem:s7+$0xE480]  }
0x55a: {  	v11 =	vadd.f32 v49, v11  }
0x55b: {  	v52 =	vld [tilespmem:s7+$0xEC80]  }
0x55c: {  	v11 =	vadd.f32 v50, v11  }
0x55d: {  	v53 =	vld [tilespmem:s7+$0xF480]  }
0x55e: {  	v11 =	vadd.f32 v51, v11  }
0x55f: {  	v54 =	vld [tilespmem:s7+$0xFC80]  }
0x560: {  	v11 =	vadd.f32 v52, v11  }
0x561: {  	v55 =	vld [tilespmem:s7+$0x10480]  }
0x562: {  	v11 =	vadd.f32 v53, v11  }
0x563: {  	v56 =	vld [tilespmem:s7+$0x10C80]  }
0x564: {  	v11 =	vadd.f32 v54, v11  }
0x565: {  	v57 =	vld [tilespmem:s7+$0x11480]  }
0x566: {  	v11 =	vadd.f32 v55, v11  }
0x567: {  	v58 =	vld [tilespmem:s7+$0x11C80]  }
0x568: {  	v11 =	vadd.f32 v56, v11  }
0x569: {  	v59 =	vld [tilespmem:s7+$0x12480]  }
0x56a: {  	v11 =	vadd.f32 v57, v11  }
0x56b: {  	v60 =	vld [tilespmem:s7+$0x12C80]  }
0x56c: {  	v11 =	vadd.f32 v58, v11  }
0x56d: {  	v61 =	vld [tilespmem:s7+$0x13480]  }
0x56e: {  	v11 =	vadd.f32 v59, v11  }
0x56f: {  	v62 =	vld [tilespmem:s7+$0x13C80]  }
0x570: {  	v11 =	vadd.f32 v60, v11  }
0x571: {  	v63 =	vld [tilespmem:s7+$0x14480]  }
0x572: {  	v18 =	vmov s5;
	v11 =	vadd.f32 v61, v11  }
0x573: {  	v19 =	vld [tilespmem:s7+$0x14C80];
	v12 =	vshrl.u32 v18, $0x3  }
0x574: {  	v12 =	vshll.u32 v12, v2;
	v11 =	vadd.f32 v62, v11  }
0x575: {  	v12 =	vbroadcast v12, $0x0  }
0x576: {  	v11 =	vadd.f32 v63, v11  }
0x577: {  	v12 =	vadd.s32 v0, v12  }
0x578: {  	v20 =	vbroadcast v10, $0x8;
	v11 =	vadd.f32 v19, v11;
	_ =	sdelay $0x1  }
0x579: {  	s5 =	sor.u32 $0x9, s14;
	v11 =	vmul.f32 v11, v20  }
0x57a: {  	s15 =	sshll.u32 s5, $0x4  }
0x57b: {  	s15 =	sand.u32 $0x3FFFFF90, s15;
	[tilespmem:v12+s28+$0x0] =	vst.idx.msk $0xffff, v11  }
0x57c: {  	v11 =	vld [tilespmem:s15+$0xB400]  }
0x57d: {  	v12 =	vld [tilespmem:s7+$0xBC90];
	_ =	sdelay $0x1  }
0x57e: {  	v21 =	vld [tilespmem:s7+$0xC490];
	_ =	sdelay $0x1  }
0x57f: {  	v22 =	vld [tilespmem:s7+$0xCC90]  }
0x580: {  	v11 =	vadd.f32 v12, v11  }
0x581: {  	v23 =	vld [tilespmem:s7+$0xD490]  }
0x582: {  	v11 =	vadd.f32 v21, v11  }
0x583: {  	v24 =	vld [tilespmem:s7+$0xDC90]  }
0x584: {  	v11 =	vadd.f32 v22, v11  }
0x585: {  	v25 =	vld [tilespmem:s7+$0xE490]  }
0x586: {  	v11 =	vadd.f32 v23, v11  }
0x587: {  	v26 =	vld [tilespmem:s7+$0xEC90]  }
0x588: {  	v11 =	vadd.f32 v24, v11  }
0x589: {  	v27 =	vld [tilespmem:s7+$0xF490]  }
0x58a: {  	v11 =	vadd.f32 v25, v11  }
0x58b: {  	v28 =	vld [tilespmem:s7+$0xFC90]  }
0x58c: {  	v11 =	vadd.f32 v26, v11  }
0x58d: {  	v29 =	vld [tilespmem:s7+$0x10490]  }
0x58e: {  	v11 =	vadd.f32 v27, v11  }
0x58f: {  	v30 =	vld [tilespmem:s7+$0x10C90]  }
0x590: {  	v11 =	vadd.f32 v28, v11  }
0x591: {  	v31 =	vld [tilespmem:s7+$0x11490]  }
0x592: {  	v11 =	vadd.f32 v29, v11  }
0x593: {  	v32 =	vld [tilespmem:s7+$0x11C90]  }
0x594: {  	v11 =	vadd.f32 v30, v11  }
0x595: {  	v33 =	vld [tilespmem:s7+$0x12490]  }
0x596: {  	v11 =	vadd.f32 v31, v11  }
0x597: {  	v34 =	vld [tilespmem:s7+$0x12C90]  }
0x598: {  	v11 =	vadd.f32 v32, v11  }
0x599: {  	v35 =	vld [tilespmem:s7+$0x13490]  }
0x59a: {  	v11 =	vadd.f32 v33, v11  }
0x59b: {  	v36 =	vld [tilespmem:s7+$0x13C90]  }
0x59c: {  	v11 =	vadd.f32 v34, v11  }
0x59d: {  	v37 =	vld [tilespmem:s7+$0x14490]  }
0x59e: {  	v38 =	vmov s5;
	v11 =	vadd.f32 v35, v11  }
0x59f: {  	v39 =	vld [tilespmem:s7+$0x14C90];
	v12 =	vshrl.u32 v38, $0x3  }
0x5a0: {  	v12 =	vshll.u32 v12, v2;
	v11 =	vadd.f32 v36, v11  }
0x5a1: {  	v12 =	vbroadcast v12, $0x0  }
0x5a2: {  	v11 =	vadd.f32 v37, v11  }
0x5a3: {  	v12 =	vadd.s32 v3, v12  }
0x5a4: {  	v40 =	vbroadcast v10, $0x9;
	v11 =	vadd.f32 v39, v11;
	_ =	sdelay $0x1  }
0x5a5: {  	s5 =	sor.u32 $0xA, s14;
	v11 =	vmul.f32 v11, v40  }
0x5a6: {  	s15 =	sshll.u32 s5, $0x4  }
0x5a7: {  	s15 =	sand.u32 $0x3FFFFFA0, s15;
	[tilespmem:v12+s28+$0x0] =	vst.idx.msk $0xffff, v11  }
0x5a8: {  	v11 =	vld [tilespmem:s15+$0xB400]  }
0x5a9: {  	v12 =	vld [tilespmem:s7+$0xBCA0];
	_ =	sdelay $0x1  }
0x5aa: {  	v41 =	vld [tilespmem:s7+$0xC4A0];
	_ =	sdelay $0x1  }
0x5ab: {  	v42 =	vld [tilespmem:s7+$0xCCA0]  }
0x5ac: {  	v11 =	vadd.f32 v12, v11  }
0x5ad: {  	v43 =	vld [tilespmem:s7+$0xD4A0]  }
0x5ae: {  	v11 =	vadd.f32 v41, v11  }
0x5af: {  	v44 =	vld [tilespmem:s7+$0xDCA0]  }
0x5b0: {  	v11 =	vadd.f32 v42, v11  }
0x5b1: {  	v45 =	vld [tilespmem:s7+$0xE4A0]  }
0x5b2: {  	v11 =	vadd.f32 v43, v11  }
0x5b3: {  	v46 =	vld [tilespmem:s7+$0xECA0]  }
0x5b4: {  	v11 =	vadd.f32 v44, v11  }
0x5b5: {  	v47 =	vld [tilespmem:s7+$0xF4A0]  }
0x5b6: {  	v11 =	vadd.f32 v45, v11  }
0x5b7: {  	v48 =	vld [tilespmem:s7+$0xFCA0]  }
0x5b8: {  	v11 =	vadd.f32 v46, v11  }
0x5b9: {  	v49 =	vld [tilespmem:s7+$0x104A0]  }
0x5ba: {  	v11 =	vadd.f32 v47, v11  }
0x5bb: {  	v50 =	vld [tilespmem:s7+$0x10CA0]  }
0x5bc: {  	v11 =	vadd.f32 v48, v11  }
0x5bd: {  	v51 =	vld [tilespmem:s7+$0x114A0]  }
0x5be: {  	v11 =	vadd.f32 v49, v11  }
0x5bf: {  	v52 =	vld [tilespmem:s7+$0x11CA0]  }
0x5c0: {  	v11 =	vadd.f32 v50, v11  }
0x5c1: {  	v53 =	vld [tilespmem:s7+$0x124A0]  }
0x5c2: {  	v11 =	vadd.f32 v51, v11  }
0x5c3: {  	v54 =	vld [tilespmem:s7+$0x12CA0]  }
0x5c4: {  	v11 =	vadd.f32 v52, v11  }
0x5c5: {  	v55 =	vld [tilespmem:s7+$0x134A0]  }
0x5c6: {  	v11 =	vadd.f32 v53, v11  }
0x5c7: {  	v56 =	vld [tilespmem:s7+$0x13CA0]  }
0x5c8: {  	v11 =	vadd.f32 v54, v11  }
0x5c9: {  	v57 =	vld [tilespmem:s7+$0x144A0]  }
0x5ca: {  	v58 =	vmov s5;
	v11 =	vadd.f32 v55, v11  }
0x5cb: {  	v59 =	vld [tilespmem:s7+$0x14CA0];
	v12 =	vshrl.u32 v58, $0x3  }
0x5cc: {  	v12 =	vshll.u32 v12, v2;
	v11 =	vadd.f32 v56, v11  }
0x5cd: {  	v12 =	vbroadcast v12, $0x0  }
0x5ce: {  	v11 =	vadd.f32 v57, v11  }
0x5cf: {  	v12 =	vadd.s32 v4, v12  }
0x5d0: {  	v60 =	vbroadcast v10, $0xA;
	v11 =	vadd.f32 v59, v11;
	_ =	sdelay $0x1  }
0x5d1: {  	s5 =	sor.u32 $0xB, s14;
	v11 =	vmul.f32 v11, v60  }
0x5d2: {  	s15 =	sshll.u32 s5, $0x4  }
0x5d3: {  	s15 =	sand.u32 $0x3FFFFFB0, s15;
	[tilespmem:v12+s28+$0x0] =	vst.idx.msk $0xffff, v11  }
0x5d4: {  	v11 =	vld [tilespmem:s15+$0xB400]  }
0x5d5: {  	v12 =	vld [tilespmem:s7+$0xBCB0];
	_ =	sdelay $0x1  }
0x5d6: {  	v61 =	vld [tilespmem:s7+$0xC4B0];
	_ =	sdelay $0x1  }
0x5d7: {  	v62 =	vld [tilespmem:s7+$0xCCB0]  }
0x5d8: {  	v11 =	vadd.f32 v12, v11  }
0x5d9: {  	v63 =	vld [tilespmem:s7+$0xD4B0]  }
0x5da: {  	v11 =	vadd.f32 v61, v11  }
0x5db: {  	v16 =	vld [tilespmem:s7+$0xDCB0]  }
0x5dc: {  	v11 =	vadd.f32 v62, v11  }
0x5dd: {  	v17 =	vld [tilespmem:s7+$0xE4B0]  }
0x5de: {  	v11 =	vadd.f32 v63, v11  }
0x5df: {  	v18 =	vld [tilespmem:s7+$0xECB0]  }
0x5e0: {  	v11 =	vadd.f32 v16, v11  }
0x5e1: {  	v19 =	vld [tilespmem:s7+$0xF4B0]  }
0x5e2: {  	v11 =	vadd.f32 v17, v11  }
0x5e3: {  	v20 =	vld [tilespmem:s7+$0xFCB0]  }
0x5e4: {  	v11 =	vadd.f32 v18, v11  }
0x5e5: {  	v21 =	vld [tilespmem:s7+$0x104B0]  }
0x5e6: {  	v11 =	vadd.f32 v19, v11  }
0x5e7: {  	v22 =	vld [tilespmem:s7+$0x10CB0]  }
0x5e8: {  	v11 =	vadd.f32 v20, v11  }
0x5e9: {  	v23 =	vld [tilespmem:s7+$0x114B0]  }
0x5ea: {  	v11 =	vadd.f32 v21, v11  }
0x5eb: {  	v24 =	vld [tilespmem:s7+$0x11CB0]  }
0x5ec: {  	v11 =	vadd.f32 v22, v11  }
0x5ed: {  	v25 =	vld [tilespmem:s7+$0x124B0]  }
0x5ee: {  	v11 =	vadd.f32 v23, v11  }
0x5ef: {  	v26 =	vld [tilespmem:s7+$0x12CB0]  }
0x5f0: {  	v11 =	vadd.f32 v24, v11  }
0x5f1: {  	v27 =	vld [tilespmem:s7+$0x134B0]  }
0x5f2: {  	v11 =	vadd.f32 v25, v11  }
0x5f3: {  	v28 =	vld [tilespmem:s7+$0x13CB0]  }
0x5f4: {  	v11 =	vadd.f32 v26, v11  }
0x5f5: {  	v29 =	vld [tilespmem:s7+$0x144B0]  }
0x5f6: {  	v30 =	vmov s5;
	v11 =	vadd.f32 v27, v11  }
0x5f7: {  	v31 =	vld [tilespmem:s7+$0x14CB0];
	v12 =	vshrl.u32 v30, $0x3  }
0x5f8: {  	v12 =	vshll.u32 v12, v2;
	v11 =	vadd.f32 v28, v11  }
0x5f9: {  	v12 =	vbroadcast v12, $0x0  }
0x5fa: {  	v11 =	vadd.f32 v29, v11  }
0x5fb: {  	v12 =	vadd.s32 v5, v12  }
0x5fc: {  	v32 =	vbroadcast v10, $0xB;
	v11 =	vadd.f32 v31, v11;
	_ =	sdelay $0x1  }
0x5fd: {  	s5 =	sor.u32 $0xC, s14;
	v11 =	vmul.f32 v11, v32  }
0x5fe: {  	s15 =	sshll.u32 s5, $0x4  }
0x5ff: {  	s15 =	sand.u32 $0x3FFFFFC0, s15;
	[tilespmem:v12+s28+$0x0] =	vst.idx.msk $0xffff, v11  }
0x600: {  	v11 =	vld [tilespmem:s15+$0xB400]  }
0x601: {  	v12 =	vld [tilespmem:s7+$0xBCC0];
	_ =	sdelay $0x1  }
0x602: {  	v33 =	vld [tilespmem:s7+$0xC4C0];
	_ =	sdelay $0x1  }
0x603: {  	v34 =	vld [tilespmem:s7+$0xCCC0]  }
0x604: {  	v11 =	vadd.f32 v12, v11  }
0x605: {  	v35 =	vld [tilespmem:s7+$0xD4C0]  }
0x606: {  	v11 =	vadd.f32 v33, v11  }
0x607: {  	v36 =	vld [tilespmem:s7+$0xDCC0]  }
0x608: {  	v11 =	vadd.f32 v34, v11  }
0x609: {  	v37 =	vld [tilespmem:s7+$0xE4C0]  }
0x60a: {  	v11 =	vadd.f32 v35, v11  }
0x60b: {  	v38 =	vld [tilespmem:s7+$0xECC0]  }
0x60c: {  	v11 =	vadd.f32 v36, v11  }
0x60d: {  	v39 =	vld [tilespmem:s7+$0xF4C0]  }
0x60e: {  	v11 =	vadd.f32 v37, v11  }
0x60f: {  	v40 =	vld [tilespmem:s7+$0xFCC0]  }
0x610: {  	v11 =	vadd.f32 v38, v11  }
0x611: {  	v41 =	vld [tilespmem:s7+$0x104C0]  }
0x612: {  	v11 =	vadd.f32 v39, v11  }
0x613: {  	v42 =	vld [tilespmem:s7+$0x10CC0]  }
0x614: {  	v11 =	vadd.f32 v40, v11  }
0x615: {  	v43 =	vld [tilespmem:s7+$0x114C0]  }
0x616: {  	v11 =	vadd.f32 v41, v11  }
0x617: {  	v44 =	vld [tilespmem:s7+$0x11CC0]  }
0x618: {  	v11 =	vadd.f32 v42, v11  }
0x619: {  	v45 =	vld [tilespmem:s7+$0x124C0]  }
0x61a: {  	v11 =	vadd.f32 v43, v11  }
0x61b: {  	v46 =	vld [tilespmem:s7+$0x12CC0]  }
0x61c: {  	v11 =	vadd.f32 v44, v11  }
0x61d: {  	v47 =	vld [tilespmem:s7+$0x134C0]  }
0x61e: {  	v11 =	vadd.f32 v45, v11  }
0x61f: {  	v48 =	vld [tilespmem:s7+$0x13CC0]  }
0x620: {  	v11 =	vadd.f32 v46, v11  }
0x621: {  	v49 =	vld [tilespmem:s7+$0x144C0]  }
0x622: {  	v50 =	vmov s5;
	v11 =	vadd.f32 v47, v11  }
0x623: {  	v51 =	vld [tilespmem:s7+$0x14CC0];
	v12 =	vshrl.u32 v50, $0x3  }
0x624: {  	v12 =	vshll.u32 v12, v2;
	v11 =	vadd.f32 v48, v11  }
0x625: {  	v12 =	vbroadcast v12, $0x0  }
0x626: {  	v11 =	vadd.f32 v49, v11  }
0x627: {  	v12 =	vadd.s32 v6, v12  }
0x628: {  	v52 =	vbroadcast v10, $0xC;
	v11 =	vadd.f32 v51, v11;
	_ =	sdelay $0x1  }
0x629: {  	s5 =	sor.u32 $0xD, s14;
	v11 =	vmul.f32 v11, v52  }
0x62a: {  	s15 =	sshll.u32 s5, $0x4  }
0x62b: {  	s15 =	sand.u32 $0x3FFFFFD0, s15;
	[tilespmem:v12+s28+$0x0] =	vst.idx.msk $0xffff, v11  }
0x62c: {  	v11 =	vld [tilespmem:s15+$0xB400]  }
0x62d: {  	v12 =	vld [tilespmem:s7+$0xBCD0];
	_ =	sdelay $0x1  }
0x62e: {  	v53 =	vld [tilespmem:s7+$0xC4D0];
	_ =	sdelay $0x1  }
0x62f: {  	v54 =	vld [tilespmem:s7+$0xCCD0]  }
0x630: {  	v11 =	vadd.f32 v12, v11  }
0x631: {  	v55 =	vld [tilespmem:s7+$0xD4D0]  }
0x632: {  	v11 =	vadd.f32 v53, v11  }
0x633: {  	v56 =	vld [tilespmem:s7+$0xDCD0]  }
0x634: {  	v11 =	vadd.f32 v54, v11  }
0x635: {  	v57 =	vld [tilespmem:s7+$0xE4D0]  }
0x636: {  	v11 =	vadd.f32 v55, v11  }
0x637: {  	v58 =	vld [tilespmem:s7+$0xECD0]  }
0x638: {  	v11 =	vadd.f32 v56, v11  }
0x639: {  	v59 =	vld [tilespmem:s7+$0xF4D0]  }
0x63a: {  	v11 =	vadd.f32 v57, v11  }
0x63b: {  	v60 =	vld [tilespmem:s7+$0xFCD0]  }
0x63c: {  	v11 =	vadd.f32 v58, v11  }
0x63d: {  	v61 =	vld [tilespmem:s7+$0x104D0]  }
0x63e: {  	v11 =	vadd.f32 v59, v11  }
0x63f: {  	v62 =	vld [tilespmem:s7+$0x10CD0]  }
0x640: {  	v11 =	vadd.f32 v60, v11  }
0x641: {  	v63 =	vld [tilespmem:s7+$0x114D0]  }
0x642: {  	v11 =	vadd.f32 v61, v11  }
0x643: {  	v16 =	vld [tilespmem:s7+$0x11CD0]  }
0x644: {  	v11 =	vadd.f32 v62, v11  }
0x645: {  	v17 =	vld [tilespmem:s7+$0x124D0]  }
0x646: {  	v11 =	vadd.f32 v63, v11  }
0x647: {  	v18 =	vld [tilespmem:s7+$0x12CD0]  }
0x648: {  	v11 =	vadd.f32 v16, v11  }
0x649: {  	v19 =	vld [tilespmem:s7+$0x134D0]  }
0x64a: {  	v11 =	vadd.f32 v17, v11  }
0x64b: {  	v20 =	vld [tilespmem:s7+$0x13CD0]  }
0x64c: {  	v11 =	vadd.f32 v18, v11  }
0x64d: {  	v21 =	vld [tilespmem:s7+$0x144D0]  }
0x64e: {  	v22 =	vmov s5;
	v11 =	vadd.f32 v19, v11  }
0x64f: {  	v23 =	vld [tilespmem:s7+$0x14CD0];
	v12 =	vshrl.u32 v22, $0x3  }
0x650: {  	v12 =	vshll.u32 v12, v2;
	v11 =	vadd.f32 v20, v11  }
0x651: {  	v12 =	vbroadcast v12, $0x0  }
0x652: {  	v11 =	vadd.f32 v21, v11  }
0x653: {  	v12 =	vadd.s32 v7, v12  }
0x654: {  	v24 =	vbroadcast v10, $0xD;
	v11 =	vadd.f32 v23, v11;
	_ =	sdelay $0x1  }
0x655: {  	s15 =	sor.u32 $0xE, s14;
	v11 =	vmul.f32 v11, v24  }
0x656: {  	s14 =	sshll.u32 s15, $0x4  }
0x657: {  	s14 =	sand.u32 $0x3FFFFFE0, s14;
	[tilespmem:v12+s28+$0x0] =	vst.idx.msk $0xffff, v11  }
0x658: {  	v11 =	vld [tilespmem:s14+$0xB400]  }
0x659: {  	v12 =	vld [tilespmem:s7+$0xBCE0];
	_ =	sdelay $0x1  }
0x65a: {  	v25 =	vld [tilespmem:s7+$0xC4E0];
	_ =	sdelay $0x1  }
0x65b: {  	v26 =	vld [tilespmem:s7+$0xCCE0]  }
0x65c: {  	v11 =	vadd.f32 v12, v11  }
0x65d: {  	v27 =	vld [tilespmem:s7+$0xD4E0]  }
0x65e: {  	v11 =	vadd.f32 v25, v11  }
0x65f: {  	v28 =	vld [tilespmem:s7+$0xDCE0]  }
0x660: {  	v11 =	vadd.f32 v26, v11  }
0x661: {  	v29 =	vld [tilespmem:s7+$0xE4E0]  }
0x662: {  	v11 =	vadd.f32 v27, v11  }
0x663: {  	v30 =	vld [tilespmem:s7+$0xECE0]  }
0x664: {  	v11 =	vadd.f32 v28, v11  }
0x665: {  	v31 =	vld [tilespmem:s7+$0xF4E0]  }
0x666: {  	v11 =	vadd.f32 v29, v11  }
0x667: {  	v32 =	vld [tilespmem:s7+$0xFCE0]  }
0x668: {  	v11 =	vadd.f32 v30, v11  }
0x669: {  	v33 =	vld [tilespmem:s7+$0x104E0]  }
0x66a: {  	v11 =	vadd.f32 v31, v11  }
0x66b: {  	v34 =	vld [tilespmem:s7+$0x10CE0]  }
0x66c: {  	v11 =	vadd.f32 v32, v11  }
0x66d: {  	v35 =	vld [tilespmem:s7+$0x114E0]  }
0x66e: {  	v11 =	vadd.f32 v33, v11  }
0x66f: {  	v36 =	vld [tilespmem:s7+$0x11CE0]  }
0x670: {  	v11 =	vadd.f32 v34, v11  }
0x671: {  	v37 =	vld [tilespmem:s7+$0x124E0]  }
0x672: {  	v11 =	vadd.f32 v35, v11  }
0x673: {  	v38 =	vld [tilespmem:s7+$0x12CE0]  }
0x674: {  	v11 =	vadd.f32 v36, v11  }
0x675: {  	v39 =	vld [tilespmem:s7+$0x134E0]  }
0x676: {  	v11 =	vadd.f32 v37, v11  }
0x677: {  	v40 =	vld [tilespmem:s7+$0x13CE0]  }
0x678: {  	v11 =	vadd.f32 v38, v11  }
0x679: {  	v41 =	vld [tilespmem:s7+$0x144E0]  }
0x67a: {  	v42 =	vmov s15;
	v11 =	vadd.f32 v39, v11  }
0x67b: {  	v43 =	vld [tilespmem:s7+$0x14CE0];
	v12 =	vshrl.u32 v42, $0x3  }
0x67c: {  	v12 =	vshll.u32 v12, v2;
	v11 =	vadd.f32 v40, v11  }
0x67d: {  	v12 =	vbroadcast v12, $0x0  }
0x67e: {  	v11 =	vadd.f32 v41, v11  }
0x67f: {  	v12 =	vadd.s32 v8, v12  }
0x680: {  	v44 =	vbroadcast v10, $0xE;
	v11 =	vadd.f32 v43, v11;
	_ =	sdelay $0x1  }
0x681: {  	s5 =	sshllo.u32 s17, $0x4;
	v11 =	vmul.f32 v11, v44  }
0x682: {  	s15 =	sshll.u32 s5, $0x4  }
0x683: {  	s14 =	sand.u32 $0x3FFFFFF0, s15;
	[tilespmem:v12+s28+$0x0] =	vst.idx.msk $0xffff, v11  }
0x684: {  	v11 =	vld [tilespmem:s14+$0xB400]  }
0x685: {  	v12 =	vld [tilespmem:s7+$0xBCF0];
	_ =	sdelay $0x1  }
0x686: {  	v45 =	vld [tilespmem:s7+$0xC4F0];
	_ =	sdelay $0x1  }
0x687: {  	v46 =	vld [tilespmem:s7+$0xCCF0]  }
0x688: {  	v11 =	vadd.f32 v12, v11  }
0x689: {  	v47 =	vld [tilespmem:s7+$0xD4F0]  }
0x68a: {  	v11 =	vadd.f32 v45, v11  }
0x68b: {  	v48 =	vld [tilespmem:s7+$0xDCF0]  }
0x68c: {  	v11 =	vadd.f32 v46, v11  }
0x68d: {  	v49 =	vld [tilespmem:s7+$0xE4F0]  }
0x68e: {  	v11 =	vadd.f32 v47, v11  }
0x68f: {  	v50 =	vld [tilespmem:s7+$0xECF0]  }
0x690: {  	v11 =	vadd.f32 v48, v11  }
0x691: {  	v51 =	vld [tilespmem:s7+$0xF4F0]  }
0x692: {  	v11 =	vadd.f32 v49, v11  }
0x693: {  	v52 =	vld [tilespmem:s7+$0xFCF0]  }
0x694: {  	v11 =	vadd.f32 v50, v11  }
0x695: {  	v53 =	vld [tilespmem:s7+$0x104F0]  }
0x696: {  	v11 =	vadd.f32 v51, v11  }
0x697: {  	v54 =	vld [tilespmem:s7+$0x10CF0]  }
0x698: {  	v11 =	vadd.f32 v52, v11  }
0x699: {  	v55 =	vld [tilespmem:s7+$0x114F0]  }
0x69a: {  	v11 =	vadd.f32 v53, v11  }
0x69b: {  	v56 =	vld [tilespmem:s7+$0x11CF0]  }
0x69c: {  	v11 =	vadd.f32 v54, v11  }
0x69d: {  	v57 =	vld [tilespmem:s7+$0x124F0]  }
0x69e: {  	v11 =	vadd.f32 v55, v11  }
0x69f: {  	v58 =	vld [tilespmem:s7+$0x12CF0]  }
0x6a0: {  	v11 =	vadd.f32 v56, v11  }
0x6a1: {  	v59 =	vld [tilespmem:s7+$0x134F0]  }
0x6a2: {  	v11 =	vadd.f32 v57, v11  }
0x6a3: {  	v60 =	vld [tilespmem:s7+$0x13CF0]  }
0x6a4: {  	v11 =	vadd.f32 v58, v11  }
0x6a5: {  	v61 =	vld [tilespmem:s7+$0x144F0]  }
0x6a6: {  	v62 =	vmov s5;
	v11 =	vadd.f32 v59, v11  }
0x6a7: {  	v63 =	vld [tilespmem:s7+$0x14CF0];
	v12 =	vshrl.u32 v62, $0x3  }
0x6a8: {  	v12 =	vshll.u32 v12, v2;
	v11 =	vadd.f32 v60, v11  }
0x6a9: {  	v12 =	vbroadcast v12, $0x0  }
0x6aa: {  	v11 =	vadd.f32 v61, v11  }
0x6ab: {  	p0 =	sne.s32 s17, $0x7;
	v12 =	vadd.s32 v9, v12  }
.Ltmp5:
0x6ac: {  	v10 =	vbroadcast v10, $0xF;
	v11 =	vadd.f32 v63, v11;
	(pc) =	sbr.rel @p0 .LBB2_12-.Ltmp5, $3  }
0x6ad: {  	_ = 	snop  }
0x6ae: {  	v10 =	vmul.f32 v11, v10;
	_ =	sdelay $0x1  }
0x6af: {  	s17 =	sadd.s32 $0x1, s17;
	[tilespmem:v12+s28+$0x0] =	vst.idx.msk $0xffff, v10  }
0x6b0: {  	s0 =	sadd.s32 $0x1, s0  }
0x6b1: {  	p0 =	sne.s32 s0, $0x19  }
.Ltmp6:
0x6b2: {  	_ = 	snop;
	(pc) =	sbr.rel @p0 .LBB2_2-.Ltmp6, $4  }
0x6b3: {  	s5 =	sadd.s32 s18, s12  }
0x6b4: {  	[hbm4b:s5+s3] =	stream.linear.scatter [tilespmem:s28], [sflag:$0x6], $0x400, $0x38;
	[tilespmem:$0x16500] =	vst v63  }
0x6b5: {  	s18 =	sadd.s32 s18, s13  }
0x6b6: {  	[hbm4b:s18+s3] =	stream.linear.scatter [tilespmem:s29], [sflag:$0x6], $0x400, $0x38;
	[tilespmem:$0x16500] =	vst v63  }
0x6b7: {  	_ =	swait.ge [sflag:s30], $0x400  }
0x6b8: {  	[sflag:s30] =	ssyncset.done $0x0  }
0x6b9: {  	[sflag:s30] =	ssyncadd.s32 $0xFFFFFC00  }
0x6ba: {  	_ =	swait.ge [sflag:s30], $0x400  }
0x6bb: {  	[sflag:s30] =	ssyncset.done $0x0  }
0x6bc: {  	[sflag:s30] =	ssyncadd.s32 $0xFFFFFC00  }
0x6bd: {  	_ =	swait.ge [sflag:s31], $0x400  }
0x6be: {  	[sflag:s31] =	ssyncset.done $0x0  }
0x6bf: {  	[sflag:s31] =	ssyncadd.s32 $0xFFFFFC00  }
0x6c0: {  	_ =	swait.ge [sflag:s31], $0x400  }
0x6c1: {  	s1 =	sadd.s32 $0x1, s1;
	s0 =	rddreg [dreg:$0x5]  }
0x6c2: {  	p0 =	sne.s32 s1, s0  }
.Ltmp7:
0x6c3: {  	_ = 	snop;
	(pc) =	sbr.rel @p0 .LBB2_1-.Ltmp7, $3  }
0x6c4: {  	_ =	sdelay $0x1  }
0x6c5: {  	[sflag:s31] =	ssyncset.done $0x0  }
0x6c6: {  	[sflag:s31] =	ssyncadd.s32 $0xFFFFFC00  }
0x6c7: {  	_ =	sfence.sel $0x180000  }
0x6c8: {  	[bflag:$0x0] =	sbarrier.arrive $0xFFFF  }
0x6c9: {  	_ =	strace $0x90000047  }
0x6ca: {  	s0 =	stileid.u32;
	[bflag:$0x2] =	sbarrier.arrive $0xFFFF  }
0x6cb: {  	p0 =	sne.s32 s0, $0x0;
	s0 =	rddreg [dreg:$0x2]  }
0x6cc: {  	s0 =	sadd.s32 @!p0 $0x100000, s0  }
0x6cd: {  	[sflag:s0] =	ssyncadd.tile.s32 @!p0 $0x1;
	_ =	shalt  }
.Lfunc_end2:
_tile_overlayer_lowered:
.L_overlay_start_2:
0x6ce: {  	(tag) =	ssettag $0x2  }
0x6cf: {  	s0 =	rddreg [dreg:$0x0];
	s2 =	stileid.u32  }
0x6d0: {  	s1 =	rddreg [dreg:$0x1];
	p0 =	sne.s32 s2, $0x0  }
0x6d1: {  	s3 =	rddreg [dreg:$0x2];
	[bflag:$0x3] =	sbarrier.arrive $0xFFFF;
	s2 =	simm.s32 @!p0 $0x1C07  }
0x6d2: {  	[timem:s3], [sflag:s2] =	dma.local @!p0 [hbm:s0], s1  }
0x6d3: {  	s0 =	simm.s32 @!p0 $0x7  }
0x6d4: {  	_ =	swait.ge @!p0 [sflag:s0], s1  }
0x6d5: {  	s1 =	ssub.s32 @!p0 $0x0, s1;
	[sflag:s0] =	ssyncset.done @!p0 $0x0  }
0x6d6: {  	[sflag:s0] =	ssyncadd.s32 @!p0 s1  }
0x6d7: {  	[bflag:$0x3] =	sbarrier.arrive $0xFFFF  }
0x6d8: {  	_ =	shalt  }

</sc_bundles>
